<compile_context>
chip_gen: v7x
topology: tpu7x:2x2x1
jax: 0.10.2.dev20260603
libtpu: 0.0.44.dev20260713+nightly
codegen_flags: <defaults>
</compile_context>

<pallas_src>
import functools

import jax
import jax.numpy as jnp
from jax import lax
from jax.experimental import pallas as pl
from jax.experimental.pallas import tpu as pltpu
from jax.experimental.pallas import tpu_sc as plsc

_N = 50000
_E = 800000
_NC = 2
_NS = 16
_CH = 512
_EPAD = 802816
_NA = _EPAD // (_NC * _NS * _CH)
_NACC = 50176
_ZCH = 64
_BN = 2000

_ZIT = (_NACC // _NS) // _ZCH


def _seg_sum(nq, width):
    mesh = plsc.VectorSubcoreMesh(core_axis_name="c", subcore_axis_name="s")

    scratch = [
        pltpu.VMEM((_NA, _CH), jnp.int32),
        pltpu.VMEM((_NA, _CH), jnp.int32),
        pltpu.VMEM((_CH, width), jnp.float32),
        pltpu.VMEM((_CH, width), jnp.float32),
        pltpu.VMEM((_ZCH, width), jnp.float32),
        pltpu.VMEM((_ZCH, width), jnp.float32),
        pltpu.VMEM((2, 16), jnp.int32),
        pltpu.VMEM_SHARED((_NACC, width), jnp.float32),
        pltpu.SemaphoreType.DMA,
        pltpu.SemaphoreType.DMA,
    ]

    def body(src_hbm, dst_hbm, table_hbm, zeros_hbm, moff_hbm, out_hbm,
             src_v, dst_v, rows0, rows1, zbuf, zsrc, moff_v, acc,
             sem0, sem1):
        c = lax.axis_index("c")
        s = lax.axis_index("s")

        pltpu.sync_copy(zeros_hbm, zsrc)
        z0 = s * (_NACC // _NS)

        def zbody(i, carry):
            pltpu.sync_copy(zsrc, acc.at[pl.ds(z0 + i * _ZCH, _ZCH)])
            return carry
        lax.fori_loop(0, _ZIT, zbody, 0)

        w = c * _NS + s
        pltpu.sync_copy(src_hbm.at[w], src_v)
        pltpu.sync_copy(dst_hbm.at[w], dst_v)
        pltpu.sync_copy(moff_hbm, moff_v)

        if nq > 1:
            m = moff_v[0]

            def tbody(j, carry):
                for k in range(_CH // 16):
                    sl = (j, pl.ds(16 * k, 16))
                    src_v[sl] = src_v[sl] * m
                return carry
            lax.fori_loop(0, _NA, tbody, 0)
        plsc.subcore_barrier()

        bufs = (rows0, rows1)
        sems = (sem0, sem1)
        last = _NA - 1
        one = moff_v[1]

        for q in range(nq):
            pltpu.async_copy(table_hbm.at[src_v.at[0]], rows0, sem0)

            def ebody(t, carry):
                for b in range(2):
                    j = 2 * t + b
                    jn = jnp.minimum(j + 1, last)
                    pltpu.async_copy(table_hbm.at[src_v.at[jn]],
                                     bufs[1 - b], sems[1 - b])
                    pltpu.make_async_copy(table_hbm.at[src_v.at[j]],
                                          bufs[b], sems[b]).wait()
                    pltpu.sync_copy(bufs[b], acc.at[dst_v.at[j]], add=True)
                return carry
            lax.fori_loop(0, _NA // 2, ebody, 0)
            pltpu.make_async_copy(table_hbm.at[src_v.at[last]],
                                  rows0, sem0).wait()
            if _NA % 2:
                pltpu.sync_copy(rows0, acc.at[dst_v.at[last]], add=True)
            plsc.subcore_barrier()

            if q + 1 < nq:
                def obody(i, carry):
                    sl = pl.ds(z0 + i * _ZCH, _ZCH)
                    pltpu.sync_copy(acc.at[sl], zbuf)
                    pltpu.sync_copy(zbuf, out_hbm.at[q, c, sl])
                    pltpu.sync_copy(zsrc, acc.at[sl])
                    return carry
                lax.fori_loop(0, _ZIT, obody, 0)

                def ubody(j, carry):
                    for k in range(_CH // 16):
                        sl = (j, pl.ds(16 * k, 16))
                        src_v[sl] = src_v[sl] + one
                    return carry
                lax.fori_loop(0, _NA, ubody, 0)
                plsc.subcore_barrier()
            else:
                def fbody(i, carry):
                    sl = pl.ds(z0 + i * _ZCH, _ZCH)
                    pltpu.sync_copy(acc.at[sl], zbuf)
                    pltpu.sync_copy(zbuf, out_hbm.at[q, c, sl])
                    return carry
                lax.fori_loop(0, _ZIT, fbody, 0)

    return pl.kernel(
        body,
        out_type=jax.ShapeDtypeStruct((nq, _NC, _NACC, width), jnp.float32),
        mesh=mesh,
        scratch_types=scratch,
        compiler_params=pltpu.CompilerParams(use_tc_tiling_on_sc=False),
    )


_seg_edge = _seg_sum(1, 8)
_seg_feat4 = _seg_sum(4, 16)
_seg_feat2 = _seg_sum(2, 16)


def _tc1(parts, x_aug, wl, wr, b):
    def body(p_ref, x_ref, wl_ref, wr_ref, b_ref, h_ref, inv_ref):
        sums = p_ref[0, 0] + p_ref[0, 1]
        inv = 1.0 / jnp.maximum(sums[:, 5:6], 1.0)
        h = (sums * inv) @ wl_ref[...] + x_ref[...] @ wr_ref[...] + b_ref[...]
        h_ref[...] = jnp.maximum(h, 0.0)
        inv_ref[...] = inv

    return pl.pallas_call(
        body,
        grid=(_N // _BN,),
        in_specs=[
            pl.BlockSpec((1, 2, _BN, 8), lambda i: (0, 0, i, 0)),
            pl.BlockSpec((_BN, 8), lambda i: (i, 0)),
            pl.BlockSpec((8, 64), lambda i: (0, 0)),
            pl.BlockSpec((8, 64), lambda i: (0, 0)),
            pl.BlockSpec((1, 64), lambda i: (0, 0)),
        ],
        out_specs=[
            pl.BlockSpec((_BN, 64), lambda i: (i, 0)),
            pl.BlockSpec((_BN, 1), lambda i: (i, 0)),
        ],
        out_shape=[
            jax.ShapeDtypeStruct((_N, 64), jnp.float32),
            jax.ShapeDtypeStruct((_N, 1), jnp.float32),
        ],
    )(parts, x_aug, wl, wr, b)


def _tc2(agg, h, inv, wl2, wr2, b2, wl3, wr3, b3):
    def body(a_ref, h_ref, inv_ref, wl2_ref, wr2_ref, b2_ref,
             wl3_ref, wr3_ref, b3_ref, p_ref, r_ref):
        blocks = [a_ref[q, 0] + a_ref[q, 1] for q in range(4)]
        agg_b = jnp.concatenate(blocks, axis=1) * inv_ref[...]
        h2 = agg_b @ wl2_ref[...] + h_ref[...] @ wr2_ref[...] + b2_ref[...]
        h2 = jnp.maximum(h2, 0.0)
        p_ref[...] = h2 @ wl3_ref[...]
        r_ref[...] = h2 @ wr3_ref[...] + b3_ref[...]

    return pl.pallas_call(
        body,
        grid=(_N // _BN,),
        in_specs=[
            pl.BlockSpec((4, 2, _BN, 16), lambda i: (0, 0, i, 0)),
            pl.BlockSpec((_BN, 64), lambda i: (i, 0)),
            pl.BlockSpec((_BN, 1), lambda i: (i, 0)),
            pl.BlockSpec((64, 64), lambda i: (0, 0)),
            pl.BlockSpec((64, 64), lambda i: (0, 0)),
            pl.BlockSpec((1, 64), lambda i: (0, 0)),
            pl.BlockSpec((64, 32), lambda i: (0, 0)),
            pl.BlockSpec((64, 32), lambda i: (0, 0)),
            pl.BlockSpec((1, 32), lambda i: (0, 0)),
        ],
        out_specs=[
            pl.BlockSpec((_BN, 32), lambda i: (i, 0)),
            pl.BlockSpec((_BN, 32), lambda i: (i, 0)),
        ],
        out_shape=[
            jax.ShapeDtypeStruct((_N, 32), jnp.float32),
            jax.ShapeDtypeStruct((_N, 32), jnp.float32),
        ],
    )(agg, h, inv, wl2, wr2, b2, wl3, wr3, b3)


def _tc3(g, inv, r):
    def body(g_ref, inv_ref, r_ref, out_ref):
        agg = jnp.concatenate(
            [g_ref[0, 0] + g_ref[0, 1], g_ref[1, 0] + g_ref[1, 1]], axis=1)
        out_ref[...] = agg * inv_ref[...] + r_ref[...]

    return pl.pallas_call(
        body,
        grid=(_N // _BN,),
        in_specs=[
            pl.BlockSpec((2, 2, _BN, 16), lambda i: (0, 0, i, 0)),
            pl.BlockSpec((_BN, 1), lambda i: (i, 0)),
            pl.BlockSpec((_BN, 32), lambda i: (i, 0)),
        ],
        out_specs=pl.BlockSpec((_BN, 32), lambda i: (i, 0)),
        out_shape=jax.ShapeDtypeStruct((_N, 32), jnp.float32),
    )(g, inv, r)


def _moff(mul):
    return jnp.stack([jnp.full((16,), mul, jnp.int32),
                      jnp.full((16,), 1, jnp.int32)])


def kernel(x, edge_index, Wl1, Wr1, b1, Wl2, Wr2, b2, Wl3, Wr3, b3):
    src = edge_index[0]
    dst = edge_index[1]
    pad = _EPAD - _E
    srcp = jnp.concatenate([src, jnp.zeros((pad,), jnp.int32)])
    dstp = jnp.concatenate([dst, jnp.full((pad,), _N, jnp.int32)])

    srcA = srcp.reshape(_NC * _NS, _NA, _CH)
    dstA = dstp.reshape(_NC * _NS, _NA, _CH)

    ones = jnp.ones((_N, 1), jnp.float32)
    x_aug = jnp.concatenate([x, ones, jnp.zeros((_N, 2), jnp.float32)], axis=1)
    z8 = jnp.zeros((_ZCH, 8), jnp.float32)
    z16 = jnp.zeros((_ZCH, 16), jnp.float32)
    m1 = _moff(1)
    wpad = jnp.zeros((3, 64), jnp.float32)
    wl1p = jnp.concatenate([Wl1, wpad], axis=0)
    wr1p = jnp.concatenate([Wr1, wpad], axis=0)

    parts1 = _seg_edge(srcA, dstA, x_aug, z8, m1)
    h, inv = _tc1(parts1, x_aug, wl1p, wr1p, b1.reshape(1, 64))
    table2 = h.reshape(4 * _N, 16)
    agg2 = _seg_feat4(srcA, dstA, table2, z16, _moff(4))
    p, r = _tc2(agg2, h, inv,
                Wl2, Wr2, b2.reshape(1, 64), Wl3, Wr3, b3.reshape(1, 32))
    table3 = p.reshape(2 * _N, 16)
    agg3 = _seg_feat2(srcA, dstA, table3, z16, _moff(2))
    return _tc3(agg3, inv, r)

# --- scband reference (transcript-rebuilt; emitter-appended) ---
"""Pipeline reference for scband-evlagnnprocessor-6992206758398 (READ-ONLY COPY).

The authoritative reference and input builder live on the scoring server;
editing this copy changes nothing except your own understanding.
"""

import jax, jax.numpy as jnp
import numpy as np

N = 50000
E = 800000
D_IN = 5
D_HID = 64
D_OUT = 32


def _init_linear(key, fan_in, fan_out):
    bound = 1.0 / np.sqrt(fan_in)
    return jax.random.uniform(key, (fan_in, fan_out), jnp.float32, -bound, bound)


def setup_inputs(seed: int = 0) -> dict:
    key = jax.random.key(seed)
    ks = jax.random.split(key, 12)
    x = jax.random.normal(ks[0], (N, D_IN), dtype=jnp.float32)
    edge_index = jax.random.randint(ks[1], (2, E), 0, N, dtype=jnp.int32)
    b1 = 1.0 / np.sqrt(D_IN)
    b2 = 1.0 / np.sqrt(D_HID)
    return {
        'x': x,
        'edge_index': edge_index,
        'Wl1': _init_linear(ks[2], D_IN, D_HID),
        'Wr1': _init_linear(ks[3], D_IN, D_HID),
        'b1': jax.random.uniform(ks[4], (D_HID,), jnp.float32, -b1, b1),
        'Wl2': _init_linear(ks[5], D_HID, D_HID),
        'Wr2': _init_linear(ks[6], D_HID, D_HID),
        'b2': jax.random.uniform(ks[7], (D_HID,), jnp.float32, -b2, b2),
        'Wl3': _init_linear(ks[8], D_HID, D_OUT),
        'Wr3': _init_linear(ks[9], D_HID, D_OUT),
        'b3': jax.random.uniform(ks[10], (D_OUT,), jnp.float32, -b2, b2),
    }


def _sage_conv(x, edge_index, Wl, Wr, b):
    # PyG SAGEConv (mean aggregation): out = lin_l(mean_j x_j) + lin_r(x)
    src = edge_index[0]
    dst = edge_index[1]
    msgs = jnp.take(x, src, axis=0)
    n = x.shape[0]
    agg = jax.ops.segment_sum(msgs, dst, num_segments=n)
    cnt = jax.ops.segment_sum(jnp.ones((src.shape[0], 1), x.dtype), dst, num_segments=n)
    agg = agg / jnp.maximum(cnt, 1.0)
    return agg @ Wl + b + x @ Wr


def reference(x, edge_index, Wl1, Wr1, b1, Wl2, Wr2, b2, Wl3, Wr3, b3):
    h = _sage_conv(x, edge_index, Wl1, Wr1, b1)
    h = jax.nn.relu(h)
    # dropout p=0.2 is identity in eval mode (training=False)
    h = _sage_conv(h, edge_index, Wl2, Wr2, b2)
    h = jax.nn.relu(h)
    out = _sage_conv(h, edge_index, Wl3, Wr3, b3)
    return out

if __name__ == "__main__":
    import jax
    _d = setup_inputs()
    print(jax.jit(kernel)(*tuple(_d.values())))

</pallas_src>

<mosaic_0001>
#map = affine_map<(d0, d1) -> (0, 0, 0)>
#map1 = affine_map<(d0, d1) -> (0, 0)>
#map2 = affine_map<(d0, d1) -> (0, 0, 0, 0)>
module attributes {stable_mosaic.version = 14 : i64} {
  func.func @body(%arg0: i32, %arg1: i32, %arg2: memref<32x49x512xi32, #tpu.memory_space<hbm>>, %arg3: memref<32x49x512xi32, #tpu.memory_space<hbm>>, %arg4: memref<100000x16xf32, #tpu.memory_space<hbm>>, %arg5: memref<64x16xf32, #tpu.memory_space<hbm>>, %arg6: memref<2x16xi32, #tpu.memory_space<hbm>>, %arg7: memref<2x2x50176x16xf32, #tpu.memory_space<hbm>>, %arg8: memref<49x512xi32, #tpu.memory_space<vmem>>, %arg9: memref<49x512xi32, #tpu.memory_space<vmem>>, %arg10: memref<512x16xf32, #tpu.memory_space<vmem>>, %arg11: memref<512x16xf32, #tpu.memory_space<vmem>>, %arg12: memref<64x16xf32, #tpu.memory_space<vmem>>, %arg13: memref<64x16xf32, #tpu.memory_space<vmem>>, %arg14: memref<2x16xi32, #tpu.memory_space<vmem>>, %arg15: memref<50176x16xf32, #tpu.memory_space<vmem_shared>>, %arg16: memref<!tpu.dma_semaphore, #tpu.memory_space<semaphore_mem>>, %arg17: memref<!tpu.dma_semaphore, #tpu.memory_space<semaphore_mem>>) attributes {dimension_semantics = [#tpu.dimension_semantics<core_parallel>, #tpu.dimension_semantics<subcore_parallel>], iteration_bounds = array<i64: 2, 16>, scalar_prefetch = 0 : i64, scratch_operands = 10 : i64, tpu.core_type = #tpu.core_type<sc_vector_subcore>, window_params = [{transform_indices = #map}, {transform_indices = #map}, {transform_indices = #map1}, {transform_indices = #map1}, {transform_indices = #map1}, {transform_indices = #map2}]} {
    "tpu.region"() ({
      %run_scoped3A_83 = tpu.sem_alloc : memref<!tpu.dma_semaphore, #tpu.memory_space<semaphore_mem>>
      tpu.enqueue_dma source(%arg5 : memref<64x16xf32, #tpu.memory_space<hbm>>) target(%arg13 : memref<64x16xf32, #tpu.memory_space<vmem>>) target_semaphore(%run_scoped3A_83 : memref<!tpu.dma_semaphore, #tpu.memory_space<semaphore_mem>>)
      tpu.wait_dma2 semaphore(%run_scoped3A_83 : memref<!tpu.dma_semaphore, #tpu.memory_space<semaphore_mem>>) src(%arg5 : memref<64x16xf32, #tpu.memory_space<hbm>>) dst(%arg13 : memref<64x16xf32, #tpu.memory_space<vmem>>)
      tpu.yield
    }) : () -> ()
    %mul3A = arith.constant 3136 : i32
    %mul3A_0 = arith.muli %arg1, %mul3A : i32
    %scan3A = arith.constant 0 : i32
    %scan3A_1 = arith.constant 0 : i32
    %scan3A_2 = arith.constant 49 : i32
    %scan3A_3 = arith.addi %scan3A_1, %scan3A_2 : i32
    %scan3A_4 = arith.constant 1 : i32
    scf.for %scan3A_83 = %scan3A_1 to %scan3A_3 step %scan3A_4  : i32 {
      %mul3A_84 = arith.constant 64 : i32
      %mul3A_85 = arith.muli %scan3A_83, %mul3A_84 : i32
      %add3A_86 = arith.addi %mul3A_0, %mul3A_85 : i32
      "tpu.region"() ({
        %run_scoped3A_87 = tpu.sem_alloc : memref<!tpu.dma_semaphore, #tpu.memory_space<semaphore_mem>>
        %dma_start3A_88 = arith.constant 0 : i32
        %dma_start3A_89 = tpu.memref_slice %arg15[%add3A_86, %dma_start3A_88] : memref<50176x16xf32, #tpu.memory_space<vmem_shared>> -> memref<64x16xf32, #tpu.memory_space<vmem_shared>>
        %dma_start3A_90 = arith.constant 0 : i32
        %dma_start3A_91 = tpu.memref_slice %arg15[%add3A_86, %dma_start3A_90] : memref<50176x16xf32, #tpu.memory_space<vmem_shared>> -> memref<64x16xf32, #tpu.memory_space<vmem_shared>>
        tpu.enqueue_dma source(%arg13 : memref<64x16xf32, #tpu.memory_space<vmem>>) target(%dma_start3A_91 : memref<64x16xf32, #tpu.memory_space<vmem_shared>>) target_semaphore(%run_scoped3A_87 : memref<!tpu.dma_semaphore, #tpu.memory_space<semaphore_mem>>)
        %dma_wait3A_92 = arith.constant 0 : i32
        %dma_wait3A_93 = tpu.memref_slice %arg15[%add3A_86, %dma_wait3A_92] : memref<50176x16xf32, #tpu.memory_space<vmem_shared>> -> memref<64x16xf32, #tpu.memory_space<vmem_shared>>
        %dma_wait3A_94 = arith.constant 0 : i32
        %dma_wait3A_95 = tpu.memref_slice %arg15[%add3A_86, %dma_wait3A_94] : memref<50176x16xf32, #tpu.memory_space<vmem_shared>> -> memref<64x16xf32, #tpu.memory_space<vmem_shared>>
        tpu.wait_dma2 semaphore(%run_scoped3A_87 : memref<!tpu.dma_semaphore, #tpu.memory_space<semaphore_mem>>) src(%arg13 : memref<64x16xf32, #tpu.memory_space<vmem>>) dst(%dma_wait3A_95 : memref<64x16xf32, #tpu.memory_space<vmem_shared>>)
        tpu.yield
      }) : () -> ()
    }
    %scan3A_5 = arith.constant 49 : i32
    %mul3A_6 = arith.constant 16 : i32
    %mul3A_7 = arith.muli %arg0, %mul3A_6 : i32
    %add3A = arith.addi %mul3A_7, %arg1 : i32
    "tpu.region"() ({
      %run_scoped3A_83 = tpu.sem_alloc : memref<!tpu.dma_semaphore, #tpu.memory_space<semaphore_mem>>
      %dma_start3A_84 = arith.constant 0 : i32
      %dma_start3A_85 = arith.constant 0 : i32
      %dma_start3A_86 = tpu.memref_slice %arg2[%add3A, %dma_start3A_84, %dma_start3A_85] : memref<32x49x512xi32, #tpu.memory_space<hbm>> -> memref<1x49x512xi32, #tpu.memory_space<hbm>>
      %dma_start3A_87 = tpu.memref_squeeze %dma_start3A_86 : memref<1x49x512xi32, #tpu.memory_space<hbm>> -> memref<49x512xi32, #tpu.memory_space<hbm>>
      %dma_start3A_88 = arith.constant 0 : i32
      %dma_start3A_89 = arith.constant 0 : i32
      %dma_start3A_90 = tpu.memref_slice %arg2[%add3A, %dma_start3A_88, %dma_start3A_89] : memref<32x49x512xi32, #tpu.memory_space<hbm>> -> memref<1x49x512xi32, #tpu.memory_space<hbm>>
      %dma_start3A_91 = tpu.memref_squeeze %dma_start3A_90 : memref<1x49x512xi32, #tpu.memory_space<hbm>> -> memref<49x512xi32, #tpu.memory_space<hbm>>
      tpu.enqueue_dma source(%dma_start3A_91 : memref<49x512xi32, #tpu.memory_space<hbm>>) target(%arg8 : memref<49x512xi32, #tpu.memory_space<vmem>>) target_semaphore(%run_scoped3A_83 : memref<!tpu.dma_semaphore, #tpu.memory_space<semaphore_mem>>)
      %dma_wait3A_92 = arith.constant 0 : i32
      %dma_wait3A_93 = arith.constant 0 : i32
      %dma_wait3A_94 = tpu.memref_slice %arg2[%add3A, %dma_wait3A_92, %dma_wait3A_93] : memref<32x49x512xi32, #tpu.memory_space<hbm>> -> memref<1x49x512xi32, #tpu.memory_space<hbm>>
      %dma_wait3A_95 = tpu.memref_squeeze %dma_wait3A_94 : memref<1x49x512xi32, #tpu.memory_space<hbm>> -> memref<49x512xi32, #tpu.memory_space<hbm>>
      %dma_wait3A_96 = arith.constant 0 : i32
      %dma_wait3A_97 = arith.constant 0 : i32
      %dma_wait3A_98 = tpu.memref_slice %arg2[%add3A, %dma_wait3A_96, %dma_wait3A_97] : memref<32x49x512xi32, #tpu.memory_space<hbm>> -> memref<1x49x512xi32, #tpu.memory_space<hbm>>
      %dma_wait3A_99 = tpu.memref_squeeze %dma_wait3A_98 : memref<1x49x512xi32, #tpu.memory_space<hbm>> -> memref<49x512xi32, #tpu.memory_space<hbm>>
      tpu.wait_dma2 semaphore(%run_scoped3A_83 : memref<!tpu.dma_semaphore, #tpu.memory_space<semaphore_mem>>) src(%dma_wait3A_99 : memref<49x512xi32, #tpu.memory_space<hbm>>) dst(%arg8 : memref<49x512xi32, #tpu.memory_space<vmem>>)
      tpu.yield
    }) : () -> ()
    "tpu.region"() ({
      %run_scoped3A_83 = tpu.sem_alloc : memref<!tpu.dma_semaphore, #tpu.memory_space<semaphore_mem>>
      %dma_start3A_84 = arith.constant 0 : i32
      %dma_start3A_85 = arith.constant 0 : i32
      %dma_start3A_86 = tpu.memref_slice %arg3[%add3A, %dma_start3A_84, %dma_start3A_85] : memref<32x49x512xi32, #tpu.memory_space<hbm>> -> memref<1x49x512xi32, #tpu.memory_space<hbm>>
      %dma_start3A_87 = tpu.memref_squeeze %dma_start3A_86 : memref<1x49x512xi32, #tpu.memory_space<hbm>> -> memref<49x512xi32, #tpu.memory_space<hbm>>
      %dma_start3A_88 = arith.constant 0 : i32
      %dma_start3A_89 = arith.constant 0 : i32
      %dma_start3A_90 = tpu.memref_slice %arg3[%add3A, %dma_start3A_88, %dma_start3A_89] : memref<32x49x512xi32, #tpu.memory_space<hbm>> -> memref<1x49x512xi32, #tpu.memory_space<hbm>>
      %dma_start3A_91 = tpu.memref_squeeze %dma_start3A_90 : memref<1x49x512xi32, #tpu.memory_space<hbm>> -> memref<49x512xi32, #tpu.memory_space<hbm>>
      tpu.enqueue_dma source(%dma_start3A_91 : memref<49x512xi32, #tpu.memory_space<hbm>>) target(%arg9 : memref<49x512xi32, #tpu.memory_space<vmem>>) target_semaphore(%run_scoped3A_83 : memref<!tpu.dma_semaphore, #tpu.memory_space<semaphore_mem>>)
      %dma_wait3A_92 = arith.constant 0 : i32
      %dma_wait3A_93 = arith.constant 0 : i32
      %dma_wait3A_94 = tpu.memref_slice %arg3[%add3A, %dma_wait3A_92, %dma_wait3A_93] : memref<32x49x512xi32, #tpu.memory_space<hbm>> -> memref<1x49x512xi32, #tpu.memory_space<hbm>>
      %dma_wait3A_95 = tpu.memref_squeeze %dma_wait3A_94 : memref<1x49x512xi32, #tpu.memory_space<hbm>> -> memref<49x512xi32, #tpu.memory_space<hbm>>
      %dma_wait3A_96 = arith.constant 0 : i32
      %dma_wait3A_97 = arith.constant 0 : i32
      %dma_wait3A_98 = tpu.memref_slice %arg3[%add3A, %dma_wait3A_96, %dma_wait3A_97] : memref<32x49x512xi32, #tpu.memory_space<hbm>> -> memref<1x49x512xi32, #tpu.memory_space<hbm>>
      %dma_wait3A_99 = tpu.memref_squeeze %dma_wait3A_98 : memref<1x49x512xi32, #tpu.memory_space<hbm>> -> memref<49x512xi32, #tpu.memory_space<hbm>>
      tpu.wait_dma2 semaphore(%run_scoped3A_83 : memref<!tpu.dma_semaphore, #tpu.memory_space<semaphore_mem>>) src(%dma_wait3A_99 : memref<49x512xi32, #tpu.memory_space<hbm>>) dst(%arg9 : memref<49x512xi32, #tpu.memory_space<vmem>>)
      tpu.yield
    }) : () -> ()
    "tpu.region"() ({
      %run_scoped3A_83 = tpu.sem_alloc : memref<!tpu.dma_semaphore, #tpu.memory_space<semaphore_mem>>
      tpu.enqueue_dma source(%arg6 : memref<2x16xi32, #tpu.memory_space<hbm>>) target(%arg14 : memref<2x16xi32, #tpu.memory_space<vmem>>) target_semaphore(%run_scoped3A_83 : memref<!tpu.dma_semaphore, #tpu.memory_space<semaphore_mem>>)
      tpu.wait_dma2 semaphore(%run_scoped3A_83 : memref<!tpu.dma_semaphore, #tpu.memory_space<semaphore_mem>>) src(%arg6 : memref<2x16xi32, #tpu.memory_space<hbm>>) dst(%arg14 : memref<2x16xi32, #tpu.memory_space<vmem>>)
      tpu.yield
    }) : () -> ()
    %get3A = arith.constant 0 : i32
    %get3A_8 = arith.index_cast %get3A : i32 to index
    %get3A_9 = arith.constant 0 : index
    %get3A_10 = tpu.vector_load %arg14[%get3A_8, %get3A_9] {strides = array<i32>} : memref<2x16xi32, #tpu.memory_space<vmem>>, vector<1x16xi32>,
    %get3A_11 = vector.shape_cast %get3A_10 : vector<1x16xi32> to vector<16xi32>
    %scan3A_12 = arith.constant 0 : i32
    %scan3A_13 = arith.constant 0 : i32
    %scan3A_14 = arith.constant 49 : i32
    %scan3A_15 = arith.addi %scan3A_13, %scan3A_14 : i32
    %scan3A_16 = arith.constant 1 : i32
    scf.for %scan3A_83 = %scan3A_13 to %scan3A_15 step %scan3A_16  : i32 {
      %get3A_84 = arith.index_cast %scan3A_83 : i32 to index
      %get3A_85 = arith.constant 0 : index
      %get3A_86 = tpu.vector_load %arg8[%get3A_84, %get3A_85] {strides = array<i32>} : memref<49x512xi32, #tpu.memory_space<vmem>>, vector<1x16xi32>,
      %get3A_87 = vector.shape_cast %get3A_86 : vector<1x16xi32> to vector<16xi32>
      %mul3A_88 = arith.muli %get3A_87, %get3A_11 : vector<16xi32>
      %swap3A = arith.index_cast %scan3A_83 : i32 to index
      %swap3A_89 = arith.constant 0 : index
      %swap3A_90 = tpu.vector_load %arg8[%swap3A, %swap3A_89] {strides = array<i32>} : memref<49x512xi32, #tpu.memory_space<vmem>>, vector<1x16xi32>,
      %swap3A_91 = vector.shape_cast %swap3A_90 : vector<1x16xi32> to vector<16xi32>
      %swap3A_92 = vector.shape_cast %mul3A_88 : vector<16xi32> to vector<1x16xi32>
      tpu.vector_store %arg8[%swap3A, %swap3A_89], %swap3A_92 {strides = array<i32>} : memref<49x512xi32, #tpu.memory_space<vmem>>, vector<1x16xi32>,
      %get3A_93 = arith.index_cast %scan3A_83 : i32 to index
      %get3A_94 = arith.constant 16 : index
      %get3A_95 = tpu.vector_load %arg8[%get3A_93, %get3A_94] {strides = array<i32>} : memref<49x512xi32, #tpu.memory_space<vmem>>, vector<1x16xi32>,
      %get3A_96 = vector.shape_cast %get3A_95 : vector<1x16xi32> to vector<16xi32>
      %mul3A_97 = arith.muli %get3A_96, %get3A_11 : vector<16xi32>
      %swap3A_98 = arith.index_cast %scan3A_83 : i32 to index
      %swap3A_99 = arith.constant 16 : index
      %swap3A_100 = tpu.vector_load %arg8[%swap3A_98, %swap3A_99] {strides = array<i32>} : memref<49x512xi32, #tpu.memory_space<vmem>>, vector<1x16xi32>,
      %swap3A_101 = vector.shape_cast %swap3A_100 : vector<1x16xi32> to vector<16xi32>
      %swap3A_102 = vector.shape_cast %mul3A_97 : vector<16xi32> to vector<1x16xi32>
      tpu.vector_store %arg8[%swap3A_98, %swap3A_99], %swap3A_102 {strides = array<i32>} : memref<49x512xi32, #tpu.memory_space<vmem>>, vector<1x16xi32>,
      %get3A_103 = arith.index_cast %scan3A_83 : i32 to index
      %get3A_104 = arith.constant 32 : index
      %get3A_105 = tpu.vector_load %arg8[%get3A_103, %get3A_104] {strides = array<i32>} : memref<49x512xi32, #tpu.memory_space<vmem>>, vector<1x16xi32>,
      %get3A_106 = vector.shape_cast %get3A_105 : vector<1x16xi32> to vector<16xi32>
      %mul3A_107 = arith.muli %get3A_106, %get3A_11 : vector<16xi32>
      %swap3A_108 = arith.index_cast %scan3A_83 : i32 to index
      %swap3A_109 = arith.constant 32 : index
      %swap3A_110 = tpu.vector_load %arg8[%swap3A_108, %swap3A_109] {strides = array<i32>} : memref<49x512xi32, #tpu.memory_space<vmem>>, vector<1x16xi32>,
      %swap3A_111 = vector.shape_cast %swap3A_110 : vector<1x16xi32> to vector<16xi32>
      %swap3A_112 = vector.shape_cast %mul3A_107 : vector<16xi32> to vector<1x16xi32>
      tpu.vector_store %arg8[%swap3A_108, %swap3A_109], %swap3A_112 {strides = array<i32>} : memref<49x512xi32, #tpu.memory_space<vmem>>, vector<1x16xi32>,
      %get3A_113 = arith.index_cast %scan3A_83 : i32 to index
      %get3A_114 = arith.constant 48 : index
      %get3A_115 = tpu.vector_load %arg8[%get3A_113, %get3A_114] {strides = array<i32>} : memref<49x512xi32, #tpu.memory_space<vmem>>, vector<1x16xi32>,
      %get3A_116 = vector.shape_cast %get3A_115 : vector<1x16xi32> to vector<16xi32>
      %mul3A_117 = arith.muli %get3A_116, %get3A_11 : vector<16xi32>
      %swap3A_118 = arith.index_cast %scan3A_83 : i32 to index
      %swap3A_119 = arith.constant 48 : index
      %swap3A_120 = tpu.vector_load %arg8[%swap3A_118, %swap3A_119] {strides = array<i32>} : memref<49x512xi32, #tpu.memory_space<vmem>>, vector<1x16xi32>,
      %swap3A_121 = vector.shape_cast %swap3A_120 : vector<1x16xi32> to vector<16xi32>
      %swap3A_122 = vector.shape_cast %mul3A_117 : vector<16xi32> to vector<1x16xi32>
      tpu.vector_store %arg8[%swap3A_118, %swap3A_119], %swap3A_122 {strides = array<i32>} : memref<49x512xi32, #tpu.memory_space<vmem>>, vector<1x16xi32>,
      %get3A_123 = arith.index_cast %scan3A_83 : i32 to index
      %get3A_124 = arith.constant 64 : index
      %get3A_125 = tpu.vector_load %arg8[%get3A_123, %get3A_124] {strides = array<i32>} : memref<49x512xi32, #tpu.memory_space<vmem>>, vector<1x16xi32>,
      %get3A_126 = vector.shape_cast %get3A_125 : vector<1x16xi32> to vector<16xi32>
      %mul3A_127 = arith.muli %get3A_126, %get3A_11 : vector<16xi32>
      %swap3A_128 = arith.index_cast %scan3A_83 : i32 to index
      %swap3A_129 = arith.constant 64 : index
      %swap3A_130 = tpu.vector_load %arg8[%swap3A_128, %swap3A_129] {strides = array<i32>} : memref<49x512xi32, #tpu.memory_space<vmem>>, vector<1x16xi32>,
      %swap3A_131 = vector.shape_cast %swap3A_130 : vector<1x16xi32> to vector<16xi32>
      %swap3A_132 = vector.shape_cast %mul3A_127 : vector<16xi32> to vector<1x16xi32>
      tpu.vector_store %arg8[%swap3A_128, %swap3A_129], %swap3A_132 {strides = array<i32>} : memref<49x512xi32, #tpu.memory_space<vmem>>, vector<1x16xi32>,
      %get3A_133 = arith.index_cast %scan3A_83 : i32 to index
      %get3A_134 = arith.constant 80 : index
      %get3A_135 = tpu.vector_load %arg8[%get3A_133, %get3A_134] {strides = array<i32>} : memref<49x512xi32, #tpu.memory_space<vmem>>, vector<1x16xi32>,
      %get3A_136 = vector.shape_cast %get3A_135 : vector<1x16xi32> to vector<16xi32>
      %mul3A_137 = arith.muli %get3A_136, %get3A_11 : vector<16xi32>
      %swap3A_138 = arith.index_cast %scan3A_83 : i32 to index
      %swap3A_139 = arith.constant 80 : index
      %swap3A_140 = tpu.vector_load %arg8[%swap3A_138, %swap3A_139] {strides = array<i32>} : memref<49x512xi32, #tpu.memory_space<vmem>>, vector<1x16xi32>,
      %swap3A_141 = vector.shape_cast %swap3A_140 : vector<1x16xi32> to vector<16xi32>
      %swap3A_142 = vector.shape_cast %mul3A_137 : vector<16xi32> to vector<1x16xi32>
      tpu.vector_store %arg8[%swap3A_138, %swap3A_139], %swap3A_142 {strides = array<i32>} : memref<49x512xi32, #tpu.memory_space<vmem>>, vector<1x16xi32>,
      %get3A_143 = arith.index_cast %scan3A_83 : i32 to index
      %get3A_144 = arith.constant 96 : index
      %get3A_145 = tpu.vector_load %arg8[%get3A_143, %get3A_144] {strides = array<i32>} : memref<49x512xi32, #tpu.memory_space<vmem>>, vector<1x16xi32>,
      %get3A_146 = vector.shape_cast %get3A_145 : vector<1x16xi32> to vector<16xi32>
      %mul3A_147 = arith.muli %get3A_146, %get3A_11 : vector<16xi32>
      %swap3A_148 = arith.index_cast %scan3A_83 : i32 to index
      %swap3A_149 = arith.constant 96 : index
      %swap3A_150 = tpu.vector_load %arg8[%swap3A_148, %swap3A_149] {strides = array<i32>} : memref<49x512xi32, #tpu.memory_space<vmem>>, vector<1x16xi32>,
      %swap3A_151 = vector.shape_cast %swap3A_150 : vector<1x16xi32> to vector<16xi32>
      %swap3A_152 = vector.shape_cast %mul3A_147 : vector<16xi32> to vector<1x16xi32>
      tpu.vector_store %arg8[%swap3A_148, %swap3A_149], %swap3A_152 {strides = array<i32>} : memref<49x512xi32, #tpu.memory_space<vmem>>, vector<1x16xi32>,
      %get3A_153 = arith.index_cast %scan3A_83 : i32 to index
      %get3A_154 = arith.constant 112 : index
      %get3A_155 = tpu.vector_load %arg8[%get3A_153, %get3A_154] {strides = array<i32>} : memref<49x512xi32, #tpu.memory_space<vmem>>, vector<1x16xi32>,
      %get3A_156 = vector.shape_cast %get3A_155 : vector<1x16xi32> to vector<16xi32>
      %mul3A_157 = arith.muli %get3A_156, %get3A_11 : vector<16xi32>
      %swap3A_158 = arith.index_cast %scan3A_83 : i32 to index
      %swap3A_159 = arith.constant 112 : index
      %swap3A_160 = tpu.vector_load %arg8[%swap3A_158, %swap3A_159] {strides = array<i32>} : memref<49x512xi32, #tpu.memory_space<vmem>>, vector<1x16xi32>,
      %swap3A_161 = vector.shape_cast %swap3A_160 : vector<1x16xi32> to vector<16xi32>
      %swap3A_162 = vector.shape_cast %mul3A_157 : vector<16xi32> to vector<1x16xi32>
      tpu.vector_store %arg8[%swap3A_158, %swap3A_159], %swap3A_162 {strides = array<i32>} : memref<49x512xi32, #tpu.memory_space<vmem>>, vector<1x16xi32>,
      %get3A_163 = arith.index_cast %scan3A_83 : i32 to index
      %get3A_164 = arith.constant 128 : index
      %get3A_165 = tpu.vector_load %arg8[%get3A_163, %get3A_164] {strides = array<i32>} : memref<49x512xi32, #tpu.memory_space<vmem>>, vector<1x16xi32>,
      %get3A_166 = vector.shape_cast %get3A_165 : vector<1x16xi32> to vector<16xi32>
      %mul3A_167 = arith.muli %get3A_166, %get3A_11 : vector<16xi32>
      %swap3A_168 = arith.index_cast %scan3A_83 : i32 to index
      %swap3A_169 = arith.constant 128 : index
      %swap3A_170 = tpu.vector_load %arg8[%swap3A_168, %swap3A_169] {strides = array<i32>} : memref<49x512xi32, #tpu.memory_space<vmem>>, vector<1x16xi32>,
      %swap3A_171 = vector.shape_cast %swap3A_170 : vector<1x16xi32> to vector<16xi32>
      %swap3A_172 = vector.shape_cast %mul3A_167 : vector<16xi32> to vector<1x16xi32>
      tpu.vector_store %arg8[%swap3A_168, %swap3A_169], %swap3A_172 {strides = array<i32>} : memref<49x512xi32, #tpu.memory_space<vmem>>, vector<1x16xi32>,
      %get3A_173 = arith.index_cast %scan3A_83 : i32 to index
      %get3A_174 = arith.constant 144 : index
      %get3A_175 = tpu.vector_load %arg8[%get3A_173, %get3A_174] {strides = array<i32>} : memref<49x512xi32, #tpu.memory_space<vmem>>, vector<1x16xi32>,
      %get3A_176 = vector.shape_cast %get3A_175 : vector<1x16xi32> to vector<16xi32>
      %mul3A_177 = arith.muli %get3A_176, %get3A_11 : vector<16xi32>
      %swap3A_178 = arith.index_cast %scan3A_83 : i32 to index
      %swap3A_179 = arith.constant 144 : index
      %swap3A_180 = tpu.vector_load %arg8[%swap3A_178, %swap3A_179] {strides = array<i32>} : memref<49x512xi32, #tpu.memory_space<vmem>>, vector<1x16xi32>,
      %swap3A_181 = vector.shape_cast %swap3A_180 : vector<1x16xi32> to vector<16xi32>
      %swap3A_182 = vector.shape_cast %mul3A_177 : vector<16xi32> to vector<1x16xi32>
      tpu.vector_store %arg8[%swap3A_178, %swap3A_179], %swap3A_182 {strides = array<i32>} : memref<49x512xi32, #tpu.memory_space<vmem>>, vector<1x16xi32>,
      %get3A_183 = arith.index_cast %scan3A_83 : i32 to index
      %get3A_184 = arith.constant 160 : index
      %get3A_185 = tpu.vector_load %arg8[%get3A_183, %get3A_184] {strides = array<i32>} : memref<49x512xi32, #tpu.memory_space<vmem>>, vector<1x16xi32>,
      %get3A_186 = vector.shape_cast %get3A_185 : vector<1x16xi32> to vector<16xi32>
      %mul3A_187 = arith.muli %get3A_186, %get3A_11 : vector<16xi32>
      %swap3A_188 = arith.index_cast %scan3A_83 : i32 to index
      %swap3A_189 = arith.constant 160 : index
      %swap3A_190 = tpu.vector_load %arg8[%swap3A_188, %swap3A_189] {strides = array<i32>} : memref<49x512xi32, #tpu.memory_space<vmem>>, vector<1x16xi32>,
      %swap3A_191 = vector.shape_cast %swap3A_190 : vector<1x16xi32> to vector<16xi32>
      %swap3A_192 = vector.shape_cast %mul3A_187 : vector<16xi32> to vector<1x16xi32>
      tpu.vector_store %arg8[%swap3A_188, %swap3A_189], %swap3A_192 {strides = array<i32>} : memref<49x512xi32, #tpu.memory_space<vmem>>, vector<1x16xi32>,
      %get3A_193 = arith.index_cast %scan3A_83 : i32 to index
      %get3A_194 = arith.constant 176 : index
      %get3A_195 = tpu.vector_load %arg8[%get3A_193, %get3A_194] {strides = array<i32>} : memref<49x512xi32, #tpu.memory_space<vmem>>, vector<1x16xi32>,
      %get3A_196 = vector.shape_cast %get3A_195 : vector<1x16xi32> to vector<16xi32>
      %mul3A_197 = arith.muli %get3A_196, %get3A_11 : vector<16xi32>
      %swap3A_198 = arith.index_cast %scan3A_83 : i32 to index
      %swap3A_199 = arith.constant 176 : index
      %swap3A_200 = tpu.vector_load %arg8[%swap3A_198, %swap3A_199] {strides = array<i32>} : memref<49x512xi32, #tpu.memory_space<vmem>>, vector<1x16xi32>,
      %swap3A_201 = vector.shape_cast %swap3A_200 : vector<1x16xi32> to vector<16xi32>
      %swap3A_202 = vector.shape_cast %mul3A_197 : vector<16xi32> to vector<1x16xi32>
      tpu.vector_store %arg8[%swap3A_198, %swap3A_199], %swap3A_202 {strides = array<i32>} : memref<49x512xi32, #tpu.memory_space<vmem>>, vector<1x16xi32>,
      %get3A_203 = arith.index_cast %scan3A_83 : i32 to index
      %get3A_204 = arith.constant 192 : index
      %get3A_205 = tpu.vector_load %arg8[%get3A_203, %get3A_204] {strides = array<i32>} : memref<49x512xi32, #tpu.memory_space<vmem>>, vector<1x16xi32>,
      %get3A_206 = vector.shape_cast %get3A_205 : vector<1x16xi32> to vector<16xi32>
      %mul3A_207 = arith.muli %get3A_206, %get3A_11 : vector<16xi32>
      %swap3A_208 = arith.index_cast %scan3A_83 : i32 to index
      %swap3A_209 = arith.constant 192 : index
      %swap3A_210 = tpu.vector_load %arg8[%swap3A_208, %swap3A_209] {strides = array<i32>} : memref<49x512xi32, #tpu.memory_space<vmem>>, vector<1x16xi32>,
      %swap3A_211 = vector.shape_cast %swap3A_210 : vector<1x16xi32> to vector<16xi32>
      %swap3A_212 = vector.shape_cast %mul3A_207 : vector<16xi32> to vector<1x16xi32>
      tpu.vector_store %arg8[%swap3A_208, %swap3A_209], %swap3A_212 {strides = array<i32>} : memref<49x512xi32, #tpu.memory_space<vmem>>, vector<1x16xi32>,
      %get3A_213 = arith.index_cast %scan3A_83 : i32 to index
      %get3A_214 = arith.constant 208 : index
      %get3A_215 = tpu.vector_load %arg8[%get3A_213, %get3A_214] {strides = array<i32>} : memref<49x512xi32, #tpu.memory_space<vmem>>, vector<1x16xi32>,
      %get3A_216 = vector.shape_cast %get3A_215 : vector<1x16xi32> to vector<16xi32>
      %mul3A_217 = arith.muli %get3A_216, %get3A_11 : vector<16xi32>
      %swap3A_218 = arith.index_cast %scan3A_83 : i32 to index
      %swap3A_219 = arith.constant 208 : index
      %swap3A_220 = tpu.vector_load %arg8[%swap3A_218, %swap3A_219] {strides = array<i32>} : memref<49x512xi32, #tpu.memory_space<vmem>>, vector<1x16xi32>,
      %swap3A_221 = vector.shape_cast %swap3A_220 : vector<1x16xi32> to vector<16xi32>
      %swap3A_222 = vector.shape_cast %mul3A_217 : vector<16xi32> to vector<1x16xi32>
      tpu.vector_store %arg8[%swap3A_218, %swap3A_219], %swap3A_222 {strides = array<i32>} : memref<49x512xi32, #tpu.memory_space<vmem>>, vector<1x16xi32>,
      %get3A_223 = arith.index_cast %scan3A_83 : i32 to index
      %get3A_224 = arith.constant 224 : index
      %get3A_225 = tpu.vector_load %arg8[%get3A_223, %get3A_224] {strides = array<i32>} : memref<49x512xi32, #tpu.memory_space<vmem>>, vector<1x16xi32>,
      %get3A_226 = vector.shape_cast %get3A_225 : vector<1x16xi32> to vector<16xi32>
      %mul3A_227 = arith.muli %get3A_226, %get3A_11 : vector<16xi32>
      %swap3A_228 = arith.index_cast %scan3A_83 : i32 to index
      %swap3A_229 = arith.constant 224 : index
      %swap3A_230 = tpu.vector_load %arg8[%swap3A_228, %swap3A_229] {strides = array<i32>} : memref<49x512xi32, #tpu.memory_space<vmem>>, vector<1x16xi32>,
      %swap3A_231 = vector.shape_cast %swap3A_230 : vector<1x16xi32> to vector<16xi32>
      %swap3A_232 = vector.shape_cast %mul3A_227 : vector<16xi32> to vector<1x16xi32>
      tpu.vector_store %arg8[%swap3A_228, %swap3A_229], %swap3A_232 {strides = array<i32>} : memref<49x512xi32, #tpu.memory_space<vmem>>, vector<1x16xi32>,
      %get3A_233 = arith.index_cast %scan3A_83 : i32 to index
      %get3A_234 = arith.constant 240 : index
      %get3A_235 = tpu.vector_load %arg8[%get3A_233, %get3A_234] {strides = array<i32>} : memref<49x512xi32, #tpu.memory_space<vmem>>, vector<1x16xi32>,
      %get3A_236 = vector.shape_cast %get3A_235 : vector<1x16xi32> to vector<16xi32>
      %mul3A_237 = arith.muli %get3A_236, %get3A_11 : vector<16xi32>
      %swap3A_238 = arith.index_cast %scan3A_83 : i32 to index
      %swap3A_239 = arith.constant 240 : index
      %swap3A_240 = tpu.vector_load %arg8[%swap3A_238, %swap3A_239] {strides = array<i32>} : memref<49x512xi32, #tpu.memory_space<vmem>>, vector<1x16xi32>,
      %swap3A_241 = vector.shape_cast %swap3A_240 : vector<1x16xi32> to vector<16xi32>
      %swap3A_242 = vector.shape_cast %mul3A_237 : vector<16xi32> to vector<1x16xi32>
      tpu.vector_store %arg8[%swap3A_238, %swap3A_239], %swap3A_242 {strides = array<i32>} : memref<49x512xi32, #tpu.memory_space<vmem>>, vector<1x16xi32>,
      %get3A_243 = arith.index_cast %scan3A_83 : i32 to index
      %get3A_244 = arith.constant 256 : index
      %get3A_245 = tpu.vector_load %arg8[%get3A_243, %get3A_244] {strides = array<i32>} : memref<49x512xi32, #tpu.memory_space<vmem>>, vector<1x16xi32>,
      %get3A_246 = vector.shape_cast %get3A_245 : vector<1x16xi32> to vector<16xi32>
      %mul3A_247 = arith.muli %get3A_246, %get3A_11 : vector<16xi32>
      %swap3A_248 = arith.index_cast %scan3A_83 : i32 to index
      %swap3A_249 = arith.constant 256 : index
      %swap3A_250 = tpu.vector_load %arg8[%swap3A_248, %swap3A_249] {strides = array<i32>} : memref<49x512xi32, #tpu.memory_space<vmem>>, vector<1x16xi32>,
      %swap3A_251 = vector.shape_cast %swap3A_250 : vector<1x16xi32> to vector<16xi32>
      %swap3A_252 = vector.shape_cast %mul3A_247 : vector<16xi32> to vector<1x16xi32>
      tpu.vector_store %arg8[%swap3A_248, %swap3A_249], %swap3A_252 {strides = array<i32>} : memref<49x512xi32, #tpu.memory_space<vmem>>, vector<1x16xi32>,
      %get3A_253 = arith.index_cast %scan3A_83 : i32 to index
      %get3A_254 = arith.constant 272 : index
      %get3A_255 = tpu.vector_load %arg8[%get3A_253, %get3A_254] {strides = array<i32>} : memref<49x512xi32, #tpu.memory_space<vmem>>, vector<1x16xi32>,
      %get3A_256 = vector.shape_cast %get3A_255 : vector<1x16xi32> to vector<16xi32>
      %mul3A_257 = arith.muli %get3A_256, %get3A_11 : vector<16xi32>
      %swap3A_258 = arith.index_cast %scan3A_83 : i32 to index
      %swap3A_259 = arith.constant 272 : index
      %swap3A_260 = tpu.vector_load %arg8[%swap3A_258, %swap3A_259] {strides = array<i32>} : memref<49x512xi32, #tpu.memory_space<vmem>>, vector<1x16xi32>,
      %swap3A_261 = vector.shape_cast %swap3A_260 : vector<1x16xi32> to vector<16xi32>
      %swap3A_262 = vector.shape_cast %mul3A_257 : vector<16xi32> to vector<1x16xi32>
      tpu.vector_store %arg8[%swap3A_258, %swap3A_259], %swap3A_262 {strides = array<i32>} : memref<49x512xi32, #tpu.memory_space<vmem>>, vector<1x16xi32>,
      %get3A_263 = arith.index_cast %scan3A_83 : i32 to index
      %get3A_264 = arith.constant 288 : index
      %get3A_265 = tpu.vector_load %arg8[%get3A_263, %get3A_264] {strides = array<i32>} : memref<49x512xi32, #tpu.memory_space<vmem>>, vector<1x16xi32>,
      %get3A_266 = vector.shape_cast %get3A_265 : vector<1x16xi32> to vector<16xi32>
      %mul3A_267 = arith.muli %get3A_266, %get3A_11 : vector<16xi32>
      %swap3A_268 = arith.index_cast %scan3A_83 : i32 to index
      %swap3A_269 = arith.constant 288 : index
      %swap3A_270 = tpu.vector_load %arg8[%swap3A_268, %swap3A_269] {strides = array<i32>} : memref<49x512xi32, #tpu.memory_space<vmem>>, vector<1x16xi32>,
      %swap3A_271 = vector.shape_cast %swap3A_270 : vector<1x16xi32> to vector<16xi32>
      %swap3A_272 = vector.shape_cast %mul3A_267 : vector<16xi32> to vector<1x16xi32>
      tpu.vector_store %arg8[%swap3A_268, %swap3A_269], %swap3A_272 {strides = array<i32>} : memref<49x512xi32, #tpu.memory_space<vmem>>, vector<1x16xi32>,
      %get3A_273 = arith.index_cast %scan3A_83 : i32 to index
      %get3A_274 = arith.constant 304 : index
      %get3A_275 = tpu.vector_load %arg8[%get3A_273, %get3A_274] {strides = array<i32>} : memref<49x512xi32, #tpu.memory_space<vmem>>, vector<1x16xi32>,
      %get3A_276 = vector.shape_cast %get3A_275 : vector<1x16xi32> to vector<16xi32>
      %mul3A_277 = arith.muli %get3A_276, %get3A_11 : vector<16xi32>
      %swap3A_278 = arith.index_cast %scan3A_83 : i32 to index
      %swap3A_279 = arith.constant 304 : index
      %swap3A_280 = tpu.vector_load %arg8[%swap3A_278, %swap3A_279] {strides = array<i32>} : memref<49x512xi32, #tpu.memory_space<vmem>>, vector<1x16xi32>,
      %swap3A_281 = vector.shape_cast %swap3A_280 : vector<1x16xi32> to vector<16xi32>
      %swap3A_282 = vector.shape_cast %mul3A_277 : vector<16xi32> to vector<1x16xi32>
      tpu.vector_store %arg8[%swap3A_278, %swap3A_279], %swap3A_282 {strides = array<i32>} : memref<49x512xi32, #tpu.memory_space<vmem>>, vector<1x16xi32>,
      %get3A_283 = arith.index_cast %scan3A_83 : i32 to index
      %get3A_284 = arith.constant 320 : index
      %get3A_285 = tpu.vector_load %arg8[%get3A_283, %get3A_284] {strides = array<i32>} : memref<49x512xi32, #tpu.memory_space<vmem>>, vector<1x16xi32>,
      %get3A_286 = vector.shape_cast %get3A_285 : vector<1x16xi32> to vector<16xi32>
      %mul3A_287 = arith.muli %get3A_286, %get3A_11 : vector<16xi32>
      %swap3A_288 = arith.index_cast %scan3A_83 : i32 to index
      %swap3A_289 = arith.constant 320 : index
      %swap3A_290 = tpu.vector_load %arg8[%swap3A_288, %swap3A_289] {strides = array<i32>} : memref<49x512xi32, #tpu.memory_space<vmem>>, vector<1x16xi32>,
      %swap3A_291 = vector.shape_cast %swap3A_290 : vector<1x16xi32> to vector<16xi32>
      %swap3A_292 = vector.shape_cast %mul3A_287 : vector<16xi32> to vector<1x16xi32>
      tpu.vector_store %arg8[%swap3A_288, %swap3A_289], %swap3A_292 {strides = array<i32>} : memref<49x512xi32, #tpu.memory_space<vmem>>, vector<1x16xi32>,
      %get3A_293 = arith.index_cast %scan3A_83 : i32 to index
      %get3A_294 = arith.constant 336 : index
      %get3A_295 = tpu.vector_load %arg8[%get3A_293, %get3A_294] {strides = array<i32>} : memref<49x512xi32, #tpu.memory_space<vmem>>, vector<1x16xi32>,
      %get3A_296 = vector.shape_cast %get3A_295 : vector<1x16xi32> to vector<16xi32>
      %mul3A_297 = arith.muli %get3A_296, %get3A_11 : vector<16xi32>
      %swap3A_298 = arith.index_cast %scan3A_83 : i32 to index
      %swap3A_299 = arith.constant 336 : index
      %swap3A_300 = tpu.vector_load %arg8[%swap3A_298, %swap3A_299] {strides = array<i32>} : memref<49x512xi32, #tpu.memory_space<vmem>>, vector<1x16xi32>,
      %swap3A_301 = vector.shape_cast %swap3A_300 : vector<1x16xi32> to vector<16xi32>
      %swap3A_302 = vector.shape_cast %mul3A_297 : vector<16xi32> to vector<1x16xi32>
      tpu.vector_store %arg8[%swap3A_298, %swap3A_299], %swap3A_302 {strides = array<i32>} : memref<49x512xi32, #tpu.memory_space<vmem>>, vector<1x16xi32>,
      %get3A_303 = arith.index_cast %scan3A_83 : i32 to index
      %get3A_304 = arith.constant 352 : index
      %get3A_305 = tpu.vector_load %arg8[%get3A_303, %get3A_304] {strides = array<i32>} : memref<49x512xi32, #tpu.memory_space<vmem>>, vector<1x16xi32>,
      %get3A_306 = vector.shape_cast %get3A_305 : vector<1x16xi32> to vector<16xi32>
      %mul3A_307 = arith.muli %get3A_306, %get3A_11 : vector<16xi32>
      %swap3A_308 = arith.index_cast %scan3A_83 : i32 to index
      %swap3A_309 = arith.constant 352 : index
      %swap3A_310 = tpu.vector_load %arg8[%swap3A_308, %swap3A_309] {strides = array<i32>} : memref<49x512xi32, #tpu.memory_space<vmem>>, vector<1x16xi32>,
      %swap3A_311 = vector.shape_cast %swap3A_310 : vector<1x16xi32> to vector<16xi32>
      %swap3A_312 = vector.shape_cast %mul3A_307 : vector<16xi32> to vector<1x16xi32>
      tpu.vector_store %arg8[%swap3A_308, %swap3A_309], %swap3A_312 {strides = array<i32>} : memref<49x512xi32, #tpu.memory_space<vmem>>, vector<1x16xi32>,
      %get3A_313 = arith.index_cast %scan3A_83 : i32 to index
      %get3A_314 = arith.constant 368 : index
      %get3A_315 = tpu.vector_load %arg8[%get3A_313, %get3A_314] {strides = array<i32>} : memref<49x512xi32, #tpu.memory_space<vmem>>, vector<1x16xi32>,
      %get3A_316 = vector.shape_cast %get3A_315 : vector<1x16xi32> to vector<16xi32>
      %mul3A_317 = arith.muli %get3A_316, %get3A_11 : vector<16xi32>
      %swap3A_318 = arith.index_cast %scan3A_83 : i32 to index
      %swap3A_319 = arith.constant 368 : index
      %swap3A_320 = tpu.vector_load %arg8[%swap3A_318, %swap3A_319] {strides = array<i32>} : memref<49x512xi32, #tpu.memory_space<vmem>>, vector<1x16xi32>,
      %swap3A_321 = vector.shape_cast %swap3A_320 : vector<1x16xi32> to vector<16xi32>
      %swap3A_322 = vector.shape_cast %mul3A_317 : vector<16xi32> to vector<1x16xi32>
      tpu.vector_store %arg8[%swap3A_318, %swap3A_319], %swap3A_322 {strides = array<i32>} : memref<49x512xi32, #tpu.memory_space<vmem>>, vector<1x16xi32>,
      %get3A_323 = arith.index_cast %scan3A_83 : i32 to index
      %get3A_324 = arith.constant 384 : index
      %get3A_325 = tpu.vector_load %arg8[%get3A_323, %get3A_324] {strides = array<i32>} : memref<49x512xi32, #tpu.memory_space<vmem>>, vector<1x16xi32>,
      %get3A_326 = vector.shape_cast %get3A_325 : vector<1x16xi32> to vector<16xi32>
      %mul3A_327 = arith.muli %get3A_326, %get3A_11 : vector<16xi32>
      %swap3A_328 = arith.index_cast %scan3A_83 : i32 to index
      %swap3A_329 = arith.constant 384 : index
      %swap3A_330 = tpu.vector_load %arg8[%swap3A_328, %swap3A_329] {strides = array<i32>} : memref<49x512xi32, #tpu.memory_space<vmem>>, vector<1x16xi32>,
      %swap3A_331 = vector.shape_cast %swap3A_330 : vector<1x16xi32> to vector<16xi32>
      %swap3A_332 = vector.shape_cast %mul3A_327 : vector<16xi32> to vector<1x16xi32>
      tpu.vector_store %arg8[%swap3A_328, %swap3A_329], %swap3A_332 {strides = array<i32>} : memref<49x512xi32, #tpu.memory_space<vmem>>, vector<1x16xi32>,
      %get3A_333 = arith.index_cast %scan3A_83 : i32 to index
      %get3A_334 = arith.constant 400 : index
      %get3A_335 = tpu.vector_load %arg8[%get3A_333, %get3A_334] {strides = array<i32>} : memref<49x512xi32, #tpu.memory_space<vmem>>, vector<1x16xi32>,
      %get3A_336 = vector.shape_cast %get3A_335 : vector<1x16xi32> to vector<16xi32>
      %mul3A_337 = arith.muli %get3A_336, %get3A_11 : vector<16xi32>
      %swap3A_338 = arith.index_cast %scan3A_83 : i32 to index
      %swap3A_339 = arith.constant 400 : index
      %swap3A_340 = tpu.vector_load %arg8[%swap3A_338, %swap3A_339] {strides = array<i32>} : memref<49x512xi32, #tpu.memory_space<vmem>>, vector<1x16xi32>,
      %swap3A_341 = vector.shape_cast %swap3A_340 : vector<1x16xi32> to vector<16xi32>
      %swap3A_342 = vector.shape_cast %mul3A_337 : vector<16xi32> to vector<1x16xi32>
      tpu.vector_store %arg8[%swap3A_338, %swap3A_339], %swap3A_342 {strides = array<i32>} : memref<49x512xi32, #tpu.memory_space<vmem>>, vector<1x16xi32>,
      %get3A_343 = arith.index_cast %scan3A_83 : i32 to index
      %get3A_344 = arith.constant 416 : index
      %get3A_345 = tpu.vector_load %arg8[%get3A_343, %get3A_344] {strides = array<i32>} : memref<49x512xi32, #tpu.memory_space<vmem>>, vector<1x16xi32>,
      %get3A_346 = vector.shape_cast %get3A_345 : vector<1x16xi32> to vector<16xi32>
      %mul3A_347 = arith.muli %get3A_346, %get3A_11 : vector<16xi32>
      %swap3A_348 = arith.index_cast %scan3A_83 : i32 to index
      %swap3A_349 = arith.constant 416 : index
      %swap3A_350 = tpu.vector_load %arg8[%swap3A_348, %swap3A_349] {strides = array<i32>} : memref<49x512xi32, #tpu.memory_space<vmem>>, vector<1x16xi32>,
      %swap3A_351 = vector.shape_cast %swap3A_350 : vector<1x16xi32> to vector<16xi32>
      %swap3A_352 = vector.shape_cast %mul3A_347 : vector<16xi32> to vector<1x16xi32>
      tpu.vector_store %arg8[%swap3A_348, %swap3A_349], %swap3A_352 {strides = array<i32>} : memref<49x512xi32, #tpu.memory_space<vmem>>, vector<1x16xi32>,
      %get3A_353 = arith.index_cast %scan3A_83 : i32 to index
      %get3A_354 = arith.constant 432 : index
      %get3A_355 = tpu.vector_load %arg8[%get3A_353, %get3A_354] {strides = array<i32>} : memref<49x512xi32, #tpu.memory_space<vmem>>, vector<1x16xi32>,
      %get3A_356 = vector.shape_cast %get3A_355 : vector<1x16xi32> to vector<16xi32>
      %mul3A_357 = arith.muli %get3A_356, %get3A_11 : vector<16xi32>
      %swap3A_358 = arith.index_cast %scan3A_83 : i32 to index
      %swap3A_359 = arith.constant 432 : index
      %swap3A_360 = tpu.vector_load %arg8[%swap3A_358, %swap3A_359] {strides = array<i32>} : memref<49x512xi32, #tpu.memory_space<vmem>>, vector<1x16xi32>,
      %swap3A_361 = vector.shape_cast %swap3A_360 : vector<1x16xi32> to vector<16xi32>
      %swap3A_362 = vector.shape_cast %mul3A_357 : vector<16xi32> to vector<1x16xi32>
      tpu.vector_store %arg8[%swap3A_358, %swap3A_359], %swap3A_362 {strides = array<i32>} : memref<49x512xi32, #tpu.memory_space<vmem>>, vector<1x16xi32>,
      %get3A_363 = arith.index_cast %scan3A_83 : i32 to index
      %get3A_364 = arith.constant 448 : index
      %get3A_365 = tpu.vector_load %arg8[%get3A_363, %get3A_364] {strides = array<i32>} : memref<49x512xi32, #tpu.memory_space<vmem>>, vector<1x16xi32>,
      %get3A_366 = vector.shape_cast %get3A_365 : vector<1x16xi32> to vector<16xi32>
      %mul3A_367 = arith.muli %get3A_366, %get3A_11 : vector<16xi32>
      %swap3A_368 = arith.index_cast %scan3A_83 : i32 to index
      %swap3A_369 = arith.constant 448 : index
      %swap3A_370 = tpu.vector_load %arg8[%swap3A_368, %swap3A_369] {strides = array<i32>} : memref<49x512xi32, #tpu.memory_space<vmem>>, vector<1x16xi32>,
      %swap3A_371 = vector.shape_cast %swap3A_370 : vector<1x16xi32> to vector<16xi32>
      %swap3A_372 = vector.shape_cast %mul3A_367 : vector<16xi32> to vector<1x16xi32>
      tpu.vector_store %arg8[%swap3A_368, %swap3A_369], %swap3A_372 {strides = array<i32>} : memref<49x512xi32, #tpu.memory_space<vmem>>, vector<1x16xi32>,
      %get3A_373 = arith.index_cast %scan3A_83 : i32 to index
      %get3A_374 = arith.constant 464 : index
      %get3A_375 = tpu.vector_load %arg8[%get3A_373, %get3A_374] {strides = array<i32>} : memref<49x512xi32, #tpu.memory_space<vmem>>, vector<1x16xi32>,
      %get3A_376 = vector.shape_cast %get3A_375 : vector<1x16xi32> to vector<16xi32>
      %mul3A_377 = arith.muli %get3A_376, %get3A_11 : vector<16xi32>
      %swap3A_378 = arith.index_cast %scan3A_83 : i32 to index
      %swap3A_379 = arith.constant 464 : index
      %swap3A_380 = tpu.vector_load %arg8[%swap3A_378, %swap3A_379] {strides = array<i32>} : memref<49x512xi32, #tpu.memory_space<vmem>>, vector<1x16xi32>,
      %swap3A_381 = vector.shape_cast %swap3A_380 : vector<1x16xi32> to vector<16xi32>
      %swap3A_382 = vector.shape_cast %mul3A_377 : vector<16xi32> to vector<1x16xi32>
      tpu.vector_store %arg8[%swap3A_378, %swap3A_379], %swap3A_382 {strides = array<i32>} : memref<49x512xi32, #tpu.memory_space<vmem>>, vector<1x16xi32>,
      %get3A_383 = arith.index_cast %scan3A_83 : i32 to index
      %get3A_384 = arith.constant 480 : index
      %get3A_385 = tpu.vector_load %arg8[%get3A_383, %get3A_384] {strides = array<i32>} : memref<49x512xi32, #tpu.memory_space<vmem>>, vector<1x16xi32>,
      %get3A_386 = vector.shape_cast %get3A_385 : vector<1x16xi32> to vector<16xi32>
      %mul3A_387 = arith.muli %get3A_386, %get3A_11 : vector<16xi32>
      %swap3A_388 = arith.index_cast %scan3A_83 : i32 to index
      %swap3A_389 = arith.constant 480 : index
      %swap3A_390 = tpu.vector_load %arg8[%swap3A_388, %swap3A_389] {strides = array<i32>} : memref<49x512xi32, #tpu.memory_space<vmem>>, vector<1x16xi32>,
      %swap3A_391 = vector.shape_cast %swap3A_390 : vector<1x16xi32> to vector<16xi32>
      %swap3A_392 = vector.shape_cast %mul3A_387 : vector<16xi32> to vector<1x16xi32>
      tpu.vector_store %arg8[%swap3A_388, %swap3A_389], %swap3A_392 {strides = array<i32>} : memref<49x512xi32, #tpu.memory_space<vmem>>, vector<1x16xi32>,
      %get3A_393 = arith.index_cast %scan3A_83 : i32 to index
      %get3A_394 = arith.constant 496 : index
      %get3A_395 = tpu.vector_load %arg8[%get3A_393, %get3A_394] {strides = array<i32>} : memref<49x512xi32, #tpu.memory_space<vmem>>, vector<1x16xi32>,
      %get3A_396 = vector.shape_cast %get3A_395 : vector<1x16xi32> to vector<16xi32>
      %mul3A_397 = arith.muli %get3A_396, %get3A_11 : vector<16xi32>
      %swap3A_398 = arith.index_cast %scan3A_83 : i32 to index
      %swap3A_399 = arith.constant 496 : index
      %swap3A_400 = tpu.vector_load %arg8[%swap3A_398, %swap3A_399] {strides = array<i32>} : memref<49x512xi32, #tpu.memory_space<vmem>>, vector<1x16xi32>,
      %swap3A_401 = vector.shape_cast %swap3A_400 : vector<1x16xi32> to vector<16xi32>
      %swap3A_402 = vector.shape_cast %mul3A_397 : vector<16xi32> to vector<1x16xi32>
      tpu.vector_store %arg8[%swap3A_398, %swap3A_399], %swap3A_402 {strides = array<i32>} : memref<49x512xi32, #tpu.memory_space<vmem>>, vector<1x16xi32>,
    }
    %scan3A_17 = arith.constant 49 : i32
    %barrier3A = arith.constant 0 : index
    tpu.barrier barrier_id(%barrier3A)
    %get3A_18 = arith.constant 1 : i32
    %get3A_19 = arith.index_cast %get3A_18 : i32 to index
    %get3A_20 = arith.constant 0 : index
    %get3A_21 = tpu.vector_load %arg14[%get3A_19, %get3A_20] {strides = array<i32>} : memref<2x16xi32, #tpu.memory_space<vmem>>, vector<1x16xi32>,
    %get3A_22 = vector.shape_cast %get3A_21 : vector<1x16xi32> to vector<16xi32>
    %dma_start3A = arith.constant 0 : i32
    %dma_start3A_23 = arith.constant 0 : i32
    %dma_start3A_24 = tpu.memref_slice %arg8[%dma_start3A, %dma_start3A_23] : memref<49x512xi32, #tpu.memory_space<vmem>> -> memref<1x512xi32, #tpu.memory_space<vmem>>
    %dma_start3A_25 = tpu.memref_squeeze %dma_start3A_24 : memref<1x512xi32, #tpu.memory_space<vmem>> -> memref<512xi32, #tpu.memory_space<vmem>>
    %dma_start3A_26 = arith.constant 0 : i32
    %dma_start3A_27 = arith.constant 0 : i32
    %dma_start3A_28 = tpu.memref_slice %arg4[%dma_start3A_26, %dma_start3A_27] : memref<100000x16xf32, #tpu.memory_space<hbm>> -> memref<100000x16xf32, #tpu.memory_space<hbm>>
    tpu.enqueue_indirect_dma source(%dma_start3A_28 : memref<100000x16xf32, #tpu.memory_space<hbm>>) target(%arg10 : memref<512x16xf32, #tpu.memory_space<vmem>>) offsets(%dma_start3A_25 : memref<512xi32, #tpu.memory_space<vmem>>) semaphore(%arg16 : memref<!tpu.dma_semaphore, #tpu.memory_space<semaphore_mem>>)
    %scan3A_29 = arith.constant 0 : i32
    %scan3A_30 = arith.constant 0 : i32
    %scan3A_31 = arith.constant 24 : i32
    %scan3A_32 = arith.addi %scan3A_30, %scan3A_31 : i32
    %scan3A_33 = arith.constant 1 : i32
    scf.for %scan3A_83 = %scan3A_30 to %scan3A_32 step %scan3A_33  : i32 {
      %mul3A_84 = arith.constant 2 : i32
      %mul3A_85 = arith.muli %mul3A_84, %scan3A_83 : i32
      %add3A_86 = arith.constant 0 : i32
      %add3A_87 = arith.addi %mul3A_85, %add3A_86 : i32
      %add3A_88 = arith.constant 1 : i32
      %add3A_89 = arith.addi %add3A_87, %add3A_88 : i32
      %min3A = arith.constant 48 : i32
      %min3A_90 = arith.minsi %add3A_89, %min3A : i32
      %dma_start3A_91 = arith.constant 0 : i32
      %dma_start3A_92 = tpu.memref_slice %arg8[%min3A_90, %dma_start3A_91] : memref<49x512xi32, #tpu.memory_space<vmem>> -> memref<1x512xi32, #tpu.memory_space<vmem>>
      %dma_start3A_93 = tpu.memref_squeeze %dma_start3A_92 : memref<1x512xi32, #tpu.memory_space<vmem>> -> memref<512xi32, #tpu.memory_space<vmem>>
      %dma_start3A_94 = arith.constant 0 : i32
      %dma_start3A_95 = arith.constant 0 : i32
      %dma_start3A_96 = tpu.memref_slice %arg4[%dma_start3A_94, %dma_start3A_95] : memref<100000x16xf32, #tpu.memory_space<hbm>> -> memref<100000x16xf32, #tpu.memory_space<hbm>>
      tpu.enqueue_indirect_dma source(%dma_start3A_96 : memref<100000x16xf32, #tpu.memory_space<hbm>>) target(%arg11 : memref<512x16xf32, #tpu.memory_space<vmem>>) offsets(%dma_start3A_93 : memref<512xi32, #tpu.memory_space<vmem>>) semaphore(%arg17 : memref<!tpu.dma_semaphore, #tpu.memory_space<semaphore_mem>>)
      %dma_wait3A_97 = arith.constant 0 : i32
      %dma_wait3A_98 = tpu.memref_slice %arg8[%add3A_87, %dma_wait3A_97] : memref<49x512xi32, #tpu.memory_space<vmem>> -> memref<1x512xi32, #tpu.memory_space<vmem>>
      %dma_wait3A_99 = tpu.memref_squeeze %dma_wait3A_98 : memref<1x512xi32, #tpu.memory_space<vmem>> -> memref<512xi32, #tpu.memory_space<vmem>>
      %dma_wait3A_100 = arith.constant 0 : i32
      %dma_wait3A_101 = arith.constant 0 : i32
      %dma_wait3A_102 = tpu.memref_slice %arg4[%dma_wait3A_100, %dma_wait3A_101] : memref<100000x16xf32, #tpu.memory_space<hbm>> -> memref<100000x16xf32, #tpu.memory_space<hbm>>
      tpu.wait_indirect_dma semaphore(%arg16 : memref<!tpu.dma_semaphore, #tpu.memory_space<semaphore_mem>>) src(%dma_wait3A_102 : memref<100000x16xf32, #tpu.memory_space<hbm>>) dst(%arg10 : memref<512x16xf32, #tpu.memory_space<vmem>>)
      "tpu.region"() ({
        %run_scoped3A_123 = tpu.sem_alloc : memref<!tpu.dma_semaphore, #tpu.memory_space<semaphore_mem>>
        %dma_start3A_124 = arith.constant 0 : i32
        %dma_start3A_125 = tpu.memref_slice %arg9[%add3A_87, %dma_start3A_124] : memref<49x512xi32, #tpu.memory_space<vmem>> -> memref<1x512xi32, #tpu.memory_space<vmem>>
        %dma_start3A_126 = tpu.memref_squeeze %dma_start3A_125 : memref<1x512xi32, #tpu.memory_space<vmem>> -> memref<512xi32, #tpu.memory_space<vmem>>
        %dma_start3A_127 = arith.constant 0 : i32
        %dma_start3A_128 = arith.constant 0 : i32
        %dma_start3A_129 = tpu.memref_slice %arg15[%dma_start3A_127, %dma_start3A_128] : memref<50176x16xf32, #tpu.memory_space<vmem_shared>> -> memref<50176x16xf32, #tpu.memory_space<vmem_shared>>
        tpu.enqueue_indirect_dma source(%arg10 : memref<512x16xf32, #tpu.memory_space<vmem>>) target(%dma_start3A_129 : memref<50176x16xf32, #tpu.memory_space<vmem_shared>>) offsets(%dma_start3A_126 : memref<512xi32, #tpu.memory_space<vmem>>) semaphore(%run_scoped3A_123 : memref<!tpu.dma_semaphore, #tpu.memory_space<semaphore_mem>>) {add = true}
        %dma_wait3A_130 = arith.constant 0 : i32
        %dma_wait3A_131 = tpu.memref_slice %arg9[%add3A_87, %dma_wait3A_130] : memref<49x512xi32, #tpu.memory_space<vmem>> -> memref<1x512xi32, #tpu.memory_space<vmem>>
        %dma_wait3A_132 = tpu.memref_squeeze %dma_wait3A_131 : memref<1x512xi32, #tpu.memory_space<vmem>> -> memref<512xi32, #tpu.memory_space<vmem>>
        %dma_wait3A_133 = arith.constant 0 : i32
        %dma_wait3A_134 = arith.constant 0 : i32
        %dma_wait3A_135 = tpu.memref_slice %arg15[%dma_wait3A_133, %dma_wait3A_134] : memref<50176x16xf32, #tpu.memory_space<vmem_shared>> -> memref<50176x16xf32, #tpu.memory_space<vmem_shared>>
        tpu.wait_indirect_dma semaphore(%run_scoped3A_123 : memref<!tpu.dma_semaphore, #tpu.memory_space<semaphore_mem>>) src(%arg10 : memref<512x16xf32, #tpu.memory_space<vmem>>) dst(%dma_wait3A_135 : memref<50176x16xf32, #tpu.memory_space<vmem_shared>>)
        tpu.yield
      }) : () -> ()
      %mul3A_103 = arith.constant 2 : i32
      %mul3A_104 = arith.muli %mul3A_103, %scan3A_83 : i32
      %add3A_105 = arith.constant 1 : i32
      %add3A_106 = arith.addi %mul3A_104, %add3A_105 : i32
      %add3A_107 = arith.constant 1 : i32
      %add3A_108 = arith.addi %add3A_106, %add3A_107 : i32
      %min3A_109 = arith.constant 48 : i32
      %min3A_110 = arith.minsi %add3A_108, %min3A_109 : i32
      %dma_start3A_111 = arith.constant 0 : i32
      %dma_start3A_112 = tpu.memref_slice %arg8[%min3A_110, %dma_start3A_111] : memref<49x512xi32, #tpu.memory_space<vmem>> -> memref<1x512xi32, #tpu.memory_space<vmem>>
      %dma_start3A_113 = tpu.memref_squeeze %dma_start3A_112 : memref<1x512xi32, #tpu.memory_space<vmem>> -> memref<512xi32, #tpu.memory_space<vmem>>
      %dma_start3A_114 = arith.constant 0 : i32
      %dma_start3A_115 = arith.constant 0 : i32
      %dma_start3A_116 = tpu.memref_slice %arg4[%dma_start3A_114, %dma_start3A_115] : memref<100000x16xf32, #tpu.memory_space<hbm>> -> memref<100000x16xf32, #tpu.memory_space<hbm>>
      tpu.enqueue_indirect_dma source(%dma_start3A_116 : memref<100000x16xf32, #tpu.memory_space<hbm>>) target(%arg10 : memref<512x16xf32, #tpu.memory_space<vmem>>) offsets(%dma_start3A_113 : memref<512xi32, #tpu.memory_space<vmem>>) semaphore(%arg16 : memref<!tpu.dma_semaphore, #tpu.memory_space<semaphore_mem>>)
      %dma_wait3A_117 = arith.constant 0 : i32
      %dma_wait3A_118 = tpu.memref_slice %arg8[%add3A_106, %dma_wait3A_117] : memref<49x512xi32, #tpu.memory_space<vmem>> -> memref<1x512xi32, #tpu.memory_space<vmem>>
      %dma_wait3A_119 = tpu.memref_squeeze %dma_wait3A_118 : memref<1x512xi32, #tpu.memory_space<vmem>> -> memref<512xi32, #tpu.memory_space<vmem>>
      %dma_wait3A_120 = arith.constant 0 : i32
      %dma_wait3A_121 = arith.constant 0 : i32
      %dma_wait3A_122 = tpu.memref_slice %arg4[%dma_wait3A_120, %dma_wait3A_121] : memref<100000x16xf32, #tpu.memory_space<hbm>> -> memref<100000x16xf32, #tpu.memory_space<hbm>>
      tpu.wait_indirect_dma semaphore(%arg17 : memref<!tpu.dma_semaphore, #tpu.memory_space<semaphore_mem>>) src(%dma_wait3A_122 : memref<100000x16xf32, #tpu.memory_space<hbm>>) dst(%arg11 : memref<512x16xf32, #tpu.memory_space<vmem>>)
      "tpu.region"() ({
        %run_scoped3A_123 = tpu.sem_alloc : memref<!tpu.dma_semaphore, #tpu.memory_space<semaphore_mem>>
        %dma_start3A_124 = arith.constant 0 : i32
        %dma_start3A_125 = tpu.memref_slice %arg9[%add3A_106, %dma_start3A_124] : memref<49x512xi32, #tpu.memory_space<vmem>> -> memref<1x512xi32, #tpu.memory_space<vmem>>
        %dma_start3A_126 = tpu.memref_squeeze %dma_start3A_125 : memref<1x512xi32, #tpu.memory_space<vmem>> -> memref<512xi32, #tpu.memory_space<vmem>>
        %dma_start3A_127 = arith.constant 0 : i32
        %dma_start3A_128 = arith.constant 0 : i32
        %dma_start3A_129 = tpu.memref_slice %arg15[%dma_start3A_127, %dma_start3A_128] : memref<50176x16xf32, #tpu.memory_space<vmem_shared>> -> memref<50176x16xf32, #tpu.memory_space<vmem_shared>>
        tpu.enqueue_indirect_dma source(%arg11 : memref<512x16xf32, #tpu.memory_space<vmem>>) target(%dma_start3A_129 : memref<50176x16xf32, #tpu.memory_space<vmem_shared>>) offsets(%dma_start3A_126 : memref<512xi32, #tpu.memory_space<vmem>>) semaphore(%run_scoped3A_123 : memref<!tpu.dma_semaphore, #tpu.memory_space<semaphore_mem>>) {add = true}
        %dma_wait3A_130 = arith.constant 0 : i32
        %dma_wait3A_131 = tpu.memref_slice %arg9[%add3A_106, %dma_wait3A_130] : memref<49x512xi32, #tpu.memory_space<vmem>> -> memref<1x512xi32, #tpu.memory_space<vmem>>
        %dma_wait3A_132 = tpu.memref_squeeze %dma_wait3A_131 : memref<1x512xi32, #tpu.memory_space<vmem>> -> memref<512xi32, #tpu.memory_space<vmem>>
        %dma_wait3A_133 = arith.constant 0 : i32
        %dma_wait3A_134 = arith.constant 0 : i32
        %dma_wait3A_135 = tpu.memref_slice %arg15[%dma_wait3A_133, %dma_wait3A_134] : memref<50176x16xf32, #tpu.memory_space<vmem_shared>> -> memref<50176x16xf32, #tpu.memory_space<vmem_shared>>
        tpu.wait_indirect_dma semaphore(%run_scoped3A_123 : memref<!tpu.dma_semaphore, #tpu.memory_space<semaphore_mem>>) src(%arg11 : memref<512x16xf32, #tpu.memory_space<vmem>>) dst(%dma_wait3A_135 : memref<50176x16xf32, #tpu.memory_space<vmem_shared>>)
        tpu.yield
      }) : () -> ()
    }
    %scan3A_34 = arith.constant 24 : i32
    %dma_wait3A = arith.constant 48 : i32
    %dma_wait3A_35 = arith.constant 0 : i32
    %dma_wait3A_36 = tpu.memref_slice %arg8[%dma_wait3A, %dma_wait3A_35] : memref<49x512xi32, #tpu.memory_space<vmem>> -> memref<1x512xi32, #tpu.memory_space<vmem>>
    %dma_wait3A_37 = tpu.memref_squeeze %dma_wait3A_36 : memref<1x512xi32, #tpu.memory_space<vmem>> -> memref<512xi32, #tpu.memory_space<vmem>>
    %dma_wait3A_38 = arith.constant 0 : i32
    %dma_wait3A_39 = arith.constant 0 : i32
    %dma_wait3A_40 = tpu.memref_slice %arg4[%dma_wait3A_38, %dma_wait3A_39] : memref<100000x16xf32, #tpu.memory_space<hbm>> -> memref<100000x16xf32, #tpu.memory_space<hbm>>
    tpu.wait_indirect_dma semaphore(%arg16 : memref<!tpu.dma_semaphore, #tpu.memory_space<semaphore_mem>>) src(%dma_wait3A_40 : memref<100000x16xf32, #tpu.memory_space<hbm>>) dst(%arg10 : memref<512x16xf32, #tpu.memory_space<vmem>>)
    %run_scoped3A = arith.constant 48 : i32
    "tpu.region"() ({
      %run_scoped3A_83 = tpu.sem_alloc : memref<!tpu.dma_semaphore, #tpu.memory_space<semaphore_mem>>
      %dma_start3A_84 = arith.constant 0 : i32
      %dma_start3A_85 = tpu.memref_slice %arg9[%run_scoped3A, %dma_start3A_84] : memref<49x512xi32, #tpu.memory_space<vmem>> -> memref<1x512xi32, #tpu.memory_space<vmem>>
      %dma_start3A_86 = tpu.memref_squeeze %dma_start3A_85 : memref<1x512xi32, #tpu.memory_space<vmem>> -> memref<512xi32, #tpu.memory_space<vmem>>
      %dma_start3A_87 = arith.constant 0 : i32
      %dma_start3A_88 = arith.constant 0 : i32
      %dma_start3A_89 = tpu.memref_slice %arg15[%dma_start3A_87, %dma_start3A_88] : memref<50176x16xf32, #tpu.memory_space<vmem_shared>> -> memref<50176x16xf32, #tpu.memory_space<vmem_shared>>
      tpu.enqueue_indirect_dma source(%arg10 : memref<512x16xf32, #tpu.memory_space<vmem>>) target(%dma_start3A_89 : memref<50176x16xf32, #tpu.memory_space<vmem_shared>>) offsets(%dma_start3A_86 : memref<512xi32, #tpu.memory_space<vmem>>) semaphore(%run_scoped3A_83 : memref<!tpu.dma_semaphore, #tpu.memory_space<semaphore_mem>>) {add = true}
      %dma_wait3A_90 = arith.constant 0 : i32
      %dma_wait3A_91 = tpu.memref_slice %arg9[%run_scoped3A, %dma_wait3A_90] : memref<49x512xi32, #tpu.memory_space<vmem>> -> memref<1x512xi32, #tpu.memory_space<vmem>>
      %dma_wait3A_92 = tpu.memref_squeeze %dma_wait3A_91 : memref<1x512xi32, #tpu.memory_space<vmem>> -> memref<512xi32, #tpu.memory_space<vmem>>
      %dma_wait3A_93 = arith.constant 0 : i32
      %dma_wait3A_94 = arith.constant 0 : i32
      %dma_wait3A_95 = tpu.memref_slice %arg15[%dma_wait3A_93, %dma_wait3A_94] : memref<50176x16xf32, #tpu.memory_space<vmem_shared>> -> memref<50176x16xf32, #tpu.memory_space<vmem_shared>>
      tpu.wait_indirect_dma semaphore(%run_scoped3A_83 : memref<!tpu.dma_semaphore, #tpu.memory_space<semaphore_mem>>) src(%arg10 : memref<512x16xf32, #tpu.memory_space<vmem>>) dst(%dma_wait3A_95 : memref<50176x16xf32, #tpu.memory_space<vmem_shared>>)
      tpu.yield
    }) : () -> ()
    %barrier3A_41 = arith.constant 0 : index
    tpu.barrier barrier_id(%barrier3A_41)
    %scan3A_42 = arith.constant 0 : i32
    %scan3A_43 = arith.constant 0 : i32
    %scan3A_44 = arith.constant 49 : i32
    %scan3A_45 = arith.addi %scan3A_43, %scan3A_44 : i32
    %scan3A_46 = arith.constant 1 : i32
    scf.for %scan3A_83 = %scan3A_43 to %scan3A_45 step %scan3A_46  : i32 {
      %mul3A_84 = arith.constant 64 : i32
      %mul3A_85 = arith.muli %scan3A_83, %mul3A_84 : i32
      %add3A_86 = arith.addi %mul3A_0, %mul3A_85 : i32
      "tpu.region"() ({
        %run_scoped3A_88 = tpu.sem_alloc : memref<!tpu.dma_semaphore, #tpu.memory_space<semaphore_mem>>
        %dma_start3A_89 = arith.constant 0 : i32
        %dma_start3A_90 = tpu.memref_slice %arg15[%add3A_86, %dma_start3A_89] : memref<50176x16xf32, #tpu.memory_space<vmem_shared>> -> memref<64x16xf32, #tpu.memory_space<vmem_shared>>
        %dma_start3A_91 = arith.constant 0 : i32
        %dma_start3A_92 = tpu.memref_slice %arg15[%add3A_86, %dma_start3A_91] : memref<50176x16xf32, #tpu.memory_space<vmem_shared>> -> memref<64x16xf32, #tpu.memory_space<vmem_shared>>
        tpu.enqueue_dma source(%dma_start3A_92 : memref<64x16xf32, #tpu.memory_space<vmem_shared>>) target(%arg12 : memref<64x16xf32, #tpu.memory_space<vmem>>) target_semaphore(%run_scoped3A_88 : memref<!tpu.dma_semaphore, #tpu.memory_space<semaphore_mem>>)
        %dma_wait3A_93 = arith.constant 0 : i32
        %dma_wait3A_94 = tpu.memref_slice %arg15[%add3A_86, %dma_wait3A_93] : memref<50176x16xf32, #tpu.memory_space<vmem_shared>> -> memref<64x16xf32, #tpu.memory_space<vmem_shared>>
        %dma_wait3A_95 = arith.constant 0 : i32
        %dma_wait3A_96 = tpu.memref_slice %arg15[%add3A_86, %dma_wait3A_95] : memref<50176x16xf32, #tpu.memory_space<vmem_shared>> -> memref<64x16xf32, #tpu.memory_space<vmem_shared>>
        tpu.wait_dma2 semaphore(%run_scoped3A_88 : memref<!tpu.dma_semaphore, #tpu.memory_space<semaphore_mem>>) src(%dma_wait3A_96 : memref<64x16xf32, #tpu.memory_space<vmem_shared>>) dst(%arg12 : memref<64x16xf32, #tpu.memory_space<vmem>>)
        tpu.yield
      }) : () -> ()
      %run_scoped3A_87 = arith.constant 0 : i32
      "tpu.region"() ({
        %run_scoped3A_88 = tpu.sem_alloc : memref<!tpu.dma_semaphore, #tpu.memory_space<semaphore_mem>>
        %dma_start3A_89 = arith.constant 0 : i32
        %dma_start3A_90 = tpu.memref_slice %arg7[%run_scoped3A_87, %arg0, %add3A_86, %dma_start3A_89] : memref<2x2x50176x16xf32, #tpu.memory_space<hbm>> -> memref<1x1x64x16xf32, #tpu.memory_space<hbm>>
        %dma_start3A_91 = tpu.memref_squeeze %dma_start3A_90 : memref<1x1x64x16xf32, #tpu.memory_space<hbm>> -> memref<64x16xf32, #tpu.memory_space<hbm>>
        %dma_start3A_92 = arith.constant 0 : i32
        %dma_start3A_93 = tpu.memref_slice %arg7[%run_scoped3A_87, %arg0, %add3A_86, %dma_start3A_92] : memref<2x2x50176x16xf32, #tpu.memory_space<hbm>> -> memref<1x1x64x16xf32, #tpu.memory_space<hbm>>
        %dma_start3A_94 = tpu.memref_squeeze %dma_start3A_93 : memref<1x1x64x16xf32, #tpu.memory_space<hbm>> -> memref<64x16xf32, #tpu.memory_space<hbm>>
        tpu.enqueue_dma source(%arg12 : memref<64x16xf32, #tpu.memory_space<vmem>>) target(%dma_start3A_94 : memref<64x16xf32, #tpu.memory_space<hbm>>) target_semaphore(%run_scoped3A_88 : memref<!tpu.dma_semaphore, #tpu.memory_space<semaphore_mem>>)
        %dma_wait3A_95 = arith.constant 0 : i32
        %dma_wait3A_96 = tpu.memref_slice %arg7[%run_scoped3A_87, %arg0, %add3A_86, %dma_wait3A_95] : memref<2x2x50176x16xf32, #tpu.memory_space<hbm>> -> memref<1x1x64x16xf32, #tpu.memory_space<hbm>>
        %dma_wait3A_97 = tpu.memref_squeeze %dma_wait3A_96 : memref<1x1x64x16xf32, #tpu.memory_space<hbm>> -> memref<64x16xf32, #tpu.memory_space<hbm>>
        %dma_wait3A_98 = arith.constant 0 : i32
        %dma_wait3A_99 = tpu.memref_slice %arg7[%run_scoped3A_87, %arg0, %add3A_86, %dma_wait3A_98] : memref<2x2x50176x16xf32, #tpu.memory_space<hbm>> -> memref<1x1x64x16xf32, #tpu.memory_space<hbm>>
        %dma_wait3A_100 = tpu.memref_squeeze %dma_wait3A_99 : memref<1x1x64x16xf32, #tpu.memory_space<hbm>> -> memref<64x16xf32, #tpu.memory_space<hbm>>
        tpu.wait_dma2 semaphore(%run_scoped3A_88 : memref<!tpu.dma_semaphore, #tpu.memory_space<semaphore_mem>>) src(%arg12 : memref<64x16xf32, #tpu.memory_space<vmem>>) dst(%dma_wait3A_100 : memref<64x16xf32, #tpu.memory_space<hbm>>)
        tpu.yield
      }) : () -> ()
      "tpu.region"() ({
        %run_scoped3A_88 = tpu.sem_alloc : memref<!tpu.dma_semaphore, #tpu.memory_space<semaphore_mem>>
        %dma_start3A_89 = arith.constant 0 : i32
        %dma_start3A_90 = tpu.memref_slice %arg15[%add3A_86, %dma_start3A_89] : memref<50176x16xf32, #tpu.memory_space<vmem_shared>> -> memref<64x16xf32, #tpu.memory_space<vmem_shared>>
        %dma_start3A_91 = arith.constant 0 : i32
        %dma_start3A_92 = tpu.memref_slice %arg15[%add3A_86, %dma_start3A_91] : memref<50176x16xf32, #tpu.memory_space<vmem_shared>> -> memref<64x16xf32, #tpu.memory_space<vmem_shared>>
        tpu.enqueue_dma source(%arg13 : memref<64x16xf32, #tpu.memory_space<vmem>>) target(%dma_start3A_92 : memref<64x16xf32, #tpu.memory_space<vmem_shared>>) target_semaphore(%run_scoped3A_88 : memref<!tpu.dma_semaphore, #tpu.memory_space<semaphore_mem>>)
        %dma_wait3A_93 = arith.constant 0 : i32
        %dma_wait3A_94 = tpu.memref_slice %arg15[%add3A_86, %dma_wait3A_93] : memref<50176x16xf32, #tpu.memory_space<vmem_shared>> -> memref<64x16xf32, #tpu.memory_space<vmem_shared>>
        %dma_wait3A_95 = arith.constant 0 : i32
        %dma_wait3A_96 = tpu.memref_slice %arg15[%add3A_86, %dma_wait3A_95] : memref<50176x16xf32, #tpu.memory_space<vmem_shared>> -> memref<64x16xf32, #tpu.memory_space<vmem_shared>>
        tpu.wait_dma2 semaphore(%run_scoped3A_88 : memref<!tpu.dma_semaphore, #tpu.memory_space<semaphore_mem>>) src(%arg13 : memref<64x16xf32, #tpu.memory_space<vmem>>) dst(%dma_wait3A_96 : memref<64x16xf32, #tpu.memory_space<vmem_shared>>)
        tpu.yield
      }) : () -> ()
    }
    %scan3A_47 = arith.constant 49 : i32
    %scan3A_48 = arith.constant 0 : i32
    %scan3A_49 = arith.constant 0 : i32
    %scan3A_50 = arith.constant 49 : i32
    %scan3A_51 = arith.addi %scan3A_49, %scan3A_50 : i32
    %scan3A_52 = arith.constant 1 : i32
    scf.for %scan3A_83 = %scan3A_49 to %scan3A_51 step %scan3A_52  : i32 {
      %get3A_84 = arith.index_cast %scan3A_83 : i32 to index
      %get3A_85 = arith.constant 0 : index
      %get3A_86 = tpu.vector_load %arg8[%get3A_84, %get3A_85] {strides = array<i32>} : memref<49x512xi32, #tpu.memory_space<vmem>>, vector<1x16xi32>,
      %get3A_87 = vector.shape_cast %get3A_86 : vector<1x16xi32> to vector<16xi32>
      %add3A_88 = arith.addi %get3A_87, %get3A_22 : vector<16xi32>
      %swap3A = arith.index_cast %scan3A_83 : i32 to index
      %swap3A_89 = arith.constant 0 : index
      %swap3A_90 = tpu.vector_load %arg8[%swap3A, %swap3A_89] {strides = array<i32>} : memref<49x512xi32, #tpu.memory_space<vmem>>, vector<1x16xi32>,
      %swap3A_91 = vector.shape_cast %swap3A_90 : vector<1x16xi32> to vector<16xi32>
      %swap3A_92 = vector.shape_cast %add3A_88 : vector<16xi32> to vector<1x16xi32>
      tpu.vector_store %arg8[%swap3A, %swap3A_89], %swap3A_92 {strides = array<i32>} : memref<49x512xi32, #tpu.memory_space<vmem>>, vector<1x16xi32>,
      %get3A_93 = arith.index_cast %scan3A_83 : i32 to index
      %get3A_94 = arith.constant 16 : index
      %get3A_95 = tpu.vector_load %arg8[%get3A_93, %get3A_94] {strides = array<i32>} : memref<49x512xi32, #tpu.memory_space<vmem>>, vector<1x16xi32>,
      %get3A_96 = vector.shape_cast %get3A_95 : vector<1x16xi32> to vector<16xi32>
      %add3A_97 = arith.addi %get3A_96, %get3A_22 : vector<16xi32>
      %swap3A_98 = arith.index_cast %scan3A_83 : i32 to index
      %swap3A_99 = arith.constant 16 : index
      %swap3A_100 = tpu.vector_load %arg8[%swap3A_98, %swap3A_99] {strides = array<i32>} : memref<49x512xi32, #tpu.memory_space<vmem>>, vector<1x16xi32>,
      %swap3A_101 = vector.shape_cast %swap3A_100 : vector<1x16xi32> to vector<16xi32>
      %swap3A_102 = vector.shape_cast %add3A_97 : vector<16xi32> to vector<1x16xi32>
      tpu.vector_store %arg8[%swap3A_98, %swap3A_99], %swap3A_102 {strides = array<i32>} : memref<49x512xi32, #tpu.memory_space<vmem>>, vector<1x16xi32>,
      %get3A_103 = arith.index_cast %scan3A_83 : i32 to index
      %get3A_104 = arith.constant 32 : index
      %get3A_105 = tpu.vector_load %arg8[%get3A_103, %get3A_104] {strides = array<i32>} : memref<49x512xi32, #tpu.memory_space<vmem>>, vector<1x16xi32>,
      %get3A_106 = vector.shape_cast %get3A_105 : vector<1x16xi32> to vector<16xi32>
      %add3A_107 = arith.addi %get3A_106, %get3A_22 : vector<16xi32>
      %swap3A_108 = arith.index_cast %scan3A_83 : i32 to index
      %swap3A_109 = arith.constant 32 : index
      %swap3A_110 = tpu.vector_load %arg8[%swap3A_108, %swap3A_109] {strides = array<i32>} : memref<49x512xi32, #tpu.memory_space<vmem>>, vector<1x16xi32>,
      %swap3A_111 = vector.shape_cast %swap3A_110 : vector<1x16xi32> to vector<16xi32>
      %swap3A_112 = vector.shape_cast %add3A_107 : vector<16xi32> to vector<1x16xi32>
      tpu.vector_store %arg8[%swap3A_108, %swap3A_109], %swap3A_112 {strides = array<i32>} : memref<49x512xi32, #tpu.memory_space<vmem>>, vector<1x16xi32>,
      %get3A_113 = arith.index_cast %scan3A_83 : i32 to index
      %get3A_114 = arith.constant 48 : index
      %get3A_115 = tpu.vector_load %arg8[%get3A_113, %get3A_114] {strides = array<i32>} : memref<49x512xi32, #tpu.memory_space<vmem>>, vector<1x16xi32>,
      %get3A_116 = vector.shape_cast %get3A_115 : vector<1x16xi32> to vector<16xi32>
      %add3A_117 = arith.addi %get3A_116, %get3A_22 : vector<16xi32>
      %swap3A_118 = arith.index_cast %scan3A_83 : i32 to index
      %swap3A_119 = arith.constant 48 : index
      %swap3A_120 = tpu.vector_load %arg8[%swap3A_118, %swap3A_119] {strides = array<i32>} : memref<49x512xi32, #tpu.memory_space<vmem>>, vector<1x16xi32>,
      %swap3A_121 = vector.shape_cast %swap3A_120 : vector<1x16xi32> to vector<16xi32>
      %swap3A_122 = vector.shape_cast %add3A_117 : vector<16xi32> to vector<1x16xi32>
      tpu.vector_store %arg8[%swap3A_118, %swap3A_119], %swap3A_122 {strides = array<i32>} : memref<49x512xi32, #tpu.memory_space<vmem>>, vector<1x16xi32>,
      %get3A_123 = arith.index_cast %scan3A_83 : i32 to index
      %get3A_124 = arith.constant 64 : index
      %get3A_125 = tpu.vector_load %arg8[%get3A_123, %get3A_124] {strides = array<i32>} : memref<49x512xi32, #tpu.memory_space<vmem>>, vector<1x16xi32>,
      %get3A_126 = vector.shape_cast %get3A_125 : vector<1x16xi32> to vector<16xi32>
      %add3A_127 = arith.addi %get3A_126, %get3A_22 : vector<16xi32>
      %swap3A_128 = arith.index_cast %scan3A_83 : i32 to index
      %swap3A_129 = arith.constant 64 : index
      %swap3A_130 = tpu.vector_load %arg8[%swap3A_128, %swap3A_129] {strides = array<i32>} : memref<49x512xi32, #tpu.memory_space<vmem>>, vector<1x16xi32>,
      %swap3A_131 = vector.shape_cast %swap3A_130 : vector<1x16xi32> to vector<16xi32>
      %swap3A_132 = vector.shape_cast %add3A_127 : vector<16xi32> to vector<1x16xi32>
      tpu.vector_store %arg8[%swap3A_128, %swap3A_129], %swap3A_132 {strides = array<i32>} : memref<49x512xi32, #tpu.memory_space<vmem>>, vector<1x16xi32>,
      %get3A_133 = arith.index_cast %scan3A_83 : i32 to index
      %get3A_134 = arith.constant 80 : index
      %get3A_135 = tpu.vector_load %arg8[%get3A_133, %get3A_134] {strides = array<i32>} : memref<49x512xi32, #tpu.memory_space<vmem>>, vector<1x16xi32>,
      %get3A_136 = vector.shape_cast %get3A_135 : vector<1x16xi32> to vector<16xi32>
      %add3A_137 = arith.addi %get3A_136, %get3A_22 : vector<16xi32>
      %swap3A_138 = arith.index_cast %scan3A_83 : i32 to index
      %swap3A_139 = arith.constant 80 : index
      %swap3A_140 = tpu.vector_load %arg8[%swap3A_138, %swap3A_139] {strides = array<i32>} : memref<49x512xi32, #tpu.memory_space<vmem>>, vector<1x16xi32>,
      %swap3A_141 = vector.shape_cast %swap3A_140 : vector<1x16xi32> to vector<16xi32>
      %swap3A_142 = vector.shape_cast %add3A_137 : vector<16xi32> to vector<1x16xi32>
      tpu.vector_store %arg8[%swap3A_138, %swap3A_139], %swap3A_142 {strides = array<i32>} : memref<49x512xi32, #tpu.memory_space<vmem>>, vector<1x16xi32>,
      %get3A_143 = arith.index_cast %scan3A_83 : i32 to index
      %get3A_144 = arith.constant 96 : index
      %get3A_145 = tpu.vector_load %arg8[%get3A_143, %get3A_144] {strides = array<i32>} : memref<49x512xi32, #tpu.memory_space<vmem>>, vector<1x16xi32>,
      %get3A_146 = vector.shape_cast %get3A_145 : vector<1x16xi32> to vector<16xi32>
      %add3A_147 = arith.addi %get3A_146, %get3A_22 : vector<16xi32>
      %swap3A_148 = arith.index_cast %scan3A_83 : i32 to index
      %swap3A_149 = arith.constant 96 : index
      %swap3A_150 = tpu.vector_load %arg8[%swap3A_148, %swap3A_149] {strides = array<i32>} : memref<49x512xi32, #tpu.memory_space<vmem>>, vector<1x16xi32>,
      %swap3A_151 = vector.shape_cast %swap3A_150 : vector<1x16xi32> to vector<16xi32>
      %swap3A_152 = vector.shape_cast %add3A_147 : vector<16xi32> to vector<1x16xi32>
      tpu.vector_store %arg8[%swap3A_148, %swap3A_149], %swap3A_152 {strides = array<i32>} : memref<49x512xi32, #tpu.memory_space<vmem>>, vector<1x16xi32>,
      %get3A_153 = arith.index_cast %scan3A_83 : i32 to index
      %get3A_154 = arith.constant 112 : index
      %get3A_155 = tpu.vector_load %arg8[%get3A_153, %get3A_154] {strides = array<i32>} : memref<49x512xi32, #tpu.memory_space<vmem>>, vector<1x16xi32>,
      %get3A_156 = vector.shape_cast %get3A_155 : vector<1x16xi32> to vector<16xi32>
      %add3A_157 = arith.addi %get3A_156, %get3A_22 : vector<16xi32>
      %swap3A_158 = arith.index_cast %scan3A_83 : i32 to index
      %swap3A_159 = arith.constant 112 : index
      %swap3A_160 = tpu.vector_load %arg8[%swap3A_158, %swap3A_159] {strides = array<i32>} : memref<49x512xi32, #tpu.memory_space<vmem>>, vector<1x16xi32>,
      %swap3A_161 = vector.shape_cast %swap3A_160 : vector<1x16xi32> to vector<16xi32>
      %swap3A_162 = vector.shape_cast %add3A_157 : vector<16xi32> to vector<1x16xi32>
      tpu.vector_store %arg8[%swap3A_158, %swap3A_159], %swap3A_162 {strides = array<i32>} : memref<49x512xi32, #tpu.memory_space<vmem>>, vector<1x16xi32>,
      %get3A_163 = arith.index_cast %scan3A_83 : i32 to index
      %get3A_164 = arith.constant 128 : index
      %get3A_165 = tpu.vector_load %arg8[%get3A_163, %get3A_164] {strides = array<i32>} : memref<49x512xi32, #tpu.memory_space<vmem>>, vector<1x16xi32>,
      %get3A_166 = vector.shape_cast %get3A_165 : vector<1x16xi32> to vector<16xi32>
      %add3A_167 = arith.addi %get3A_166, %get3A_22 : vector<16xi32>
      %swap3A_168 = arith.index_cast %scan3A_83 : i32 to index
      %swap3A_169 = arith.constant 128 : index
      %swap3A_170 = tpu.vector_load %arg8[%swap3A_168, %swap3A_169] {strides = array<i32>} : memref<49x512xi32, #tpu.memory_space<vmem>>, vector<1x16xi32>,
      %swap3A_171 = vector.shape_cast %swap3A_170 : vector<1x16xi32> to vector<16xi32>
      %swap3A_172 = vector.shape_cast %add3A_167 : vector<16xi32> to vector<1x16xi32>
      tpu.vector_store %arg8[%swap3A_168, %swap3A_169], %swap3A_172 {strides = array<i32>} : memref<49x512xi32, #tpu.memory_space<vmem>>, vector<1x16xi32>,
      %get3A_173 = arith.index_cast %scan3A_83 : i32 to index
      %get3A_174 = arith.constant 144 : index
      %get3A_175 = tpu.vector_load %arg8[%get3A_173, %get3A_174] {strides = array<i32>} : memref<49x512xi32, #tpu.memory_space<vmem>>, vector<1x16xi32>,
      %get3A_176 = vector.shape_cast %get3A_175 : vector<1x16xi32> to vector<16xi32>
      %add3A_177 = arith.addi %get3A_176, %get3A_22 : vector<16xi32>
      %swap3A_178 = arith.index_cast %scan3A_83 : i32 to index
      %swap3A_179 = arith.constant 144 : index
      %swap3A_180 = tpu.vector_load %arg8[%swap3A_178, %swap3A_179] {strides = array<i32>} : memref<49x512xi32, #tpu.memory_space<vmem>>, vector<1x16xi32>,
      %swap3A_181 = vector.shape_cast %swap3A_180 : vector<1x16xi32> to vector<16xi32>
      %swap3A_182 = vector.shape_cast %add3A_177 : vector<16xi32> to vector<1x16xi32>
      tpu.vector_store %arg8[%swap3A_178, %swap3A_179], %swap3A_182 {strides = array<i32>} : memref<49x512xi32, #tpu.memory_space<vmem>>, vector<1x16xi32>,
      %get3A_183 = arith.index_cast %scan3A_83 : i32 to index
      %get3A_184 = arith.constant 160 : index
      %get3A_185 = tpu.vector_load %arg8[%get3A_183, %get3A_184] {strides = array<i32>} : memref<49x512xi32, #tpu.memory_space<vmem>>, vector<1x16xi32>,
      %get3A_186 = vector.shape_cast %get3A_185 : vector<1x16xi32> to vector<16xi32>
      %add3A_187 = arith.addi %get3A_186, %get3A_22 : vector<16xi32>
      %swap3A_188 = arith.index_cast %scan3A_83 : i32 to index
      %swap3A_189 = arith.constant 160 : index
      %swap3A_190 = tpu.vector_load %arg8[%swap3A_188, %swap3A_189] {strides = array<i32>} : memref<49x512xi32, #tpu.memory_space<vmem>>, vector<1x16xi32>,
      %swap3A_191 = vector.shape_cast %swap3A_190 : vector<1x16xi32> to vector<16xi32>
      %swap3A_192 = vector.shape_cast %add3A_187 : vector<16xi32> to vector<1x16xi32>
      tpu.vector_store %arg8[%swap3A_188, %swap3A_189], %swap3A_192 {strides = array<i32>} : memref<49x512xi32, #tpu.memory_space<vmem>>, vector<1x16xi32>,
      %get3A_193 = arith.index_cast %scan3A_83 : i32 to index
      %get3A_194 = arith.constant 176 : index
      %get3A_195 = tpu.vector_load %arg8[%get3A_193, %get3A_194] {strides = array<i32>} : memref<49x512xi32, #tpu.memory_space<vmem>>, vector<1x16xi32>,
      %get3A_196 = vector.shape_cast %get3A_195 : vector<1x16xi32> to vector<16xi32>
      %add3A_197 = arith.addi %get3A_196, %get3A_22 : vector<16xi32>
      %swap3A_198 = arith.index_cast %scan3A_83 : i32 to index
      %swap3A_199 = arith.constant 176 : index
      %swap3A_200 = tpu.vector_load %arg8[%swap3A_198, %swap3A_199] {strides = array<i32>} : memref<49x512xi32, #tpu.memory_space<vmem>>, vector<1x16xi32>,
      %swap3A_201 = vector.shape_cast %swap3A_200 : vector<1x16xi32> to vector<16xi32>
      %swap3A_202 = vector.shape_cast %add3A_197 : vector<16xi32> to vector<1x16xi32>
      tpu.vector_store %arg8[%swap3A_198, %swap3A_199], %swap3A_202 {strides = array<i32>} : memref<49x512xi32, #tpu.memory_space<vmem>>, vector<1x16xi32>,
      %get3A_203 = arith.index_cast %scan3A_83 : i32 to index
      %get3A_204 = arith.constant 192 : index
      %get3A_205 = tpu.vector_load %arg8[%get3A_203, %get3A_204] {strides = array<i32>} : memref<49x512xi32, #tpu.memory_space<vmem>>, vector<1x16xi32>,
      %get3A_206 = vector.shape_cast %get3A_205 : vector<1x16xi32> to vector<16xi32>
      %add3A_207 = arith.addi %get3A_206, %get3A_22 : vector<16xi32>
      %swap3A_208 = arith.index_cast %scan3A_83 : i32 to index
      %swap3A_209 = arith.constant 192 : index
      %swap3A_210 = tpu.vector_load %arg8[%swap3A_208, %swap3A_209] {strides = array<i32>} : memref<49x512xi32, #tpu.memory_space<vmem>>, vector<1x16xi32>,
      %swap3A_211 = vector.shape_cast %swap3A_210 : vector<1x16xi32> to vector<16xi32>
      %swap3A_212 = vector.shape_cast %add3A_207 : vector<16xi32> to vector<1x16xi32>
      tpu.vector_store %arg8[%swap3A_208, %swap3A_209], %swap3A_212 {strides = array<i32>} : memref<49x512xi32, #tpu.memory_space<vmem>>, vector<1x16xi32>,
      %get3A_213 = arith.index_cast %scan3A_83 : i32 to index
      %get3A_214 = arith.constant 208 : index
      %get3A_215 = tpu.vector_load %arg8[%get3A_213, %get3A_214] {strides = array<i32>} : memref<49x512xi32, #tpu.memory_space<vmem>>, vector<1x16xi32>,
      %get3A_216 = vector.shape_cast %get3A_215 : vector<1x16xi32> to vector<16xi32>
      %add3A_217 = arith.addi %get3A_216, %get3A_22 : vector<16xi32>
      %swap3A_218 = arith.index_cast %scan3A_83 : i32 to index
      %swap3A_219 = arith.constant 208 : index
      %swap3A_220 = tpu.vector_load %arg8[%swap3A_218, %swap3A_219] {strides = array<i32>} : memref<49x512xi32, #tpu.memory_space<vmem>>, vector<1x16xi32>,
      %swap3A_221 = vector.shape_cast %swap3A_220 : vector<1x16xi32> to vector<16xi32>
      %swap3A_222 = vector.shape_cast %add3A_217 : vector<16xi32> to vector<1x16xi32>
      tpu.vector_store %arg8[%swap3A_218, %swap3A_219], %swap3A_222 {strides = array<i32>} : memref<49x512xi32, #tpu.memory_space<vmem>>, vector<1x16xi32>,
      %get3A_223 = arith.index_cast %scan3A_83 : i32 to index
      %get3A_224 = arith.constant 224 : index
      %get3A_225 = tpu.vector_load %arg8[%get3A_223, %get3A_224] {strides = array<i32>} : memref<49x512xi32, #tpu.memory_space<vmem>>, vector<1x16xi32>,
      %get3A_226 = vector.shape_cast %get3A_225 : vector<1x16xi32> to vector<16xi32>
      %add3A_227 = arith.addi %get3A_226, %get3A_22 : vector<16xi32>
      %swap3A_228 = arith.index_cast %scan3A_83 : i32 to index
      %swap3A_229 = arith.constant 224 : index
      %swap3A_230 = tpu.vector_load %arg8[%swap3A_228, %swap3A_229] {strides = array<i32>} : memref<49x512xi32, #tpu.memory_space<vmem>>, vector<1x16xi32>,
      %swap3A_231 = vector.shape_cast %swap3A_230 : vector<1x16xi32> to vector<16xi32>
      %swap3A_232 = vector.shape_cast %add3A_227 : vector<16xi32> to vector<1x16xi32>
      tpu.vector_store %arg8[%swap3A_228, %swap3A_229], %swap3A_232 {strides = array<i32>} : memref<49x512xi32, #tpu.memory_space<vmem>>, vector<1x16xi32>,
      %get3A_233 = arith.index_cast %scan3A_83 : i32 to index
      %get3A_234 = arith.constant 240 : index
      %get3A_235 = tpu.vector_load %arg8[%get3A_233, %get3A_234] {strides = array<i32>} : memref<49x512xi32, #tpu.memory_space<vmem>>, vector<1x16xi32>,
      %get3A_236 = vector.shape_cast %get3A_235 : vector<1x16xi32> to vector<16xi32>
      %add3A_237 = arith.addi %get3A_236, %get3A_22 : vector<16xi32>
      %swap3A_238 = arith.index_cast %scan3A_83 : i32 to index
      %swap3A_239 = arith.constant 240 : index
      %swap3A_240 = tpu.vector_load %arg8[%swap3A_238, %swap3A_239] {strides = array<i32>} : memref<49x512xi32, #tpu.memory_space<vmem>>, vector<1x16xi32>,
      %swap3A_241 = vector.shape_cast %swap3A_240 : vector<1x16xi32> to vector<16xi32>
      %swap3A_242 = vector.shape_cast %add3A_237 : vector<16xi32> to vector<1x16xi32>
      tpu.vector_store %arg8[%swap3A_238, %swap3A_239], %swap3A_242 {strides = array<i32>} : memref<49x512xi32, #tpu.memory_space<vmem>>, vector<1x16xi32>,
      %get3A_243 = arith.index_cast %scan3A_83 : i32 to index
      %get3A_244 = arith.constant 256 : index
      %get3A_245 = tpu.vector_load %arg8[%get3A_243, %get3A_244] {strides = array<i32>} : memref<49x512xi32, #tpu.memory_space<vmem>>, vector<1x16xi32>,
      %get3A_246 = vector.shape_cast %get3A_245 : vector<1x16xi32> to vector<16xi32>
      %add3A_247 = arith.addi %get3A_246, %get3A_22 : vector<16xi32>
      %swap3A_248 = arith.index_cast %scan3A_83 : i32 to index
      %swap3A_249 = arith.constant 256 : index
      %swap3A_250 = tpu.vector_load %arg8[%swap3A_248, %swap3A_249] {strides = array<i32>} : memref<49x512xi32, #tpu.memory_space<vmem>>, vector<1x16xi32>,
      %swap3A_251 = vector.shape_cast %swap3A_250 : vector<1x16xi32> to vector<16xi32>
      %swap3A_252 = vector.shape_cast %add3A_247 : vector<16xi32> to vector<1x16xi32>
      tpu.vector_store %arg8[%swap3A_248, %swap3A_249], %swap3A_252 {strides = array<i32>} : memref<49x512xi32, #tpu.memory_space<vmem>>, vector<1x16xi32>,
      %get3A_253 = arith.index_cast %scan3A_83 : i32 to index
      %get3A_254 = arith.constant 272 : index
      %get3A_255 = tpu.vector_load %arg8[%get3A_253, %get3A_254] {strides = array<i32>} : memref<49x512xi32, #tpu.memory_space<vmem>>, vector<1x16xi32>,
      %get3A_256 = vector.shape_cast %get3A_255 : vector<1x16xi32> to vector<16xi32>
      %add3A_257 = arith.addi %get3A_256, %get3A_22 : vector<16xi32>
      %swap3A_258 = arith.index_cast %scan3A_83 : i32 to index
      %swap3A_259 = arith.constant 272 : index
      %swap3A_260 = tpu.vector_load %arg8[%swap3A_258, %swap3A_259] {strides = array<i32>} : memref<49x512xi32, #tpu.memory_space<vmem>>, vector<1x16xi32>,
      %swap3A_261 = vector.shape_cast %swap3A_260 : vector<1x16xi32> to vector<16xi32>
      %swap3A_262 = vector.shape_cast %add3A_257 : vector<16xi32> to vector<1x16xi32>
      tpu.vector_store %arg8[%swap3A_258, %swap3A_259], %swap3A_262 {strides = array<i32>} : memref<49x512xi32, #tpu.memory_space<vmem>>, vector<1x16xi32>,
      %get3A_263 = arith.index_cast %scan3A_83 : i32 to index
      %get3A_264 = arith.constant 288 : index
      %get3A_265 = tpu.vector_load %arg8[%get3A_263, %get3A_264] {strides = array<i32>} : memref<49x512xi32, #tpu.memory_space<vmem>>, vector<1x16xi32>,
      %get3A_266 = vector.shape_cast %get3A_265 : vector<1x16xi32> to vector<16xi32>
      %add3A_267 = arith.addi %get3A_266, %get3A_22 : vector<16xi32>
      %swap3A_268 = arith.index_cast %scan3A_83 : i32 to index
      %swap3A_269 = arith.constant 288 : index
      %swap3A_270 = tpu.vector_load %arg8[%swap3A_268, %swap3A_269] {strides = array<i32>} : memref<49x512xi32, #tpu.memory_space<vmem>>, vector<1x16xi32>,
      %swap3A_271 = vector.shape_cast %swap3A_270 : vector<1x16xi32> to vector<16xi32>
      %swap3A_272 = vector.shape_cast %add3A_267 : vector<16xi32> to vector<1x16xi32>
      tpu.vector_store %arg8[%swap3A_268, %swap3A_269], %swap3A_272 {strides = array<i32>} : memref<49x512xi32, #tpu.memory_space<vmem>>, vector<1x16xi32>,
      %get3A_273 = arith.index_cast %scan3A_83 : i32 to index
      %get3A_274 = arith.constant 304 : index
      %get3A_275 = tpu.vector_load %arg8[%get3A_273, %get3A_274] {strides = array<i32>} : memref<49x512xi32, #tpu.memory_space<vmem>>, vector<1x16xi32>,
      %get3A_276 = vector.shape_cast %get3A_275 : vector<1x16xi32> to vector<16xi32>
      %add3A_277 = arith.addi %get3A_276, %get3A_22 : vector<16xi32>
      %swap3A_278 = arith.index_cast %scan3A_83 : i32 to index
      %swap3A_279 = arith.constant 304 : index
      %swap3A_280 = tpu.vector_load %arg8[%swap3A_278, %swap3A_279] {strides = array<i32>} : memref<49x512xi32, #tpu.memory_space<vmem>>, vector<1x16xi32>,
      %swap3A_281 = vector.shape_cast %swap3A_280 : vector<1x16xi32> to vector<16xi32>
      %swap3A_282 = vector.shape_cast %add3A_277 : vector<16xi32> to vector<1x16xi32>
      tpu.vector_store %arg8[%swap3A_278, %swap3A_279], %swap3A_282 {strides = array<i32>} : memref<49x512xi32, #tpu.memory_space<vmem>>, vector<1x16xi32>,
      %get3A_283 = arith.index_cast %scan3A_83 : i32 to index
      %get3A_284 = arith.constant 320 : index
      %get3A_285 = tpu.vector_load %arg8[%get3A_283, %get3A_284] {strides = array<i32>} : memref<49x512xi32, #tpu.memory_space<vmem>>, vector<1x16xi32>,
      %get3A_286 = vector.shape_cast %get3A_285 : vector<1x16xi32> to vector<16xi32>
      %add3A_287 = arith.addi %get3A_286, %get3A_22 : vector<16xi32>
      %swap3A_288 = arith.index_cast %scan3A_83 : i32 to index
      %swap3A_289 = arith.constant 320 : index
      %swap3A_290 = tpu.vector_load %arg8[%swap3A_288, %swap3A_289] {strides = array<i32>} : memref<49x512xi32, #tpu.memory_space<vmem>>, vector<1x16xi32>,
      %swap3A_291 = vector.shape_cast %swap3A_290 : vector<1x16xi32> to vector<16xi32>
      %swap3A_292 = vector.shape_cast %add3A_287 : vector<16xi32> to vector<1x16xi32>
      tpu.vector_store %arg8[%swap3A_288, %swap3A_289], %swap3A_292 {strides = array<i32>} : memref<49x512xi32, #tpu.memory_space<vmem>>, vector<1x16xi32>,
      %get3A_293 = arith.index_cast %scan3A_83 : i32 to index
      %get3A_294 = arith.constant 336 : index
      %get3A_295 = tpu.vector_load %arg8[%get3A_293, %get3A_294] {strides = array<i32>} : memref<49x512xi32, #tpu.memory_space<vmem>>, vector<1x16xi32>,
      %get3A_296 = vector.shape_cast %get3A_295 : vector<1x16xi32> to vector<16xi32>
      %add3A_297 = arith.addi %get3A_296, %get3A_22 : vector<16xi32>
      %swap3A_298 = arith.index_cast %scan3A_83 : i32 to index
      %swap3A_299 = arith.constant 336 : index
      %swap3A_300 = tpu.vector_load %arg8[%swap3A_298, %swap3A_299] {strides = array<i32>} : memref<49x512xi32, #tpu.memory_space<vmem>>, vector<1x16xi32>,
      %swap3A_301 = vector.shape_cast %swap3A_300 : vector<1x16xi32> to vector<16xi32>
      %swap3A_302 = vector.shape_cast %add3A_297 : vector<16xi32> to vector<1x16xi32>
      tpu.vector_store %arg8[%swap3A_298, %swap3A_299], %swap3A_302 {strides = array<i32>} : memref<49x512xi32, #tpu.memory_space<vmem>>, vector<1x16xi32>,
      %get3A_303 = arith.index_cast %scan3A_83 : i32 to index
      %get3A_304 = arith.constant 352 : index
      %get3A_305 = tpu.vector_load %arg8[%get3A_303, %get3A_304] {strides = array<i32>} : memref<49x512xi32, #tpu.memory_space<vmem>>, vector<1x16xi32>,
      %get3A_306 = vector.shape_cast %get3A_305 : vector<1x16xi32> to vector<16xi32>
      %add3A_307 = arith.addi %get3A_306, %get3A_22 : vector<16xi32>
      %swap3A_308 = arith.index_cast %scan3A_83 : i32 to index
      %swap3A_309 = arith.constant 352 : index
      %swap3A_310 = tpu.vector_load %arg8[%swap3A_308, %swap3A_309] {strides = array<i32>} : memref<49x512xi32, #tpu.memory_space<vmem>>, vector<1x16xi32>,
      %swap3A_311 = vector.shape_cast %swap3A_310 : vector<1x16xi32> to vector<16xi32>
      %swap3A_312 = vector.shape_cast %add3A_307 : vector<16xi32> to vector<1x16xi32>
      tpu.vector_store %arg8[%swap3A_308, %swap3A_309], %swap3A_312 {strides = array<i32>} : memref<49x512xi32, #tpu.memory_space<vmem>>, vector<1x16xi32>,
      %get3A_313 = arith.index_cast %scan3A_83 : i32 to index
      %get3A_314 = arith.constant 368 : index
      %get3A_315 = tpu.vector_load %arg8[%get3A_313, %get3A_314] {strides = array<i32>} : memref<49x512xi32, #tpu.memory_space<vmem>>, vector<1x16xi32>,
      %get3A_316 = vector.shape_cast %get3A_315 : vector<1x16xi32> to vector<16xi32>
      %add3A_317 = arith.addi %get3A_316, %get3A_22 : vector<16xi32>
      %swap3A_318 = arith.index_cast %scan3A_83 : i32 to index
      %swap3A_319 = arith.constant 368 : index
      %swap3A_320 = tpu.vector_load %arg8[%swap3A_318, %swap3A_319] {strides = array<i32>} : memref<49x512xi32, #tpu.memory_space<vmem>>, vector<1x16xi32>,
      %swap3A_321 = vector.shape_cast %swap3A_320 : vector<1x16xi32> to vector<16xi32>
      %swap3A_322 = vector.shape_cast %add3A_317 : vector<16xi32> to vector<1x16xi32>
      tpu.vector_store %arg8[%swap3A_318, %swap3A_319], %swap3A_322 {strides = array<i32>} : memref<49x512xi32, #tpu.memory_space<vmem>>, vector<1x16xi32>,
      %get3A_323 = arith.index_cast %scan3A_83 : i32 to index
      %get3A_324 = arith.constant 384 : index
      %get3A_325 = tpu.vector_load %arg8[%get3A_323, %get3A_324] {strides = array<i32>} : memref<49x512xi32, #tpu.memory_space<vmem>>, vector<1x16xi32>,
      %get3A_326 = vector.shape_cast %get3A_325 : vector<1x16xi32> to vector<16xi32>
      %add3A_327 = arith.addi %get3A_326, %get3A_22 : vector<16xi32>
      %swap3A_328 = arith.index_cast %scan3A_83 : i32 to index
      %swap3A_329 = arith.constant 384 : index
      %swap3A_330 = tpu.vector_load %arg8[%swap3A_328, %swap3A_329] {strides = array<i32>} : memref<49x512xi32, #tpu.memory_space<vmem>>, vector<1x16xi32>,
      %swap3A_331 = vector.shape_cast %swap3A_330 : vector<1x16xi32> to vector<16xi32>
      %swap3A_332 = vector.shape_cast %add3A_327 : vector<16xi32> to vector<1x16xi32>
      tpu.vector_store %arg8[%swap3A_328, %swap3A_329], %swap3A_332 {strides = array<i32>} : memref<49x512xi32, #tpu.memory_space<vmem>>, vector<1x16xi32>,
      %get3A_333 = arith.index_cast %scan3A_83 : i32 to index
      %get3A_334 = arith.constant 400 : index
      %get3A_335 = tpu.vector_load %arg8[%get3A_333, %get3A_334] {strides = array<i32>} : memref<49x512xi32, #tpu.memory_space<vmem>>, vector<1x16xi32>,
      %get3A_336 = vector.shape_cast %get3A_335 : vector<1x16xi32> to vector<16xi32>
      %add3A_337 = arith.addi %get3A_336, %get3A_22 : vector<16xi32>
      %swap3A_338 = arith.index_cast %scan3A_83 : i32 to index
      %swap3A_339 = arith.constant 400 : index
      %swap3A_340 = tpu.vector_load %arg8[%swap3A_338, %swap3A_339] {strides = array<i32>} : memref<49x512xi32, #tpu.memory_space<vmem>>, vector<1x16xi32>,
      %swap3A_341 = vector.shape_cast %swap3A_340 : vector<1x16xi32> to vector<16xi32>
      %swap3A_342 = vector.shape_cast %add3A_337 : vector<16xi32> to vector<1x16xi32>
      tpu.vector_store %arg8[%swap3A_338, %swap3A_339], %swap3A_342 {strides = array<i32>} : memref<49x512xi32, #tpu.memory_space<vmem>>, vector<1x16xi32>,
      %get3A_343 = arith.index_cast %scan3A_83 : i32 to index
      %get3A_344 = arith.constant 416 : index
      %get3A_345 = tpu.vector_load %arg8[%get3A_343, %get3A_344] {strides = array<i32>} : memref<49x512xi32, #tpu.memory_space<vmem>>, vector<1x16xi32>,
      %get3A_346 = vector.shape_cast %get3A_345 : vector<1x16xi32> to vector<16xi32>
      %add3A_347 = arith.addi %get3A_346, %get3A_22 : vector<16xi32>
      %swap3A_348 = arith.index_cast %scan3A_83 : i32 to index
      %swap3A_349 = arith.constant 416 : index
      %swap3A_350 = tpu.vector_load %arg8[%swap3A_348, %swap3A_349] {strides = array<i32>} : memref<49x512xi32, #tpu.memory_space<vmem>>, vector<1x16xi32>,
      %swap3A_351 = vector.shape_cast %swap3A_350 : vector<1x16xi32> to vector<16xi32>
      %swap3A_352 = vector.shape_cast %add3A_347 : vector<16xi32> to vector<1x16xi32>
      tpu.vector_store %arg8[%swap3A_348, %swap3A_349], %swap3A_352 {strides = array<i32>} : memref<49x512xi32, #tpu.memory_space<vmem>>, vector<1x16xi32>,
      %get3A_353 = arith.index_cast %scan3A_83 : i32 to index
      %get3A_354 = arith.constant 432 : index
      %get3A_355 = tpu.vector_load %arg8[%get3A_353, %get3A_354] {strides = array<i32>} : memref<49x512xi32, #tpu.memory_space<vmem>>, vector<1x16xi32>,
      %get3A_356 = vector.shape_cast %get3A_355 : vector<1x16xi32> to vector<16xi32>
      %add3A_357 = arith.addi %get3A_356, %get3A_22 : vector<16xi32>
      %swap3A_358 = arith.index_cast %scan3A_83 : i32 to index
      %swap3A_359 = arith.constant 432 : index
      %swap3A_360 = tpu.vector_load %arg8[%swap3A_358, %swap3A_359] {strides = array<i32>} : memref<49x512xi32, #tpu.memory_space<vmem>>, vector<1x16xi32>,
      %swap3A_361 = vector.shape_cast %swap3A_360 : vector<1x16xi32> to vector<16xi32>
      %swap3A_362 = vector.shape_cast %add3A_357 : vector<16xi32> to vector<1x16xi32>
      tpu.vector_store %arg8[%swap3A_358, %swap3A_359], %swap3A_362 {strides = array<i32>} : memref<49x512xi32, #tpu.memory_space<vmem>>, vector<1x16xi32>,
      %get3A_363 = arith.index_cast %scan3A_83 : i32 to index
      %get3A_364 = arith.constant 448 : index
      %get3A_365 = tpu.vector_load %arg8[%get3A_363, %get3A_364] {strides = array<i32>} : memref<49x512xi32, #tpu.memory_space<vmem>>, vector<1x16xi32>,
      %get3A_366 = vector.shape_cast %get3A_365 : vector<1x16xi32> to vector<16xi32>
      %add3A_367 = arith.addi %get3A_366, %get3A_22 : vector<16xi32>
      %swap3A_368 = arith.index_cast %scan3A_83 : i32 to index
      %swap3A_369 = arith.constant 448 : index
      %swap3A_370 = tpu.vector_load %arg8[%swap3A_368, %swap3A_369] {strides = array<i32>} : memref<49x512xi32, #tpu.memory_space<vmem>>, vector<1x16xi32>,
      %swap3A_371 = vector.shape_cast %swap3A_370 : vector<1x16xi32> to vector<16xi32>
      %swap3A_372 = vector.shape_cast %add3A_367 : vector<16xi32> to vector<1x16xi32>
      tpu.vector_store %arg8[%swap3A_368, %swap3A_369], %swap3A_372 {strides = array<i32>} : memref<49x512xi32, #tpu.memory_space<vmem>>, vector<1x16xi32>,
      %get3A_373 = arith.index_cast %scan3A_83 : i32 to index
      %get3A_374 = arith.constant 464 : index
      %get3A_375 = tpu.vector_load %arg8[%get3A_373, %get3A_374] {strides = array<i32>} : memref<49x512xi32, #tpu.memory_space<vmem>>, vector<1x16xi32>,
      %get3A_376 = vector.shape_cast %get3A_375 : vector<1x16xi32> to vector<16xi32>
      %add3A_377 = arith.addi %get3A_376, %get3A_22 : vector<16xi32>
      %swap3A_378 = arith.index_cast %scan3A_83 : i32 to index
      %swap3A_379 = arith.constant 464 : index
      %swap3A_380 = tpu.vector_load %arg8[%swap3A_378, %swap3A_379] {strides = array<i32>} : memref<49x512xi32, #tpu.memory_space<vmem>>, vector<1x16xi32>,
      %swap3A_381 = vector.shape_cast %swap3A_380 : vector<1x16xi32> to vector<16xi32>
      %swap3A_382 = vector.shape_cast %add3A_377 : vector<16xi32> to vector<1x16xi32>
      tpu.vector_store %arg8[%swap3A_378, %swap3A_379], %swap3A_382 {strides = array<i32>} : memref<49x512xi32, #tpu.memory_space<vmem>>, vector<1x16xi32>,
      %get3A_383 = arith.index_cast %scan3A_83 : i32 to index
      %get3A_384 = arith.constant 480 : index
      %get3A_385 = tpu.vector_load %arg8[%get3A_383, %get3A_384] {strides = array<i32>} : memref<49x512xi32, #tpu.memory_space<vmem>>, vector<1x16xi32>,
      %get3A_386 = vector.shape_cast %get3A_385 : vector<1x16xi32> to vector<16xi32>
      %add3A_387 = arith.addi %get3A_386, %get3A_22 : vector<16xi32>
      %swap3A_388 = arith.index_cast %scan3A_83 : i32 to index
      %swap3A_389 = arith.constant 480 : index
      %swap3A_390 = tpu.vector_load %arg8[%swap3A_388, %swap3A_389] {strides = array<i32>} : memref<49x512xi32, #tpu.memory_space<vmem>>, vector<1x16xi32>,
      %swap3A_391 = vector.shape_cast %swap3A_390 : vector<1x16xi32> to vector<16xi32>
      %swap3A_392 = vector.shape_cast %add3A_387 : vector<16xi32> to vector<1x16xi32>
      tpu.vector_store %arg8[%swap3A_388, %swap3A_389], %swap3A_392 {strides = array<i32>} : memref<49x512xi32, #tpu.memory_space<vmem>>, vector<1x16xi32>,
      %get3A_393 = arith.index_cast %scan3A_83 : i32 to index
      %get3A_394 = arith.constant 496 : index
      %get3A_395 = tpu.vector_load %arg8[%get3A_393, %get3A_394] {strides = array<i32>} : memref<49x512xi32, #tpu.memory_space<vmem>>, vector<1x16xi32>,
      %get3A_396 = vector.shape_cast %get3A_395 : vector<1x16xi32> to vector<16xi32>
      %add3A_397 = arith.addi %get3A_396, %get3A_22 : vector<16xi32>
      %swap3A_398 = arith.index_cast %scan3A_83 : i32 to index
      %swap3A_399 = arith.constant 496 : index
      %swap3A_400 = tpu.vector_load %arg8[%swap3A_398, %swap3A_399] {strides = array<i32>} : memref<49x512xi32, #tpu.memory_space<vmem>>, vector<1x16xi32>,
      %swap3A_401 = vector.shape_cast %swap3A_400 : vector<1x16xi32> to vector<16xi32>
      %swap3A_402 = vector.shape_cast %add3A_397 : vector<16xi32> to vector<1x16xi32>
      tpu.vector_store %arg8[%swap3A_398, %swap3A_399], %swap3A_402 {strides = array<i32>} : memref<49x512xi32, #tpu.memory_space<vmem>>, vector<1x16xi32>,
    }
    %scan3A_53 = arith.constant 49 : i32
    %barrier3A_54 = arith.constant 0 : index
    tpu.barrier barrier_id(%barrier3A_54)
    %dma_start3A_55 = arith.constant 0 : i32
    %dma_start3A_56 = arith.constant 0 : i32
    %dma_start3A_57 = tpu.memref_slice %arg8[%dma_start3A_55, %dma_start3A_56] : memref<49x512xi32, #tpu.memory_space<vmem>> -> memref<1x512xi32, #tpu.memory_space<vmem>>
    %dma_start3A_58 = tpu.memref_squeeze %dma_start3A_57 : memref<1x512xi32, #tpu.memory_space<vmem>> -> memref<512xi32, #tpu.memory_space<vmem>>
    %dma_start3A_59 = arith.constant 0 : i32
    %dma_start3A_60 = arith.constant 0 : i32
    %dma_start3A_61 = tpu.memref_slice %arg4[%dma_start3A_59, %dma_start3A_60] : memref<100000x16xf32, #tpu.memory_space<hbm>> -> memref<100000x16xf32, #tpu.memory_space<hbm>>
    tpu.enqueue_indirect_dma source(%dma_start3A_61 : memref<100000x16xf32, #tpu.memory_space<hbm>>) target(%arg10 : memref<512x16xf32, #tpu.memory_space<vmem>>) offsets(%dma_start3A_58 : memref<512xi32, #tpu.memory_space<vmem>>) semaphore(%arg16 : memref<!tpu.dma_semaphore, #tpu.memory_space<semaphore_mem>>)
    %scan3A_62 = arith.constant 0 : i32
    %scan3A_63 = arith.constant 0 : i32
    %scan3A_64 = arith.constant 24 : i32
    %scan3A_65 = arith.addi %scan3A_63, %scan3A_64 : i32
    %scan3A_66 = arith.constant 1 : i32
    scf.for %scan3A_83 = %scan3A_63 to %scan3A_65 step %scan3A_66  : i32 {
      %mul3A_84 = arith.constant 2 : i32
      %mul3A_85 = arith.muli %mul3A_84, %scan3A_83 : i32
      %add3A_86 = arith.constant 0 : i32
      %add3A_87 = arith.addi %mul3A_85, %add3A_86 : i32
      %add3A_88 = arith.constant 1 : i32
      %add3A_89 = arith.addi %add3A_87, %add3A_88 : i32
      %min3A = arith.constant 48 : i32
      %min3A_90 = arith.minsi %add3A_89, %min3A : i32
      %dma_start3A_91 = arith.constant 0 : i32
      %dma_start3A_92 = tpu.memref_slice %arg8[%min3A_90, %dma_start3A_91] : memref<49x512xi32, #tpu.memory_space<vmem>> -> memref<1x512xi32, #tpu.memory_space<vmem>>
      %dma_start3A_93 = tpu.memref_squeeze %dma_start3A_92 : memref<1x512xi32, #tpu.memory_space<vmem>> -> memref<512xi32, #tpu.memory_space<vmem>>
      %dma_start3A_94 = arith.constant 0 : i32
      %dma_start3A_95 = arith.constant 0 : i32
      %dma_start3A_96 = tpu.memref_slice %arg4[%dma_start3A_94, %dma_start3A_95] : memref<100000x16xf32, #tpu.memory_space<hbm>> -> memref<100000x16xf32, #tpu.memory_space<hbm>>
      tpu.enqueue_indirect_dma source(%dma_start3A_96 : memref<100000x16xf32, #tpu.memory_space<hbm>>) target(%arg11 : memref<512x16xf32, #tpu.memory_space<vmem>>) offsets(%dma_start3A_93 : memref<512xi32, #tpu.memory_space<vmem>>) semaphore(%arg17 : memref<!tpu.dma_semaphore, #tpu.memory_space<semaphore_mem>>)
      %dma_wait3A_97 = arith.constant 0 : i32
      %dma_wait3A_98 = tpu.memref_slice %arg8[%add3A_87, %dma_wait3A_97] : memref<49x512xi32, #tpu.memory_space<vmem>> -> memref<1x512xi32, #tpu.memory_space<vmem>>
      %dma_wait3A_99 = tpu.memref_squeeze %dma_wait3A_98 : memref<1x512xi32, #tpu.memory_space<vmem>> -> memref<512xi32, #tpu.memory_space<vmem>>
      %dma_wait3A_100 = arith.constant 0 : i32
      %dma_wait3A_101 = arith.constant 0 : i32
      %dma_wait3A_102 = tpu.memref_slice %arg4[%dma_wait3A_100, %dma_wait3A_101] : memref<100000x16xf32, #tpu.memory_space<hbm>> -> memref<100000x16xf32, #tpu.memory_space<hbm>>
      tpu.wait_indirect_dma semaphore(%arg16 : memref<!tpu.dma_semaphore, #tpu.memory_space<semaphore_mem>>) src(%dma_wait3A_102 : memref<100000x16xf32, #tpu.memory_space<hbm>>) dst(%arg10 : memref<512x16xf32, #tpu.memory_space<vmem>>)
      "tpu.region"() ({
        %run_scoped3A_123 = tpu.sem_alloc : memref<!tpu.dma_semaphore, #tpu.memory_space<semaphore_mem>>
        %dma_start3A_124 = arith.constant 0 : i32
        %dma_start3A_125 = tpu.memref_slice %arg9[%add3A_87, %dma_start3A_124] : memref<49x512xi32, #tpu.memory_space<vmem>> -> memref<1x512xi32, #tpu.memory_space<vmem>>
        %dma_start3A_126 = tpu.memref_squeeze %dma_start3A_125 : memref<1x512xi32, #tpu.memory_space<vmem>> -> memref<512xi32, #tpu.memory_space<vmem>>
        %dma_start3A_127 = arith.constant 0 : i32
        %dma_start3A_128 = arith.constant 0 : i32
        %dma_start3A_129 = tpu.memref_slice %arg15[%dma_start3A_127, %dma_start3A_128] : memref<50176x16xf32, #tpu.memory_space<vmem_shared>> -> memref<50176x16xf32, #tpu.memory_space<vmem_shared>>
        tpu.enqueue_indirect_dma source(%arg10 : memref<512x16xf32, #tpu.memory_space<vmem>>) target(%dma_start3A_129 : memref<50176x16xf32, #tpu.memory_space<vmem_shared>>) offsets(%dma_start3A_126 : memref<512xi32, #tpu.memory_space<vmem>>) semaphore(%run_scoped3A_123 : memref<!tpu.dma_semaphore, #tpu.memory_space<semaphore_mem>>) {add = true}
        %dma_wait3A_130 = arith.constant 0 : i32
        %dma_wait3A_131 = tpu.memref_slice %arg9[%add3A_87, %dma_wait3A_130] : memref<49x512xi32, #tpu.memory_space<vmem>> -> memref<1x512xi32, #tpu.memory_space<vmem>>
        %dma_wait3A_132 = tpu.memref_squeeze %dma_wait3A_131 : memref<1x512xi32, #tpu.memory_space<vmem>> -> memref<512xi32, #tpu.memory_space<vmem>>
        %dma_wait3A_133 = arith.constant 0 : i32
        %dma_wait3A_134 = arith.constant 0 : i32
        %dma_wait3A_135 = tpu.memref_slice %arg15[%dma_wait3A_133, %dma_wait3A_134] : memref<50176x16xf32, #tpu.memory_space<vmem_shared>> -> memref<50176x16xf32, #tpu.memory_space<vmem_shared>>
        tpu.wait_indirect_dma semaphore(%run_scoped3A_123 : memref<!tpu.dma_semaphore, #tpu.memory_space<semaphore_mem>>) src(%arg10 : memref<512x16xf32, #tpu.memory_space<vmem>>) dst(%dma_wait3A_135 : memref<50176x16xf32, #tpu.memory_space<vmem_shared>>)
        tpu.yield
      }) : () -> ()
      %mul3A_103 = arith.constant 2 : i32
      %mul3A_104 = arith.muli %mul3A_103, %scan3A_83 : i32
      %add3A_105 = arith.constant 1 : i32
      %add3A_106 = arith.addi %mul3A_104, %add3A_105 : i32
      %add3A_107 = arith.constant 1 : i32
      %add3A_108 = arith.addi %add3A_106, %add3A_107 : i32
      %min3A_109 = arith.constant 48 : i32
      %min3A_110 = arith.minsi %add3A_108, %min3A_109 : i32
      %dma_start3A_111 = arith.constant 0 : i32
      %dma_start3A_112 = tpu.memref_slice %arg8[%min3A_110, %dma_start3A_111] : memref<49x512xi32, #tpu.memory_space<vmem>> -> memref<1x512xi32, #tpu.memory_space<vmem>>
      %dma_start3A_113 = tpu.memref_squeeze %dma_start3A_112 : memref<1x512xi32, #tpu.memory_space<vmem>> -> memref<512xi32, #tpu.memory_space<vmem>>
      %dma_start3A_114 = arith.constant 0 : i32
      %dma_start3A_115 = arith.constant 0 : i32
      %dma_start3A_116 = tpu.memref_slice %arg4[%dma_start3A_114, %dma_start3A_115] : memref<100000x16xf32, #tpu.memory_space<hbm>> -> memref<100000x16xf32, #tpu.memory_space<hbm>>
      tpu.enqueue_indirect_dma source(%dma_start3A_116 : memref<100000x16xf32, #tpu.memory_space<hbm>>) target(%arg10 : memref<512x16xf32, #tpu.memory_space<vmem>>) offsets(%dma_start3A_113 : memref<512xi32, #tpu.memory_space<vmem>>) semaphore(%arg16 : memref<!tpu.dma_semaphore, #tpu.memory_space<semaphore_mem>>)
      %dma_wait3A_117 = arith.constant 0 : i32
      %dma_wait3A_118 = tpu.memref_slice %arg8[%add3A_106, %dma_wait3A_117] : memref<49x512xi32, #tpu.memory_space<vmem>> -> memref<1x512xi32, #tpu.memory_space<vmem>>
      %dma_wait3A_119 = tpu.memref_squeeze %dma_wait3A_118 : memref<1x512xi32, #tpu.memory_space<vmem>> -> memref<512xi32, #tpu.memory_space<vmem>>
      %dma_wait3A_120 = arith.constant 0 : i32
      %dma_wait3A_121 = arith.constant 0 : i32
      %dma_wait3A_122 = tpu.memref_slice %arg4[%dma_wait3A_120, %dma_wait3A_121] : memref<100000x16xf32, #tpu.memory_space<hbm>> -> memref<100000x16xf32, #tpu.memory_space<hbm>>
      tpu.wait_indirect_dma semaphore(%arg17 : memref<!tpu.dma_semaphore, #tpu.memory_space<semaphore_mem>>) src(%dma_wait3A_122 : memref<100000x16xf32, #tpu.memory_space<hbm>>) dst(%arg11 : memref<512x16xf32, #tpu.memory_space<vmem>>)
      "tpu.region"() ({
        %run_scoped3A_123 = tpu.sem_alloc : memref<!tpu.dma_semaphore, #tpu.memory_space<semaphore_mem>>
        %dma_start3A_124 = arith.constant 0 : i32
        %dma_start3A_125 = tpu.memref_slice %arg9[%add3A_106, %dma_start3A_124] : memref<49x512xi32, #tpu.memory_space<vmem>> -> memref<1x512xi32, #tpu.memory_space<vmem>>
        %dma_start3A_126 = tpu.memref_squeeze %dma_start3A_125 : memref<1x512xi32, #tpu.memory_space<vmem>> -> memref<512xi32, #tpu.memory_space<vmem>>
        %dma_start3A_127 = arith.constant 0 : i32
        %dma_start3A_128 = arith.constant 0 : i32
        %dma_start3A_129 = tpu.memref_slice %arg15[%dma_start3A_127, %dma_start3A_128] : memref<50176x16xf32, #tpu.memory_space<vmem_shared>> -> memref<50176x16xf32, #tpu.memory_space<vmem_shared>>
        tpu.enqueue_indirect_dma source(%arg11 : memref<512x16xf32, #tpu.memory_space<vmem>>) target(%dma_start3A_129 : memref<50176x16xf32, #tpu.memory_space<vmem_shared>>) offsets(%dma_start3A_126 : memref<512xi32, #tpu.memory_space<vmem>>) semaphore(%run_scoped3A_123 : memref<!tpu.dma_semaphore, #tpu.memory_space<semaphore_mem>>) {add = true}
        %dma_wait3A_130 = arith.constant 0 : i32
        %dma_wait3A_131 = tpu.memref_slice %arg9[%add3A_106, %dma_wait3A_130] : memref<49x512xi32, #tpu.memory_space<vmem>> -> memref<1x512xi32, #tpu.memory_space<vmem>>
        %dma_wait3A_132 = tpu.memref_squeeze %dma_wait3A_131 : memref<1x512xi32, #tpu.memory_space<vmem>> -> memref<512xi32, #tpu.memory_space<vmem>>
        %dma_wait3A_133 = arith.constant 0 : i32
        %dma_wait3A_134 = arith.constant 0 : i32
        %dma_wait3A_135 = tpu.memref_slice %arg15[%dma_wait3A_133, %dma_wait3A_134] : memref<50176x16xf32, #tpu.memory_space<vmem_shared>> -> memref<50176x16xf32, #tpu.memory_space<vmem_shared>>
        tpu.wait_indirect_dma semaphore(%run_scoped3A_123 : memref<!tpu.dma_semaphore, #tpu.memory_space<semaphore_mem>>) src(%arg11 : memref<512x16xf32, #tpu.memory_space<vmem>>) dst(%dma_wait3A_135 : memref<50176x16xf32, #tpu.memory_space<vmem_shared>>)
        tpu.yield
      }) : () -> ()
    }
    %scan3A_67 = arith.constant 24 : i32
    %dma_wait3A_68 = arith.constant 48 : i32
    %dma_wait3A_69 = arith.constant 0 : i32
    %dma_wait3A_70 = tpu.memref_slice %arg8[%dma_wait3A_68, %dma_wait3A_69] : memref<49x512xi32, #tpu.memory_space<vmem>> -> memref<1x512xi32, #tpu.memory_space<vmem>>
    %dma_wait3A_71 = tpu.memref_squeeze %dma_wait3A_70 : memref<1x512xi32, #tpu.memory_space<vmem>> -> memref<512xi32, #tpu.memory_space<vmem>>
    %dma_wait3A_72 = arith.constant 0 : i32
    %dma_wait3A_73 = arith.constant 0 : i32
    %dma_wait3A_74 = tpu.memref_slice %arg4[%dma_wait3A_72, %dma_wait3A_73] : memref<100000x16xf32, #tpu.memory_space<hbm>> -> memref<100000x16xf32, #tpu.memory_space<hbm>>
    tpu.wait_indirect_dma semaphore(%arg16 : memref<!tpu.dma_semaphore, #tpu.memory_space<semaphore_mem>>) src(%dma_wait3A_74 : memref<100000x16xf32, #tpu.memory_space<hbm>>) dst(%arg10 : memref<512x16xf32, #tpu.memory_space<vmem>>)
    %run_scoped3A_75 = arith.constant 48 : i32
    "tpu.region"() ({
      %run_scoped3A_83 = tpu.sem_alloc : memref<!tpu.dma_semaphore, #tpu.memory_space<semaphore_mem>>
      %dma_start3A_84 = arith.constant 0 : i32
      %dma_start3A_85 = tpu.memref_slice %arg9[%run_scoped3A_75, %dma_start3A_84] : memref<49x512xi32, #tpu.memory_space<vmem>> -> memref<1x512xi32, #tpu.memory_space<vmem>>
      %dma_start3A_86 = tpu.memref_squeeze %dma_start3A_85 : memref<1x512xi32, #tpu.memory_space<vmem>> -> memref<512xi32, #tpu.memory_space<vmem>>
      %dma_start3A_87 = arith.constant 0 : i32
      %dma_start3A_88 = arith.constant 0 : i32
      %dma_start3A_89 = tpu.memref_slice %arg15[%dma_start3A_87, %dma_start3A_88] : memref<50176x16xf32, #tpu.memory_space<vmem_shared>> -> memref<50176x16xf32, #tpu.memory_space<vmem_shared>>
      tpu.enqueue_indirect_dma source(%arg10 : memref<512x16xf32, #tpu.memory_space<vmem>>) target(%dma_start3A_89 : memref<50176x16xf32, #tpu.memory_space<vmem_shared>>) offsets(%dma_start3A_86 : memref<512xi32, #tpu.memory_space<vmem>>) semaphore(%run_scoped3A_83 : memref<!tpu.dma_semaphore, #tpu.memory_space<semaphore_mem>>) {add = true}
      %dma_wait3A_90 = arith.constant 0 : i32
      %dma_wait3A_91 = tpu.memref_slice %arg9[%run_scoped3A_75, %dma_wait3A_90] : memref<49x512xi32, #tpu.memory_space<vmem>> -> memref<1x512xi32, #tpu.memory_space<vmem>>
      %dma_wait3A_92 = tpu.memref_squeeze %dma_wait3A_91 : memref<1x512xi32, #tpu.memory_space<vmem>> -> memref<512xi32, #tpu.memory_space<vmem>>
      %dma_wait3A_93 = arith.constant 0 : i32
      %dma_wait3A_94 = arith.constant 0 : i32
      %dma_wait3A_95 = tpu.memref_slice %arg15[%dma_wait3A_93, %dma_wait3A_94] : memref<50176x16xf32, #tpu.memory_space<vmem_shared>> -> memref<50176x16xf32, #tpu.memory_space<vmem_shared>>
      tpu.wait_indirect_dma semaphore(%run_scoped3A_83 : memref<!tpu.dma_semaphore, #tpu.memory_space<semaphore_mem>>) src(%arg10 : memref<512x16xf32, #tpu.memory_space<vmem>>) dst(%dma_wait3A_95 : memref<50176x16xf32, #tpu.memory_space<vmem_shared>>)
      tpu.yield
    }) : () -> ()
    %barrier3A_76 = arith.constant 0 : index
    tpu.barrier barrier_id(%barrier3A_76)
    %scan3A_77 = arith.constant 0 : i32
    %scan3A_78 = arith.constant 0 : i32
    %scan3A_79 = arith.constant 49 : i32
    %scan3A_80 = arith.addi %scan3A_78, %scan3A_79 : i32
    %scan3A_81 = arith.constant 1 : i32
    scf.for %scan3A_83 = %scan3A_78 to %scan3A_80 step %scan3A_81  : i32 {
      %mul3A_84 = arith.constant 64 : i32
      %mul3A_85 = arith.muli %scan3A_83, %mul3A_84 : i32
      %add3A_86 = arith.addi %mul3A_0, %mul3A_85 : i32
      "tpu.region"() ({
        %run_scoped3A_88 = tpu.sem_alloc : memref<!tpu.dma_semaphore, #tpu.memory_space<semaphore_mem>>
        %dma_start3A_89 = arith.constant 0 : i32
        %dma_start3A_90 = tpu.memref_slice %arg15[%add3A_86, %dma_start3A_89] : memref<50176x16xf32, #tpu.memory_space<vmem_shared>> -> memref<64x16xf32, #tpu.memory_space<vmem_shared>>
        %dma_start3A_91 = arith.constant 0 : i32
        %dma_start3A_92 = tpu.memref_slice %arg15[%add3A_86, %dma_start3A_91] : memref<50176x16xf32, #tpu.memory_space<vmem_shared>> -> memref<64x16xf32, #tpu.memory_space<vmem_shared>>
        tpu.enqueue_dma source(%dma_start3A_92 : memref<64x16xf32, #tpu.memory_space<vmem_shared>>) target(%arg12 : memref<64x16xf32, #tpu.memory_space<vmem>>) target_semaphore(%run_scoped3A_88 : memref<!tpu.dma_semaphore, #tpu.memory_space<semaphore_mem>>)
        %dma_wait3A_93 = arith.constant 0 : i32
        %dma_wait3A_94 = tpu.memref_slice %arg15[%add3A_86, %dma_wait3A_93] : memref<50176x16xf32, #tpu.memory_space<vmem_shared>> -> memref<64x16xf32, #tpu.memory_space<vmem_shared>>
        %dma_wait3A_95 = arith.constant 0 : i32
        %dma_wait3A_96 = tpu.memref_slice %arg15[%add3A_86, %dma_wait3A_95] : memref<50176x16xf32, #tpu.memory_space<vmem_shared>> -> memref<64x16xf32, #tpu.memory_space<vmem_shared>>
        tpu.wait_dma2 semaphore(%run_scoped3A_88 : memref<!tpu.dma_semaphore, #tpu.memory_space<semaphore_mem>>) src(%dma_wait3A_96 : memref<64x16xf32, #tpu.memory_space<vmem_shared>>) dst(%arg12 : memref<64x16xf32, #tpu.memory_space<vmem>>)
        tpu.yield
      }) : () -> ()
      %run_scoped3A_87 = arith.constant 1 : i32
      "tpu.region"() ({
        %run_scoped3A_88 = tpu.sem_alloc : memref<!tpu.dma_semaphore, #tpu.memory_space<semaphore_mem>>
        %dma_start3A_89 = arith.constant 0 : i32
        %dma_start3A_90 = tpu.memref_slice %arg7[%run_scoped3A_87, %arg0, %add3A_86, %dma_start3A_89] : memref<2x2x50176x16xf32, #tpu.memory_space<hbm>> -> memref<1x1x64x16xf32, #tpu.memory_space<hbm>>
        %dma_start3A_91 = tpu.memref_squeeze %dma_start3A_90 : memref<1x1x64x16xf32, #tpu.memory_space<hbm>> -> memref<64x16xf32, #tpu.memory_space<hbm>>
        %dma_start3A_92 = arith.constant 0 : i32
        %dma_start3A_93 = tpu.memref_slice %arg7[%run_scoped3A_87, %arg0, %add3A_86, %dma_start3A_92] : memref<2x2x50176x16xf32, #tpu.memory_space<hbm>> -> memref<1x1x64x16xf32, #tpu.memory_space<hbm>>
        %dma_start3A_94 = tpu.memref_squeeze %dma_start3A_93 : memref<1x1x64x16xf32, #tpu.memory_space<hbm>> -> memref<64x16xf32, #tpu.memory_space<hbm>>
        tpu.enqueue_dma source(%arg12 : memref<64x16xf32, #tpu.memory_space<vmem>>) target(%dma_start3A_94 : memref<64x16xf32, #tpu.memory_space<hbm>>) target_semaphore(%run_scoped3A_88 : memref<!tpu.dma_semaphore, #tpu.memory_space<semaphore_mem>>)
        %dma_wait3A_95 = arith.constant 0 : i32
        %dma_wait3A_96 = tpu.memref_slice %arg7[%run_scoped3A_87, %arg0, %add3A_86, %dma_wait3A_95] : memref<2x2x50176x16xf32, #tpu.memory_space<hbm>> -> memref<1x1x64x16xf32, #tpu.memory_space<hbm>>
        %dma_wait3A_97 = tpu.memref_squeeze %dma_wait3A_96 : memref<1x1x64x16xf32, #tpu.memory_space<hbm>> -> memref<64x16xf32, #tpu.memory_space<hbm>>
        %dma_wait3A_98 = arith.constant 0 : i32
        %dma_wait3A_99 = tpu.memref_slice %arg7[%run_scoped3A_87, %arg0, %add3A_86, %dma_wait3A_98] : memref<2x2x50176x16xf32, #tpu.memory_space<hbm>> -> memref<1x1x64x16xf32, #tpu.memory_space<hbm>>
        %dma_wait3A_100 = tpu.memref_squeeze %dma_wait3A_99 : memref<1x1x64x16xf32, #tpu.memory_space<hbm>> -> memref<64x16xf32, #tpu.memory_space<hbm>>
        tpu.wait_dma2 semaphore(%run_scoped3A_88 : memref<!tpu.dma_semaphore, #tpu.memory_space<semaphore_mem>>) src(%arg12 : memref<64x16xf32, #tpu.memory_space<vmem>>) dst(%dma_wait3A_100 : memref<64x16xf32, #tpu.memory_space<hbm>>)
        tpu.yield
      }) : () -> ()
    }
    %scan3A_82 = arith.constant 49 : i32
    return
  }
}

#map = affine_map<(d0, d1) -> (0, 0, 0)>
#map1 = affine_map<(d0, d1) -> (0, 0)>
#map2 = affine_map<(d0, d1) -> (0, 0, 0, 0)>
module attributes {stable_mosaic.version = 14 : i64} {
  func.func @body(%arg0: i32, %arg1: i32, %arg2: memref<32x49x512xi32, #tpu.memory_space<hbm>>, %arg3: memref<32x49x512xi32, #tpu.memory_space<hbm>>, %arg4: memref<50000x8xf32, #tpu.memory_space<hbm>>, %arg5: memref<64x8xf32, #tpu.memory_space<hbm>>, %arg6: memref<2x16xi32, #tpu.memory_space<hbm>>, %arg7: memref<1x2x50176x8xf32, #tpu.memory_space<hbm>>, %arg8: memref<49x512xi32, #tpu.memory_space<vmem>>, %arg9: memref<49x512xi32, #tpu.memory_space<vmem>>, %arg10: memref<512x8xf32, #tpu.memory_space<vmem>>, %arg11: memref<512x8xf32, #tpu.memory_space<vmem>>, %arg12: memref<64x8xf32, #tpu.memory_space<vmem>>, %arg13: memref<64x8xf32, #tpu.memory_space<vmem>>, %arg14: memref<2x16xi32, #tpu.memory_space<vmem>>, %arg15: memref<50176x8xf32, #tpu.memory_space<vmem_shared>>, %arg16: memref<!tpu.dma_semaphore, #tpu.memory_space<semaphore_mem>>, %arg17: memref<!tpu.dma_semaphore, #tpu.memory_space<semaphore_mem>>) attributes {dimension_semantics = [#tpu.dimension_semantics<core_parallel>, #tpu.dimension_semantics<subcore_parallel>], iteration_bounds = array<i64: 2, 16>, scalar_prefetch = 0 : i64, scratch_operands = 10 : i64, tpu.core_type = #tpu.core_type<sc_vector_subcore>, window_params = [{transform_indices = #map}, {transform_indices = #map}, {transform_indices = #map1}, {transform_indices = #map1}, {transform_indices = #map1}, {transform_indices = #map2}]} {
    "tpu.region"() ({
      %run_scoped3A_37 = tpu.sem_alloc : memref<!tpu.dma_semaphore, #tpu.memory_space<semaphore_mem>>
      tpu.enqueue_dma source(%arg5 : memref<64x8xf32, #tpu.memory_space<hbm>>) target(%arg13 : memref<64x8xf32, #tpu.memory_space<vmem>>) target_semaphore(%run_scoped3A_37 : memref<!tpu.dma_semaphore, #tpu.memory_space<semaphore_mem>>)
      tpu.wait_dma2 semaphore(%run_scoped3A_37 : memref<!tpu.dma_semaphore, #tpu.memory_space<semaphore_mem>>) src(%arg5 : memref<64x8xf32, #tpu.memory_space<hbm>>) dst(%arg13 : memref<64x8xf32, #tpu.memory_space<vmem>>)
      tpu.yield
    }) : () -> ()
    %mul3A = arith.constant 3136 : i32
    %mul3A_0 = arith.muli %arg1, %mul3A : i32
    %scan3A = arith.constant 0 : i32
    %scan3A_1 = arith.constant 0 : i32
    %scan3A_2 = arith.constant 49 : i32
    %scan3A_3 = arith.addi %scan3A_1, %scan3A_2 : i32
    %scan3A_4 = arith.constant 1 : i32
    scf.for %scan3A_37 = %scan3A_1 to %scan3A_3 step %scan3A_4  : i32 {
      %mul3A_38 = arith.constant 64 : i32
      %mul3A_39 = arith.muli %scan3A_37, %mul3A_38 : i32
      %add3A_40 = arith.addi %mul3A_0, %mul3A_39 : i32
      "tpu.region"() ({
        %run_scoped3A_41 = tpu.sem_alloc : memref<!tpu.dma_semaphore, #tpu.memory_space<semaphore_mem>>
        %dma_start3A_42 = arith.constant 0 : i32
        %dma_start3A_43 = tpu.memref_slice %arg15[%add3A_40, %dma_start3A_42] : memref<50176x8xf32, #tpu.memory_space<vmem_shared>> -> memref<64x8xf32, #tpu.memory_space<vmem_shared>>
        %dma_start3A_44 = arith.constant 0 : i32
        %dma_start3A_45 = tpu.memref_slice %arg15[%add3A_40, %dma_start3A_44] : memref<50176x8xf32, #tpu.memory_space<vmem_shared>> -> memref<64x8xf32, #tpu.memory_space<vmem_shared>>
        tpu.enqueue_dma source(%arg13 : memref<64x8xf32, #tpu.memory_space<vmem>>) target(%dma_start3A_45 : memref<64x8xf32, #tpu.memory_space<vmem_shared>>) target_semaphore(%run_scoped3A_41 : memref<!tpu.dma_semaphore, #tpu.memory_space<semaphore_mem>>)
        %dma_wait3A_46 = arith.constant 0 : i32
        %dma_wait3A_47 = tpu.memref_slice %arg15[%add3A_40, %dma_wait3A_46] : memref<50176x8xf32, #tpu.memory_space<vmem_shared>> -> memref<64x8xf32, #tpu.memory_space<vmem_shared>>
        %dma_wait3A_48 = arith.constant 0 : i32
        %dma_wait3A_49 = tpu.memref_slice %arg15[%add3A_40, %dma_wait3A_48] : memref<50176x8xf32, #tpu.memory_space<vmem_shared>> -> memref<64x8xf32, #tpu.memory_space<vmem_shared>>
        tpu.wait_dma2 semaphore(%run_scoped3A_41 : memref<!tpu.dma_semaphore, #tpu.memory_space<semaphore_mem>>) src(%arg13 : memref<64x8xf32, #tpu.memory_space<vmem>>) dst(%dma_wait3A_49 : memref<64x8xf32, #tpu.memory_space<vmem_shared>>)
        tpu.yield
      }) : () -> ()
    }
    %scan3A_5 = arith.constant 49 : i32
    %mul3A_6 = arith.constant 16 : i32
    %mul3A_7 = arith.muli %arg0, %mul3A_6 : i32
    %add3A = arith.addi %mul3A_7, %arg1 : i32
    "tpu.region"() ({
      %run_scoped3A_37 = tpu.sem_alloc : memref<!tpu.dma_semaphore, #tpu.memory_space<semaphore_mem>>
      %dma_start3A_38 = arith.constant 0 : i32
      %dma_start3A_39 = arith.constant 0 : i32
      %dma_start3A_40 = tpu.memref_slice %arg2[%add3A, %dma_start3A_38, %dma_start3A_39] : memref<32x49x512xi32, #tpu.memory_space<hbm>> -> memref<1x49x512xi32, #tpu.memory_space<hbm>>
      %dma_start3A_41 = tpu.memref_squeeze %dma_start3A_40 : memref<1x49x512xi32, #tpu.memory_space<hbm>> -> memref<49x512xi32, #tpu.memory_space<hbm>>
      %dma_start3A_42 = arith.constant 0 : i32
      %dma_start3A_43 = arith.constant 0 : i32
      %dma_start3A_44 = tpu.memref_slice %arg2[%add3A, %dma_start3A_42, %dma_start3A_43] : memref<32x49x512xi32, #tpu.memory_space<hbm>> -> memref<1x49x512xi32, #tpu.memory_space<hbm>>
      %dma_start3A_45 = tpu.memref_squeeze %dma_start3A_44 : memref<1x49x512xi32, #tpu.memory_space<hbm>> -> memref<49x512xi32, #tpu.memory_space<hbm>>
      tpu.enqueue_dma source(%dma_start3A_45 : memref<49x512xi32, #tpu.memory_space<hbm>>) target(%arg8 : memref<49x512xi32, #tpu.memory_space<vmem>>) target_semaphore(%run_scoped3A_37 : memref<!tpu.dma_semaphore, #tpu.memory_space<semaphore_mem>>)
      %dma_wait3A_46 = arith.constant 0 : i32
      %dma_wait3A_47 = arith.constant 0 : i32
      %dma_wait3A_48 = tpu.memref_slice %arg2[%add3A, %dma_wait3A_46, %dma_wait3A_47] : memref<32x49x512xi32, #tpu.memory_space<hbm>> -> memref<1x49x512xi32, #tpu.memory_space<hbm>>
      %dma_wait3A_49 = tpu.memref_squeeze %dma_wait3A_48 : memref<1x49x512xi32, #tpu.memory_space<hbm>> -> memref<49x512xi32, #tpu.memory_space<hbm>>
      %dma_wait3A_50 = arith.constant 0 : i32
      %dma_wait3A_51 = arith.constant 0 : i32
      %dma_wait3A_52 = tpu.memref_slice %arg2[%add3A, %dma_wait3A_50, %dma_wait3A_51] : memref<32x49x512xi32, #tpu.memory_space<hbm>> -> memref<1x49x512xi32, #tpu.memory_space<hbm>>
      %dma_wait3A_53 = tpu.memref_squeeze %dma_wait3A_52 : memref<1x49x512xi32, #tpu.memory_space<hbm>> -> memref<49x512xi32, #tpu.memory_space<hbm>>
      tpu.wait_dma2 semaphore(%run_scoped3A_37 : memref<!tpu.dma_semaphore, #tpu.memory_space<semaphore_mem>>) src(%dma_wait3A_53 : memref<49x512xi32, #tpu.memory_space<hbm>>) dst(%arg8 : memref<49x512xi32, #tpu.memory_space<vmem>>)
      tpu.yield
    }) : () -> ()
    "tpu.region"() ({
      %run_scoped3A_37 = tpu.sem_alloc : memref<!tpu.dma_semaphore, #tpu.memory_space<semaphore_mem>>
      %dma_start3A_38 = arith.constant 0 : i32
      %dma_start3A_39 = arith.constant 0 : i32
      %dma_start3A_40 = tpu.memref_slice %arg3[%add3A, %dma_start3A_38, %dma_start3A_39] : memref<32x49x512xi32, #tpu.memory_space<hbm>> -> memref<1x49x512xi32, #tpu.memory_space<hbm>>
      %dma_start3A_41 = tpu.memref_squeeze %dma_start3A_40 : memref<1x49x512xi32, #tpu.memory_space<hbm>> -> memref<49x512xi32, #tpu.memory_space<hbm>>
      %dma_start3A_42 = arith.constant 0 : i32
      %dma_start3A_43 = arith.constant 0 : i32
      %dma_start3A_44 = tpu.memref_slice %arg3[%add3A, %dma_start3A_42, %dma_start3A_43] : memref<32x49x512xi32, #tpu.memory_space<hbm>> -> memref<1x49x512xi32, #tpu.memory_space<hbm>>
      %dma_start3A_45 = tpu.memref_squeeze %dma_start3A_44 : memref<1x49x512xi32, #tpu.memory_space<hbm>> -> memref<49x512xi32, #tpu.memory_space<hbm>>
      tpu.enqueue_dma source(%dma_start3A_45 : memref<49x512xi32, #tpu.memory_space<hbm>>) target(%arg9 : memref<49x512xi32, #tpu.memory_space<vmem>>) target_semaphore(%run_scoped3A_37 : memref<!tpu.dma_semaphore, #tpu.memory_space<semaphore_mem>>)
      %dma_wait3A_46 = arith.constant 0 : i32
      %dma_wait3A_47 = arith.constant 0 : i32
      %dma_wait3A_48 = tpu.memref_slice %arg3[%add3A, %dma_wait3A_46, %dma_wait3A_47] : memref<32x49x512xi32, #tpu.memory_space<hbm>> -> memref<1x49x512xi32, #tpu.memory_space<hbm>>
      %dma_wait3A_49 = tpu.memref_squeeze %dma_wait3A_48 : memref<1x49x512xi32, #tpu.memory_space<hbm>> -> memref<49x512xi32, #tpu.memory_space<hbm>>
      %dma_wait3A_50 = arith.constant 0 : i32
      %dma_wait3A_51 = arith.constant 0 : i32
      %dma_wait3A_52 = tpu.memref_slice %arg3[%add3A, %dma_wait3A_50, %dma_wait3A_51] : memref<32x49x512xi32, #tpu.memory_space<hbm>> -> memref<1x49x512xi32, #tpu.memory_space<hbm>>
      %dma_wait3A_53 = tpu.memref_squeeze %dma_wait3A_52 : memref<1x49x512xi32, #tpu.memory_space<hbm>> -> memref<49x512xi32, #tpu.memory_space<hbm>>
      tpu.wait_dma2 semaphore(%run_scoped3A_37 : memref<!tpu.dma_semaphore, #tpu.memory_space<semaphore_mem>>) src(%dma_wait3A_53 : memref<49x512xi32, #tpu.memory_space<hbm>>) dst(%arg9 : memref<49x512xi32, #tpu.memory_space<vmem>>)
      tpu.yield
    }) : () -> ()
    "tpu.region"() ({
      %run_scoped3A_37 = tpu.sem_alloc : memref<!tpu.dma_semaphore, #tpu.memory_space<semaphore_mem>>
      tpu.enqueue_dma source(%arg6 : memref<2x16xi32, #tpu.memory_space<hbm>>) target(%arg14 : memref<2x16xi32, #tpu.memory_space<vmem>>) target_semaphore(%run_scoped3A_37 : memref<!tpu.dma_semaphore, #tpu.memory_space<semaphore_mem>>)
      tpu.wait_dma2 semaphore(%run_scoped3A_37 : memref<!tpu.dma_semaphore, #tpu.memory_space<semaphore_mem>>) src(%arg6 : memref<2x16xi32, #tpu.memory_space<hbm>>) dst(%arg14 : memref<2x16xi32, #tpu.memory_space<vmem>>)
      tpu.yield
    }) : () -> ()
    %barrier3A = arith.constant 0 : index
    tpu.barrier barrier_id(%barrier3A)
    %get3A = arith.constant 1 : i32
    %get3A_8 = arith.index_cast %get3A : i32 to index
    %get3A_9 = arith.constant 0 : index
    %get3A_10 = tpu.vector_load %arg14[%get3A_8, %get3A_9] {strides = array<i32>} : memref<2x16xi32, #tpu.memory_space<vmem>>, vector<1x16xi32>,
    %get3A_11 = vector.shape_cast %get3A_10 : vector<1x16xi32> to vector<16xi32>
    %dma_start3A = arith.constant 0 : i32
    %dma_start3A_12 = arith.constant 0 : i32
    %dma_start3A_13 = tpu.memref_slice %arg8[%dma_start3A, %dma_start3A_12] : memref<49x512xi32, #tpu.memory_space<vmem>> -> memref<1x512xi32, #tpu.memory_space<vmem>>
    %dma_start3A_14 = tpu.memref_squeeze %dma_start3A_13 : memref<1x512xi32, #tpu.memory_space<vmem>> -> memref<512xi32, #tpu.memory_space<vmem>>
    %dma_start3A_15 = arith.constant 0 : i32
    %dma_start3A_16 = arith.constant 0 : i32
    %dma_start3A_17 = tpu.memref_slice %arg4[%dma_start3A_15, %dma_start3A_16] : memref<50000x8xf32, #tpu.memory_space<hbm>> -> memref<50000x8xf32, #tpu.memory_space<hbm>>
    tpu.enqueue_indirect_dma source(%dma_start3A_17 : memref<50000x8xf32, #tpu.memory_space<hbm>>) target(%arg10 : memref<512x8xf32, #tpu.memory_space<vmem>>) offsets(%dma_start3A_14 : memref<512xi32, #tpu.memory_space<vmem>>) semaphore(%arg16 : memref<!tpu.dma_semaphore, #tpu.memory_space<semaphore_mem>>)
    %scan3A_18 = arith.constant 0 : i32
    %scan3A_19 = arith.constant 0 : i32
    %scan3A_20 = arith.constant 24 : i32
    %scan3A_21 = arith.addi %scan3A_19, %scan3A_20 : i32
    %scan3A_22 = arith.constant 1 : i32
    scf.for %scan3A_37 = %scan3A_19 to %scan3A_21 step %scan3A_22  : i32 {
      %mul3A_38 = arith.constant 2 : i32
      %mul3A_39 = arith.muli %mul3A_38, %scan3A_37 : i32
      %add3A_40 = arith.constant 0 : i32
      %add3A_41 = arith.addi %mul3A_39, %add3A_40 : i32
      %add3A_42 = arith.constant 1 : i32
      %add3A_43 = arith.addi %add3A_41, %add3A_42 : i32
      %min3A = arith.constant 48 : i32
      %min3A_44 = arith.minsi %add3A_43, %min3A : i32
      %dma_start3A_45 = arith.constant 0 : i32
      %dma_start3A_46 = tpu.memref_slice %arg8[%min3A_44, %dma_start3A_45] : memref<49x512xi32, #tpu.memory_space<vmem>> -> memref<1x512xi32, #tpu.memory_space<vmem>>
      %dma_start3A_47 = tpu.memref_squeeze %dma_start3A_46 : memref<1x512xi32, #tpu.memory_space<vmem>> -> memref<512xi32, #tpu.memory_space<vmem>>
      %dma_start3A_48 = arith.constant 0 : i32
      %dma_start3A_49 = arith.constant 0 : i32
      %dma_start3A_50 = tpu.memref_slice %arg4[%dma_start3A_48, %dma_start3A_49] : memref<50000x8xf32, #tpu.memory_space<hbm>> -> memref<50000x8xf32, #tpu.memory_space<hbm>>
      tpu.enqueue_indirect_dma source(%dma_start3A_50 : memref<50000x8xf32, #tpu.memory_space<hbm>>) target(%arg11 : memref<512x8xf32, #tpu.memory_space<vmem>>) offsets(%dma_start3A_47 : memref<512xi32, #tpu.memory_space<vmem>>) semaphore(%arg17 : memref<!tpu.dma_semaphore, #tpu.memory_space<semaphore_mem>>)
      %dma_wait3A_51 = arith.constant 0 : i32
      %dma_wait3A_52 = tpu.memref_slice %arg8[%add3A_41, %dma_wait3A_51] : memref<49x512xi32, #tpu.memory_space<vmem>> -> memref<1x512xi32, #tpu.memory_space<vmem>>
      %dma_wait3A_53 = tpu.memref_squeeze %dma_wait3A_52 : memref<1x512xi32, #tpu.memory_space<vmem>> -> memref<512xi32, #tpu.memory_space<vmem>>
      %dma_wait3A_54 = arith.constant 0 : i32
      %dma_wait3A_55 = arith.constant 0 : i32
      %dma_wait3A_56 = tpu.memref_slice %arg4[%dma_wait3A_54, %dma_wait3A_55] : memref<50000x8xf32, #tpu.memory_space<hbm>> -> memref<50000x8xf32, #tpu.memory_space<hbm>>
      tpu.wait_indirect_dma semaphore(%arg16 : memref<!tpu.dma_semaphore, #tpu.memory_space<semaphore_mem>>) src(%dma_wait3A_56 : memref<50000x8xf32, #tpu.memory_space<hbm>>) dst(%arg10 : memref<512x8xf32, #tpu.memory_space<vmem>>)
      "tpu.region"() ({
        %run_scoped3A_77 = tpu.sem_alloc : memref<!tpu.dma_semaphore, #tpu.memory_space<semaphore_mem>>
        %dma_start3A_78 = arith.constant 0 : i32
        %dma_start3A_79 = tpu.memref_slice %arg9[%add3A_41, %dma_start3A_78] : memref<49x512xi32, #tpu.memory_space<vmem>> -> memref<1x512xi32, #tpu.memory_space<vmem>>
        %dma_start3A_80 = tpu.memref_squeeze %dma_start3A_79 : memref<1x512xi32, #tpu.memory_space<vmem>> -> memref<512xi32, #tpu.memory_space<vmem>>
        %dma_start3A_81 = arith.constant 0 : i32
        %dma_start3A_82 = arith.constant 0 : i32
        %dma_start3A_83 = tpu.memref_slice %arg15[%dma_start3A_81, %dma_start3A_82] : memref<50176x8xf32, #tpu.memory_space<vmem_shared>> -> memref<50176x8xf32, #tpu.memory_space<vmem_shared>>
        tpu.enqueue_indirect_dma source(%arg10 : memref<512x8xf32, #tpu.memory_space<vmem>>) target(%dma_start3A_83 : memref<50176x8xf32, #tpu.memory_space<vmem_shared>>) offsets(%dma_start3A_80 : memref<512xi32, #tpu.memory_space<vmem>>) semaphore(%run_scoped3A_77 : memref<!tpu.dma_semaphore, #tpu.memory_space<semaphore_mem>>) {add = true}
        %dma_wait3A_84 = arith.constant 0 : i32
        %dma_wait3A_85 = tpu.memref_slice %arg9[%add3A_41, %dma_wait3A_84] : memref<49x512xi32, #tpu.memory_space<vmem>> -> memref<1x512xi32, #tpu.memory_space<vmem>>
        %dma_wait3A_86 = tpu.memref_squeeze %dma_wait3A_85 : memref<1x512xi32, #tpu.memory_space<vmem>> -> memref<512xi32, #tpu.memory_space<vmem>>
        %dma_wait3A_87 = arith.constant 0 : i32
        %dma_wait3A_88 = arith.constant 0 : i32
        %dma_wait3A_89 = tpu.memref_slice %arg15[%dma_wait3A_87, %dma_wait3A_88] : memref<50176x8xf32, #tpu.memory_space<vmem_shared>> -> memref<50176x8xf32, #tpu.memory_space<vmem_shared>>
        tpu.wait_indirect_dma semaphore(%run_scoped3A_77 : memref<!tpu.dma_semaphore, #tpu.memory_space<semaphore_mem>>) src(%arg10 : memref<512x8xf32, #tpu.memory_space<vmem>>) dst(%dma_wait3A_89 : memref<50176x8xf32, #tpu.memory_space<vmem_shared>>)
        tpu.yield
      }) : () -> ()
      %mul3A_57 = arith.constant 2 : i32
      %mul3A_58 = arith.muli %mul3A_57, %scan3A_37 : i32
      %add3A_59 = arith.constant 1 : i32
      %add3A_60 = arith.addi %mul3A_58, %add3A_59 : i32
      %add3A_61 = arith.constant 1 : i32
      %add3A_62 = arith.addi %add3A_60, %add3A_61 : i32
      %min3A_63 = arith.constant 48 : i32
      %min3A_64 = arith.minsi %add3A_62, %min3A_63 : i32
      %dma_start3A_65 = arith.constant 0 : i32
      %dma_start3A_66 = tpu.memref_slice %arg8[%min3A_64, %dma_start3A_65] : memref<49x512xi32, #tpu.memory_space<vmem>> -> memref<1x512xi32, #tpu.memory_space<vmem>>
      %dma_start3A_67 = tpu.memref_squeeze %dma_start3A_66 : memref<1x512xi32, #tpu.memory_space<vmem>> -> memref<512xi32, #tpu.memory_space<vmem>>
      %dma_start3A_68 = arith.constant 0 : i32
      %dma_start3A_69 = arith.constant 0 : i32
      %dma_start3A_70 = tpu.memref_slice %arg4[%dma_start3A_68, %dma_start3A_69] : memref<50000x8xf32, #tpu.memory_space<hbm>> -> memref<50000x8xf32, #tpu.memory_space<hbm>>
      tpu.enqueue_indirect_dma source(%dma_start3A_70 : memref<50000x8xf32, #tpu.memory_space<hbm>>) target(%arg10 : memref<512x8xf32, #tpu.memory_space<vmem>>) offsets(%dma_start3A_67 : memref<512xi32, #tpu.memory_space<vmem>>) semaphore(%arg16 : memref<!tpu.dma_semaphore, #tpu.memory_space<semaphore_mem>>)
      %dma_wait3A_71 = arith.constant 0 : i32
      %dma_wait3A_72 = tpu.memref_slice %arg8[%add3A_60, %dma_wait3A_71] : memref<49x512xi32, #tpu.memory_space<vmem>> -> memref<1x512xi32, #tpu.memory_space<vmem>>
      %dma_wait3A_73 = tpu.memref_squeeze %dma_wait3A_72 : memref<1x512xi32, #tpu.memory_space<vmem>> -> memref<512xi32, #tpu.memory_space<vmem>>
      %dma_wait3A_74 = arith.constant 0 : i32
      %dma_wait3A_75 = arith.constant 0 : i32
      %dma_wait3A_76 = tpu.memref_slice %arg4[%dma_wait3A_74, %dma_wait3A_75] : memref<50000x8xf32, #tpu.memory_space<hbm>> -> memref<50000x8xf32, #tpu.memory_space<hbm>>
      tpu.wait_indirect_dma semaphore(%arg17 : memref<!tpu.dma_semaphore, #tpu.memory_space<semaphore_mem>>) src(%dma_wait3A_76 : memref<50000x8xf32, #tpu.memory_space<hbm>>) dst(%arg11 : memref<512x8xf32, #tpu.memory_space<vmem>>)
      "tpu.region"() ({
        %run_scoped3A_77 = tpu.sem_alloc : memref<!tpu.dma_semaphore, #tpu.memory_space<semaphore_mem>>
        %dma_start3A_78 = arith.constant 0 : i32
        %dma_start3A_79 = tpu.memref_slice %arg9[%add3A_60, %dma_start3A_78] : memref<49x512xi32, #tpu.memory_space<vmem>> -> memref<1x512xi32, #tpu.memory_space<vmem>>
        %dma_start3A_80 = tpu.memref_squeeze %dma_start3A_79 : memref<1x512xi32, #tpu.memory_space<vmem>> -> memref<512xi32, #tpu.memory_space<vmem>>
        %dma_start3A_81 = arith.constant 0 : i32
        %dma_start3A_82 = arith.constant 0 : i32
        %dma_start3A_83 = tpu.memref_slice %arg15[%dma_start3A_81, %dma_start3A_82] : memref<50176x8xf32, #tpu.memory_space<vmem_shared>> -> memref<50176x8xf32, #tpu.memory_space<vmem_shared>>
        tpu.enqueue_indirect_dma source(%arg11 : memref<512x8xf32, #tpu.memory_space<vmem>>) target(%dma_start3A_83 : memref<50176x8xf32, #tpu.memory_space<vmem_shared>>) offsets(%dma_start3A_80 : memref<512xi32, #tpu.memory_space<vmem>>) semaphore(%run_scoped3A_77 : memref<!tpu.dma_semaphore, #tpu.memory_space<semaphore_mem>>) {add = true}
        %dma_wait3A_84 = arith.constant 0 : i32
        %dma_wait3A_85 = tpu.memref_slice %arg9[%add3A_60, %dma_wait3A_84] : memref<49x512xi32, #tpu.memory_space<vmem>> -> memref<1x512xi32, #tpu.memory_space<vmem>>
        %dma_wait3A_86 = tpu.memref_squeeze %dma_wait3A_85 : memref<1x512xi32, #tpu.memory_space<vmem>> -> memref<512xi32, #tpu.memory_space<vmem>>
        %dma_wait3A_87 = arith.constant 0 : i32
        %dma_wait3A_88 = arith.constant 0 : i32
        %dma_wait3A_89 = tpu.memref_slice %arg15[%dma_wait3A_87, %dma_wait3A_88] : memref<50176x8xf32, #tpu.memory_space<vmem_shared>> -> memref<50176x8xf32, #tpu.memory_space<vmem_shared>>
        tpu.wait_indirect_dma semaphore(%run_scoped3A_77 : memref<!tpu.dma_semaphore, #tpu.memory_space<semaphore_mem>>) src(%arg11 : memref<512x8xf32, #tpu.memory_space<vmem>>) dst(%dma_wait3A_89 : memref<50176x8xf32, #tpu.memory_space<vmem_shared>>)
        tpu.yield
      }) : () -> ()
    }
    %scan3A_23 = arith.constant 24 : i32
    %dma_wait3A = arith.constant 48 : i32
    %dma_wait3A_24 = arith.constant 0 : i32
    %dma_wait3A_25 = tpu.memref_slice %arg8[%dma_wait3A, %dma_wait3A_24] : memref<49x512xi32, #tpu.memory_space<vmem>> -> memref<1x512xi32, #tpu.memory_space<vmem>>
    %dma_wait3A_26 = tpu.memref_squeeze %dma_wait3A_25 : memref<1x512xi32, #tpu.memory_space<vmem>> -> memref<512xi32, #tpu.memory_space<vmem>>
    %dma_wait3A_27 = arith.constant 0 : i32
    %dma_wait3A_28 = arith.constant 0 : i32
    %dma_wait3A_29 = tpu.memref_slice %arg4[%dma_wait3A_27, %dma_wait3A_28] : memref<50000x8xf32, #tpu.memory_space<hbm>> -> memref<50000x8xf32, #tpu.memory_space<hbm>>
    tpu.wait_indirect_dma semaphore(%arg16 : memref<!tpu.dma_semaphore, #tpu.memory_space<semaphore_mem>>) src(%dma_wait3A_29 : memref<50000x8xf32, #tpu.memory_space<hbm>>) dst(%arg10 : memref<512x8xf32, #tpu.memory_space<vmem>>)
    %run_scoped3A = arith.constant 48 : i32
    "tpu.region"() ({
      %run_scoped3A_37 = tpu.sem_alloc : memref<!tpu.dma_semaphore, #tpu.memory_space<semaphore_mem>>
      %dma_start3A_38 = arith.constant 0 : i32
      %dma_start3A_39 = tpu.memref_slice %arg9[%run_scoped3A, %dma_start3A_38] : memref<49x512xi32, #tpu.memory_space<vmem>> -> memref<1x512xi32, #tpu.memory_space<vmem>>
      %dma_start3A_40 = tpu.memref_squeeze %dma_start3A_39 : memref<1x512xi32, #tpu.memory_space<vmem>> -> memref<512xi32, #tpu.memory_space<vmem>>
      %dma_start3A_41 = arith.constant 0 : i32
      %dma_start3A_42 = arith.constant 0 : i32
      %dma_start3A_43 = tpu.memref_slice %arg15[%dma_start3A_41, %dma_start3A_42] : memref<50176x8xf32, #tpu.memory_space<vmem_shared>> -> memref<50176x8xf32, #tpu.memory_space<vmem_shared>>
      tpu.enqueue_indirect_dma source(%arg10 : memref<512x8xf32, #tpu.memory_space<vmem>>) target(%dma_start3A_43 : memref<50176x8xf32, #tpu.memory_space<vmem_shared>>) offsets(%dma_start3A_40 : memref<512xi32, #tpu.memory_space<vmem>>) semaphore(%run_scoped3A_37 : memref<!tpu.dma_semaphore, #tpu.memory_space<semaphore_mem>>) {add = true}
      %dma_wait3A_44 = arith.constant 0 : i32
      %dma_wait3A_45 = tpu.memref_slice %arg9[%run_scoped3A, %dma_wait3A_44] : memref<49x512xi32, #tpu.memory_space<vmem>> -> memref<1x512xi32, #tpu.memory_space<vmem>>
      %dma_wait3A_46 = tpu.memref_squeeze %dma_wait3A_45 : memref<1x512xi32, #tpu.memory_space<vmem>> -> memref<512xi32, #tpu.memory_space<vmem>>
      %dma_wait3A_47 = arith.constant 0 : i32
      %dma_wait3A_48 = arith.constant 0 : i32
      %dma_wait3A_49 = tpu.memref_slice %arg15[%dma_wait3A_47, %dma_wait3A_48] : memref<50176x8xf32, #tpu.memory_space<vmem_shared>> -> memref<50176x8xf32, #tpu.memory_space<vmem_shared>>
      tpu.wait_indirect_dma semaphore(%run_scoped3A_37 : memref<!tpu.dma_semaphore, #tpu.memory_space<semaphore_mem>>) src(%arg10 : memref<512x8xf32, #tpu.memory_space<vmem>>) dst(%dma_wait3A_49 : memref<50176x8xf32, #tpu.memory_space<vmem_shared>>)
      tpu.yield
    }) : () -> ()
    %barrier3A_30 = arith.constant 0 : index
    tpu.barrier barrier_id(%barrier3A_30)
    %scan3A_31 = arith.constant 0 : i32
    %scan3A_32 = arith.constant 0 : i32
    %scan3A_33 = arith.constant 49 : i32
    %scan3A_34 = arith.addi %scan3A_32, %scan3A_33 : i32
    %scan3A_35 = arith.constant 1 : i32
    scf.for %scan3A_37 = %scan3A_32 to %scan3A_34 step %scan3A_35  : i32 {
      %mul3A_38 = arith.constant 64 : i32
      %mul3A_39 = arith.muli %scan3A_37, %mul3A_38 : i32
      %add3A_40 = arith.addi %mul3A_0, %mul3A_39 : i32
      "tpu.region"() ({
        %run_scoped3A_42 = tpu.sem_alloc : memref<!tpu.dma_semaphore, #tpu.memory_space<semaphore_mem>>
        %dma_start3A_43 = arith.constant 0 : i32
        %dma_start3A_44 = tpu.memref_slice %arg15[%add3A_40, %dma_start3A_43] : memref<50176x8xf32, #tpu.memory_space<vmem_shared>> -> memref<64x8xf32, #tpu.memory_space<vmem_shared>>
        %dma_start3A_45 = arith.constant 0 : i32
        %dma_start3A_46 = tpu.memref_slice %arg15[%add3A_40, %dma_start3A_45] : memref<50176x8xf32, #tpu.memory_space<vmem_shared>> -> memref<64x8xf32, #tpu.memory_space<vmem_shared>>
        tpu.enqueue_dma source(%dma_start3A_46 : memref<64x8xf32, #tpu.memory_space<vmem_shared>>) target(%arg12 : memref<64x8xf32, #tpu.memory_space<vmem>>) target_semaphore(%run_scoped3A_42 : memref<!tpu.dma_semaphore, #tpu.memory_space<semaphore_mem>>)
        %dma_wait3A_47 = arith.constant 0 : i32
        %dma_wait3A_48 = tpu.memref_slice %arg15[%add3A_40, %dma_wait3A_47] : memref<50176x8xf32, #tpu.memory_space<vmem_shared>> -> memref<64x8xf32, #tpu.memory_space<vmem_shared>>
        %dma_wait3A_49 = arith.constant 0 : i32
        %dma_wait3A_50 = tpu.memref_slice %arg15[%add3A_40, %dma_wait3A_49] : memref<50176x8xf32, #tpu.memory_space<vmem_shared>> -> memref<64x8xf32, #tpu.memory_space<vmem_shared>>
        tpu.wait_dma2 semaphore(%run_scoped3A_42 : memref<!tpu.dma_semaphore, #tpu.memory_space<semaphore_mem>>) src(%dma_wait3A_50 : memref<64x8xf32, #tpu.memory_space<vmem_shared>>) dst(%arg12 : memref<64x8xf32, #tpu.memory_space<vmem>>)
        tpu.yield
      }) : () -> ()
      %run_scoped3A_41 = arith.constant 0 : i32
      "tpu.region"() ({
        %run_scoped3A_42 = tpu.sem_alloc : memref<!tpu.dma_semaphore, #tpu.memory_space<semaphore_mem>>
        %dma_start3A_43 = arith.constant 0 : i32
        %dma_start3A_44 = tpu.memref_slice %arg7[%run_scoped3A_41, %arg0, %add3A_40, %dma_start3A_43] : memref<1x2x50176x8xf32, #tpu.memory_space<hbm>> -> memref<1x1x64x8xf32, #tpu.memory_space<hbm>>
        %dma_start3A_45 = tpu.memref_squeeze %dma_start3A_44 : memref<1x1x64x8xf32, #tpu.memory_space<hbm>> -> memref<64x8xf32, #tpu.memory_space<hbm>>
        %dma_start3A_46 = arith.constant 0 : i32
        %dma_start3A_47 = tpu.memref_slice %arg7[%run_scoped3A_41, %arg0, %add3A_40, %dma_start3A_46] : memref<1x2x50176x8xf32, #tpu.memory_space<hbm>> -> memref<1x1x64x8xf32, #tpu.memory_space<hbm>>
        %dma_start3A_48 = tpu.memref_squeeze %dma_start3A_47 : memref<1x1x64x8xf32, #tpu.memory_space<hbm>> -> memref<64x8xf32, #tpu.memory_space<hbm>>
        tpu.enqueue_dma source(%arg12 : memref<64x8xf32, #tpu.memory_space<vmem>>) target(%dma_start3A_48 : memref<64x8xf32, #tpu.memory_space<hbm>>) target_semaphore(%run_scoped3A_42 : memref<!tpu.dma_semaphore, #tpu.memory_space<semaphore_mem>>)
        %dma_wait3A_49 = arith.constant 0 : i32
        %dma_wait3A_50 = tpu.memref_slice %arg7[%run_scoped3A_41, %arg0, %add3A_40, %dma_wait3A_49] : memref<1x2x50176x8xf32, #tpu.memory_space<hbm>> -> memref<1x1x64x8xf32, #tpu.memory_space<hbm>>
        %dma_wait3A_51 = tpu.memref_squeeze %dma_wait3A_50 : memref<1x1x64x8xf32, #tpu.memory_space<hbm>> -> memref<64x8xf32, #tpu.memory_space<hbm>>
        %dma_wait3A_52 = arith.constant 0 : i32
        %dma_wait3A_53 = tpu.memref_slice %arg7[%run_scoped3A_41, %arg0, %add3A_40, %dma_wait3A_52] : memref<1x2x50176x8xf32, #tpu.memory_space<hbm>> -> memref<1x1x64x8xf32, #tpu.memory_space<hbm>>
        %dma_wait3A_54 = tpu.memref_squeeze %dma_wait3A_53 : memref<1x1x64x8xf32, #tpu.memory_space<hbm>> -> memref<64x8xf32, #tpu.memory_space<hbm>>
        tpu.wait_dma2 semaphore(%run_scoped3A_42 : memref<!tpu.dma_semaphore, #tpu.memory_space<semaphore_mem>>) src(%arg12 : memref<64x8xf32, #tpu.memory_space<vmem>>) dst(%dma_wait3A_54 : memref<64x8xf32, #tpu.memory_space<hbm>>)
        tpu.yield
      }) : () -> ()
    }
    %scan3A_36 = arith.constant 49 : i32
    return
  }
}

#map = affine_map<(d0, d1) -> (0, 0, 0)>
#map1 = affine_map<(d0, d1) -> (0, 0)>
#map2 = affine_map<(d0, d1) -> (0, 0, 0, 0)>
module attributes {stable_mosaic.version = 14 : i64} {
  func.func @body(%arg0: i32, %arg1: i32, %arg2: memref<32x49x512xi32, #tpu.memory_space<hbm>>, %arg3: memref<32x49x512xi32, #tpu.memory_space<hbm>>, %arg4: memref<200000x16xf32, #tpu.memory_space<hbm>>, %arg5: memref<64x16xf32, #tpu.memory_space<hbm>>, %arg6: memref<2x16xi32, #tpu.memory_space<hbm>>, %arg7: memref<4x2x50176x16xf32, #tpu.memory_space<hbm>>, %arg8: memref<49x512xi32, #tpu.memory_space<vmem>>, %arg9: memref<49x512xi32, #tpu.memory_space<vmem>>, %arg10: memref<512x16xf32, #tpu.memory_space<vmem>>, %arg11: memref<512x16xf32, #tpu.memory_space<vmem>>, %arg12: memref<64x16xf32, #tpu.memory_space<vmem>>, %arg13: memref<64x16xf32, #tpu.memory_space<vmem>>, %arg14: memref<2x16xi32, #tpu.memory_space<vmem>>, %arg15: memref<50176x16xf32, #tpu.memory_space<vmem_shared>>, %arg16: memref<!tpu.dma_semaphore, #tpu.memory_space<semaphore_mem>>, %arg17: memref<!tpu.dma_semaphore, #tpu.memory_space<semaphore_mem>>) attributes {dimension_semantics = [#tpu.dimension_semantics<core_parallel>, #tpu.dimension_semantics<subcore_parallel>], iteration_bounds = array<i64: 2, 16>, scalar_prefetch = 0 : i64, scratch_operands = 10 : i64, tpu.core_type = #tpu.core_type<sc_vector_subcore>, window_params = [{transform_indices = #map}, {transform_indices = #map}, {transform_indices = #map1}, {transform_indices = #map1}, {transform_indices = #map1}, {transform_indices = #map2}]} {
    "tpu.region"() ({
      %run_scoped3A_153 = tpu.sem_alloc : memref<!tpu.dma_semaphore, #tpu.memory_space<semaphore_mem>>
      tpu.enqueue_dma source(%arg5 : memref<64x16xf32, #tpu.memory_space<hbm>>) target(%arg13 : memref<64x16xf32, #tpu.memory_space<vmem>>) target_semaphore(%run_scoped3A_153 : memref<!tpu.dma_semaphore, #tpu.memory_space<semaphore_mem>>)
      tpu.wait_dma2 semaphore(%run_scoped3A_153 : memref<!tpu.dma_semaphore, #tpu.memory_space<semaphore_mem>>) src(%arg5 : memref<64x16xf32, #tpu.memory_space<hbm>>) dst(%arg13 : memref<64x16xf32, #tpu.memory_space<vmem>>)
      tpu.yield
    }) : () -> ()
    %mul3A = arith.constant 3136 : i32
    %mul3A_0 = arith.muli %arg1, %mul3A : i32
    %scan3A = arith.constant 0 : i32
    %scan3A_1 = arith.constant 0 : i32
    %scan3A_2 = arith.constant 49 : i32
    %scan3A_3 = arith.addi %scan3A_1, %scan3A_2 : i32
    %scan3A_4 = arith.constant 1 : i32
    scf.for %scan3A_153 = %scan3A_1 to %scan3A_3 step %scan3A_4  : i32 {
      %mul3A_154 = arith.constant 64 : i32
      %mul3A_155 = arith.muli %scan3A_153, %mul3A_154 : i32
      %add3A_156 = arith.addi %mul3A_0, %mul3A_155 : i32
      "tpu.region"() ({
        %run_scoped3A_157 = tpu.sem_alloc : memref<!tpu.dma_semaphore, #tpu.memory_space<semaphore_mem>>
        %dma_start3A_158 = arith.constant 0 : i32
        %dma_start3A_159 = tpu.memref_slice %arg15[%add3A_156, %dma_start3A_158] : memref<50176x16xf32, #tpu.memory_space<vmem_shared>> -> memref<64x16xf32, #tpu.memory_space<vmem_shared>>
        %dma_start3A_160 = arith.constant 0 : i32
        %dma_start3A_161 = tpu.memref_slice %arg15[%add3A_156, %dma_start3A_160] : memref<50176x16xf32, #tpu.memory_space<vmem_shared>> -> memref<64x16xf32, #tpu.memory_space<vmem_shared>>
        tpu.enqueue_dma source(%arg13 : memref<64x16xf32, #tpu.memory_space<vmem>>) target(%dma_start3A_161 : memref<64x16xf32, #tpu.memory_space<vmem_shared>>) target_semaphore(%run_scoped3A_157 : memref<!tpu.dma_semaphore, #tpu.memory_space<semaphore_mem>>)
        %dma_wait3A_162 = arith.constant 0 : i32
        %dma_wait3A_163 = tpu.memref_slice %arg15[%add3A_156, %dma_wait3A_162] : memref<50176x16xf32, #tpu.memory_space<vmem_shared>> -> memref<64x16xf32, #tpu.memory_space<vmem_shared>>
        %dma_wait3A_164 = arith.constant 0 : i32
        %dma_wait3A_165 = tpu.memref_slice %arg15[%add3A_156, %dma_wait3A_164] : memref<50176x16xf32, #tpu.memory_space<vmem_shared>> -> memref<64x16xf32, #tpu.memory_space<vmem_shared>>
        tpu.wait_dma2 semaphore(%run_scoped3A_157 : memref<!tpu.dma_semaphore, #tpu.memory_space<semaphore_mem>>) src(%arg13 : memref<64x16xf32, #tpu.memory_space<vmem>>) dst(%dma_wait3A_165 : memref<64x16xf32, #tpu.memory_space<vmem_shared>>)
        tpu.yield
      }) : () -> ()
    }
    %scan3A_5 = arith.constant 49 : i32
    %mul3A_6 = arith.constant 16 : i32
    %mul3A_7 = arith.muli %arg0, %mul3A_6 : i32
    %add3A = arith.addi %mul3A_7, %arg1 : i32
    "tpu.region"() ({
      %run_scoped3A_153 = tpu.sem_alloc : memref<!tpu.dma_semaphore, #tpu.memory_space<semaphore_mem>>
      %dma_start3A_154 = arith.constant 0 : i32
      %dma_start3A_155 = arith.constant 0 : i32
      %dma_start3A_156 = tpu.memref_slice %arg2[%add3A, %dma_start3A_154, %dma_start3A_155] : memref<32x49x512xi32, #tpu.memory_space<hbm>> -> memref<1x49x512xi32, #tpu.memory_space<hbm>>
      %dma_start3A_157 = tpu.memref_squeeze %dma_start3A_156 : memref<1x49x512xi32, #tpu.memory_space<hbm>> -> memref<49x512xi32, #tpu.memory_space<hbm>>
      %dma_start3A_158 = arith.constant 0 : i32
      %dma_start3A_159 = arith.constant 0 : i32
      %dma_start3A_160 = tpu.memref_slice %arg2[%add3A, %dma_start3A_158, %dma_start3A_159] : memref<32x49x512xi32, #tpu.memory_space<hbm>> -> memref<1x49x512xi32, #tpu.memory_space<hbm>>
      %dma_start3A_161 = tpu.memref_squeeze %dma_start3A_160 : memref<1x49x512xi32, #tpu.memory_space<hbm>> -> memref<49x512xi32, #tpu.memory_space<hbm>>
      tpu.enqueue_dma source(%dma_start3A_161 : memref<49x512xi32, #tpu.memory_space<hbm>>) target(%arg8 : memref<49x512xi32, #tpu.memory_space<vmem>>) target_semaphore(%run_scoped3A_153 : memref<!tpu.dma_semaphore, #tpu.memory_space<semaphore_mem>>)
      %dma_wait3A_162 = arith.constant 0 : i32
      %dma_wait3A_163 = arith.constant 0 : i32
      %dma_wait3A_164 = tpu.memref_slice %arg2[%add3A, %dma_wait3A_162, %dma_wait3A_163] : memref<32x49x512xi32, #tpu.memory_space<hbm>> -> memref<1x49x512xi32, #tpu.memory_space<hbm>>
      %dma_wait3A_165 = tpu.memref_squeeze %dma_wait3A_164 : memref<1x49x512xi32, #tpu.memory_space<hbm>> -> memref<49x512xi32, #tpu.memory_space<hbm>>
      %dma_wait3A_166 = arith.constant 0 : i32
      %dma_wait3A_167 = arith.constant 0 : i32
      %dma_wait3A_168 = tpu.memref_slice %arg2[%add3A, %dma_wait3A_166, %dma_wait3A_167] : memref<32x49x512xi32, #tpu.memory_space<hbm>> -> memref<1x49x512xi32, #tpu.memory_space<hbm>>
      %dma_wait3A_169 = tpu.memref_squeeze %dma_wait3A_168 : memref<1x49x512xi32, #tpu.memory_space<hbm>> -> memref<49x512xi32, #tpu.memory_space<hbm>>
      tpu.wait_dma2 semaphore(%run_scoped3A_153 : memref<!tpu.dma_semaphore, #tpu.memory_space<semaphore_mem>>) src(%dma_wait3A_169 : memref<49x512xi32, #tpu.memory_space<hbm>>) dst(%arg8 : memref<49x512xi32, #tpu.memory_space<vmem>>)
      tpu.yield
    }) : () -> ()
    "tpu.region"() ({
      %run_scoped3A_153 = tpu.sem_alloc : memref<!tpu.dma_semaphore, #tpu.memory_space<semaphore_mem>>
      %dma_start3A_154 = arith.constant 0 : i32
      %dma_start3A_155 = arith.constant 0 : i32
      %dma_start3A_156 = tpu.memref_slice %arg3[%add3A, %dma_start3A_154, %dma_start3A_155] : memref<32x49x512xi32, #tpu.memory_space<hbm>> -> memref<1x49x512xi32, #tpu.memory_space<hbm>>
      %dma_start3A_157 = tpu.memref_squeeze %dma_start3A_156 : memref<1x49x512xi32, #tpu.memory_space<hbm>> -> memref<49x512xi32, #tpu.memory_space<hbm>>
      %dma_start3A_158 = arith.constant 0 : i32
      %dma_start3A_159 = arith.constant 0 : i32
      %dma_start3A_160 = tpu.memref_slice %arg3[%add3A, %dma_start3A_158, %dma_start3A_159] : memref<32x49x512xi32, #tpu.memory_space<hbm>> -> memref<1x49x512xi32, #tpu.memory_space<hbm>>
      %dma_start3A_161 = tpu.memref_squeeze %dma_start3A_160 : memref<1x49x512xi32, #tpu.memory_space<hbm>> -> memref<49x512xi32, #tpu.memory_space<hbm>>
      tpu.enqueue_dma source(%dma_start3A_161 : memref<49x512xi32, #tpu.memory_space<hbm>>) target(%arg9 : memref<49x512xi32, #tpu.memory_space<vmem>>) target_semaphore(%run_scoped3A_153 : memref<!tpu.dma_semaphore, #tpu.memory_space<semaphore_mem>>)
      %dma_wait3A_162 = arith.constant 0 : i32
      %dma_wait3A_163 = arith.constant 0 : i32
      %dma_wait3A_164 = tpu.memref_slice %arg3[%add3A, %dma_wait3A_162, %dma_wait3A_163] : memref<32x49x512xi32, #tpu.memory_space<hbm>> -> memref<1x49x512xi32, #tpu.memory_space<hbm>>
      %dma_wait3A_165 = tpu.memref_squeeze %dma_wait3A_164 : memref<1x49x512xi32, #tpu.memory_space<hbm>> -> memref<49x512xi32, #tpu.memory_space<hbm>>
      %dma_wait3A_166 = arith.constant 0 : i32
      %dma_wait3A_167 = arith.constant 0 : i32
      %dma_wait3A_168 = tpu.memref_slice %arg3[%add3A, %dma_wait3A_166, %dma_wait3A_167] : memref<32x49x512xi32, #tpu.memory_space<hbm>> -> memref<1x49x512xi32, #tpu.memory_space<hbm>>
      %dma_wait3A_169 = tpu.memref_squeeze %dma_wait3A_168 : memref<1x49x512xi32, #tpu.memory_space<hbm>> -> memref<49x512xi32, #tpu.memory_space<hbm>>
      tpu.wait_dma2 semaphore(%run_scoped3A_153 : memref<!tpu.dma_semaphore, #tpu.memory_space<semaphore_mem>>) src(%dma_wait3A_169 : memref<49x512xi32, #tpu.memory_space<hbm>>) dst(%arg9 : memref<49x512xi32, #tpu.memory_space<vmem>>)
      tpu.yield
    }) : () -> ()
    "tpu.region"() ({
      %run_scoped3A_153 = tpu.sem_alloc : memref<!tpu.dma_semaphore, #tpu.memory_space<semaphore_mem>>
      tpu.enqueue_dma source(%arg6 : memref<2x16xi32, #tpu.memory_space<hbm>>) target(%arg14 : memref<2x16xi32, #tpu.memory_space<vmem>>) target_semaphore(%run_scoped3A_153 : memref<!tpu.dma_semaphore, #tpu.memory_space<semaphore_mem>>)
      tpu.wait_dma2 semaphore(%run_scoped3A_153 : memref<!tpu.dma_semaphore, #tpu.memory_space<semaphore_mem>>) src(%arg6 : memref<2x16xi32, #tpu.memory_space<hbm>>) dst(%arg14 : memref<2x16xi32, #tpu.memory_space<vmem>>)
      tpu.yield
    }) : () -> ()
    %get3A = arith.constant 0 : i32
    %get3A_8 = arith.index_cast %get3A : i32 to index
    %get3A_9 = arith.constant 0 : index
    %get3A_10 = tpu.vector_load %arg14[%get3A_8, %get3A_9] {strides = array<i32>} : memref<2x16xi32, #tpu.memory_space<vmem>>, vector<1x16xi32>,
    %get3A_11 = vector.shape_cast %get3A_10 : vector<1x16xi32> to vector<16xi32>
    %scan3A_12 = arith.constant 0 : i32
    %scan3A_13 = arith.constant 0 : i32
    %scan3A_14 = arith.constant 49 : i32
    %scan3A_15 = arith.addi %scan3A_13, %scan3A_14 : i32
    %scan3A_16 = arith.constant 1 : i32
    scf.for %scan3A_153 = %scan3A_13 to %scan3A_15 step %scan3A_16  : i32 {
      %get3A_154 = arith.index_cast %scan3A_153 : i32 to index
      %get3A_155 = arith.constant 0 : index
      %get3A_156 = tpu.vector_load %arg8[%get3A_154, %get3A_155] {strides = array<i32>} : memref<49x512xi32, #tpu.memory_space<vmem>>, vector<1x16xi32>,
      %get3A_157 = vector.shape_cast %get3A_156 : vector<1x16xi32> to vector<16xi32>
      %mul3A_158 = arith.muli %get3A_157, %get3A_11 : vector<16xi32>
      %swap3A = arith.index_cast %scan3A_153 : i32 to index
      %swap3A_159 = arith.constant 0 : index
      %swap3A_160 = tpu.vector_load %arg8[%swap3A, %swap3A_159] {strides = array<i32>} : memref<49x512xi32, #tpu.memory_space<vmem>>, vector<1x16xi32>,
      %swap3A_161 = vector.shape_cast %swap3A_160 : vector<1x16xi32> to vector<16xi32>
      %swap3A_162 = vector.shape_cast %mul3A_158 : vector<16xi32> to vector<1x16xi32>
      tpu.vector_store %arg8[%swap3A, %swap3A_159], %swap3A_162 {strides = array<i32>} : memref<49x512xi32, #tpu.memory_space<vmem>>, vector<1x16xi32>,
      %get3A_163 = arith.index_cast %scan3A_153 : i32 to index
      %get3A_164 = arith.constant 16 : index
      %get3A_165 = tpu.vector_load %arg8[%get3A_163, %get3A_164] {strides = array<i32>} : memref<49x512xi32, #tpu.memory_space<vmem>>, vector<1x16xi32>,
      %get3A_166 = vector.shape_cast %get3A_165 : vector<1x16xi32> to vector<16xi32>
      %mul3A_167 = arith.muli %get3A_166, %get3A_11 : vector<16xi32>
      %swap3A_168 = arith.index_cast %scan3A_153 : i32 to index
      %swap3A_169 = arith.constant 16 : index
      %swap3A_170 = tpu.vector_load %arg8[%swap3A_168, %swap3A_169] {strides = array<i32>} : memref<49x512xi32, #tpu.memory_space<vmem>>, vector<1x16xi32>,
      %swap3A_171 = vector.shape_cast %swap3A_170 : vector<1x16xi32> to vector<16xi32>
      %swap3A_172 = vector.shape_cast %mul3A_167 : vector<16xi32> to vector<1x16xi32>
      tpu.vector_store %arg8[%swap3A_168, %swap3A_169], %swap3A_172 {strides = array<i32>} : memref<49x512xi32, #tpu.memory_space<vmem>>, vector<1x16xi32>,
      %get3A_173 = arith.index_cast %scan3A_153 : i32 to index
      %get3A_174 = arith.constant 32 : index
      %get3A_175 = tpu.vector_load %arg8[%get3A_173, %get3A_174] {strides = array<i32>} : memref<49x512xi32, #tpu.memory_space<vmem>>, vector<1x16xi32>,
      %get3A_176 = vector.shape_cast %get3A_175 : vector<1x16xi32> to vector<16xi32>
      %mul3A_177 = arith.muli %get3A_176, %get3A_11 : vector<16xi32>
      %swap3A_178 = arith.index_cast %scan3A_153 : i32 to index
      %swap3A_179 = arith.constant 32 : index
      %swap3A_180 = tpu.vector_load %arg8[%swap3A_178, %swap3A_179] {strides = array<i32>} : memref<49x512xi32, #tpu.memory_space<vmem>>, vector<1x16xi32>,
      %swap3A_181 = vector.shape_cast %swap3A_180 : vector<1x16xi32> to vector<16xi32>
      %swap3A_182 = vector.shape_cast %mul3A_177 : vector<16xi32> to vector<1x16xi32>
      tpu.vector_store %arg8[%swap3A_178, %swap3A_179], %swap3A_182 {strides = array<i32>} : memref<49x512xi32, #tpu.memory_space<vmem>>, vector<1x16xi32>,
      %get3A_183 = arith.index_cast %scan3A_153 : i32 to index
      %get3A_184 = arith.constant 48 : index
      %get3A_185 = tpu.vector_load %arg8[%get3A_183, %get3A_184] {strides = array<i32>} : memref<49x512xi32, #tpu.memory_space<vmem>>, vector<1x16xi32>,
      %get3A_186 = vector.shape_cast %get3A_185 : vector<1x16xi32> to vector<16xi32>
      %mul3A_187 = arith.muli %get3A_186, %get3A_11 : vector<16xi32>
      %swap3A_188 = arith.index_cast %scan3A_153 : i32 to index
      %swap3A_189 = arith.constant 48 : index
      %swap3A_190 = tpu.vector_load %arg8[%swap3A_188, %swap3A_189] {strides = array<i32>} : memref<49x512xi32, #tpu.memory_space<vmem>>, vector<1x16xi32>,
      %swap3A_191 = vector.shape_cast %swap3A_190 : vector<1x16xi32> to vector<16xi32>
      %swap3A_192 = vector.shape_cast %mul3A_187 : vector<16xi32> to vector<1x16xi32>
      tpu.vector_store %arg8[%swap3A_188, %swap3A_189], %swap3A_192 {strides = array<i32>} : memref<49x512xi32, #tpu.memory_space<vmem>>, vector<1x16xi32>,
      %get3A_193 = arith.index_cast %scan3A_153 : i32 to index
      %get3A_194 = arith.constant 64 : index
      %get3A_195 = tpu.vector_load %arg8[%get3A_193, %get3A_194] {strides = array<i32>} : memref<49x512xi32, #tpu.memory_space<vmem>>, vector<1x16xi32>,
      %get3A_196 = vector.shape_cast %get3A_195 : vector<1x16xi32> to vector<16xi32>
      %mul3A_197 = arith.muli %get3A_196, %get3A_11 : vector<16xi32>
      %swap3A_198 = arith.index_cast %scan3A_153 : i32 to index
      %swap3A_199 = arith.constant 64 : index
      %swap3A_200 = tpu.vector_load %arg8[%swap3A_198, %swap3A_199] {strides = array<i32>} : memref<49x512xi32, #tpu.memory_space<vmem>>, vector<1x16xi32>,
      %swap3A_201 = vector.shape_cast %swap3A_200 : vector<1x16xi32> to vector<16xi32>
      %swap3A_202 = vector.shape_cast %mul3A_197 : vector<16xi32> to vector<1x16xi32>
      tpu.vector_store %arg8[%swap3A_198, %swap3A_199], %swap3A_202 {strides = array<i32>} : memref<49x512xi32, #tpu.memory_space<vmem>>, vector<1x16xi32>,
      %get3A_203 = arith.index_cast %scan3A_153 : i32 to index
      %get3A_204 = arith.constant 80 : index
      %get3A_205 = tpu.vector_load %arg8[%get3A_203, %get3A_204] {strides = array<i32>} : memref<49x512xi32, #tpu.memory_space<vmem>>, vector<1x16xi32>,
      %get3A_206 = vector.shape_cast %get3A_205 : vector<1x16xi32> to vector<16xi32>
      %mul3A_207 = arith.muli %get3A_206, %get3A_11 : vector<16xi32>
      %swap3A_208 = arith.index_cast %scan3A_153 : i32 to index
      %swap3A_209 = arith.constant 80 : index
      %swap3A_210 = tpu.vector_load %arg8[%swap3A_208, %swap3A_209] {strides = array<i32>} : memref<49x512xi32, #tpu.memory_space<vmem>>, vector<1x16xi32>,
      %swap3A_211 = vector.shape_cast %swap3A_210 : vector<1x16xi32> to vector<16xi32>
      %swap3A_212 = vector.shape_cast %mul3A_207 : vector<16xi32> to vector<1x16xi32>
      tpu.vector_store %arg8[%swap3A_208, %swap3A_209], %swap3A_212 {strides = array<i32>} : memref<49x512xi32, #tpu.memory_space<vmem>>, vector<1x16xi32>,
      %get3A_213 = arith.index_cast %scan3A_153 : i32 to index
      %get3A_214 = arith.constant 96 : index
      %get3A_215 = tpu.vector_load %arg8[%get3A_213, %get3A_214] {strides = array<i32>} : memref<49x512xi32, #tpu.memory_space<vmem>>, vector<1x16xi32>,
      %get3A_216 = vector.shape_cast %get3A_215 : vector<1x16xi32> to vector<16xi32>
      %mul3A_217 = arith.muli %get3A_216, %get3A_11 : vector<16xi32>
      %swap3A_218 = arith.index_cast %scan3A_153 : i32 to index
      %swap3A_219 = arith.constant 96 : index
      %swap3A_220 = tpu.vector_load %arg8[%swap3A_218, %swap3A_219] {strides = array<i32>} : memref<49x512xi32, #tpu.memory_space<vmem>>, vector<1x16xi32>,
      %swap3A_221 = vector.shape_cast %swap3A_220 : vector<1x16xi32> to vector<16xi32>
      %swap3A_222 = vector.shape_cast %mul3A_217 : vector<16xi32> to vector<1x16xi32>
      tpu.vector_store %arg8[%swap3A_218, %swap3A_219], %swap3A_222 {strides = array<i32>} : memref<49x512xi32, #tpu.memory_space<vmem>>, vector<1x16xi32>,
      %get3A_223 = arith.index_cast %scan3A_153 : i32 to index
      %get3A_224 = arith.constant 112 : index
      %get3A_225 = tpu.vector_load %arg8[%get3A_223, %get3A_224] {strides = array<i32>} : memref<49x512xi32, #tpu.memory_space<vmem>>, vector<1x16xi32>,
      %get3A_226 = vector.shape_cast %get3A_225 : vector<1x16xi32> to vector<16xi32>
      %mul3A_227 = arith.muli %get3A_226, %get3A_11 : vector<16xi32>
      %swap3A_228 = arith.index_cast %scan3A_153 : i32 to index
      %swap3A_229 = arith.constant 112 : index
      %swap3A_230 = tpu.vector_load %arg8[%swap3A_228, %swap3A_229] {strides = array<i32>} : memref<49x512xi32, #tpu.memory_space<vmem>>, vector<1x16xi32>,
      %swap3A_231 = vector.shape_cast %swap3A_230 : vector<1x16xi32> to vector<16xi32>
      %swap3A_232 = vector.shape_cast %mul3A_227 : vector<16xi32> to vector<1x16xi32>
      tpu.vector_store %arg8[%swap3A_228, %swap3A_229], %swap3A_232 {strides = array<i32>} : memref<49x512xi32, #tpu.memory_space<vmem>>, vector<1x16xi32>,
      %get3A_233 = arith.index_cast %scan3A_153 : i32 to index
      %get3A_234 = arith.constant 128 : index
      %get3A_235 = tpu.vector_load %arg8[%get3A_233, %get3A_234] {strides = array<i32>} : memref<49x512xi32, #tpu.memory_space<vmem>>, vector<1x16xi32>,
      %get3A_236 = vector.shape_cast %get3A_235 : vector<1x16xi32> to vector<16xi32>
      %mul3A_237 = arith.muli %get3A_236, %get3A_11 : vector<16xi32>
      %swap3A_238 = arith.index_cast %scan3A_153 : i32 to index
      %swap3A_239 = arith.constant 128 : index
      %swap3A_240 = tpu.vector_load %arg8[%swap3A_238, %swap3A_239] {strides = array<i32>} : memref<49x512xi32, #tpu.memory_space<vmem>>, vector<1x16xi32>,
      %swap3A_241 = vector.shape_cast %swap3A_240 : vector<1x16xi32> to vector<16xi32>
      %swap3A_242 = vector.shape_cast %mul3A_237 : vector<16xi32> to vector<1x16xi32>
      tpu.vector_store %arg8[%swap3A_238, %swap3A_239], %swap3A_242 {strides = array<i32>} : memref<49x512xi32, #tpu.memory_space<vmem>>, vector<1x16xi32>,
      %get3A_243 = arith.index_cast %scan3A_153 : i32 to index
      %get3A_244 = arith.constant 144 : index
      %get3A_245 = tpu.vector_load %arg8[%get3A_243, %get3A_244] {strides = array<i32>} : memref<49x512xi32, #tpu.memory_space<vmem>>, vector<1x16xi32>,
      %get3A_246 = vector.shape_cast %get3A_245 : vector<1x16xi32> to vector<16xi32>
      %mul3A_247 = arith.muli %get3A_246, %get3A_11 : vector<16xi32>
      %swap3A_248 = arith.index_cast %scan3A_153 : i32 to index
      %swap3A_249 = arith.constant 144 : index
      %swap3A_250 = tpu.vector_load %arg8[%swap3A_248, %swap3A_249] {strides = array<i32>} : memref<49x512xi32, #tpu.memory_space<vmem>>, vector<1x16xi32>,
      %swap3A_251 = vector.shape_cast %swap3A_250 : vector<1x16xi32> to vector<16xi32>
      %swap3A_252 = vector.shape_cast %mul3A_247 : vector<16xi32> to vector<1x16xi32>
      tpu.vector_store %arg8[%swap3A_248, %swap3A_249], %swap3A_252 {strides = array<i32>} : memref<49x512xi32, #tpu.memory_space<vmem>>, vector<1x16xi32>,
      %get3A_253 = arith.index_cast %scan3A_153 : i32 to index
      %get3A_254 = arith.constant 160 : index
      %get3A_255 = tpu.vector_load %arg8[%get3A_253, %get3A_254] {strides = array<i32>} : memref<49x512xi32, #tpu.memory_space<vmem>>, vector<1x16xi32>,
      %get3A_256 = vector.shape_cast %get3A_255 : vector<1x16xi32> to vector<16xi32>
      %mul3A_257 = arith.muli %get3A_256, %get3A_11 : vector<16xi32>
      %swap3A_258 = arith.index_cast %scan3A_153 : i32 to index
      %swap3A_259 = arith.constant 160 : index
      %swap3A_260 = tpu.vector_load %arg8[%swap3A_258, %swap3A_259] {strides = array<i32>} : memref<49x512xi32, #tpu.memory_space<vmem>>, vector<1x16xi32>,
      %swap3A_261 = vector.shape_cast %swap3A_260 : vector<1x16xi32> to vector<16xi32>
      %swap3A_262 = vector.shape_cast %mul3A_257 : vector<16xi32> to vector<1x16xi32>
      tpu.vector_store %arg8[%swap3A_258, %swap3A_259], %swap3A_262 {strides = array<i32>} : memref<49x512xi32, #tpu.memory_space<vmem>>, vector<1x16xi32>,
      %get3A_263 = arith.index_cast %scan3A_153 : i32 to index
      %get3A_264 = arith.constant 176 : index
      %get3A_265 = tpu.vector_load %arg8[%get3A_263, %get3A_264] {strides = array<i32>} : memref<49x512xi32, #tpu.memory_space<vmem>>, vector<1x16xi32>,
      %get3A_266 = vector.shape_cast %get3A_265 : vector<1x16xi32> to vector<16xi32>
      %mul3A_267 = arith.muli %get3A_266, %get3A_11 : vector<16xi32>
      %swap3A_268 = arith.index_cast %scan3A_153 : i32 to index
      %swap3A_269 = arith.constant 176 : index
      %swap3A_270 = tpu.vector_load %arg8[%swap3A_268, %swap3A_269] {strides = array<i32>} : memref<49x512xi32, #tpu.memory_space<vmem>>, vector<1x16xi32>,
      %swap3A_271 = vector.shape_cast %swap3A_270 : vector<1x16xi32> to vector<16xi32>
      %swap3A_272 = vector.shape_cast %mul3A_267 : vector<16xi32> to vector<1x16xi32>
      tpu.vector_store %arg8[%swap3A_268, %swap3A_269], %swap3A_272 {strides = array<i32>} : memref<49x512xi32, #tpu.memory_space<vmem>>, vector<1x16xi32>,
      %get3A_273 = arith.index_cast %scan3A_153 : i32 to index
      %get3A_274 = arith.constant 192 : index
      %get3A_275 = tpu.vector_load %arg8[%get3A_273, %get3A_274] {strides = array<i32>} : memref<49x512xi32, #tpu.memory_space<vmem>>, vector<1x16xi32>,
      %get3A_276 = vector.shape_cast %get3A_275 : vector<1x16xi32> to vector<16xi32>
      %mul3A_277 = arith.muli %get3A_276, %get3A_11 : vector<16xi32>
      %swap3A_278 = arith.index_cast %scan3A_153 : i32 to index
      %swap3A_279 = arith.constant 192 : index
      %swap3A_280 = tpu.vector_load %arg8[%swap3A_278, %swap3A_279] {strides = array<i32>} : memref<49x512xi32, #tpu.memory_space<vmem>>, vector<1x16xi32>,
      %swap3A_281 = vector.shape_cast %swap3A_280 : vector<1x16xi32> to vector<16xi32>
      %swap3A_282 = vector.shape_cast %mul3A_277 : vector<16xi32> to vector<1x16xi32>
      tpu.vector_store %arg8[%swap3A_278, %swap3A_279], %swap3A_282 {strides = array<i32>} : memref<49x512xi32, #tpu.memory_space<vmem>>, vector<1x16xi32>,
      %get3A_283 = arith.index_cast %scan3A_153 : i32 to index
      %get3A_284 = arith.constant 208 : index
      %get3A_285 = tpu.vector_load %arg8[%get3A_283, %get3A_284] {strides = array<i32>} : memref<49x512xi32, #tpu.memory_space<vmem>>, vector<1x16xi32>,
      %get3A_286 = vector.shape_cast %get3A_285 : vector<1x16xi32> to vector<16xi32>
      %mul3A_287 = arith.muli %get3A_286, %get3A_11 : vector<16xi32>
      %swap3A_288 = arith.index_cast %scan3A_153 : i32 to index
      %swap3A_289 = arith.constant 208 : index
      %swap3A_290 = tpu.vector_load %arg8[%swap3A_288, %swap3A_289] {strides = array<i32>} : memref<49x512xi32, #tpu.memory_space<vmem>>, vector<1x16xi32>,
      %swap3A_291 = vector.shape_cast %swap3A_290 : vector<1x16xi32> to vector<16xi32>
      %swap3A_292 = vector.shape_cast %mul3A_287 : vector<16xi32> to vector<1x16xi32>
      tpu.vector_store %arg8[%swap3A_288, %swap3A_289], %swap3A_292 {strides = array<i32>} : memref<49x512xi32, #tpu.memory_space<vmem>>, vector<1x16xi32>,
      %get3A_293 = arith.index_cast %scan3A_153 : i32 to index
      %get3A_294 = arith.constant 224 : index
      %get3A_295 = tpu.vector_load %arg8[%get3A_293, %get3A_294] {strides = array<i32>} : memref<49x512xi32, #tpu.memory_space<vmem>>, vector<1x16xi32>,
      %get3A_296 = vector.shape_cast %get3A_295 : vector<1x16xi32> to vector<16xi32>
      %mul3A_297 = arith.muli %get3A_296, %get3A_11 : vector<16xi32>
      %swap3A_298 = arith.index_cast %scan3A_153 : i32 to index
      %swap3A_299 = arith.constant 224 : index
      %swap3A_300 = tpu.vector_load %arg8[%swap3A_298, %swap3A_299] {strides = array<i32>} : memref<49x512xi32, #tpu.memory_space<vmem>>, vector<1x16xi32>,
      %swap3A_301 = vector.shape_cast %swap3A_300 : vector<1x16xi32> to vector<16xi32>
      %swap3A_302 = vector.shape_cast %mul3A_297 : vector<16xi32> to vector<1x16xi32>
      tpu.vector_store %arg8[%swap3A_298, %swap3A_299], %swap3A_302 {strides = array<i32>} : memref<49x512xi32, #tpu.memory_space<vmem>>, vector<1x16xi32>,
      %get3A_303 = arith.index_cast %scan3A_153 : i32 to index
      %get3A_304 = arith.constant 240 : index
      %get3A_305 = tpu.vector_load %arg8[%get3A_303, %get3A_304] {strides = array<i32>} : memref<49x512xi32, #tpu.memory_space<vmem>>, vector<1x16xi32>,
      %get3A_306 = vector.shape_cast %get3A_305 : vector<1x16xi32> to vector<16xi32>
      %mul3A_307 = arith.muli %get3A_306, %get3A_11 : vector<16xi32>
      %swap3A_308 = arith.index_cast %scan3A_153 : i32 to index
      %swap3A_309 = arith.constant 240 : index
      %swap3A_310 = tpu.vector_load %arg8[%swap3A_308, %swap3A_309] {strides = array<i32>} : memref<49x512xi32, #tpu.memory_space<vmem>>, vector<1x16xi32>,
      %swap3A_311 = vector.shape_cast %swap3A_310 : vector<1x16xi32> to vector<16xi32>
      %swap3A_312 = vector.shape_cast %mul3A_307 : vector<16xi32> to vector<1x16xi32>
      tpu.vector_store %arg8[%swap3A_308, %swap3A_309], %swap3A_312 {strides = array<i32>} : memref<49x512xi32, #tpu.memory_space<vmem>>, vector<1x16xi32>,
      %get3A_313 = arith.index_cast %scan3A_153 : i32 to index
      %get3A_314 = arith.constant 256 : index
      %get3A_315 = tpu.vector_load %arg8[%get3A_313, %get3A_314] {strides = array<i32>} : memref<49x512xi32, #tpu.memory_space<vmem>>, vector<1x16xi32>,
      %get3A_316 = vector.shape_cast %get3A_315 : vector<1x16xi32> to vector<16xi32>
      %mul3A_317 = arith.muli %get3A_316, %get3A_11 : vector<16xi32>
      %swap3A_318 = arith.index_cast %scan3A_153 : i32 to index
      %swap3A_319 = arith.constant 256 : index
      %swap3A_320 = tpu.vector_load %arg8[%swap3A_318, %swap3A_319] {strides = array<i32>} : memref<49x512xi32, #tpu.memory_space<vmem>>, vector<1x16xi32>,
      %swap3A_321 = vector.shape_cast %swap3A_320 : vector<1x16xi32> to vector<16xi32>
      %swap3A_322 = vector.shape_cast %mul3A_317 : vector<16xi32> to vector<1x16xi32>
      tpu.vector_store %arg8[%swap3A_318, %swap3A_319], %swap3A_322 {strides = array<i32>} : memref<49x512xi32, #tpu.memory_space<vmem>>, vector<1x16xi32>,
      %get3A_323 = arith.index_cast %scan3A_153 : i32 to index
      %get3A_324 = arith.constant 272 : index
      %get3A_325 = tpu.vector_load %arg8[%get3A_323, %get3A_324] {strides = array<i32>} : memref<49x512xi32, #tpu.memory_space<vmem>>, vector<1x16xi32>,
      %get3A_326 = vector.shape_cast %get3A_325 : vector<1x16xi32> to vector<16xi32>
      %mul3A_327 = arith.muli %get3A_326, %get3A_11 : vector<16xi32>
      %swap3A_328 = arith.index_cast %scan3A_153 : i32 to index
      %swap3A_329 = arith.constant 272 : index
      %swap3A_330 = tpu.vector_load %arg8[%swap3A_328, %swap3A_329] {strides = array<i32>} : memref<49x512xi32, #tpu.memory_space<vmem>>, vector<1x16xi32>,
      %swap3A_331 = vector.shape_cast %swap3A_330 : vector<1x16xi32> to vector<16xi32>
      %swap3A_332 = vector.shape_cast %mul3A_327 : vector<16xi32> to vector<1x16xi32>
      tpu.vector_store %arg8[%swap3A_328, %swap3A_329], %swap3A_332 {strides = array<i32>} : memref<49x512xi32, #tpu.memory_space<vmem>>, vector<1x16xi32>,
      %get3A_333 = arith.index_cast %scan3A_153 : i32 to index
      %get3A_334 = arith.constant 288 : index
      %get3A_335 = tpu.vector_load %arg8[%get3A_333, %get3A_334] {strides = array<i32>} : memref<49x512xi32, #tpu.memory_space<vmem>>, vector<1x16xi32>,
      %get3A_336 = vector.shape_cast %get3A_335 : vector<1x16xi32> to vector<16xi32>
      %mul3A_337 = arith.muli %get3A_336, %get3A_11 : vector<16xi32>
      %swap3A_338 = arith.index_cast %scan3A_153 : i32 to index
      %swap3A_339 = arith.constant 288 : index
      %swap3A_340 = tpu.vector_load %arg8[%swap3A_338, %swap3A_339] {strides = array<i32>} : memref<49x512xi32, #tpu.memory_space<vmem>>, vector<1x16xi32>,
      %swap3A_341 = vector.shape_cast %swap3A_340 : vector<1x16xi32> to vector<16xi32>
      %swap3A_342 = vector.shape_cast %mul3A_337 : vector<16xi32> to vector<1x16xi32>
      tpu.vector_store %arg8[%swap3A_338, %swap3A_339], %swap3A_342 {strides = array<i32>} : memref<49x512xi32, #tpu.memory_space<vmem>>, vector<1x16xi32>,
      %get3A_343 = arith.index_cast %scan3A_153 : i32 to index
      %get3A_344 = arith.constant 304 : index
      %get3A_345 = tpu.vector_load %arg8[%get3A_343, %get3A_344] {strides = array<i32>} : memref<49x512xi32, #tpu.memory_space<vmem>>, vector<1x16xi32>,
      %get3A_346 = vector.shape_cast %get3A_345 : vector<1x16xi32> to vector<16xi32>
      %mul3A_347 = arith.muli %get3A_346, %get3A_11 : vector<16xi32>
      %swap3A_348 = arith.index_cast %scan3A_153 : i32 to index
      %swap3A_349 = arith.constant 304 : index
      %swap3A_350 = tpu.vector_load %arg8[%swap3A_348, %swap3A_349] {strides = array<i32>} : memref<49x512xi32, #tpu.memory_space<vmem>>, vector<1x16xi32>,
      %swap3A_351 = vector.shape_cast %swap3A_350 : vector<1x16xi32> to vector<16xi32>
      %swap3A_352 = vector.shape_cast %mul3A_347 : vector<16xi32> to vector<1x16xi32>
      tpu.vector_store %arg8[%swap3A_348, %swap3A_349], %swap3A_352 {strides = array<i32>} : memref<49x512xi32, #tpu.memory_space<vmem>>, vector<1x16xi32>,
      %get3A_353 = arith.index_cast %scan3A_153 : i32 to index
      %get3A_354 = arith.constant 320 : index
      %get3A_355 = tpu.vector_load %arg8[%get3A_353, %get3A_354] {strides = array<i32>} : memref<49x512xi32, #tpu.memory_space<vmem>>, vector<1x16xi32>,
      %get3A_356 = vector.shape_cast %get3A_355 : vector<1x16xi32> to vector<16xi32>
      %mul3A_357 = arith.muli %get3A_356, %get3A_11 : vector<16xi32>
      %swap3A_358 = arith.index_cast %scan3A_153 : i32 to index
      %swap3A_359 = arith.constant 320 : index
      %swap3A_360 = tpu.vector_load %arg8[%swap3A_358, %swap3A_359] {strides = array<i32>} : memref<49x512xi32, #tpu.memory_space<vmem>>, vector<1x16xi32>,
      %swap3A_361 = vector.shape_cast %swap3A_360 : vector<1x16xi32> to vector<16xi32>
      %swap3A_362 = vector.shape_cast %mul3A_357 : vector<16xi32> to vector<1x16xi32>
      tpu.vector_store %arg8[%swap3A_358, %swap3A_359], %swap3A_362 {strides = array<i32>} : memref<49x512xi32, #tpu.memory_space<vmem>>, vector<1x16xi32>,
      %get3A_363 = arith.index_cast %scan3A_153 : i32 to index
      %get3A_364 = arith.constant 336 : index
      %get3A_365 = tpu.vector_load %arg8[%get3A_363, %get3A_364] {strides = array<i32>} : memref<49x512xi32, #tpu.memory_space<vmem>>, vector<1x16xi32>,
      %get3A_366 = vector.shape_cast %get3A_365 : vector<1x16xi32> to vector<16xi32>
      %mul3A_367 = arith.muli %get3A_366, %get3A_11 : vector<16xi32>
      %swap3A_368 = arith.index_cast %scan3A_153 : i32 to index
      %swap3A_369 = arith.constant 336 : index
      %swap3A_370 = tpu.vector_load %arg8[%swap3A_368, %swap3A_369] {strides = array<i32>} : memref<49x512xi32, #tpu.memory_space<vmem>>, vector<1x16xi32>,
      %swap3A_371 = vector.shape_cast %swap3A_370 : vector<1x16xi32> to vector<16xi32>
      %swap3A_372 = vector.shape_cast %mul3A_367 : vector<16xi32> to vector<1x16xi32>
      tpu.vector_store %arg8[%swap3A_368, %swap3A_369], %swap3A_372 {strides = array<i32>} : memref<49x512xi32, #tpu.memory_space<vmem>>, vector<1x16xi32>,
      %get3A_373 = arith.index_cast %scan3A_153 : i32 to index
      %get3A_374 = arith.constant 352 : index
      %get3A_375 = tpu.vector_load %arg8[%get3A_373, %get3A_374] {strides = array<i32>} : memref<49x512xi32, #tpu.memory_space<vmem>>, vector<1x16xi32>,
      %get3A_376 = vector.shape_cast %get3A_375 : vector<1x16xi32> to vector<16xi32>
      %mul3A_377 = arith.muli %get3A_376, %get3A_11 : vector<16xi32>
      %swap3A_378 = arith.index_cast %scan3A_153 : i32 to index
      %swap3A_379 = arith.constant 352 : index
      %swap3A_380 = tpu.vector_load %arg8[%swap3A_378, %swap3A_379] {strides = array<i32>} : memref<49x512xi32, #tpu.memory_space<vmem>>, vector<1x16xi32>,
      %swap3A_381 = vector.shape_cast %swap3A_380 : vector<1x16xi32> to vector<16xi32>
      %swap3A_382 = vector.shape_cast %mul3A_377 : vector<16xi32> to vector<1x16xi32>
      tpu.vector_store %arg8[%swap3A_378, %swap3A_379], %swap3A_382 {strides = array<i32>} : memref<49x512xi32, #tpu.memory_space<vmem>>, vector<1x16xi32>,
      %get3A_383 = arith.index_cast %scan3A_153 : i32 to index
      %get3A_384 = arith.constant 368 : index
      %get3A_385 = tpu.vector_load %arg8[%get3A_383, %get3A_384] {strides = array<i32>} : memref<49x512xi32, #tpu.memory_space<vmem>>, vector<1x16xi32>,
      %get3A_386 = vector.shape_cast %get3A_385 : vector<1x16xi32> to vector<16xi32>
      %mul3A_387 = arith.muli %get3A_386, %get3A_11 : vector<16xi32>
      %swap3A_388 = arith.index_cast %scan3A_153 : i32 to index
      %swap3A_389 = arith.constant 368 : index
      %swap3A_390 = tpu.vector_load %arg8[%swap3A_388, %swap3A_389] {strides = array<i32>} : memref<49x512xi32, #tpu.memory_space<vmem>>, vector<1x16xi32>,
      %swap3A_391 = vector.shape_cast %swap3A_390 : vector<1x16xi32> to vector<16xi32>
      %swap3A_392 = vector.shape_cast %mul3A_387 : vector<16xi32> to vector<1x16xi32>
      tpu.vector_store %arg8[%swap3A_388, %swap3A_389], %swap3A_392 {strides = array<i32>} : memref<49x512xi32, #tpu.memory_space<vmem>>, vector<1x16xi32>,
      %get3A_393 = arith.index_cast %scan3A_153 : i32 to index
      %get3A_394 = arith.constant 384 : index
      %get3A_395 = tpu.vector_load %arg8[%get3A_393, %get3A_394] {strides = array<i32>} : memref<49x512xi32, #tpu.memory_space<vmem>>, vector<1x16xi32>,
      %get3A_396 = vector.shape_cast %get3A_395 : vector<1x16xi32> to vector<16xi32>
      %mul3A_397 = arith.muli %get3A_396, %get3A_11 : vector<16xi32>
      %swap3A_398 = arith.index_cast %scan3A_153 : i32 to index
      %swap3A_399 = arith.constant 384 : index
      %swap3A_400 = tpu.vector_load %arg8[%swap3A_398, %swap3A_399] {strides = array<i32>} : memref<49x512xi32, #tpu.memory_space<vmem>>, vector<1x16xi32>,
      %swap3A_401 = vector.shape_cast %swap3A_400 : vector<1x16xi32> to vector<16xi32>
      %swap3A_402 = vector.shape_cast %mul3A_397 : vector<16xi32> to vector<1x16xi32>
      tpu.vector_store %arg8[%swap3A_398, %swap3A_399], %swap3A_402 {strides = array<i32>} : memref<49x512xi32, #tpu.memory_space<vmem>>, vector<1x16xi32>,
      %get3A_403 = arith.index_cast %scan3A_153 : i32 to index
      %get3A_404 = arith.constant 400 : index
      %get3A_405 = tpu.vector_load %arg8[%get3A_403, %get3A_404] {strides = array<i32>} : memref<49x512xi32, #tpu.memory_space<vmem>>, vector<1x16xi32>,
      %get3A_406 = vector.shape_cast %get3A_405 : vector<1x16xi32> to vector<16xi32>
      %mul3A_407 = arith.muli %get3A_406, %get3A_11 : vector<16xi32>
      %swap3A_408 = arith.index_cast %scan3A_153 : i32 to index
      %swap3A_409 = arith.constant 400 : index
      %swap3A_410 = tpu.vector_load %arg8[%swap3A_408, %swap3A_409] {strides = array<i32>} : memref<49x512xi32, #tpu.memory_space<vmem>>, vector<1x16xi32>,
      %swap3A_411 = vector.shape_cast %swap3A_410 : vector<1x16xi32> to vector<16xi32>
      %swap3A_412 = vector.shape_cast %mul3A_407 : vector<16xi32> to vector<1x16xi32>
      tpu.vector_store %arg8[%swap3A_408, %swap3A_409], %swap3A_412 {strides = array<i32>} : memref<49x512xi32, #tpu.memory_space<vmem>>, vector<1x16xi32>,
      %get3A_413 = arith.index_cast %scan3A_153 : i32 to index
      %get3A_414 = arith.constant 416 : index
      %get3A_415 = tpu.vector_load %arg8[%get3A_413, %get3A_414] {strides = array<i32>} : memref<49x512xi32, #tpu.memory_space<vmem>>, vector<1x16xi32>,
      %get3A_416 = vector.shape_cast %get3A_415 : vector<1x16xi32> to vector<16xi32>
      %mul3A_417 = arith.muli %get3A_416, %get3A_11 : vector<16xi32>
      %swap3A_418 = arith.index_cast %scan3A_153 : i32 to index
      %swap3A_419 = arith.constant 416 : index
      %swap3A_420 = tpu.vector_load %arg8[%swap3A_418, %swap3A_419] {strides = array<i32>} : memref<49x512xi32, #tpu.memory_space<vmem>>, vector<1x16xi32>,
      %swap3A_421 = vector.shape_cast %swap3A_420 : vector<1x16xi32> to vector<16xi32>
      %swap3A_422 = vector.shape_cast %mul3A_417 : vector<16xi32> to vector<1x16xi32>
      tpu.vector_store %arg8[%swap3A_418, %swap3A_419], %swap3A_422 {strides = array<i32>} : memref<49x512xi32, #tpu.memory_space<vmem>>, vector<1x16xi32>,
      %get3A_423 = arith.index_cast %scan3A_153 : i32 to index
      %get3A_424 = arith.constant 432 : index
      %get3A_425 = tpu.vector_load %arg8[%get3A_423, %get3A_424] {strides = array<i32>} : memref<49x512xi32, #tpu.memory_space<vmem>>, vector<1x16xi32>,
      %get3A_426 = vector.shape_cast %get3A_425 : vector<1x16xi32> to vector<16xi32>
      %mul3A_427 = arith.muli %get3A_426, %get3A_11 : vector<16xi32>
      %swap3A_428 = arith.index_cast %scan3A_153 : i32 to index
      %swap3A_429 = arith.constant 432 : index
      %swap3A_430 = tpu.vector_load %arg8[%swap3A_428, %swap3A_429] {strides = array<i32>} : memref<49x512xi32, #tpu.memory_space<vmem>>, vector<1x16xi32>,
      %swap3A_431 = vector.shape_cast %swap3A_430 : vector<1x16xi32> to vector<16xi32>
      %swap3A_432 = vector.shape_cast %mul3A_427 : vector<16xi32> to vector<1x16xi32>
      tpu.vector_store %arg8[%swap3A_428, %swap3A_429], %swap3A_432 {strides = array<i32>} : memref<49x512xi32, #tpu.memory_space<vmem>>, vector<1x16xi32>,
      %get3A_433 = arith.index_cast %scan3A_153 : i32 to index
      %get3A_434 = arith.constant 448 : index
      %get3A_435 = tpu.vector_load %arg8[%get3A_433, %get3A_434] {strides = array<i32>} : memref<49x512xi32, #tpu.memory_space<vmem>>, vector<1x16xi32>,
      %get3A_436 = vector.shape_cast %get3A_435 : vector<1x16xi32> to vector<16xi32>
      %mul3A_437 = arith.muli %get3A_436, %get3A_11 : vector<16xi32>
      %swap3A_438 = arith.index_cast %scan3A_153 : i32 to index
      %swap3A_439 = arith.constant 448 : index
      %swap3A_440 = tpu.vector_load %arg8[%swap3A_438, %swap3A_439] {strides = array<i32>} : memref<49x512xi32, #tpu.memory_space<vmem>>, vector<1x16xi32>,
      %swap3A_441 = vector.shape_cast %swap3A_440 : vector<1x16xi32> to vector<16xi32>
      %swap3A_442 = vector.shape_cast %mul3A_437 : vector<16xi32> to vector<1x16xi32>
      tpu.vector_store %arg8[%swap3A_438, %swap3A_439], %swap3A_442 {strides = array<i32>} : memref<49x512xi32, #tpu.memory_space<vmem>>, vector<1x16xi32>,
      %get3A_443 = arith.index_cast %scan3A_153 : i32 to index
      %get3A_444 = arith.constant 464 : index
      %get3A_445 = tpu.vector_load %arg8[%get3A_443, %get3A_444] {strides = array<i32>} : memref<49x512xi32, #tpu.memory_space<vmem>>, vector<1x16xi32>,
      %get3A_446 = vector.shape_cast %get3A_445 : vector<1x16xi32> to vector<16xi32>
      %mul3A_447 = arith.muli %get3A_446, %get3A_11 : vector<16xi32>
      %swap3A_448 = arith.index_cast %scan3A_153 : i32 to index
      %swap3A_449 = arith.constant 464 : index
      %swap3A_450 = tpu.vector_load %arg8[%swap3A_448, %swap3A_449] {strides = array<i32>} : memref<49x512xi32, #tpu.memory_space<vmem>>, vector<1x16xi32>,
      %swap3A_451 = vector.shape_cast %swap3A_450 : vector<1x16xi32> to vector<16xi32>
      %swap3A_452 = vector.shape_cast %mul3A_447 : vector<16xi32> to vector<1x16xi32>
      tpu.vector_store %arg8[%swap3A_448, %swap3A_449], %swap3A_452 {strides = array<i32>} : memref<49x512xi32, #tpu.memory_space<vmem>>, vector<1x16xi32>,
      %get3A_453 = arith.index_cast %scan3A_153 : i32 to index
      %get3A_454 = arith.constant 480 : index
      %get3A_455 = tpu.vector_load %arg8[%get3A_453, %get3A_454] {strides = array<i32>} : memref<49x512xi32, #tpu.memory_space<vmem>>, vector<1x16xi32>,
      %get3A_456 = vector.shape_cast %get3A_455 : vector<1x16xi32> to vector<16xi32>
      %mul3A_457 = arith.muli %get3A_456, %get3A_11 : vector<16xi32>
      %swap3A_458 = arith.index_cast %scan3A_153 : i32 to index
      %swap3A_459 = arith.constant 480 : index
      %swap3A_460 = tpu.vector_load %arg8[%swap3A_458, %swap3A_459] {strides = array<i32>} : memref<49x512xi32, #tpu.memory_space<vmem>>, vector<1x16xi32>,
      %swap3A_461 = vector.shape_cast %swap3A_460 : vector<1x16xi32> to vector<16xi32>
      %swap3A_462 = vector.shape_cast %mul3A_457 : vector<16xi32> to vector<1x16xi32>
      tpu.vector_store %arg8[%swap3A_458, %swap3A_459], %swap3A_462 {strides = array<i32>} : memref<49x512xi32, #tpu.memory_space<vmem>>, vector<1x16xi32>,
      %get3A_463 = arith.index_cast %scan3A_153 : i32 to index
      %get3A_464 = arith.constant 496 : index
      %get3A_465 = tpu.vector_load %arg8[%get3A_463, %get3A_464] {strides = array<i32>} : memref<49x512xi32, #tpu.memory_space<vmem>>, vector<1x16xi32>,
      %get3A_466 = vector.shape_cast %get3A_465 : vector<1x16xi32> to vector<16xi32>
      %mul3A_467 = arith.muli %get3A_466, %get3A_11 : vector<16xi32>
      %swap3A_468 = arith.index_cast %scan3A_153 : i32 to index
      %swap3A_469 = arith.constant 496 : index
      %swap3A_470 = tpu.vector_load %arg8[%swap3A_468, %swap3A_469] {strides = array<i32>} : memref<49x512xi32, #tpu.memory_space<vmem>>, vector<1x16xi32>,
      %swap3A_471 = vector.shape_cast %swap3A_470 : vector<1x16xi32> to vector<16xi32>
      %swap3A_472 = vector.shape_cast %mul3A_467 : vector<16xi32> to vector<1x16xi32>
      tpu.vector_store %arg8[%swap3A_468, %swap3A_469], %swap3A_472 {strides = array<i32>} : memref<49x512xi32, #tpu.memory_space<vmem>>, vector<1x16xi32>,
    }
    %scan3A_17 = arith.constant 49 : i32
    %barrier3A = arith.constant 0 : index
    tpu.barrier barrier_id(%barrier3A)
    %get3A_18 = arith.constant 1 : i32
    %get3A_19 = arith.index_cast %get3A_18 : i32 to index
    %get3A_20 = arith.constant 0 : index
    %get3A_21 = tpu.vector_load %arg14[%get3A_19, %get3A_20] {strides = array<i32>} : memref<2x16xi32, #tpu.memory_space<vmem>>, vector<1x16xi32>,
    %get3A_22 = vector.shape_cast %get3A_21 : vector<1x16xi32> to vector<16xi32>
    %dma_start3A = arith.constant 0 : i32
    %dma_start3A_23 = arith.constant 0 : i32
    %dma_start3A_24 = tpu.memref_slice %arg8[%dma_start3A, %dma_start3A_23] : memref<49x512xi32, #tpu.memory_space<vmem>> -> memref<1x512xi32, #tpu.memory_space<vmem>>
    %dma_start3A_25 = tpu.memref_squeeze %dma_start3A_24 : memref<1x512xi32, #tpu.memory_space<vmem>> -> memref<512xi32, #tpu.memory_space<vmem>>
    %dma_start3A_26 = arith.constant 0 : i32
    %dma_start3A_27 = arith.constant 0 : i32
    %dma_start3A_28 = tpu.memref_slice %arg4[%dma_start3A_26, %dma_start3A_27] : memref<200000x16xf32, #tpu.memory_space<hbm>> -> memref<200000x16xf32, #tpu.memory_space<hbm>>
    tpu.enqueue_indirect_dma source(%dma_start3A_28 : memref<200000x16xf32, #tpu.memory_space<hbm>>) target(%arg10 : memref<512x16xf32, #tpu.memory_space<vmem>>) offsets(%dma_start3A_25 : memref<512xi32, #tpu.memory_space<vmem>>) semaphore(%arg16 : memref<!tpu.dma_semaphore, #tpu.memory_space<semaphore_mem>>)
    %scan3A_29 = arith.constant 0 : i32
    %scan3A_30 = arith.constant 0 : i32
    %scan3A_31 = arith.constant 24 : i32
    %scan3A_32 = arith.addi %scan3A_30, %scan3A_31 : i32
    %scan3A_33 = arith.constant 1 : i32
    scf.for %scan3A_153 = %scan3A_30 to %scan3A_32 step %scan3A_33  : i32 {
      %mul3A_154 = arith.constant 2 : i32
      %mul3A_155 = arith.muli %mul3A_154, %scan3A_153 : i32
      %add3A_156 = arith.constant 0 : i32
      %add3A_157 = arith.addi %mul3A_155, %add3A_156 : i32
      %add3A_158 = arith.constant 1 : i32
      %add3A_159 = arith.addi %add3A_157, %add3A_158 : i32
      %min3A = arith.constant 48 : i32
      %min3A_160 = arith.minsi %add3A_159, %min3A : i32
      %dma_start3A_161 = arith.constant 0 : i32
      %dma_start3A_162 = tpu.memref_slice %arg8[%min3A_160, %dma_start3A_161] : memref<49x512xi32, #tpu.memory_space<vmem>> -> memref<1x512xi32, #tpu.memory_space<vmem>>
      %dma_start3A_163 = tpu.memref_squeeze %dma_start3A_162 : memref<1x512xi32, #tpu.memory_space<vmem>> -> memref<512xi32, #tpu.memory_space<vmem>>
      %dma_start3A_164 = arith.constant 0 : i32
      %dma_start3A_165 = arith.constant 0 : i32
      %dma_start3A_166 = tpu.memref_slice %arg4[%dma_start3A_164, %dma_start3A_165] : memref<200000x16xf32, #tpu.memory_space<hbm>> -> memref<200000x16xf32, #tpu.memory_space<hbm>>
      tpu.enqueue_indirect_dma source(%dma_start3A_166 : memref<200000x16xf32, #tpu.memory_space<hbm>>) target(%arg11 : memref<512x16xf32, #tpu.memory_space<vmem>>) offsets(%dma_start3A_163 : memref<512xi32, #tpu.memory_space<vmem>>) semaphore(%arg17 : memref<!tpu.dma_semaphore, #tpu.memory_space<semaphore_mem>>)
      %dma_wait3A_167 = arith.constant 0 : i32
      %dma_wait3A_168 = tpu.memref_slice %arg8[%add3A_157, %dma_wait3A_167] : memref<49x512xi32, #tpu.memory_space<vmem>> -> memref<1x512xi32, #tpu.memory_space<vmem>>
      %dma_wait3A_169 = tpu.memref_squeeze %dma_wait3A_168 : memref<1x512xi32, #tpu.memory_space<vmem>> -> memref<512xi32, #tpu.memory_space<vmem>>
      %dma_wait3A_170 = arith.constant 0 : i32
      %dma_wait3A_171 = arith.constant 0 : i32
      %dma_wait3A_172 = tpu.memref_slice %arg4[%dma_wait3A_170, %dma_wait3A_171] : memref<200000x16xf32, #tpu.memory_space<hbm>> -> memref<200000x16xf32, #tpu.memory_space<hbm>>
      tpu.wait_indirect_dma semaphore(%arg16 : memref<!tpu.dma_semaphore, #tpu.memory_space<semaphore_mem>>) src(%dma_wait3A_172 : memref<200000x16xf32, #tpu.memory_space<hbm>>) dst(%arg10 : memref<512x16xf32, #tpu.memory_space<vmem>>)
      "tpu.region"() ({
        %run_scoped3A_193 = tpu.sem_alloc : memref<!tpu.dma_semaphore, #tpu.memory_space<semaphore_mem>>
        %dma_start3A_194 = arith.constant 0 : i32
        %dma_start3A_195 = tpu.memref_slice %arg9[%add3A_157, %dma_start3A_194] : memref<49x512xi32, #tpu.memory_space<vmem>> -> memref<1x512xi32, #tpu.memory_space<vmem>>
        %dma_start3A_196 = tpu.memref_squeeze %dma_start3A_195 : memref<1x512xi32, #tpu.memory_space<vmem>> -> memref<512xi32, #tpu.memory_space<vmem>>
        %dma_start3A_197 = arith.constant 0 : i32
        %dma_start3A_198 = arith.constant 0 : i32
        %dma_start3A_199 = tpu.memref_slice %arg15[%dma_start3A_197, %dma_start3A_198] : memref<50176x16xf32, #tpu.memory_space<vmem_shared>> -> memref<50176x16xf32, #tpu.memory_space<vmem_shared>>
        tpu.enqueue_indirect_dma source(%arg10 : memref<512x16xf32, #tpu.memory_space<vmem>>) target(%dma_start3A_199 : memref<50176x16xf32, #tpu.memory_space<vmem_shared>>) offsets(%dma_start3A_196 : memref<512xi32, #tpu.memory_space<vmem>>) semaphore(%run_scoped3A_193 : memref<!tpu.dma_semaphore, #tpu.memory_space<semaphore_mem>>) {add = true}
        %dma_wait3A_200 = arith.constant 0 : i32
        %dma_wait3A_201 = tpu.memref_slice %arg9[%add3A_157, %dma_wait3A_200] : memref<49x512xi32, #tpu.memory_space<vmem>> -> memref<1x512xi32, #tpu.memory_space<vmem>>
        %dma_wait3A_202 = tpu.memref_squeeze %dma_wait3A_201 : memref<1x512xi32, #tpu.memory_space<vmem>> -> memref<512xi32, #tpu.memory_space<vmem>>
        %dma_wait3A_203 = arith.constant 0 : i32
        %dma_wait3A_204 = arith.constant 0 : i32
        %dma_wait3A_205 = tpu.memref_slice %arg15[%dma_wait3A_203, %dma_wait3A_204] : memref<50176x16xf32, #tpu.memory_space<vmem_shared>> -> memref<50176x16xf32, #tpu.memory_space<vmem_shared>>
        tpu.wait_indirect_dma semaphore(%run_scoped3A_193 : memref<!tpu.dma_semaphore, #tpu.memory_space<semaphore_mem>>) src(%arg10 : memref<512x16xf32, #tpu.memory_space<vmem>>) dst(%dma_wait3A_205 : memref<50176x16xf32, #tpu.memory_space<vmem_shared>>)
        tpu.yield
      }) : () -> ()
      %mul3A_173 = arith.constant 2 : i32
      %mul3A_174 = arith.muli %mul3A_173, %scan3A_153 : i32
      %add3A_175 = arith.constant 1 : i32
      %add3A_176 = arith.addi %mul3A_174, %add3A_175 : i32
      %add3A_177 = arith.constant 1 : i32
      %add3A_178 = arith.addi %add3A_176, %add3A_177 : i32
      %min3A_179 = arith.constant 48 : i32
      %min3A_180 = arith.minsi %add3A_178, %min3A_179 : i32
      %dma_start3A_181 = arith.constant 0 : i32
      %dma_start3A_182 = tpu.memref_slice %arg8[%min3A_180, %dma_start3A_181] : memref<49x512xi32, #tpu.memory_space<vmem>> -> memref<1x512xi32, #tpu.memory_space<vmem>>
      %dma_start3A_183 = tpu.memref_squeeze %dma_start3A_182 : memref<1x512xi32, #tpu.memory_space<vmem>> -> memref<512xi32, #tpu.memory_space<vmem>>
      %dma_start3A_184 = arith.constant 0 : i32
      %dma_start3A_185 = arith.constant 0 : i32
      %dma_start3A_186 = tpu.memref_slice %arg4[%dma_start3A_184, %dma_start3A_185] : memref<200000x16xf32, #tpu.memory_space<hbm>> -> memref<200000x16xf32, #tpu.memory_space<hbm>>
      tpu.enqueue_indirect_dma source(%dma_start3A_186 : memref<200000x16xf32, #tpu.memory_space<hbm>>) target(%arg10 : memref<512x16xf32, #tpu.memory_space<vmem>>) offsets(%dma_start3A_183 : memref<512xi32, #tpu.memory_space<vmem>>) semaphore(%arg16 : memref<!tpu.dma_semaphore, #tpu.memory_space<semaphore_mem>>)
      %dma_wait3A_187 = arith.constant 0 : i32
      %dma_wait3A_188 = tpu.memref_slice %arg8[%add3A_176, %dma_wait3A_187] : memref<49x512xi32, #tpu.memory_space<vmem>> -> memref<1x512xi32, #tpu.memory_space<vmem>>
      %dma_wait3A_189 = tpu.memref_squeeze %dma_wait3A_188 : memref<1x512xi32, #tpu.memory_space<vmem>> -> memref<512xi32, #tpu.memory_space<vmem>>
      %dma_wait3A_190 = arith.constant 0 : i32
      %dma_wait3A_191 = arith.constant 0 : i32
      %dma_wait3A_192 = tpu.memref_slice %arg4[%dma_wait3A_190, %dma_wait3A_191] : memref<200000x16xf32, #tpu.memory_space<hbm>> -> memref<200000x16xf32, #tpu.memory_space<hbm>>
      tpu.wait_indirect_dma semaphore(%arg17 : memref<!tpu.dma_semaphore, #tpu.memory_space<semaphore_mem>>) src(%dma_wait3A_192 : memref<200000x16xf32, #tpu.memory_space<hbm>>) dst(%arg11 : memref<512x16xf32, #tpu.memory_space<vmem>>)
      "tpu.region"() ({
        %run_scoped3A_193 = tpu.sem_alloc : memref<!tpu.dma_semaphore, #tpu.memory_space<semaphore_mem>>
        %dma_start3A_194 = arith.constant 0 : i32
        %dma_start3A_195 = tpu.memref_slice %arg9[%add3A_176, %dma_start3A_194] : memref<49x512xi32, #tpu.memory_space<vmem>> -> memref<1x512xi32, #tpu.memory_space<vmem>>
        %dma_start3A_196 = tpu.memref_squeeze %dma_start3A_195 : memref<1x512xi32, #tpu.memory_space<vmem>> -> memref<512xi32, #tpu.memory_space<vmem>>
        %dma_start3A_197 = arith.constant 0 : i32
        %dma_start3A_198 = arith.constant 0 : i32
        %dma_start3A_199 = tpu.memref_slice %arg15[%dma_start3A_197, %dma_start3A_198] : memref<50176x16xf32, #tpu.memory_space<vmem_shared>> -> memref<50176x16xf32, #tpu.memory_space<vmem_shared>>
        tpu.enqueue_indirect_dma source(%arg11 : memref<512x16xf32, #tpu.memory_space<vmem>>) target(%dma_start3A_199 : memref<50176x16xf32, #tpu.memory_space<vmem_shared>>) offsets(%dma_start3A_196 : memref<512xi32, #tpu.memory_space<vmem>>) semaphore(%run_scoped3A_193 : memref<!tpu.dma_semaphore, #tpu.memory_space<semaphore_mem>>) {add = true}
        %dma_wait3A_200 = arith.constant 0 : i32
        %dma_wait3A_201 = tpu.memref_slice %arg9[%add3A_176, %dma_wait3A_200] : memref<49x512xi32, #tpu.memory_space<vmem>> -> memref<1x512xi32, #tpu.memory_space<vmem>>
        %dma_wait3A_202 = tpu.memref_squeeze %dma_wait3A_201 : memref<1x512xi32, #tpu.memory_space<vmem>> -> memref<512xi32, #tpu.memory_space<vmem>>
        %dma_wait3A_203 = arith.constant 0 : i32
        %dma_wait3A_204 = arith.constant 0 : i32
        %dma_wait3A_205 = tpu.memref_slice %arg15[%dma_wait3A_203, %dma_wait3A_204] : memref<50176x16xf32, #tpu.memory_space<vmem_shared>> -> memref<50176x16xf32, #tpu.memory_space<vmem_shared>>
        tpu.wait_indirect_dma semaphore(%run_scoped3A_193 : memref<!tpu.dma_semaphore, #tpu.memory_space<semaphore_mem>>) src(%arg11 : memref<512x16xf32, #tpu.memory_space<vmem>>) dst(%dma_wait3A_205 : memref<50176x16xf32, #tpu.memory_space<vmem_shared>>)
        tpu.yield
      }) : () -> ()
    }
    %scan3A_34 = arith.constant 24 : i32
    %dma_wait3A = arith.constant 48 : i32
    %dma_wait3A_35 = arith.constant 0 : i32
    %dma_wait3A_36 = tpu.memref_slice %arg8[%dma_wait3A, %dma_wait3A_35] : memref<49x512xi32, #tpu.memory_space<vmem>> -> memref<1x512xi32, #tpu.memory_space<vmem>>
    %dma_wait3A_37 = tpu.memref_squeeze %dma_wait3A_36 : memref<1x512xi32, #tpu.memory_space<vmem>> -> memref<512xi32, #tpu.memory_space<vmem>>
    %dma_wait3A_38 = arith.constant 0 : i32
    %dma_wait3A_39 = arith.constant 0 : i32
    %dma_wait3A_40 = tpu.memref_slice %arg4[%dma_wait3A_38, %dma_wait3A_39] : memref<200000x16xf32, #tpu.memory_space<hbm>> -> memref<200000x16xf32, #tpu.memory_space<hbm>>
    tpu.wait_indirect_dma semaphore(%arg16 : memref<!tpu.dma_semaphore, #tpu.memory_space<semaphore_mem>>) src(%dma_wait3A_40 : memref<200000x16xf32, #tpu.memory_space<hbm>>) dst(%arg10 : memref<512x16xf32, #tpu.memory_space<vmem>>)
    %run_scoped3A = arith.constant 48 : i32
    "tpu.region"() ({
      %run_scoped3A_153 = tpu.sem_alloc : memref<!tpu.dma_semaphore, #tpu.memory_space<semaphore_mem>>
      %dma_start3A_154 = arith.constant 0 : i32
      %dma_start3A_155 = tpu.memref_slice %arg9[%run_scoped3A, %dma_start3A_154] : memref<49x512xi32, #tpu.memory_space<vmem>> -> memref<1x512xi32, #tpu.memory_space<vmem>>
      %dma_start3A_156 = tpu.memref_squeeze %dma_start3A_155 : memref<1x512xi32, #tpu.memory_space<vmem>> -> memref<512xi32, #tpu.memory_space<vmem>>
      %dma_start3A_157 = arith.constant 0 : i32
      %dma_start3A_158 = arith.constant 0 : i32
      %dma_start3A_159 = tpu.memref_slice %arg15[%dma_start3A_157, %dma_start3A_158] : memref<50176x16xf32, #tpu.memory_space<vmem_shared>> -> memref<50176x16xf32, #tpu.memory_space<vmem_shared>>
      tpu.enqueue_indirect_dma source(%arg10 : memref<512x16xf32, #tpu.memory_space<vmem>>) target(%dma_start3A_159 : memref<50176x16xf32, #tpu.memory_space<vmem_shared>>) offsets(%dma_start3A_156 : memref<512xi32, #tpu.memory_space<vmem>>) semaphore(%run_scoped3A_153 : memref<!tpu.dma_semaphore, #tpu.memory_space<semaphore_mem>>) {add = true}
      %dma_wait3A_160 = arith.constant 0 : i32
      %dma_wait3A_161 = tpu.memref_slice %arg9[%run_scoped3A, %dma_wait3A_160] : memref<49x512xi32, #tpu.memory_space<vmem>> -> memref<1x512xi32, #tpu.memory_space<vmem>>
      %dma_wait3A_162 = tpu.memref_squeeze %dma_wait3A_161 : memref<1x512xi32, #tpu.memory_space<vmem>> -> memref<512xi32, #tpu.memory_space<vmem>>
      %dma_wait3A_163 = arith.constant 0 : i32
      %dma_wait3A_164 = arith.constant 0 : i32
      %dma_wait3A_165 = tpu.memref_slice %arg15[%dma_wait3A_163, %dma_wait3A_164] : memref<50176x16xf32, #tpu.memory_space<vmem_shared>> -> memref<50176x16xf32, #tpu.memory_space<vmem_shared>>
      tpu.wait_indirect_dma semaphore(%run_scoped3A_153 : memref<!tpu.dma_semaphore, #tpu.memory_space<semaphore_mem>>) src(%arg10 : memref<512x16xf32, #tpu.memory_space<vmem>>) dst(%dma_wait3A_165 : memref<50176x16xf32, #tpu.memory_space<vmem_shared>>)
      tpu.yield
    }) : () -> ()
    %barrier3A_41 = arith.constant 0 : index
    tpu.barrier barrier_id(%barrier3A_41)
    %scan3A_42 = arith.constant 0 : i32
    %scan3A_43 = arith.constant 0 : i32
    %scan3A_44 = arith.constant 49 : i32
    %scan3A_45 = arith.addi %scan3A_43, %scan3A_44 : i32
    %scan3A_46 = arith.constant 1 : i32
    scf.for %scan3A_153 = %scan3A_43 to %scan3A_45 step %scan3A_46  : i32 {
      %mul3A_154 = arith.constant 64 : i32
      %mul3A_155 = arith.muli %scan3A_153, %mul3A_154 : i32
      %add3A_156 = arith.addi %mul3A_0, %mul3A_155 : i32
      "tpu.region"() ({
        %run_scoped3A_158 = tpu.sem_alloc : memref<!tpu.dma_semaphore, #tpu.memory_space<semaphore_mem>>
        %dma_start3A_159 = arith.constant 0 : i32
        %dma_start3A_160 = tpu.memref_slice %arg15[%add3A_156, %dma_start3A_159] : memref<50176x16xf32, #tpu.memory_space<vmem_shared>> -> memref<64x16xf32, #tpu.memory_space<vmem_shared>>
        %dma_start3A_161 = arith.constant 0 : i32
        %dma_start3A_162 = tpu.memref_slice %arg15[%add3A_156, %dma_start3A_161] : memref<50176x16xf32, #tpu.memory_space<vmem_shared>> -> memref<64x16xf32, #tpu.memory_space<vmem_shared>>
        tpu.enqueue_dma source(%dma_start3A_162 : memref<64x16xf32, #tpu.memory_space<vmem_shared>>) target(%arg12 : memref<64x16xf32, #tpu.memory_space<vmem>>) target_semaphore(%run_scoped3A_158 : memref<!tpu.dma_semaphore, #tpu.memory_space<semaphore_mem>>)
        %dma_wait3A_163 = arith.constant 0 : i32
        %dma_wait3A_164 = tpu.memref_slice %arg15[%add3A_156, %dma_wait3A_163] : memref<50176x16xf32, #tpu.memory_space<vmem_shared>> -> memref<64x16xf32, #tpu.memory_space<vmem_shared>>
        %dma_wait3A_165 = arith.constant 0 : i32
        %dma_wait3A_166 = tpu.memref_slice %arg15[%add3A_156, %dma_wait3A_165] : memref<50176x16xf32, #tpu.memory_space<vmem_shared>> -> memref<64x16xf32, #tpu.memory_space<vmem_shared>>
        tpu.wait_dma2 semaphore(%run_scoped3A_158 : memref<!tpu.dma_semaphore, #tpu.memory_space<semaphore_mem>>) src(%dma_wait3A_166 : memref<64x16xf32, #tpu.memory_space<vmem_shared>>) dst(%arg12 : memref<64x16xf32, #tpu.memory_space<vmem>>)
        tpu.yield
      }) : () -> ()
      %run_scoped3A_157 = arith.constant 0 : i32
      "tpu.region"() ({
        %run_scoped3A_158 = tpu.sem_alloc : memref<!tpu.dma_semaphore, #tpu.memory_space<semaphore_mem>>
        %dma_start3A_159 = arith.constant 0 : i32
        %dma_start3A_160 = tpu.memref_slice %arg7[%run_scoped3A_157, %arg0, %add3A_156, %dma_start3A_159] : memref<4x2x50176x16xf32, #tpu.memory_space<hbm>> -> memref<1x1x64x16xf32, #tpu.memory_space<hbm>>
        %dma_start3A_161 = tpu.memref_squeeze %dma_start3A_160 : memref<1x1x64x16xf32, #tpu.memory_space<hbm>> -> memref<64x16xf32, #tpu.memory_space<hbm>>
        %dma_start3A_162 = arith.constant 0 : i32
        %dma_start3A_163 = tpu.memref_slice %arg7[%run_scoped3A_157, %arg0, %add3A_156, %dma_start3A_162] : memref<4x2x50176x16xf32, #tpu.memory_space<hbm>> -> memref<1x1x64x16xf32, #tpu.memory_space<hbm>>
        %dma_start3A_164 = tpu.memref_squeeze %dma_start3A_163 : memref<1x1x64x16xf32, #tpu.memory_space<hbm>> -> memref<64x16xf32, #tpu.memory_space<hbm>>
        tpu.enqueue_dma source(%arg12 : memref<64x16xf32, #tpu.memory_space<vmem>>) target(%dma_start3A_164 : memref<64x16xf32, #tpu.memory_space<hbm>>) target_semaphore(%run_scoped3A_158 : memref<!tpu.dma_semaphore, #tpu.memory_space<semaphore_mem>>)
        %dma_wait3A_165 = arith.constant 0 : i32
        %dma_wait3A_166 = tpu.memref_slice %arg7[%run_scoped3A_157, %arg0, %add3A_156, %dma_wait3A_165] : memref<4x2x50176x16xf32, #tpu.memory_space<hbm>> -> memref<1x1x64x16xf32, #tpu.memory_space<hbm>>
        %dma_wait3A_167 = tpu.memref_squeeze %dma_wait3A_166 : memref<1x1x64x16xf32, #tpu.memory_space<hbm>> -> memref<64x16xf32, #tpu.memory_space<hbm>>
        %dma_wait3A_168 = arith.constant 0 : i32
        %dma_wait3A_169 = tpu.memref_slice %arg7[%run_scoped3A_157, %arg0, %add3A_156, %dma_wait3A_168] : memref<4x2x50176x16xf32, #tpu.memory_space<hbm>> -> memref<1x1x64x16xf32, #tpu.memory_space<hbm>>
        %dma_wait3A_170 = tpu.memref_squeeze %dma_wait3A_169 : memref<1x1x64x16xf32, #tpu.memory_space<hbm>> -> memref<64x16xf32, #tpu.memory_space<hbm>>
        tpu.wait_dma2 semaphore(%run_scoped3A_158 : memref<!tpu.dma_semaphore, #tpu.memory_space<semaphore_mem>>) src(%arg12 : memref<64x16xf32, #tpu.memory_space<vmem>>) dst(%dma_wait3A_170 : memref<64x16xf32, #tpu.memory_space<hbm>>)
        tpu.yield
      }) : () -> ()
      "tpu.region"() ({
        %run_scoped3A_158 = tpu.sem_alloc : memref<!tpu.dma_semaphore, #tpu.memory_space<semaphore_mem>>
        %dma_start3A_159 = arith.constant 0 : i32
        %dma_start3A_160 = tpu.memref_slice %arg15[%add3A_156, %dma_start3A_159] : memref<50176x16xf32, #tpu.memory_space<vmem_shared>> -> memref<64x16xf32, #tpu.memory_space<vmem_shared>>
        %dma_start3A_161 = arith.constant 0 : i32
        %dma_start3A_162 = tpu.memref_slice %arg15[%add3A_156, %dma_start3A_161] : memref<50176x16xf32, #tpu.memory_space<vmem_shared>> -> memref<64x16xf32, #tpu.memory_space<vmem_shared>>
        tpu.enqueue_dma source(%arg13 : memref<64x16xf32, #tpu.memory_space<vmem>>) target(%dma_start3A_162 : memref<64x16xf32, #tpu.memory_space<vmem_shared>>) target_semaphore(%run_scoped3A_158 : memref<!tpu.dma_semaphore, #tpu.memory_space<semaphore_mem>>)
        %dma_wait3A_163 = arith.constant 0 : i32
        %dma_wait3A_164 = tpu.memref_slice %arg15[%add3A_156, %dma_wait3A_163] : memref<50176x16xf32, #tpu.memory_space<vmem_shared>> -> memref<64x16xf32, #tpu.memory_space<vmem_shared>>
        %dma_wait3A_165 = arith.constant 0 : i32
        %dma_wait3A_166 = tpu.memref_slice %arg15[%add3A_156, %dma_wait3A_165] : memref<50176x16xf32, #tpu.memory_space<vmem_shared>> -> memref<64x16xf32, #tpu.memory_space<vmem_shared>>
        tpu.wait_dma2 semaphore(%run_scoped3A_158 : memref<!tpu.dma_semaphore, #tpu.memory_space<semaphore_mem>>) src(%arg13 : memref<64x16xf32, #tpu.memory_space<vmem>>) dst(%dma_wait3A_166 : memref<64x16xf32, #tpu.memory_space<vmem_shared>>)
        tpu.yield
      }) : () -> ()
    }
    %scan3A_47 = arith.constant 49 : i32
    %scan3A_48 = arith.constant 0 : i32
    %scan3A_49 = arith.constant 0 : i32
    %scan3A_50 = arith.constant 49 : i32
    %scan3A_51 = arith.addi %scan3A_49, %scan3A_50 : i32
    %scan3A_52 = arith.constant 1 : i32
    scf.for %scan3A_153 = %scan3A_49 to %scan3A_51 step %scan3A_52  : i32 {
      %get3A_154 = arith.index_cast %scan3A_153 : i32 to index
      %get3A_155 = arith.constant 0 : index
      %get3A_156 = tpu.vector_load %arg8[%get3A_154, %get3A_155] {strides = array<i32>} : memref<49x512xi32, #tpu.memory_space<vmem>>, vector<1x16xi32>,
      %get3A_157 = vector.shape_cast %get3A_156 : vector<1x16xi32> to vector<16xi32>
      %add3A_158 = arith.addi %get3A_157, %get3A_22 : vector<16xi32>
      %swap3A = arith.index_cast %scan3A_153 : i32 to index
      %swap3A_159 = arith.constant 0 : index
      %swap3A_160 = tpu.vector_load %arg8[%swap3A, %swap3A_159] {strides = array<i32>} : memref<49x512xi32, #tpu.memory_space<vmem>>, vector<1x16xi32>,
      %swap3A_161 = vector.shape_cast %swap3A_160 : vector<1x16xi32> to vector<16xi32>
      %swap3A_162 = vector.shape_cast %add3A_158 : vector<16xi32> to vector<1x16xi32>
      tpu.vector_store %arg8[%swap3A, %swap3A_159], %swap3A_162 {strides = array<i32>} : memref<49x512xi32, #tpu.memory_space<vmem>>, vector<1x16xi32>,
      %get3A_163 = arith.index_cast %scan3A_153 : i32 to index
      %get3A_164 = arith.constant 16 : index
      %get3A_165 = tpu.vector_load %arg8[%get3A_163, %get3A_164] {strides = array<i32>} : memref<49x512xi32, #tpu.memory_space<vmem>>, vector<1x16xi32>,
      %get3A_166 = vector.shape_cast %get3A_165 : vector<1x16xi32> to vector<16xi32>
      %add3A_167 = arith.addi %get3A_166, %get3A_22 : vector<16xi32>
      %swap3A_168 = arith.index_cast %scan3A_153 : i32 to index
      %swap3A_169 = arith.constant 16 : index
      %swap3A_170 = tpu.vector_load %arg8[%swap3A_168, %swap3A_169] {strides = array<i32>} : memref<49x512xi32, #tpu.memory_space<vmem>>, vector<1x16xi32>,
      %swap3A_171 = vector.shape_cast %swap3A_170 : vector<1x16xi32> to vector<16xi32>
      %swap3A_172 = vector.shape_cast %add3A_167 : vector<16xi32> to vector<1x16xi32>
      tpu.vector_store %arg8[%swap3A_168, %swap3A_169], %swap3A_172 {strides = array<i32>} : memref<49x512xi32, #tpu.memory_space<vmem>>, vector<1x16xi32>,
      %get3A_173 = arith.index_cast %scan3A_153 : i32 to index
      %get3A_174 = arith.constant 32 : index
      %get3A_175 = tpu.vector_load %arg8[%get3A_173, %get3A_174] {strides = array<i32>} : memref<49x512xi32, #tpu.memory_space<vmem>>, vector<1x16xi32>,
      %get3A_176 = vector.shape_cast %get3A_175 : vector<1x16xi32> to vector<16xi32>
      %add3A_177 = arith.addi %get3A_176, %get3A_22 : vector<16xi32>
      %swap3A_178 = arith.index_cast %scan3A_153 : i32 to index
      %swap3A_179 = arith.constant 32 : index
      %swap3A_180 = tpu.vector_load %arg8[%swap3A_178, %swap3A_179] {strides = array<i32>} : memref<49x512xi32, #tpu.memory_space<vmem>>, vector<1x16xi32>,
      %swap3A_181 = vector.shape_cast %swap3A_180 : vector<1x16xi32> to vector<16xi32>
      %swap3A_182 = vector.shape_cast %add3A_177 : vector<16xi32> to vector<1x16xi32>
      tpu.vector_store %arg8[%swap3A_178, %swap3A_179], %swap3A_182 {strides = array<i32>} : memref<49x512xi32, #tpu.memory_space<vmem>>, vector<1x16xi32>,
      %get3A_183 = arith.index_cast %scan3A_153 : i32 to index
      %get3A_184 = arith.constant 48 : index
      %get3A_185 = tpu.vector_load %arg8[%get3A_183, %get3A_184] {strides = array<i32>} : memref<49x512xi32, #tpu.memory_space<vmem>>, vector<1x16xi32>,
      %get3A_186 = vector.shape_cast %get3A_185 : vector<1x16xi32> to vector<16xi32>
      %add3A_187 = arith.addi %get3A_186, %get3A_22 : vector<16xi32>
      %swap3A_188 = arith.index_cast %scan3A_153 : i32 to index
      %swap3A_189 = arith.constant 48 : index
      %swap3A_190 = tpu.vector_load %arg8[%swap3A_188, %swap3A_189] {strides = array<i32>} : memref<49x512xi32, #tpu.memory_space<vmem>>, vector<1x16xi32>,
      %swap3A_191 = vector.shape_cast %swap3A_190 : vector<1x16xi32> to vector<16xi32>
      %swap3A_192 = vector.shape_cast %add3A_187 : vector<16xi32> to vector<1x16xi32>
      tpu.vector_store %arg8[%swap3A_188, %swap3A_189], %swap3A_192 {strides = array<i32>} : memref<49x512xi32, #tpu.memory_space<vmem>>, vector<1x16xi32>,
      %get3A_193 = arith.index_cast %scan3A_153 : i32 to index
      %get3A_194 = arith.constant 64 : index
      %get3A_195 = tpu.vector_load %arg8[%get3A_193, %get3A_194] {strides = array<i32>} : memref<49x512xi32, #tpu.memory_space<vmem>>, vector<1x16xi32>,
      %get3A_196 = vector.shape_cast %get3A_195 : vector<1x16xi32> to vector<16xi32>
      %add3A_197 = arith.addi %get3A_196, %get3A_22 : vector<16xi32>
      %swap3A_198 = arith.index_cast %scan3A_153 : i32 to index
      %swap3A_199 = arith.constant 64 : index
      %swap3A_200 = tpu.vector_load %arg8[%swap3A_198, %swap3A_199] {strides = array<i32>} : memref<49x512xi32, #tpu.memory_space<vmem>>, vector<1x16xi32>,
      %swap3A_201 = vector.shape_cast %swap3A_200 : vector<1x16xi32> to vector<16xi32>
      %swap3A_202 = vector.shape_cast %add3A_197 : vector<16xi32> to vector<1x16xi32>
      tpu.vector_store %arg8[%swap3A_198, %swap3A_199], %swap3A_202 {strides = array<i32>} : memref<49x512xi32, #tpu.memory_space<vmem>>, vector<1x16xi32>,
      %get3A_203 = arith.index_cast %scan3A_153 : i32 to index
      %get3A_204 = arith.constant 80 : index
      %get3A_205 = tpu.vector_load %arg8[%get3A_203, %get3A_204] {strides = array<i32>} : memref<49x512xi32, #tpu.memory_space<vmem>>, vector<1x16xi32>,
      %get3A_206 = vector.shape_cast %get3A_205 : vector<1x16xi32> to vector<16xi32>
      %add3A_207 = arith.addi %get3A_206, %get3A_22 : vector<16xi32>
      %swap3A_208 = arith.index_cast %scan3A_153 : i32 to index
      %swap3A_209 = arith.constant 80 : index
      %swap3A_210 = tpu.vector_load %arg8[%swap3A_208, %swap3A_209] {strides = array<i32>} : memref<49x512xi32, #tpu.memory_space<vmem>>, vector<1x16xi32>,
      %swap3A_211 = vector.shape_cast %swap3A_210 : vector<1x16xi32> to vector<16xi32>
      %swap3A_212 = vector.shape_cast %add3A_207 : vector<16xi32> to vector<1x16xi32>
      tpu.vector_store %arg8[%swap3A_208, %swap3A_209], %swap3A_212 {strides = array<i32>} : memref<49x512xi32, #tpu.memory_space<vmem>>, vector<1x16xi32>,
      %get3A_213 = arith.index_cast %scan3A_153 : i32 to index
      %get3A_214 = arith.constant 96 : index
      %get3A_215 = tpu.vector_load %arg8[%get3A_213, %get3A_214] {strides = array<i32>} : memref<49x512xi32, #tpu.memory_space<vmem>>, vector<1x16xi32>,
      %get3A_216 = vector.shape_cast %get3A_215 : vector<1x16xi32> to vector<16xi32>
      %add3A_217 = arith.addi %get3A_216, %get3A_22 : vector<16xi32>
      %swap3A_218 = arith.index_cast %scan3A_153 : i32 to index
      %swap3A_219 = arith.constant 96 : index
      %swap3A_220 = tpu.vector_load %arg8[%swap3A_218, %swap3A_219] {strides = array<i32>} : memref<49x512xi32, #tpu.memory_space<vmem>>, vector<1x16xi32>,
      %swap3A_221 = vector.shape_cast %swap3A_220 : vector<1x16xi32> to vector<16xi32>
      %swap3A_222 = vector.shape_cast %add3A_217 : vector<16xi32> to vector<1x16xi32>
      tpu.vector_store %arg8[%swap3A_218, %swap3A_219], %swap3A_222 {strides = array<i32>} : memref<49x512xi32, #tpu.memory_space<vmem>>, vector<1x16xi32>,
      %get3A_223 = arith.index_cast %scan3A_153 : i32 to index
      %get3A_224 = arith.constant 112 : index
      %get3A_225 = tpu.vector_load %arg8[%get3A_223, %get3A_224] {strides = array<i32>} : memref<49x512xi32, #tpu.memory_space<vmem>>, vector<1x16xi32>,
      %get3A_226 = vector.shape_cast %get3A_225 : vector<1x16xi32> to vector<16xi32>
      %add3A_227 = arith.addi %get3A_226, %get3A_22 : vector<16xi32>
      %swap3A_228 = arith.index_cast %scan3A_153 : i32 to index
      %swap3A_229 = arith.constant 112 : index
      %swap3A_230 = tpu.vector_load %arg8[%swap3A_228, %swap3A_229] {strides = array<i32>} : memref<49x512xi32, #tpu.memory_space<vmem>>, vector<1x16xi32>,
      %swap3A_231 = vector.shape_cast %swap3A_230 : vector<1x16xi32> to vector<16xi32>
      %swap3A_232 = vector.shape_cast %add3A_227 : vector<16xi32> to vector<1x16xi32>
      tpu.vector_store %arg8[%swap3A_228, %swap3A_229], %swap3A_232 {strides = array<i32>} : memref<49x512xi32, #tpu.memory_space<vmem>>, vector<1x16xi32>,
      %get3A_233 = arith.index_cast %scan3A_153 : i32 to index
      %get3A_234 = arith.constant 128 : index
      %get3A_235 = tpu.vector_load %arg8[%get3A_233, %get3A_234] {strides = array<i32>} : memref<49x512xi32, #tpu.memory_space<vmem>>, vector<1x16xi32>,
      %get3A_236 = vector.shape_cast %get3A_235 : vector<1x16xi32> to vector<16xi32>
      %add3A_237 = arith.addi %get3A_236, %get3A_22 : vector<16xi32>
      %swap3A_238 = arith.index_cast %scan3A_153 : i32 to index
      %swap3A_239 = arith.constant 128 : index
      %swap3A_240 = tpu.vector_load %arg8[%swap3A_238, %swap3A_239] {strides = array<i32>} : memref<49x512xi32, #tpu.memory_space<vmem>>, vector<1x16xi32>,
      %swap3A_241 = vector.shape_cast %swap3A_240 : vector<1x16xi32> to vector<16xi32>
      %swap3A_242 = vector.shape_cast %add3A_237 : vector<16xi32> to vector<1x16xi32>
      tpu.vector_store %arg8[%swap3A_238, %swap3A_239], %swap3A_242 {strides = array<i32>} : memref<49x512xi32, #tpu.memory_space<vmem>>, vector<1x16xi32>,
      %get3A_243 = arith.index_cast %scan3A_153 : i32 to index
      %get3A_244 = arith.constant 144 : index
      %get3A_245 = tpu.vector_load %arg8[%get3A_243, %get3A_244] {strides = array<i32>} : memref<49x512xi32, #tpu.memory_space<vmem>>, vector<1x16xi32>,
      %get3A_246 = vector.shape_cast %get3A_245 : vector<1x16xi32> to vector<16xi32>
      %add3A_247 = arith.addi %get3A_246, %get3A_22 : vector<16xi32>
      %swap3A_248 = arith.index_cast %scan3A_153 : i32 to index
      %swap3A_249 = arith.constant 144 : index
      %swap3A_250 = tpu.vector_load %arg8[%swap3A_248, %swap3A_249] {strides = array<i32>} : memref<49x512xi32, #tpu.memory_space<vmem>>, vector<1x16xi32>,
      %swap3A_251 = vector.shape_cast %swap3A_250 : vector<1x16xi32> to vector<16xi32>
      %swap3A_252 = vector.shape_cast %add3A_247 : vector<16xi32> to vector<1x16xi32>
      tpu.vector_store %arg8[%swap3A_248, %swap3A_249], %swap3A_252 {strides = array<i32>} : memref<49x512xi32, #tpu.memory_space<vmem>>, vector<1x16xi32>,
      %get3A_253 = arith.index_cast %scan3A_153 : i32 to index
      %get3A_254 = arith.constant 160 : index
      %get3A_255 = tpu.vector_load %arg8[%get3A_253, %get3A_254] {strides = array<i32>} : memref<49x512xi32, #tpu.memory_space<vmem>>, vector<1x16xi32>,
      %get3A_256 = vector.shape_cast %get3A_255 : vector<1x16xi32> to vector<16xi32>
      %add3A_257 = arith.addi %get3A_256, %get3A_22 : vector<16xi32>
      %swap3A_258 = arith.index_cast %scan3A_153 : i32 to index
      %swap3A_259 = arith.constant 160 : index
      %swap3A_260 = tpu.vector_load %arg8[%swap3A_258, %swap3A_259] {strides = array<i32>} : memref<49x512xi32, #tpu.memory_space<vmem>>, vector<1x16xi32>,
      %swap3A_261 = vector.shape_cast %swap3A_260 : vector<1x16xi32> to vector<16xi32>
      %swap3A_262 = vector.shape_cast %add3A_257 : vector<16xi32> to vector<1x16xi32>
      tpu.vector_store %arg8[%swap3A_258, %swap3A_259], %swap3A_262 {strides = array<i32>} : memref<49x512xi32, #tpu.memory_space<vmem>>, vector<1x16xi32>,
      %get3A_263 = arith.index_cast %scan3A_153 : i32 to index
      %get3A_264 = arith.constant 176 : index
      %get3A_265 = tpu.vector_load %arg8[%get3A_263, %get3A_264] {strides = array<i32>} : memref<49x512xi32, #tpu.memory_space<vmem>>, vector<1x16xi32>,
      %get3A_266 = vector.shape_cast %get3A_265 : vector<1x16xi32> to vector<16xi32>
      %add3A_267 = arith.addi %get3A_266, %get3A_22 : vector<16xi32>
      %swap3A_268 = arith.index_cast %scan3A_153 : i32 to index
      %swap3A_269 = arith.constant 176 : index
      %swap3A_270 = tpu.vector_load %arg8[%swap3A_268, %swap3A_269] {strides = array<i32>} : memref<49x512xi32, #tpu.memory_space<vmem>>, vector<1x16xi32>,
      %swap3A_271 = vector.shape_cast %swap3A_270 : vector<1x16xi32> to vector<16xi32>
      %swap3A_272 = vector.shape_cast %add3A_267 : vector<16xi32> to vector<1x16xi32>
      tpu.vector_store %arg8[%swap3A_268, %swap3A_269], %swap3A_272 {strides = array<i32>} : memref<49x512xi32, #tpu.memory_space<vmem>>, vector<1x16xi32>,
      %get3A_273 = arith.index_cast %scan3A_153 : i32 to index
      %get3A_274 = arith.constant 192 : index
      %get3A_275 = tpu.vector_load %arg8[%get3A_273, %get3A_274] {strides = array<i32>} : memref<49x512xi32, #tpu.memory_space<vmem>>, vector<1x16xi32>,
      %get3A_276 = vector.shape_cast %get3A_275 : vector<1x16xi32> to vector<16xi32>
      %add3A_277 = arith.addi %get3A_276, %get3A_22 : vector<16xi32>
      %swap3A_278 = arith.index_cast %scan3A_153 : i32 to index
      %swap3A_279 = arith.constant 192 : index
      %swap3A_280 = tpu.vector_load %arg8[%swap3A_278, %swap3A_279] {strides = array<i32>} : memref<49x512xi32, #tpu.memory_space<vmem>>, vector<1x16xi32>,
      %swap3A_281 = vector.shape_cast %swap3A_280 : vector<1x16xi32> to vector<16xi32>
      %swap3A_282 = vector.shape_cast %add3A_277 : vector<16xi32> to vector<1x16xi32>
      tpu.vector_store %arg8[%swap3A_278, %swap3A_279], %swap3A_282 {strides = array<i32>} : memref<49x512xi32, #tpu.memory_space<vmem>>, vector<1x16xi32>,
      %get3A_283 = arith.index_cast %scan3A_153 : i32 to index
      %get3A_284 = arith.constant 208 : index
      %get3A_285 = tpu.vector_load %arg8[%get3A_283, %get3A_284] {strides = array<i32>} : memref<49x512xi32, #tpu.memory_space<vmem>>, vector<1x16xi32>,
      %get3A_286 = vector.shape_cast %get3A_285 : vector<1x16xi32> to vector<16xi32>
      %add3A_287 = arith.addi %get3A_286, %get3A_22 : vector<16xi32>
      %swap3A_288 = arith.index_cast %scan3A_153 : i32 to index
      %swap3A_289 = arith.constant 208 : index
      %swap3A_290 = tpu.vector_load %arg8[%swap3A_288, %swap3A_289] {strides = array<i32>} : memref<49x512xi32, #tpu.memory_space<vmem>>, vector<1x16xi32>,
      %swap3A_291 = vector.shape_cast %swap3A_290 : vector<1x16xi32> to vector<16xi32>
      %swap3A_292 = vector.shape_cast %add3A_287 : vector<16xi32> to vector<1x16xi32>
      tpu.vector_store %arg8[%swap3A_288, %swap3A_289], %swap3A_292 {strides = array<i32>} : memref<49x512xi32, #tpu.memory_space<vmem>>, vector<1x16xi32>,
      %get3A_293 = arith.index_cast %scan3A_153 : i32 to index
      %get3A_294 = arith.constant 224 : index
      %get3A_295 = tpu.vector_load %arg8[%get3A_293, %get3A_294] {strides = array<i32>} : memref<49x512xi32, #tpu.memory_space<vmem>>, vector<1x16xi32>,
      %get3A_296 = vector.shape_cast %get3A_295 : vector<1x16xi32> to vector<16xi32>
      %add3A_297 = arith.addi %get3A_296, %get3A_22 : vector<16xi32>
      %swap3A_298 = arith.index_cast %scan3A_153 : i32 to index
      %swap3A_299 = arith.constant 224 : index
      %swap3A_300 = tpu.vector_load %arg8[%swap3A_298, %swap3A_299] {strides = array<i32>} : memref<49x512xi32, #tpu.memory_space<vmem>>, vector<1x16xi32>,
      %swap3A_301 = vector.shape_cast %swap3A_300 : vector<1x16xi32> to vector<16xi32>
      %swap3A_302 = vector.shape_cast %add3A_297 : vector<16xi32> to vector<1x16xi32>
      tpu.vector_store %arg8[%swap3A_298, %swap3A_299], %swap3A_302 {strides = array<i32>} : memref<49x512xi32, #tpu.memory_space<vmem>>, vector<1x16xi32>,
      %get3A_303 = arith.index_cast %scan3A_153 : i32 to index
      %get3A_304 = arith.constant 240 : index
      %get3A_305 = tpu.vector_load %arg8[%get3A_303, %get3A_304] {strides = array<i32>} : memref<49x512xi32, #tpu.memory_space<vmem>>, vector<1x16xi32>,
      %get3A_306 = vector.shape_cast %get3A_305 : vector<1x16xi32> to vector<16xi32>
      %add3A_307 = arith.addi %get3A_306, %get3A_22 : vector<16xi32>
      %swap3A_308 = arith.index_cast %scan3A_153 : i32 to index
      %swap3A_309 = arith.constant 240 : index
      %swap3A_310 = tpu.vector_load %arg8[%swap3A_308, %swap3A_309] {strides = array<i32>} : memref<49x512xi32, #tpu.memory_space<vmem>>, vector<1x16xi32>,
      %swap3A_311 = vector.shape_cast %swap3A_310 : vector<1x16xi32> to vector<16xi32>
      %swap3A_312 = vector.shape_cast %add3A_307 : vector<16xi32> to vector<1x16xi32>
      tpu.vector_store %arg8[%swap3A_308, %swap3A_309], %swap3A_312 {strides = array<i32>} : memref<49x512xi32, #tpu.memory_space<vmem>>, vector<1x16xi32>,
      %get3A_313 = arith.index_cast %scan3A_153 : i32 to index
      %get3A_314 = arith.constant 256 : index
      %get3A_315 = tpu.vector_load %arg8[%get3A_313, %get3A_314] {strides = array<i32>} : memref<49x512xi32, #tpu.memory_space<vmem>>, vector<1x16xi32>,
      %get3A_316 = vector.shape_cast %get3A_315 : vector<1x16xi32> to vector<16xi32>
      %add3A_317 = arith.addi %get3A_316, %get3A_22 : vector<16xi32>
      %swap3A_318 = arith.index_cast %scan3A_153 : i32 to index
      %swap3A_319 = arith.constant 256 : index
      %swap3A_320 = tpu.vector_load %arg8[%swap3A_318, %swap3A_319] {strides = array<i32>} : memref<49x512xi32, #tpu.memory_space<vmem>>, vector<1x16xi32>,
      %swap3A_321 = vector.shape_cast %swap3A_320 : vector<1x16xi32> to vector<16xi32>
      %swap3A_322 = vector.shape_cast %add3A_317 : vector<16xi32> to vector<1x16xi32>
      tpu.vector_store %arg8[%swap3A_318, %swap3A_319], %swap3A_322 {strides = array<i32>} : memref<49x512xi32, #tpu.memory_space<vmem>>, vector<1x16xi32>,
      %get3A_323 = arith.index_cast %scan3A_153 : i32 to index
      %get3A_324 = arith.constant 272 : index
      %get3A_325 = tpu.vector_load %arg8[%get3A_323, %get3A_324] {strides = array<i32>} : memref<49x512xi32, #tpu.memory_space<vmem>>, vector<1x16xi32>,
      %get3A_326 = vector.shape_cast %get3A_325 : vector<1x16xi32> to vector<16xi32>
      %add3A_327 = arith.addi %get3A_326, %get3A_22 : vector<16xi32>
      %swap3A_328 = arith.index_cast %scan3A_153 : i32 to index
      %swap3A_329 = arith.constant 272 : index
      %swap3A_330 = tpu.vector_load %arg8[%swap3A_328, %swap3A_329] {strides = array<i32>} : memref<49x512xi32, #tpu.memory_space<vmem>>, vector<1x16xi32>,
      %swap3A_331 = vector.shape_cast %swap3A_330 : vector<1x16xi32> to vector<16xi32>
      %swap3A_332 = vector.shape_cast %add3A_327 : vector<16xi32> to vector<1x16xi32>
      tpu.vector_store %arg8[%swap3A_328, %swap3A_329], %swap3A_332 {strides = array<i32>} : memref<49x512xi32, #tpu.memory_space<vmem>>, vector<1x16xi32>,
      %get3A_333 = arith.index_cast %scan3A_153 : i32 to index
      %get3A_334 = arith.constant 288 : index
      %get3A_335 = tpu.vector_load %arg8[%get3A_333, %get3A_334] {strides = array<i32>} : memref<49x512xi32, #tpu.memory_space<vmem>>, vector<1x16xi32>,
      %get3A_336 = vector.shape_cast %get3A_335 : vector<1x16xi32> to vector<16xi32>
      %add3A_337 = arith.addi %get3A_336, %get3A_22 : vector<16xi32>
      %swap3A_338 = arith.index_cast %scan3A_153 : i32 to index
      %swap3A_339 = arith.constant 288 : index
      %swap3A_340 = tpu.vector_load %arg8[%swap3A_338, %swap3A_339] {strides = array<i32>} : memref<49x512xi32, #tpu.memory_space<vmem>>, vector<1x16xi32>,
      %swap3A_341 = vector.shape_cast %swap3A_340 : vector<1x16xi32> to vector<16xi32>
      %swap3A_342 = vector.shape_cast %add3A_337 : vector<16xi32> to vector<1x16xi32>
      tpu.vector_store %arg8[%swap3A_338, %swap3A_339], %swap3A_342 {strides = array<i32>} : memref<49x512xi32, #tpu.memory_space<vmem>>, vector<1x16xi32>,
      %get3A_343 = arith.index_cast %scan3A_153 : i32 to index
      %get3A_344 = arith.constant 304 : index
      %get3A_345 = tpu.vector_load %arg8[%get3A_343, %get3A_344] {strides = array<i32>} : memref<49x512xi32, #tpu.memory_space<vmem>>, vector<1x16xi32>,
      %get3A_346 = vector.shape_cast %get3A_345 : vector<1x16xi32> to vector<16xi32>
      %add3A_347 = arith.addi %get3A_346, %get3A_22 : vector<16xi32>
      %swap3A_348 = arith.index_cast %scan3A_153 : i32 to index
      %swap3A_349 = arith.constant 304 : index
      %swap3A_350 = tpu.vector_load %arg8[%swap3A_348, %swap3A_349] {strides = array<i32>} : memref<49x512xi32, #tpu.memory_space<vmem>>, vector<1x16xi32>,
      %swap3A_351 = vector.shape_cast %swap3A_350 : vector<1x16xi32> to vector<16xi32>
      %swap3A_352 = vector.shape_cast %add3A_347 : vector<16xi32> to vector<1x16xi32>
      tpu.vector_store %arg8[%swap3A_348, %swap3A_349], %swap3A_352 {strides = array<i32>} : memref<49x512xi32, #tpu.memory_space<vmem>>, vector<1x16xi32>,
      %get3A_353 = arith.index_cast %scan3A_153 : i32 to index
      %get3A_354 = arith.constant 320 : index
      %get3A_355 = tpu.vector_load %arg8[%get3A_353, %get3A_354] {strides = array<i32>} : memref<49x512xi32, #tpu.memory_space<vmem>>, vector<1x16xi32>,
      %get3A_356 = vector.shape_cast %get3A_355 : vector<1x16xi32> to vector<16xi32>
      %add3A_357 = arith.addi %get3A_356, %get3A_22 : vector<16xi32>
      %swap3A_358 = arith.index_cast %scan3A_153 : i32 to index
      %swap3A_359 = arith.constant 320 : index
      %swap3A_360 = tpu.vector_load %arg8[%swap3A_358, %swap3A_359] {strides = array<i32>} : memref<49x512xi32, #tpu.memory_space<vmem>>, vector<1x16xi32>,
      %swap3A_361 = vector.shape_cast %swap3A_360 : vector<1x16xi32> to vector<16xi32>
      %swap3A_362 = vector.shape_cast %add3A_357 : vector<16xi32> to vector<1x16xi32>
      tpu.vector_store %arg8[%swap3A_358, %swap3A_359], %swap3A_362 {strides = array<i32>} : memref<49x512xi32, #tpu.memory_space<vmem>>, vector<1x16xi32>,
      %get3A_363 = arith.index_cast %scan3A_153 : i32 to index
      %get3A_364 = arith.constant 336 : index
      %get3A_365 = tpu.vector_load %arg8[%get3A_363, %get3A_364] {strides = array<i32>} : memref<49x512xi32, #tpu.memory_space<vmem>>, vector<1x16xi32>,
      %get3A_366 = vector.shape_cast %get3A_365 : vector<1x16xi32> to vector<16xi32>
      %add3A_367 = arith.addi %get3A_366, %get3A_22 : vector<16xi32>
      %swap3A_368 = arith.index_cast %scan3A_153 : i32 to index
      %swap3A_369 = arith.constant 336 : index
      %swap3A_370 = tpu.vector_load %arg8[%swap3A_368, %swap3A_369] {strides = array<i32>} : memref<49x512xi32, #tpu.memory_space<vmem>>, vector<1x16xi32>,
      %swap3A_371 = vector.shape_cast %swap3A_370 : vector<1x16xi32> to vector<16xi32>
      %swap3A_372 = vector.shape_cast %add3A_367 : vector<16xi32> to vector<1x16xi32>
      tpu.vector_store %arg8[%swap3A_368, %swap3A_369], %swap3A_372 {strides = array<i32>} : memref<49x512xi32, #tpu.memory_space<vmem>>, vector<1x16xi32>,
      %get3A_373 = arith.index_cast %scan3A_153 : i32 to index
      %get3A_374 = arith.constant 352 : index
      %get3A_375 = tpu.vector_load %arg8[%get3A_373, %get3A_374] {strides = array<i32>} : memref<49x512xi32, #tpu.memory_space<vmem>>, vector<1x16xi32>,
      %get3A_376 = vector.shape_cast %get3A_375 : vector<1x16xi32> to vector<16xi32>
      %add3A_377 = arith.addi %get3A_376, %get3A_22 : vector<16xi32>
      %swap3A_378 = arith.index_cast %scan3A_153 : i32 to index
      %swap3A_379 = arith.constant 352 : index
      %swap3A_380 = tpu.vector_load %arg8[%swap3A_378, %swap3A_379] {strides = array<i32>} : memref<49x512xi32, #tpu.memory_space<vmem>>, vector<1x16xi32>,
      %swap3A_381 = vector.shape_cast %swap3A_380 : vector<1x16xi32> to vector<16xi32>
      %swap3A_382 = vector.shape_cast %add3A_377 : vector<16xi32> to vector<1x16xi32>
      tpu.vector_store %arg8[%swap3A_378, %swap3A_379], %swap3A_382 {strides = array<i32>} : memref<49x512xi32, #tpu.memory_space<vmem>>, vector<1x16xi32>,
      %get3A_383 = arith.index_cast %scan3A_153 : i32 to index
      %get3A_384 = arith.constant 368 : index
      %get3A_385 = tpu.vector_load %arg8[%get3A_383, %get3A_384] {strides = array<i32>} : memref<49x512xi32, #tpu.memory_space<vmem>>, vector<1x16xi32>,
      %get3A_386 = vector.shape_cast %get3A_385 : vector<1x16xi32> to vector<16xi32>
      %add3A_387 = arith.addi %get3A_386, %get3A_22 : vector<16xi32>
      %swap3A_388 = arith.index_cast %scan3A_153 : i32 to index
      %swap3A_389 = arith.constant 368 : index
      %swap3A_390 = tpu.vector_load %arg8[%swap3A_388, %swap3A_389] {strides = array<i32>} : memref<49x512xi32, #tpu.memory_space<vmem>>, vector<1x16xi32>,
      %swap3A_391 = vector.shape_cast %swap3A_390 : vector<1x16xi32> to vector<16xi32>
      %swap3A_392 = vector.shape_cast %add3A_387 : vector<16xi32> to vector<1x16xi32>
      tpu.vector_store %arg8[%swap3A_388, %swap3A_389], %swap3A_392 {strides = array<i32>} : memref<49x512xi32, #tpu.memory_space<vmem>>, vector<1x16xi32>,
      %get3A_393 = arith.index_cast %scan3A_153 : i32 to index
      %get3A_394 = arith.constant 384 : index
      %get3A_395 = tpu.vector_load %arg8[%get3A_393, %get3A_394] {strides = array<i32>} : memref<49x512xi32, #tpu.memory_space<vmem>>, vector<1x16xi32>,
      %get3A_396 = vector.shape_cast %get3A_395 : vector<1x16xi32> to vector<16xi32>
      %add3A_397 = arith.addi %get3A_396, %get3A_22 : vector<16xi32>
      %swap3A_398 = arith.index_cast %scan3A_153 : i32 to index
      %swap3A_399 = arith.constant 384 : index
      %swap3A_400 = tpu.vector_load %arg8[%swap3A_398, %swap3A_399] {strides = array<i32>} : memref<49x512xi32, #tpu.memory_space<vmem>>, vector<1x16xi32>,
      %swap3A_401 = vector.shape_cast %swap3A_400 : vector<1x16xi32> to vector<16xi32>
      %swap3A_402 = vector.shape_cast %add3A_397 : vector<16xi32> to vector<1x16xi32>
      tpu.vector_store %arg8[%swap3A_398, %swap3A_399], %swap3A_402 {strides = array<i32>} : memref<49x512xi32, #tpu.memory_space<vmem>>, vector<1x16xi32>,
      %get3A_403 = arith.index_cast %scan3A_153 : i32 to index
      %get3A_404 = arith.constant 400 : index
      %get3A_405 = tpu.vector_load %arg8[%get3A_403, %get3A_404] {strides = array<i32>} : memref<49x512xi32, #tpu.memory_space<vmem>>, vector<1x16xi32>,
      %get3A_406 = vector.shape_cast %get3A_405 : vector<1x16xi32> to vector<16xi32>
      %add3A_407 = arith.addi %get3A_406, %get3A_22 : vector<16xi32>
      %swap3A_408 = arith.index_cast %scan3A_153 : i32 to index
      %swap3A_409 = arith.constant 400 : index
      %swap3A_410 = tpu.vector_load %arg8[%swap3A_408, %swap3A_409] {strides = array<i32>} : memref<49x512xi32, #tpu.memory_space<vmem>>, vector<1x16xi32>,
      %swap3A_411 = vector.shape_cast %swap3A_410 : vector<1x16xi32> to vector<16xi32>
      %swap3A_412 = vector.shape_cast %add3A_407 : vector<16xi32> to vector<1x16xi32>
      tpu.vector_store %arg8[%swap3A_408, %swap3A_409], %swap3A_412 {strides = array<i32>} : memref<49x512xi32, #tpu.memory_space<vmem>>, vector<1x16xi32>,
      %get3A_413 = arith.index_cast %scan3A_153 : i32 to index
      %get3A_414 = arith.constant 416 : index
      %get3A_415 = tpu.vector_load %arg8[%get3A_413, %get3A_414] {strides = array<i32>} : memref<49x512xi32, #tpu.memory_space<vmem>>, vector<1x16xi32>,
      %get3A_416 = vector.shape_cast %get3A_415 : vector<1x16xi32> to vector<16xi32>
      %add3A_417 = arith.addi %get3A_416, %get3A_22 : vector<16xi32>
      %swap3A_418 = arith.index_cast %scan3A_153 : i32 to index
      %swap3A_419 = arith.constant 416 : index
      %swap3A_420 = tpu.vector_load %arg8[%swap3A_418, %swap3A_419] {strides = array<i32>} : memref<49x512xi32, #tpu.memory_space<vmem>>, vector<1x16xi32>,
      %swap3A_421 = vector.shape_cast %swap3A_420 : vector<1x16xi32> to vector<16xi32>
      %swap3A_422 = vector.shape_cast %add3A_417 : vector<16xi32> to vector<1x16xi32>
      tpu.vector_store %arg8[%swap3A_418, %swap3A_419], %swap3A_422 {strides = array<i32>} : memref<49x512xi32, #tpu.memory_space<vmem>>, vector<1x16xi32>,
      %get3A_423 = arith.index_cast %scan3A_153 : i32 to index
      %get3A_424 = arith.constant 432 : index
      %get3A_425 = tpu.vector_load %arg8[%get3A_423, %get3A_424] {strides = array<i32>} : memref<49x512xi32, #tpu.memory_space<vmem>>, vector<1x16xi32>,
      %get3A_426 = vector.shape_cast %get3A_425 : vector<1x16xi32> to vector<16xi32>
      %add3A_427 = arith.addi %get3A_426, %get3A_22 : vector<16xi32>
      %swap3A_428 = arith.index_cast %scan3A_153 : i32 to index
      %swap3A_429 = arith.constant 432 : index
      %swap3A_430 = tpu.vector_load %arg8[%swap3A_428, %swap3A_429] {strides = array<i32>} : memref<49x512xi32, #tpu.memory_space<vmem>>, vector<1x16xi32>,
      %swap3A_431 = vector.shape_cast %swap3A_430 : vector<1x16xi32> to vector<16xi32>
      %swap3A_432 = vector.shape_cast %add3A_427 : vector<16xi32> to vector<1x16xi32>
      tpu.vector_store %arg8[%swap3A_428, %swap3A_429], %swap3A_432 {strides = array<i32>} : memref<49x512xi32, #tpu.memory_space<vmem>>, vector<1x16xi32>,
      %get3A_433 = arith.index_cast %scan3A_153 : i32 to index
      %get3A_434 = arith.constant 448 : index
      %get3A_435 = tpu.vector_load %arg8[%get3A_433, %get3A_434] {strides = array<i32>} : memref<49x512xi32, #tpu.memory_space<vmem>>, vector<1x16xi32>,
      %get3A_436 = vector.shape_cast %get3A_435 : vector<1x16xi32> to vector<16xi32>
      %add3A_437 = arith.addi %get3A_436, %get3A_22 : vector<16xi32>
      %swap3A_438 = arith.index_cast %scan3A_153 : i32 to index
      %swap3A_439 = arith.constant 448 : index
      %swap3A_440 = tpu.vector_load %arg8[%swap3A_438, %swap3A_439] {strides = array<i32>} : memref<49x512xi32, #tpu.memory_space<vmem>>, vector<1x16xi32>,
      %swap3A_441 = vector.shape_cast %swap3A_440 : vector<1x16xi32> to vector<16xi32>
      %swap3A_442 = vector.shape_cast %add3A_437 : vector<16xi32> to vector<1x16xi32>
      tpu.vector_store %arg8[%swap3A_438, %swap3A_439], %swap3A_442 {strides = array<i32>} : memref<49x512xi32, #tpu.memory_space<vmem>>, vector<1x16xi32>,
      %get3A_443 = arith.index_cast %scan3A_153 : i32 to index
      %get3A_444 = arith.constant 464 : index
      %get3A_445 = tpu.vector_load %arg8[%get3A_443, %get3A_444] {strides = array<i32>} : memref<49x512xi32, #tpu.memory_space<vmem>>, vector<1x16xi32>,
      %get3A_446 = vector.shape_cast %get3A_445 : vector<1x16xi32> to vector<16xi32>
      %add3A_447 = arith.addi %get3A_446, %get3A_22 : vector<16xi32>
      %swap3A_448 = arith.index_cast %scan3A_153 : i32 to index
      %swap3A_449 = arith.constant 464 : index
      %swap3A_450 = tpu.vector_load %arg8[%swap3A_448, %swap3A_449] {strides = array<i32>} : memref<49x512xi32, #tpu.memory_space<vmem>>, vector<1x16xi32>,
      %swap3A_451 = vector.shape_cast %swap3A_450 : vector<1x16xi32> to vector<16xi32>
      %swap3A_452 = vector.shape_cast %add3A_447 : vector<16xi32> to vector<1x16xi32>
      tpu.vector_store %arg8[%swap3A_448, %swap3A_449], %swap3A_452 {strides = array<i32>} : memref<49x512xi32, #tpu.memory_space<vmem>>, vector<1x16xi32>,
      %get3A_453 = arith.index_cast %scan3A_153 : i32 to index
      %get3A_454 = arith.constant 480 : index
      %get3A_455 = tpu.vector_load %arg8[%get3A_453, %get3A_454] {strides = array<i32>} : memref<49x512xi32, #tpu.memory_space<vmem>>, vector<1x16xi32>,
      %get3A_456 = vector.shape_cast %get3A_455 : vector<1x16xi32> to vector<16xi32>
      %add3A_457 = arith.addi %get3A_456, %get3A_22 : vector<16xi32>
      %swap3A_458 = arith.index_cast %scan3A_153 : i32 to index
      %swap3A_459 = arith.constant 480 : index
      %swap3A_460 = tpu.vector_load %arg8[%swap3A_458, %swap3A_459] {strides = array<i32>} : memref<49x512xi32, #tpu.memory_space<vmem>>, vector<1x16xi32>,
      %swap3A_461 = vector.shape_cast %swap3A_460 : vector<1x16xi32> to vector<16xi32>
      %swap3A_462 = vector.shape_cast %add3A_457 : vector<16xi32> to vector<1x16xi32>
      tpu.vector_store %arg8[%swap3A_458, %swap3A_459], %swap3A_462 {strides = array<i32>} : memref<49x512xi32, #tpu.memory_space<vmem>>, vector<1x16xi32>,
      %get3A_463 = arith.index_cast %scan3A_153 : i32 to index
      %get3A_464 = arith.constant 496 : index
      %get3A_465 = tpu.vector_load %arg8[%get3A_463, %get3A_464] {strides = array<i32>} : memref<49x512xi32, #tpu.memory_space<vmem>>, vector<1x16xi32>,
      %get3A_466 = vector.shape_cast %get3A_465 : vector<1x16xi32> to vector<16xi32>
      %add3A_467 = arith.addi %get3A_466, %get3A_22 : vector<16xi32>
      %swap3A_468 = arith.index_cast %scan3A_153 : i32 to index
      %swap3A_469 = arith.constant 496 : index
      %swap3A_470 = tpu.vector_load %arg8[%swap3A_468, %swap3A_469] {strides = array<i32>} : memref<49x512xi32, #tpu.memory_space<vmem>>, vector<1x16xi32>,
      %swap3A_471 = vector.shape_cast %swap3A_470 : vector<1x16xi32> to vector<16xi32>
      %swap3A_472 = vector.shape_cast %add3A_467 : vector<16xi32> to vector<1x16xi32>
      tpu.vector_store %arg8[%swap3A_468, %swap3A_469], %swap3A_472 {strides = array<i32>} : memref<49x512xi32, #tpu.memory_space<vmem>>, vector<1x16xi32>,
    }
    %scan3A_53 = arith.constant 49 : i32
    %barrier3A_54 = arith.constant 0 : index
    tpu.barrier barrier_id(%barrier3A_54)
    %dma_start3A_55 = arith.constant 0 : i32
    %dma_start3A_56 = arith.constant 0 : i32
    %dma_start3A_57 = tpu.memref_slice %arg8[%dma_start3A_55, %dma_start3A_56] : memref<49x512xi32, #tpu.memory_space<vmem>> -> memref<1x512xi32, #tpu.memory_space<vmem>>
    %dma_start3A_58 = tpu.memref_squeeze %dma_start3A_57 : memref<1x512xi32, #tpu.memory_space<vmem>> -> memref<512xi32, #tpu.memory_space<vmem>>
    %dma_start3A_59 = arith.constant 0 : i32
    %dma_start3A_60 = arith.constant 0 : i32
    %dma_start3A_61 = tpu.memref_slice %arg4[%dma_start3A_59, %dma_start3A_60] : memref<200000x16xf32, #tpu.memory_space<hbm>> -> memref<200000x16xf32, #tpu.memory_space<hbm>>
    tpu.enqueue_indirect_dma source(%dma_start3A_61 : memref<200000x16xf32, #tpu.memory_space<hbm>>) target(%arg10 : memref<512x16xf32, #tpu.memory_space<vmem>>) offsets(%dma_start3A_58 : memref<512xi32, #tpu.memory_space<vmem>>) semaphore(%arg16 : memref<!tpu.dma_semaphore, #tpu.memory_space<semaphore_mem>>)
    %scan3A_62 = arith.constant 0 : i32
    %scan3A_63 = arith.constant 0 : i32
    %scan3A_64 = arith.constant 24 : i32
    %scan3A_65 = arith.addi %scan3A_63, %scan3A_64 : i32
    %scan3A_66 = arith.constant 1 : i32
    scf.for %scan3A_153 = %scan3A_63 to %scan3A_65 step %scan3A_66  : i32 {
      %mul3A_154 = arith.constant 2 : i32
      %mul3A_155 = arith.muli %mul3A_154, %scan3A_153 : i32
      %add3A_156 = arith.constant 0 : i32
      %add3A_157 = arith.addi %mul3A_155, %add3A_156 : i32
      %add3A_158 = arith.constant 1 : i32
      %add3A_159 = arith.addi %add3A_157, %add3A_158 : i32
      %min3A = arith.constant 48 : i32
      %min3A_160 = arith.minsi %add3A_159, %min3A : i32
      %dma_start3A_161 = arith.constant 0 : i32
      %dma_start3A_162 = tpu.memref_slice %arg8[%min3A_160, %dma_start3A_161] : memref<49x512xi32, #tpu.memory_space<vmem>> -> memref<1x512xi32, #tpu.memory_space<vmem>>
      %dma_start3A_163 = tpu.memref_squeeze %dma_start3A_162 : memref<1x512xi32, #tpu.memory_space<vmem>> -> memref<512xi32, #tpu.memory_space<vmem>>
      %dma_start3A_164 = arith.constant 0 : i32
      %dma_start3A_165 = arith.constant 0 : i32
      %dma_start3A_166 = tpu.memref_slice %arg4[%dma_start3A_164, %dma_start3A_165] : memref<200000x16xf32, #tpu.memory_space<hbm>> -> memref<200000x16xf32, #tpu.memory_space<hbm>>
      tpu.enqueue_indirect_dma source(%dma_start3A_166 : memref<200000x16xf32, #tpu.memory_space<hbm>>) target(%arg11 : memref<512x16xf32, #tpu.memory_space<vmem>>) offsets(%dma_start3A_163 : memref<512xi32, #tpu.memory_space<vmem>>) semaphore(%arg17 : memref<!tpu.dma_semaphore, #tpu.memory_space<semaphore_mem>>)
      %dma_wait3A_167 = arith.constant 0 : i32
      %dma_wait3A_168 = tpu.memref_slice %arg8[%add3A_157, %dma_wait3A_167] : memref<49x512xi32, #tpu.memory_space<vmem>> -> memref<1x512xi32, #tpu.memory_space<vmem>>
      %dma_wait3A_169 = tpu.memref_squeeze %dma_wait3A_168 : memref<1x512xi32, #tpu.memory_space<vmem>> -> memref<512xi32, #tpu.memory_space<vmem>>
      %dma_wait3A_170 = arith.constant 0 : i32
      %dma_wait3A_171 = arith.constant 0 : i32
      %dma_wait3A_172 = tpu.memref_slice %arg4[%dma_wait3A_170, %dma_wait3A_171] : memref<200000x16xf32, #tpu.memory_space<hbm>> -> memref<200000x16xf32, #tpu.memory_space<hbm>>
      tpu.wait_indirect_dma semaphore(%arg16 : memref<!tpu.dma_semaphore, #tpu.memory_space<semaphore_mem>>) src(%dma_wait3A_172 : memref<200000x16xf32, #tpu.memory_space<hbm>>) dst(%arg10 : memref<512x16xf32, #tpu.memory_space<vmem>>)
      "tpu.region"() ({
        %run_scoped3A_193 = tpu.sem_alloc : memref<!tpu.dma_semaphore, #tpu.memory_space<semaphore_mem>>
        %dma_start3A_194 = arith.constant 0 : i32
        %dma_start3A_195 = tpu.memref_slice %arg9[%add3A_157, %dma_start3A_194] : memref<49x512xi32, #tpu.memory_space<vmem>> -> memref<1x512xi32, #tpu.memory_space<vmem>>
        %dma_start3A_196 = tpu.memref_squeeze %dma_start3A_195 : memref<1x512xi32, #tpu.memory_space<vmem>> -> memref<512xi32, #tpu.memory_space<vmem>>
        %dma_start3A_197 = arith.constant 0 : i32
        %dma_start3A_198 = arith.constant 0 : i32
        %dma_start3A_199 = tpu.memref_slice %arg15[%dma_start3A_197, %dma_start3A_198] : memref<50176x16xf32, #tpu.memory_space<vmem_shared>> -> memref<50176x16xf32, #tpu.memory_space<vmem_shared>>
        tpu.enqueue_indirect_dma source(%arg10 : memref<512x16xf32, #tpu.memory_space<vmem>>) target(%dma_start3A_199 : memref<50176x16xf32, #tpu.memory_space<vmem_shared>>) offsets(%dma_start3A_196 : memref<512xi32, #tpu.memory_space<vmem>>) semaphore(%run_scoped3A_193 : memref<!tpu.dma_semaphore, #tpu.memory_space<semaphore_mem>>) {add = true}
        %dma_wait3A_200 = arith.constant 0 : i32
        %dma_wait3A_201 = tpu.memref_slice %arg9[%add3A_157, %dma_wait3A_200] : memref<49x512xi32, #tpu.memory_space<vmem>> -> memref<1x512xi32, #tpu.memory_space<vmem>>
        %dma_wait3A_202 = tpu.memref_squeeze %dma_wait3A_201 : memref<1x512xi32, #tpu.memory_space<vmem>> -> memref<512xi32, #tpu.memory_space<vmem>>
        %dma_wait3A_203 = arith.constant 0 : i32
        %dma_wait3A_204 = arith.constant 0 : i32
        %dma_wait3A_205 = tpu.memref_slice %arg15[%dma_wait3A_203, %dma_wait3A_204] : memref<50176x16xf32, #tpu.memory_space<vmem_shared>> -> memref<50176x16xf32, #tpu.memory_space<vmem_shared>>
        tpu.wait_indirect_dma semaphore(%run_scoped3A_193 : memref<!tpu.dma_semaphore, #tpu.memory_space<semaphore_mem>>) src(%arg10 : memref<512x16xf32, #tpu.memory_space<vmem>>) dst(%dma_wait3A_205 : memref<50176x16xf32, #tpu.memory_space<vmem_shared>>)
        tpu.yield
      }) : () -> ()
      %mul3A_173 = arith.constant 2 : i32
      %mul3A_174 = arith.muli %mul3A_173, %scan3A_153 : i32
      %add3A_175 = arith.constant 1 : i32
      %add3A_176 = arith.addi %mul3A_174, %add3A_175 : i32
      %add3A_177 = arith.constant 1 : i32
      %add3A_178 = arith.addi %add3A_176, %add3A_177 : i32
      %min3A_179 = arith.constant 48 : i32
      %min3A_180 = arith.minsi %add3A_178, %min3A_179 : i32
      %dma_start3A_181 = arith.constant 0 : i32
      %dma_start3A_182 = tpu.memref_slice %arg8[%min3A_180, %dma_start3A_181] : memref<49x512xi32, #tpu.memory_space<vmem>> -> memref<1x512xi32, #tpu.memory_space<vmem>>
      %dma_start3A_183 = tpu.memref_squeeze %dma_start3A_182 : memref<1x512xi32, #tpu.memory_space<vmem>> -> memref<512xi32, #tpu.memory_space<vmem>>
      %dma_start3A_184 = arith.constant 0 : i32
      %dma_start3A_185 = arith.constant 0 : i32
      %dma_start3A_186 = tpu.memref_slice %arg4[%dma_start3A_184, %dma_start3A_185] : memref<200000x16xf32, #tpu.memory_space<hbm>> -> memref<200000x16xf32, #tpu.memory_space<hbm>>
      tpu.enqueue_indirect_dma source(%dma_start3A_186 : memref<200000x16xf32, #tpu.memory_space<hbm>>) target(%arg10 : memref<512x16xf32, #tpu.memory_space<vmem>>) offsets(%dma_start3A_183 : memref<512xi32, #tpu.memory_space<vmem>>) semaphore(%arg16 : memref<!tpu.dma_semaphore, #tpu.memory_space<semaphore_mem>>)
      %dma_wait3A_187 = arith.constant 0 : i32
      %dma_wait3A_188 = tpu.memref_slice %arg8[%add3A_176, %dma_wait3A_187] : memref<49x512xi32, #tpu.memory_space<vmem>> -> memref<1x512xi32, #tpu.memory_space<vmem>>
      %dma_wait3A_189 = tpu.memref_squeeze %dma_wait3A_188 : memref<1x512xi32, #tpu.memory_space<vmem>> -> memref<512xi32, #tpu.memory_space<vmem>>
      %dma_wait3A_190 = arith.constant 0 : i32
      %dma_wait3A_191 = arith.constant 0 : i32
      %dma_wait3A_192 = tpu.memref_slice %arg4[%dma_wait3A_190, %dma_wait3A_191] : memref<200000x16xf32, #tpu.memory_space<hbm>> -> memref<200000x16xf32, #tpu.memory_space<hbm>>
      tpu.wait_indirect_dma semaphore(%arg17 : memref<!tpu.dma_semaphore, #tpu.memory_space<semaphore_mem>>) src(%dma_wait3A_192 : memref<200000x16xf32, #tpu.memory_space<hbm>>) dst(%arg11 : memref<512x16xf32, #tpu.memory_space<vmem>>)
      "tpu.region"() ({
        %run_scoped3A_193 = tpu.sem_alloc : memref<!tpu.dma_semaphore, #tpu.memory_space<semaphore_mem>>
        %dma_start3A_194 = arith.constant 0 : i32
        %dma_start3A_195 = tpu.memref_slice %arg9[%add3A_176, %dma_start3A_194] : memref<49x512xi32, #tpu.memory_space<vmem>> -> memref<1x512xi32, #tpu.memory_space<vmem>>
        %dma_start3A_196 = tpu.memref_squeeze %dma_start3A_195 : memref<1x512xi32, #tpu.memory_space<vmem>> -> memref<512xi32, #tpu.memory_space<vmem>>
        %dma_start3A_197 = arith.constant 0 : i32
        %dma_start3A_198 = arith.constant 0 : i32
        %dma_start3A_199 = tpu.memref_slice %arg15[%dma_start3A_197, %dma_start3A_198] : memref<50176x16xf32, #tpu.memory_space<vmem_shared>> -> memref<50176x16xf32, #tpu.memory_space<vmem_shared>>
        tpu.enqueue_indirect_dma source(%arg11 : memref<512x16xf32, #tpu.memory_space<vmem>>) target(%dma_start3A_199 : memref<50176x16xf32, #tpu.memory_space<vmem_shared>>) offsets(%dma_start3A_196 : memref<512xi32, #tpu.memory_space<vmem>>) semaphore(%run_scoped3A_193 : memref<!tpu.dma_semaphore, #tpu.memory_space<semaphore_mem>>) {add = true}
        %dma_wait3A_200 = arith.constant 0 : i32
        %dma_wait3A_201 = tpu.memref_slice %arg9[%add3A_176, %dma_wait3A_200] : memref<49x512xi32, #tpu.memory_space<vmem>> -> memref<1x512xi32, #tpu.memory_space<vmem>>
        %dma_wait3A_202 = tpu.memref_squeeze %dma_wait3A_201 : memref<1x512xi32, #tpu.memory_space<vmem>> -> memref<512xi32, #tpu.memory_space<vmem>>
        %dma_wait3A_203 = arith.constant 0 : i32
        %dma_wait3A_204 = arith.constant 0 : i32
        %dma_wait3A_205 = tpu.memref_slice %arg15[%dma_wait3A_203, %dma_wait3A_204] : memref<50176x16xf32, #tpu.memory_space<vmem_shared>> -> memref<50176x16xf32, #tpu.memory_space<vmem_shared>>
        tpu.wait_indirect_dma semaphore(%run_scoped3A_193 : memref<!tpu.dma_semaphore, #tpu.memory_space<semaphore_mem>>) src(%arg11 : memref<512x16xf32, #tpu.memory_space<vmem>>) dst(%dma_wait3A_205 : memref<50176x16xf32, #tpu.memory_space<vmem_shared>>)
        tpu.yield
      }) : () -> ()
    }
    %scan3A_67 = arith.constant 24 : i32
    %dma_wait3A_68 = arith.constant 48 : i32
    %dma_wait3A_69 = arith.constant 0 : i32
    %dma_wait3A_70 = tpu.memref_slice %arg8[%dma_wait3A_68, %dma_wait3A_69] : memref<49x512xi32, #tpu.memory_space<vmem>> -> memref<1x512xi32, #tpu.memory_space<vmem>>
    %dma_wait3A_71 = tpu.memref_squeeze %dma_wait3A_70 : memref<1x512xi32, #tpu.memory_space<vmem>> -> memref<512xi32, #tpu.memory_space<vmem>>
    %dma_wait3A_72 = arith.constant 0 : i32
    %dma_wait3A_73 = arith.constant 0 : i32
    %dma_wait3A_74 = tpu.memref_slice %arg4[%dma_wait3A_72, %dma_wait3A_73] : memref<200000x16xf32, #tpu.memory_space<hbm>> -> memref<200000x16xf32, #tpu.memory_space<hbm>>
    tpu.wait_indirect_dma semaphore(%arg16 : memref<!tpu.dma_semaphore, #tpu.memory_space<semaphore_mem>>) src(%dma_wait3A_74 : memref<200000x16xf32, #tpu.memory_space<hbm>>) dst(%arg10 : memref<512x16xf32, #tpu.memory_space<vmem>>)
    %run_scoped3A_75 = arith.constant 48 : i32
    "tpu.region"() ({
      %run_scoped3A_153 = tpu.sem_alloc : memref<!tpu.dma_semaphore, #tpu.memory_space<semaphore_mem>>
      %dma_start3A_154 = arith.constant 0 : i32
      %dma_start3A_155 = tpu.memref_slice %arg9[%run_scoped3A_75, %dma_start3A_154] : memref<49x512xi32, #tpu.memory_space<vmem>> -> memref<1x512xi32, #tpu.memory_space<vmem>>
      %dma_start3A_156 = tpu.memref_squeeze %dma_start3A_155 : memref<1x512xi32, #tpu.memory_space<vmem>> -> memref<512xi32, #tpu.memory_space<vmem>>
      %dma_start3A_157 = arith.constant 0 : i32
      %dma_start3A_158 = arith.constant 0 : i32
      %dma_start3A_159 = tpu.memref_slice %arg15[%dma_start3A_157, %dma_start3A_158] : memref<50176x16xf32, #tpu.memory_space<vmem_shared>> -> memref<50176x16xf32, #tpu.memory_space<vmem_shared>>
      tpu.enqueue_indirect_dma source(%arg10 : memref<512x16xf32, #tpu.memory_space<vmem>>) target(%dma_start3A_159 : memref<50176x16xf32, #tpu.memory_space<vmem_shared>>) offsets(%dma_start3A_156 : memref<512xi32, #tpu.memory_space<vmem>>) semaphore(%run_scoped3A_153 : memref<!tpu.dma_semaphore, #tpu.memory_space<semaphore_mem>>) {add = true}
      %dma_wait3A_160 = arith.constant 0 : i32
      %dma_wait3A_161 = tpu.memref_slice %arg9[%run_scoped3A_75, %dma_wait3A_160] : memref<49x512xi32, #tpu.memory_space<vmem>> -> memref<1x512xi32, #tpu.memory_space<vmem>>
      %dma_wait3A_162 = tpu.memref_squeeze %dma_wait3A_161 : memref<1x512xi32, #tpu.memory_space<vmem>> -> memref<512xi32, #tpu.memory_space<vmem>>
      %dma_wait3A_163 = arith.constant 0 : i32
      %dma_wait3A_164 = arith.constant 0 : i32
      %dma_wait3A_165 = tpu.memref_slice %arg15[%dma_wait3A_163, %dma_wait3A_164] : memref<50176x16xf32, #tpu.memory_space<vmem_shared>> -> memref<50176x16xf32, #tpu.memory_space<vmem_shared>>
      tpu.wait_indirect_dma semaphore(%run_scoped3A_153 : memref<!tpu.dma_semaphore, #tpu.memory_space<semaphore_mem>>) src(%arg10 : memref<512x16xf32, #tpu.memory_space<vmem>>) dst(%dma_wait3A_165 : memref<50176x16xf32, #tpu.memory_space<vmem_shared>>)
      tpu.yield
    }) : () -> ()
    %barrier3A_76 = arith.constant 0 : index
    tpu.barrier barrier_id(%barrier3A_76)
    %scan3A_77 = arith.constant 0 : i32
    %scan3A_78 = arith.constant 0 : i32
    %scan3A_79 = arith.constant 49 : i32
    %scan3A_80 = arith.addi %scan3A_78, %scan3A_79 : i32
    %scan3A_81 = arith.constant 1 : i32
    scf.for %scan3A_153 = %scan3A_78 to %scan3A_80 step %scan3A_81  : i32 {
      %mul3A_154 = arith.constant 64 : i32
      %mul3A_155 = arith.muli %scan3A_153, %mul3A_154 : i32
      %add3A_156 = arith.addi %mul3A_0, %mul3A_155 : i32
      "tpu.region"() ({
        %run_scoped3A_158 = tpu.sem_alloc : memref<!tpu.dma_semaphore, #tpu.memory_space<semaphore_mem>>
        %dma_start3A_159 = arith.constant 0 : i32
        %dma_start3A_160 = tpu.memref_slice %arg15[%add3A_156, %dma_start3A_159] : memref<50176x16xf32, #tpu.memory_space<vmem_shared>> -> memref<64x16xf32, #tpu.memory_space<vmem_shared>>
        %dma_start3A_161 = arith.constant 0 : i32
        %dma_start3A_162 = tpu.memref_slice %arg15[%add3A_156, %dma_start3A_161] : memref<50176x16xf32, #tpu.memory_space<vmem_shared>> -> memref<64x16xf32, #tpu.memory_space<vmem_shared>>
        tpu.enqueue_dma source(%dma_start3A_162 : memref<64x16xf32, #tpu.memory_space<vmem_shared>>) target(%arg12 : memref<64x16xf32, #tpu.memory_space<vmem>>) target_semaphore(%run_scoped3A_158 : memref<!tpu.dma_semaphore, #tpu.memory_space<semaphore_mem>>)
        %dma_wait3A_163 = arith.constant 0 : i32
        %dma_wait3A_164 = tpu.memref_slice %arg15[%add3A_156, %dma_wait3A_163] : memref<50176x16xf32, #tpu.memory_space<vmem_shared>> -> memref<64x16xf32, #tpu.memory_space<vmem_shared>>
        %dma_wait3A_165 = arith.constant 0 : i32
        %dma_wait3A_166 = tpu.memref_slice %arg15[%add3A_156, %dma_wait3A_165] : memref<50176x16xf32, #tpu.memory_space<vmem_shared>> -> memref<64x16xf32, #tpu.memory_space<vmem_shared>>
        tpu.wait_dma2 semaphore(%run_scoped3A_158 : memref<!tpu.dma_semaphore, #tpu.memory_space<semaphore_mem>>) src(%dma_wait3A_166 : memref<64x16xf32, #tpu.memory_space<vmem_shared>>) dst(%arg12 : memref<64x16xf32, #tpu.memory_space<vmem>>)
        tpu.yield
      }) : () -> ()
      %run_scoped3A_157 = arith.constant 1 : i32
      "tpu.region"() ({
        %run_scoped3A_158 = tpu.sem_alloc : memref<!tpu.dma_semaphore, #tpu.memory_space<semaphore_mem>>
        %dma_start3A_159 = arith.constant 0 : i32
        %dma_start3A_160 = tpu.memref_slice %arg7[%run_scoped3A_157, %arg0, %add3A_156, %dma_start3A_159] : memref<4x2x50176x16xf32, #tpu.memory_space<hbm>> -> memref<1x1x64x16xf32, #tpu.memory_space<hbm>>
        %dma_start3A_161 = tpu.memref_squeeze %dma_start3A_160 : memref<1x1x64x16xf32, #tpu.memory_space<hbm>> -> memref<64x16xf32, #tpu.memory_space<hbm>>
        %dma_start3A_162 = arith.constant 0 : i32
        %dma_start3A_163 = tpu.memref_slice %arg7[%run_scoped3A_157, %arg0, %add3A_156, %dma_start3A_162] : memref<4x2x50176x16xf32, #tpu.memory_space<hbm>> -> memref<1x1x64x16xf32, #tpu.memory_space<hbm>>
        %dma_start3A_164 = tpu.memref_squeeze %dma_start3A_163 : memref<1x1x64x16xf32, #tpu.memory_space<hbm>> -> memref<64x16xf32, #tpu.memory_space<hbm>>
        tpu.enqueue_dma source(%arg12 : memref<64x16xf32, #tpu.memory_space<vmem>>) target(%dma_start3A_164 : memref<64x16xf32, #tpu.memory_space<hbm>>) target_semaphore(%run_scoped3A_158 : memref<!tpu.dma_semaphore, #tpu.memory_space<semaphore_mem>>)
        %dma_wait3A_165 = arith.constant 0 : i32
        %dma_wait3A_166 = tpu.memref_slice %arg7[%run_scoped3A_157, %arg0, %add3A_156, %dma_wait3A_165] : memref<4x2x50176x16xf32, #tpu.memory_space<hbm>> -> memref<1x1x64x16xf32, #tpu.memory_space<hbm>>
        %dma_wait3A_167 = tpu.memref_squeeze %dma_wait3A_166 : memref<1x1x64x16xf32, #tpu.memory_space<hbm>> -> memref<64x16xf32, #tpu.memory_space<hbm>>
        %dma_wait3A_168 = arith.constant 0 : i32
        %dma_wait3A_169 = tpu.memref_slice %arg7[%run_scoped3A_157, %arg0, %add3A_156, %dma_wait3A_168] : memref<4x2x50176x16xf32, #tpu.memory_space<hbm>> -> memref<1x1x64x16xf32, #tpu.memory_space<hbm>>
        %dma_wait3A_170 = tpu.memref_squeeze %dma_wait3A_169 : memref<1x1x64x16xf32, #tpu.memory_space<hbm>> -> memref<64x16xf32, #tpu.memory_space<hbm>>
        tpu.wait_dma2 semaphore(%run_scoped3A_158 : memref<!tpu.dma_semaphore, #tpu.memory_space<semaphore_mem>>) src(%arg12 : memref<64x16xf32, #tpu.memory_space<vmem>>) dst(%dma_wait3A_170 : memref<64x16xf32, #tpu.memory_space<hbm>>)
        tpu.yield
      }) : () -> ()
      "tpu.region"() ({
        %run_scoped3A_158 = tpu.sem_alloc : memref<!tpu.dma_semaphore, #tpu.memory_space<semaphore_mem>>
        %dma_start3A_159 = arith.constant 0 : i32
        %dma_start3A_160 = tpu.memref_slice %arg15[%add3A_156, %dma_start3A_159] : memref<50176x16xf32, #tpu.memory_space<vmem_shared>> -> memref<64x16xf32, #tpu.memory_space<vmem_shared>>
        %dma_start3A_161 = arith.constant 0 : i32
        %dma_start3A_162 = tpu.memref_slice %arg15[%add3A_156, %dma_start3A_161] : memref<50176x16xf32, #tpu.memory_space<vmem_shared>> -> memref<64x16xf32, #tpu.memory_space<vmem_shared>>
        tpu.enqueue_dma source(%arg13 : memref<64x16xf32, #tpu.memory_space<vmem>>) target(%dma_start3A_162 : memref<64x16xf32, #tpu.memory_space<vmem_shared>>) target_semaphore(%run_scoped3A_158 : memref<!tpu.dma_semaphore, #tpu.memory_space<semaphore_mem>>)
        %dma_wait3A_163 = arith.constant 0 : i32
        %dma_wait3A_164 = tpu.memref_slice %arg15[%add3A_156, %dma_wait3A_163] : memref<50176x16xf32, #tpu.memory_space<vmem_shared>> -> memref<64x16xf32, #tpu.memory_space<vmem_shared>>
        %dma_wait3A_165 = arith.constant 0 : i32
        %dma_wait3A_166 = tpu.memref_slice %arg15[%add3A_156, %dma_wait3A_165] : memref<50176x16xf32, #tpu.memory_space<vmem_shared>> -> memref<64x16xf32, #tpu.memory_space<vmem_shared>>
        tpu.wait_dma2 semaphore(%run_scoped3A_158 : memref<!tpu.dma_semaphore, #tpu.memory_space<semaphore_mem>>) src(%arg13 : memref<64x16xf32, #tpu.memory_space<vmem>>) dst(%dma_wait3A_166 : memref<64x16xf32, #tpu.memory_space<vmem_shared>>)
        tpu.yield
      }) : () -> ()
    }
    %scan3A_82 = arith.constant 49 : i32
    %scan3A_83 = arith.constant 0 : i32
    %scan3A_84 = arith.constant 0 : i32
    %scan3A_85 = arith.constant 49 : i32
    %scan3A_86 = arith.addi %scan3A_84, %scan3A_85 : i32
    %scan3A_87 = arith.constant 1 : i32
    scf.for %scan3A_153 = %scan3A_84 to %scan3A_86 step %scan3A_87  : i32 {
      %get3A_154 = arith.index_cast %scan3A_153 : i32 to index
      %get3A_155 = arith.constant 0 : index
      %get3A_156 = tpu.vector_load %arg8[%get3A_154, %get3A_155] {strides = array<i32>} : memref<49x512xi32, #tpu.memory_space<vmem>>, vector<1x16xi32>,
      %get3A_157 = vector.shape_cast %get3A_156 : vector<1x16xi32> to vector<16xi32>
      %add3A_158 = arith.addi %get3A_157, %get3A_22 : vector<16xi32>
      %swap3A = arith.index_cast %scan3A_153 : i32 to index
      %swap3A_159 = arith.constant 0 : index
      %swap3A_160 = tpu.vector_load %arg8[%swap3A, %swap3A_159] {strides = array<i32>} : memref<49x512xi32, #tpu.memory_space<vmem>>, vector<1x16xi32>,
      %swap3A_161 = vector.shape_cast %swap3A_160 : vector<1x16xi32> to vector<16xi32>
      %swap3A_162 = vector.shape_cast %add3A_158 : vector<16xi32> to vector<1x16xi32>
      tpu.vector_store %arg8[%swap3A, %swap3A_159], %swap3A_162 {strides = array<i32>} : memref<49x512xi32, #tpu.memory_space<vmem>>, vector<1x16xi32>,
      %get3A_163 = arith.index_cast %scan3A_153 : i32 to index
      %get3A_164 = arith.constant 16 : index
      %get3A_165 = tpu.vector_load %arg8[%get3A_163, %get3A_164] {strides = array<i32>} : memref<49x512xi32, #tpu.memory_space<vmem>>, vector<1x16xi32>,
      %get3A_166 = vector.shape_cast %get3A_165 : vector<1x16xi32> to vector<16xi32>
      %add3A_167 = arith.addi %get3A_166, %get3A_22 : vector<16xi32>
      %swap3A_168 = arith.index_cast %scan3A_153 : i32 to index
      %swap3A_169 = arith.constant 16 : index
      %swap3A_170 = tpu.vector_load %arg8[%swap3A_168, %swap3A_169] {strides = array<i32>} : memref<49x512xi32, #tpu.memory_space<vmem>>, vector<1x16xi32>,
      %swap3A_171 = vector.shape_cast %swap3A_170 : vector<1x16xi32> to vector<16xi32>
      %swap3A_172 = vector.shape_cast %add3A_167 : vector<16xi32> to vector<1x16xi32>
      tpu.vector_store %arg8[%swap3A_168, %swap3A_169], %swap3A_172 {strides = array<i32>} : memref<49x512xi32, #tpu.memory_space<vmem>>, vector<1x16xi32>,
      %get3A_173 = arith.index_cast %scan3A_153 : i32 to index
      %get3A_174 = arith.constant 32 : index
      %get3A_175 = tpu.vector_load %arg8[%get3A_173, %get3A_174] {strides = array<i32>} : memref<49x512xi32, #tpu.memory_space<vmem>>, vector<1x16xi32>,
      %get3A_176 = vector.shape_cast %get3A_175 : vector<1x16xi32> to vector<16xi32>
      %add3A_177 = arith.addi %get3A_176, %get3A_22 : vector<16xi32>
      %swap3A_178 = arith.index_cast %scan3A_153 : i32 to index
      %swap3A_179 = arith.constant 32 : index
      %swap3A_180 = tpu.vector_load %arg8[%swap3A_178, %swap3A_179] {strides = array<i32>} : memref<49x512xi32, #tpu.memory_space<vmem>>, vector<1x16xi32>,
      %swap3A_181 = vector.shape_cast %swap3A_180 : vector<1x16xi32> to vector<16xi32>
      %swap3A_182 = vector.shape_cast %add3A_177 : vector<16xi32> to vector<1x16xi32>
      tpu.vector_store %arg8[%swap3A_178, %swap3A_179], %swap3A_182 {strides = array<i32>} : memref<49x512xi32, #tpu.memory_space<vmem>>, vector<1x16xi32>,
      %get3A_183 = arith.index_cast %scan3A_153 : i32 to index
      %get3A_184 = arith.constant 48 : index
      %get3A_185 = tpu.vector_load %arg8[%get3A_183, %get3A_184] {strides = array<i32>} : memref<49x512xi32, #tpu.memory_space<vmem>>, vector<1x16xi32>,
      %get3A_186 = vector.shape_cast %get3A_185 : vector<1x16xi32> to vector<16xi32>
      %add3A_187 = arith.addi %get3A_186, %get3A_22 : vector<16xi32>
      %swap3A_188 = arith.index_cast %scan3A_153 : i32 to index
      %swap3A_189 = arith.constant 48 : index
      %swap3A_190 = tpu.vector_load %arg8[%swap3A_188, %swap3A_189] {strides = array<i32>} : memref<49x512xi32, #tpu.memory_space<vmem>>, vector<1x16xi32>,
      %swap3A_191 = vector.shape_cast %swap3A_190 : vector<1x16xi32> to vector<16xi32>
      %swap3A_192 = vector.shape_cast %add3A_187 : vector<16xi32> to vector<1x16xi32>
      tpu.vector_store %arg8[%swap3A_188, %swap3A_189], %swap3A_192 {strides = array<i32>} : memref<49x512xi32, #tpu.memory_space<vmem>>, vector<1x16xi32>,
      %get3A_193 = arith.index_cast %scan3A_153 : i32 to index
      %get3A_194 = arith.constant 64 : index
      %get3A_195 = tpu.vector_load %arg8[%get3A_193, %get3A_194] {strides = array<i32>} : memref<49x512xi32, #tpu.memory_space<vmem>>, vector<1x16xi32>,
      %get3A_196 = vector.shape_cast %get3A_195 : vector<1x16xi32> to vector<16xi32>
      %add3A_197 = arith.addi %get3A_196, %get3A_22 : vector<16xi32>
      %swap3A_198 = arith.index_cast %scan3A_153 : i32 to index
      %swap3A_199 = arith.constant 64 : index
      %swap3A_200 = tpu.vector_load %arg8[%swap3A_198, %swap3A_199] {strides = array<i32>} : memref<49x512xi32, #tpu.memory_space<vmem>>, vector<1x16xi32>,
      %swap3A_201 = vector.shape_cast %swap3A_200 : vector<1x16xi32> to vector<16xi32>
      %swap3A_202 = vector.shape_cast %add3A_197 : vector<16xi32> to vector<1x16xi32>
      tpu.vector_store %arg8[%swap3A_198, %swap3A_199], %swap3A_202 {strides = array<i32>} : memref<49x512xi32, #tpu.memory_space<vmem>>, vector<1x16xi32>,
      %get3A_203 = arith.index_cast %scan3A_153 : i32 to index
      %get3A_204 = arith.constant 80 : index
      %get3A_205 = tpu.vector_load %arg8[%get3A_203, %get3A_204] {strides = array<i32>} : memref<49x512xi32, #tpu.memory_space<vmem>>, vector<1x16xi32>,
      %get3A_206 = vector.shape_cast %get3A_205 : vector<1x16xi32> to vector<16xi32>
      %add3A_207 = arith.addi %get3A_206, %get3A_22 : vector<16xi32>
      %swap3A_208 = arith.index_cast %scan3A_153 : i32 to index
      %swap3A_209 = arith.constant 80 : index
      %swap3A_210 = tpu.vector_load %arg8[%swap3A_208, %swap3A_209] {strides = array<i32>} : memref<49x512xi32, #tpu.memory_space<vmem>>, vector<1x16xi32>,
      %swap3A_211 = vector.shape_cast %swap3A_210 : vector<1x16xi32> to vector<16xi32>
      %swap3A_212 = vector.shape_cast %add3A_207 : vector<16xi32> to vector<1x16xi32>
      tpu.vector_store %arg8[%swap3A_208, %swap3A_209], %swap3A_212 {strides = array<i32>} : memref<49x512xi32, #tpu.memory_space<vmem>>, vector<1x16xi32>,
      %get3A_213 = arith.index_cast %scan3A_153 : i32 to index
      %get3A_214 = arith.constant 96 : index
      %get3A_215 = tpu.vector_load %arg8[%get3A_213, %get3A_214] {strides = array<i32>} : memref<49x512xi32, #tpu.memory_space<vmem>>, vector<1x16xi32>,
      %get3A_216 = vector.shape_cast %get3A_215 : vector<1x16xi32> to vector<16xi32>
      %add3A_217 = arith.addi %get3A_216, %get3A_22 : vector<16xi32>
      %swap3A_218 = arith.index_cast %scan3A_153 : i32 to index
      %swap3A_219 = arith.constant 96 : index
      %swap3A_220 = tpu.vector_load %arg8[%swap3A_218, %swap3A_219] {strides = array<i32>} : memref<49x512xi32, #tpu.memory_space<vmem>>, vector<1x16xi32>,
      %swap3A_221 = vector.shape_cast %swap3A_220 : vector<1x16xi32> to vector<16xi32>
      %swap3A_222 = vector.shape_cast %add3A_217 : vector<16xi32> to vector<1x16xi32>
      tpu.vector_store %arg8[%swap3A_218, %swap3A_219], %swap3A_222 {strides = array<i32>} : memref<49x512xi32, #tpu.memory_space<vmem>>, vector<1x16xi32>,
      %get3A_223 = arith.index_cast %scan3A_153 : i32 to index
      %get3A_224 = arith.constant 112 : index
      %get3A_225 = tpu.vector_load %arg8[%get3A_223, %get3A_224] {strides = array<i32>} : memref<49x512xi32, #tpu.memory_space<vmem>>, vector<1x16xi32>,
      %get3A_226 = vector.shape_cast %get3A_225 : vector<1x16xi32> to vector<16xi32>
      %add3A_227 = arith.addi %get3A_226, %get3A_22 : vector<16xi32>
      %swap3A_228 = arith.index_cast %scan3A_153 : i32 to index
      %swap3A_229 = arith.constant 112 : index
      %swap3A_230 = tpu.vector_load %arg8[%swap3A_228, %swap3A_229] {strides = array<i32>} : memref<49x512xi32, #tpu.memory_space<vmem>>, vector<1x16xi32>,
      %swap3A_231 = vector.shape_cast %swap3A_230 : vector<1x16xi32> to vector<16xi32>
      %swap3A_232 = vector.shape_cast %add3A_227 : vector<16xi32> to vector<1x16xi32>
      tpu.vector_store %arg8[%swap3A_228, %swap3A_229], %swap3A_232 {strides = array<i32>} : memref<49x512xi32, #tpu.memory_space<vmem>>, vector<1x16xi32>,
      %get3A_233 = arith.index_cast %scan3A_153 : i32 to index
      %get3A_234 = arith.constant 128 : index
      %get3A_235 = tpu.vector_load %arg8[%get3A_233, %get3A_234] {strides = array<i32>} : memref<49x512xi32, #tpu.memory_space<vmem>>, vector<1x16xi32>,
      %get3A_236 = vector.shape_cast %get3A_235 : vector<1x16xi32> to vector<16xi32>
      %add3A_237 = arith.addi %get3A_236, %get3A_22 : vector<16xi32>
      %swap3A_238 = arith.index_cast %scan3A_153 : i32 to index
      %swap3A_239 = arith.constant 128 : index
      %swap3A_240 = tpu.vector_load %arg8[%swap3A_238, %swap3A_239] {strides = array<i32>} : memref<49x512xi32, #tpu.memory_space<vmem>>, vector<1x16xi32>,
      %swap3A_241 = vector.shape_cast %swap3A_240 : vector<1x16xi32> to vector<16xi32>
      %swap3A_242 = vector.shape_cast %add3A_237 : vector<16xi32> to vector<1x16xi32>
      tpu.vector_store %arg8[%swap3A_238, %swap3A_239], %swap3A_242 {strides = array<i32>} : memref<49x512xi32, #tpu.memory_space<vmem>>, vector<1x16xi32>,
      %get3A_243 = arith.index_cast %scan3A_153 : i32 to index
      %get3A_244 = arith.constant 144 : index
      %get3A_245 = tpu.vector_load %arg8[%get3A_243, %get3A_244] {strides = array<i32>} : memref<49x512xi32, #tpu.memory_space<vmem>>, vector<1x16xi32>,
      %get3A_246 = vector.shape_cast %get3A_245 : vector<1x16xi32> to vector<16xi32>
      %add3A_247 = arith.addi %get3A_246, %get3A_22 : vector<16xi32>
      %swap3A_248 = arith.index_cast %scan3A_153 : i32 to index
      %swap3A_249 = arith.constant 144 : index
      %swap3A_250 = tpu.vector_load %arg8[%swap3A_248, %swap3A_249] {strides = array<i32>} : memref<49x512xi32, #tpu.memory_space<vmem>>, vector<1x16xi32>,
      %swap3A_251 = vector.shape_cast %swap3A_250 : vector<1x16xi32> to vector<16xi32>
      %swap3A_252 = vector.shape_cast %add3A_247 : vector<16xi32> to vector<1x16xi32>
      tpu.vector_store %arg8[%swap3A_248, %swap3A_249], %swap3A_252 {strides = array<i32>} : memref<49x512xi32, #tpu.memory_space<vmem>>, vector<1x16xi32>,
      %get3A_253 = arith.index_cast %scan3A_153 : i32 to index
      %get3A_254 = arith.constant 160 : index
      %get3A_255 = tpu.vector_load %arg8[%get3A_253, %get3A_254] {strides = array<i32>} : memref<49x512xi32, #tpu.memory_space<vmem>>, vector<1x16xi32>,
      %get3A_256 = vector.shape_cast %get3A_255 : vector<1x16xi32> to vector<16xi32>
      %add3A_257 = arith.addi %get3A_256, %get3A_22 : vector<16xi32>
      %swap3A_258 = arith.index_cast %scan3A_153 : i32 to index
      %swap3A_259 = arith.constant 160 : index
      %swap3A_260 = tpu.vector_load %arg8[%swap3A_258, %swap3A_259] {strides = array<i32>} : memref<49x512xi32, #tpu.memory_space<vmem>>, vector<1x16xi32>,
      %swap3A_261 = vector.shape_cast %swap3A_260 : vector<1x16xi32> to vector<16xi32>
      %swap3A_262 = vector.shape_cast %add3A_257 : vector<16xi32> to vector<1x16xi32>
      tpu.vector_store %arg8[%swap3A_258, %swap3A_259], %swap3A_262 {strides = array<i32>} : memref<49x512xi32, #tpu.memory_space<vmem>>, vector<1x16xi32>,
      %get3A_263 = arith.index_cast %scan3A_153 : i32 to index
      %get3A_264 = arith.constant 176 : index
      %get3A_265 = tpu.vector_load %arg8[%get3A_263, %get3A_264] {strides = array<i32>} : memref<49x512xi32, #tpu.memory_space<vmem>>, vector<1x16xi32>,
      %get3A_266 = vector.shape_cast %get3A_265 : vector<1x16xi32> to vector<16xi32>
      %add3A_267 = arith.addi %get3A_266, %get3A_22 : vector<16xi32>
      %swap3A_268 = arith.index_cast %scan3A_153 : i32 to index
      %swap3A_269 = arith.constant 176 : index
      %swap3A_270 = tpu.vector_load %arg8[%swap3A_268, %swap3A_269] {strides = array<i32>} : memref<49x512xi32, #tpu.memory_space<vmem>>, vector<1x16xi32>,
      %swap3A_271 = vector.shape_cast %swap3A_270 : vector<1x16xi32> to vector<16xi32>
      %swap3A_272 = vector.shape_cast %add3A_267 : vector<16xi32> to vector<1x16xi32>
      tpu.vector_store %arg8[%swap3A_268, %swap3A_269], %swap3A_272 {strides = array<i32>} : memref<49x512xi32, #tpu.memory_space<vmem>>, vector<1x16xi32>,
      %get3A_273 = arith.index_cast %scan3A_153 : i32 to index
      %get3A_274 = arith.constant 192 : index
      %get3A_275 = tpu.vector_load %arg8[%get3A_273, %get3A_274] {strides = array<i32>} : memref<49x512xi32, #tpu.memory_space<vmem>>, vector<1x16xi32>,
      %get3A_276 = vector.shape_cast %get3A_275 : vector<1x16xi32> to vector<16xi32>
      %add3A_277 = arith.addi %get3A_276, %get3A_22 : vector<16xi32>
      %swap3A_278 = arith.index_cast %scan3A_153 : i32 to index
      %swap3A_279 = arith.constant 192 : index
      %swap3A_280 = tpu.vector_load %arg8[%swap3A_278, %swap3A_279] {strides = array<i32>} : memref<49x512xi32, #tpu.memory_space<vmem>>, vector<1x16xi32>,
      %swap3A_281 = vector.shape_cast %swap3A_280 : vector<1x16xi32> to vector<16xi32>
      %swap3A_282 = vector.shape_cast %add3A_277 : vector<16xi32> to vector<1x16xi32>
      tpu.vector_store %arg8[%swap3A_278, %swap3A_279], %swap3A_282 {strides = array<i32>} : memref<49x512xi32, #tpu.memory_space<vmem>>, vector<1x16xi32>,
      %get3A_283 = arith.index_cast %scan3A_153 : i32 to index
      %get3A_284 = arith.constant 208 : index
      %get3A_285 = tpu.vector_load %arg8[%get3A_283, %get3A_284] {strides = array<i32>} : memref<49x512xi32, #tpu.memory_space<vmem>>, vector<1x16xi32>,
      %get3A_286 = vector.shape_cast %get3A_285 : vector<1x16xi32> to vector<16xi32>
      %add3A_287 = arith.addi %get3A_286, %get3A_22 : vector<16xi32>
      %swap3A_288 = arith.index_cast %scan3A_153 : i32 to index
      %swap3A_289 = arith.constant 208 : index
      %swap3A_290 = tpu.vector_load %arg8[%swap3A_288, %swap3A_289] {strides = array<i32>} : memref<49x512xi32, #tpu.memory_space<vmem>>, vector<1x16xi32>,
      %swap3A_291 = vector.shape_cast %swap3A_290 : vector<1x16xi32> to vector<16xi32>
      %swap3A_292 = vector.shape_cast %add3A_287 : vector<16xi32> to vector<1x16xi32>
      tpu.vector_store %arg8[%swap3A_288, %swap3A_289], %swap3A_292 {strides = array<i32>} : memref<49x512xi32, #tpu.memory_space<vmem>>, vector<1x16xi32>,
      %get3A_293 = arith.index_cast %scan3A_153 : i32 to index
      %get3A_294 = arith.constant 224 : index
      %get3A_295 = tpu.vector_load %arg8[%get3A_293, %get3A_294] {strides = array<i32>} : memref<49x512xi32, #tpu.memory_space<vmem>>, vector<1x16xi32>,
      %get3A_296 = vector.shape_cast %get3A_295 : vector<1x16xi32> to vector<16xi32>
      %add3A_297 = arith.addi %get3A_296, %get3A_22 : vector<16xi32>
      %swap3A_298 = arith.index_cast %scan3A_153 : i32 to index
      %swap3A_299 = arith.constant 224 : index
      %swap3A_300 = tpu.vector_load %arg8[%swap3A_298, %swap3A_299] {strides = array<i32>} : memref<49x512xi32, #tpu.memory_space<vmem>>, vector<1x16xi32>,
      %swap3A_301 = vector.shape_cast %swap3A_300 : vector<1x16xi32> to vector<16xi32>
      %swap3A_302 = vector.shape_cast %add3A_297 : vector<16xi32> to vector<1x16xi32>
      tpu.vector_store %arg8[%swap3A_298, %swap3A_299], %swap3A_302 {strides = array<i32>} : memref<49x512xi32, #tpu.memory_space<vmem>>, vector<1x16xi32>,
      %get3A_303 = arith.index_cast %scan3A_153 : i32 to index
      %get3A_304 = arith.constant 240 : index
      %get3A_305 = tpu.vector_load %arg8[%get3A_303, %get3A_304] {strides = array<i32>} : memref<49x512xi32, #tpu.memory_space<vmem>>, vector<1x16xi32>,
      %get3A_306 = vector.shape_cast %get3A_305 : vector<1x16xi32> to vector<16xi32>
      %add3A_307 = arith.addi %get3A_306, %get3A_22 : vector<16xi32>
      %swap3A_308 = arith.index_cast %scan3A_153 : i32 to index
      %swap3A_309 = arith.constant 240 : index
      %swap3A_310 = tpu.vector_load %arg8[%swap3A_308, %swap3A_309] {strides = array<i32>} : memref<49x512xi32, #tpu.memory_space<vmem>>, vector<1x16xi32>,
      %swap3A_311 = vector.shape_cast %swap3A_310 : vector<1x16xi32> to vector<16xi32>
      %swap3A_312 = vector.shape_cast %add3A_307 : vector<16xi32> to vector<1x16xi32>
      tpu.vector_store %arg8[%swap3A_308, %swap3A_309], %swap3A_312 {strides = array<i32>} : memref<49x512xi32, #tpu.memory_space<vmem>>, vector<1x16xi32>,
      %get3A_313 = arith.index_cast %scan3A_153 : i32 to index
      %get3A_314 = arith.constant 256 : index
      %get3A_315 = tpu.vector_load %arg8[%get3A_313, %get3A_314] {strides = array<i32>} : memref<49x512xi32, #tpu.memory_space<vmem>>, vector<1x16xi32>,
      %get3A_316 = vector.shape_cast %get3A_315 : vector<1x16xi32> to vector<16xi32>
      %add3A_317 = arith.addi %get3A_316, %get3A_22 : vector<16xi32>
      %swap3A_318 = arith.index_cast %scan3A_153 : i32 to index
      %swap3A_319 = arith.constant 256 : index
      %swap3A_320 = tpu.vector_load %arg8[%swap3A_318, %swap3A_319] {strides = array<i32>} : memref<49x512xi32, #tpu.memory_space<vmem>>, vector<1x16xi32>,
      %swap3A_321 = vector.shape_cast %swap3A_320 : vector<1x16xi32> to vector<16xi32>
      %swap3A_322 = vector.shape_cast %add3A_317 : vector<16xi32> to vector<1x16xi32>
      tpu.vector_store %arg8[%swap3A_318, %swap3A_319], %swap3A_322 {strides = array<i32>} : memref<49x512xi32, #tpu.memory_space<vmem>>, vector<1x16xi32>,
      %get3A_323 = arith.index_cast %scan3A_153 : i32 to index
      %get3A_324 = arith.constant 272 : index
      %get3A_325 = tpu.vector_load %arg8[%get3A_323, %get3A_324] {strides = array<i32>} : memref<49x512xi32, #tpu.memory_space<vmem>>, vector<1x16xi32>,
      %get3A_326 = vector.shape_cast %get3A_325 : vector<1x16xi32> to vector<16xi32>
      %add3A_327 = arith.addi %get3A_326, %get3A_22 : vector<16xi32>
      %swap3A_328 = arith.index_cast %scan3A_153 : i32 to index
      %swap3A_329 = arith.constant 272 : index
      %swap3A_330 = tpu.vector_load %arg8[%swap3A_328, %swap3A_329] {strides = array<i32>} : memref<49x512xi32, #tpu.memory_space<vmem>>, vector<1x16xi32>,
      %swap3A_331 = vector.shape_cast %swap3A_330 : vector<1x16xi32> to vector<16xi32>
      %swap3A_332 = vector.shape_cast %add3A_327 : vector<16xi32> to vector<1x16xi32>
      tpu.vector_store %arg8[%swap3A_328, %swap3A_329], %swap3A_332 {strides = array<i32>} : memref<49x512xi32, #tpu.memory_space<vmem>>, vector<1x16xi32>,
      %get3A_333 = arith.index_cast %scan3A_153 : i32 to index
      %get3A_334 = arith.constant 288 : index
      %get3A_335 = tpu.vector_load %arg8[%get3A_333, %get3A_334] {strides = array<i32>} : memref<49x512xi32, #tpu.memory_space<vmem>>, vector<1x16xi32>,
      %get3A_336 = vector.shape_cast %get3A_335 : vector<1x16xi32> to vector<16xi32>
      %add3A_337 = arith.addi %get3A_336, %get3A_22 : vector<16xi32>
      %swap3A_338 = arith.index_cast %scan3A_153 : i32 to index
      %swap3A_339 = arith.constant 288 : index
      %swap3A_340 = tpu.vector_load %arg8[%swap3A_338, %swap3A_339] {strides = array<i32>} : memref<49x512xi32, #tpu.memory_space<vmem>>, vector<1x16xi32>,
      %swap3A_341 = vector.shape_cast %swap3A_340 : vector<1x16xi32> to vector<16xi32>
      %swap3A_342 = vector.shape_cast %add3A_337 : vector<16xi32> to vector<1x16xi32>
      tpu.vector_store %arg8[%swap3A_338, %swap3A_339], %swap3A_342 {strides = array<i32>} : memref<49x512xi32, #tpu.memory_space<vmem>>, vector<1x16xi32>,
      %get3A_343 = arith.index_cast %scan3A_153 : i32 to index
      %get3A_344 = arith.constant 304 : index
      %get3A_345 = tpu.vector_load %arg8[%get3A_343, %get3A_344] {strides = array<i32>} : memref<49x512xi32, #tpu.memory_space<vmem>>, vector<1x16xi32>,
      %get3A_346 = vector.shape_cast %get3A_345 : vector<1x16xi32> to vector<16xi32>
      %add3A_347 = arith.addi %get3A_346, %get3A_22 : vector<16xi32>
      %swap3A_348 = arith.index_cast %scan3A_153 : i32 to index
      %swap3A_349 = arith.constant 304 : index
      %swap3A_350 = tpu.vector_load %arg8[%swap3A_348, %swap3A_349] {strides = array<i32>} : memref<49x512xi32, #tpu.memory_space<vmem>>, vector<1x16xi32>,
      %swap3A_351 = vector.shape_cast %swap3A_350 : vector<1x16xi32> to vector<16xi32>
      %swap3A_352 = vector.shape_cast %add3A_347 : vector<16xi32> to vector<1x16xi32>
      tpu.vector_store %arg8[%swap3A_348, %swap3A_349], %swap3A_352 {strides = array<i32>} : memref<49x512xi32, #tpu.memory_space<vmem>>, vector<1x16xi32>,
      %get3A_353 = arith.index_cast %scan3A_153 : i32 to index
      %get3A_354 = arith.constant 320 : index
      %get3A_355 = tpu.vector_load %arg8[%get3A_353, %get3A_354] {strides = array<i32>} : memref<49x512xi32, #tpu.memory_space<vmem>>, vector<1x16xi32>,
      %get3A_356 = vector.shape_cast %get3A_355 : vector<1x16xi32> to vector<16xi32>
      %add3A_357 = arith.addi %get3A_356, %get3A_22 : vector<16xi32>
      %swap3A_358 = arith.index_cast %scan3A_153 : i32 to index
      %swap3A_359 = arith.constant 320 : index
      %swap3A_360 = tpu.vector_load %arg8[%swap3A_358, %swap3A_359] {strides = array<i32>} : memref<49x512xi32, #tpu.memory_space<vmem>>, vector<1x16xi32>,
      %swap3A_361 = vector.shape_cast %swap3A_360 : vector<1x16xi32> to vector<16xi32>
      %swap3A_362 = vector.shape_cast %add3A_357 : vector<16xi32> to vector<1x16xi32>
      tpu.vector_store %arg8[%swap3A_358, %swap3A_359], %swap3A_362 {strides = array<i32>} : memref<49x512xi32, #tpu.memory_space<vmem>>, vector<1x16xi32>,
      %get3A_363 = arith.index_cast %scan3A_153 : i32 to index
      %get3A_364 = arith.constant 336 : index
      %get3A_365 = tpu.vector_load %arg8[%get3A_363, %get3A_364] {strides = array<i32>} : memref<49x512xi32, #tpu.memory_space<vmem>>, vector<1x16xi32>,
      %get3A_366 = vector.shape_cast %get3A_365 : vector<1x16xi32> to vector<16xi32>
      %add3A_367 = arith.addi %get3A_366, %get3A_22 : vector<16xi32>
      %swap3A_368 = arith.index_cast %scan3A_153 : i32 to index
      %swap3A_369 = arith.constant 336 : index
      %swap3A_370 = tpu.vector_load %arg8[%swap3A_368, %swap3A_369] {strides = array<i32>} : memref<49x512xi32, #tpu.memory_space<vmem>>, vector<1x16xi32>,
      %swap3A_371 = vector.shape_cast %swap3A_370 : vector<1x16xi32> to vector<16xi32>
      %swap3A_372 = vector.shape_cast %add3A_367 : vector<16xi32> to vector<1x16xi32>
      tpu.vector_store %arg8[%swap3A_368, %swap3A_369], %swap3A_372 {strides = array<i32>} : memref<49x512xi32, #tpu.memory_space<vmem>>, vector<1x16xi32>,
      %get3A_373 = arith.index_cast %scan3A_153 : i32 to index
      %get3A_374 = arith.constant 352 : index
      %get3A_375 = tpu.vector_load %arg8[%get3A_373, %get3A_374] {strides = array<i32>} : memref<49x512xi32, #tpu.memory_space<vmem>>, vector<1x16xi32>,
      %get3A_376 = vector.shape_cast %get3A_375 : vector<1x16xi32> to vector<16xi32>
      %add3A_377 = arith.addi %get3A_376, %get3A_22 : vector<16xi32>
      %swap3A_378 = arith.index_cast %scan3A_153 : i32 to index
      %swap3A_379 = arith.constant 352 : index
      %swap3A_380 = tpu.vector_load %arg8[%swap3A_378, %swap3A_379] {strides = array<i32>} : memref<49x512xi32, #tpu.memory_space<vmem>>, vector<1x16xi32>,
      %swap3A_381 = vector.shape_cast %swap3A_380 : vector<1x16xi32> to vector<16xi32>
      %swap3A_382 = vector.shape_cast %add3A_377 : vector<16xi32> to vector<1x16xi32>
      tpu.vector_store %arg8[%swap3A_378, %swap3A_379], %swap3A_382 {strides = array<i32>} : memref<49x512xi32, #tpu.memory_space<vmem>>, vector<1x16xi32>,
      %get3A_383 = arith.index_cast %scan3A_153 : i32 to index
      %get3A_384 = arith.constant 368 : index
      %get3A_385 = tpu.vector_load %arg8[%get3A_383, %get3A_384] {strides = array<i32>} : memref<49x512xi32, #tpu.memory_space<vmem>>, vector<1x16xi32>,
      %get3A_386 = vector.shape_cast %get3A_385 : vector<1x16xi32> to vector<16xi32>
      %add3A_387 = arith.addi %get3A_386, %get3A_22 : vector<16xi32>
      %swap3A_388 = arith.index_cast %scan3A_153 : i32 to index
      %swap3A_389 = arith.constant 368 : index
      %swap3A_390 = tpu.vector_load %arg8[%swap3A_388, %swap3A_389] {strides = array<i32>} : memref<49x512xi32, #tpu.memory_space<vmem>>, vector<1x16xi32>,
      %swap3A_391 = vector.shape_cast %swap3A_390 : vector<1x16xi32> to vector<16xi32>
      %swap3A_392 = vector.shape_cast %add3A_387 : vector<16xi32> to vector<1x16xi32>
      tpu.vector_store %arg8[%swap3A_388, %swap3A_389], %swap3A_392 {strides = array<i32>} : memref<49x512xi32, #tpu.memory_space<vmem>>, vector<1x16xi32>,
      %get3A_393 = arith.index_cast %scan3A_153 : i32 to index
      %get3A_394 = arith.constant 384 : index
      %get3A_395 = tpu.vector_load %arg8[%get3A_393, %get3A_394] {strides = array<i32>} : memref<49x512xi32, #tpu.memory_space<vmem>>, vector<1x16xi32>,
      %get3A_396 = vector.shape_cast %get3A_395 : vector<1x16xi32> to vector<16xi32>
      %add3A_397 = arith.addi %get3A_396, %get3A_22 : vector<16xi32>
      %swap3A_398 = arith.index_cast %scan3A_153 : i32 to index
      %swap3A_399 = arith.constant 384 : index
      %swap3A_400 = tpu.vector_load %arg8[%swap3A_398, %swap3A_399] {strides = array<i32>} : memref<49x512xi32, #tpu.memory_space<vmem>>, vector<1x16xi32>,
      %swap3A_401 = vector.shape_cast %swap3A_400 : vector<1x16xi32> to vector<16xi32>
      %swap3A_402 = vector.shape_cast %add3A_397 : vector<16xi32> to vector<1x16xi32>
      tpu.vector_store %arg8[%swap3A_398, %swap3A_399], %swap3A_402 {strides = array<i32>} : memref<49x512xi32, #tpu.memory_space<vmem>>, vector<1x16xi32>,
      %get3A_403 = arith.index_cast %scan3A_153 : i32 to index
      %get3A_404 = arith.constant 400 : index
      %get3A_405 = tpu.vector_load %arg8[%get3A_403, %get3A_404] {strides = array<i32>} : memref<49x512xi32, #tpu.memory_space<vmem>>, vector<1x16xi32>,
      %get3A_406 = vector.shape_cast %get3A_405 : vector<1x16xi32> to vector<16xi32>
      %add3A_407 = arith.addi %get3A_406, %get3A_22 : vector<16xi32>
      %swap3A_408 = arith.index_cast %scan3A_153 : i32 to index
      %swap3A_409 = arith.constant 400 : index
      %swap3A_410 = tpu.vector_load %arg8[%swap3A_408, %swap3A_409] {strides = array<i32>} : memref<49x512xi32, #tpu.memory_space<vmem>>, vector<1x16xi32>,
      %swap3A_411 = vector.shape_cast %swap3A_410 : vector<1x16xi32> to vector<16xi32>
      %swap3A_412 = vector.shape_cast %add3A_407 : vector<16xi32> to vector<1x16xi32>
      tpu.vector_store %arg8[%swap3A_408, %swap3A_409], %swap3A_412 {strides = array<i32>} : memref<49x512xi32, #tpu.memory_space<vmem>>, vector<1x16xi32>,
      %get3A_413 = arith.index_cast %scan3A_153 : i32 to index
      %get3A_414 = arith.constant 416 : index
      %get3A_415 = tpu.vector_load %arg8[%get3A_413, %get3A_414] {strides = array<i32>} : memref<49x512xi32, #tpu.memory_space<vmem>>, vector<1x16xi32>,
      %get3A_416 = vector.shape_cast %get3A_415 : vector<1x16xi32> to vector<16xi32>
      %add3A_417 = arith.addi %get3A_416, %get3A_22 : vector<16xi32>
      %swap3A_418 = arith.index_cast %scan3A_153 : i32 to index
      %swap3A_419 = arith.constant 416 : index
      %swap3A_420 = tpu.vector_load %arg8[%swap3A_418, %swap3A_419] {strides = array<i32>} : memref<49x512xi32, #tpu.memory_space<vmem>>, vector<1x16xi32>,
      %swap3A_421 = vector.shape_cast %swap3A_420 : vector<1x16xi32> to vector<16xi32>
      %swap3A_422 = vector.shape_cast %add3A_417 : vector<16xi32> to vector<1x16xi32>
      tpu.vector_store %arg8[%swap3A_418, %swap3A_419], %swap3A_422 {strides = array<i32>} : memref<49x512xi32, #tpu.memory_space<vmem>>, vector<1x16xi32>,
      %get3A_423 = arith.index_cast %scan3A_153 : i32 to index
      %get3A_424 = arith.constant 432 : index
      %get3A_425 = tpu.vector_load %arg8[%get3A_423, %get3A_424] {strides = array<i32>} : memref<49x512xi32, #tpu.memory_space<vmem>>, vector<1x16xi32>,
      %get3A_426 = vector.shape_cast %get3A_425 : vector<1x16xi32> to vector<16xi32>
      %add3A_427 = arith.addi %get3A_426, %get3A_22 : vector<16xi32>
      %swap3A_428 = arith.index_cast %scan3A_153 : i32 to index
      %swap3A_429 = arith.constant 432 : index
      %swap3A_430 = tpu.vector_load %arg8[%swap3A_428, %swap3A_429] {strides = array<i32>} : memref<49x512xi32, #tpu.memory_space<vmem>>, vector<1x16xi32>,
      %swap3A_431 = vector.shape_cast %swap3A_430 : vector<1x16xi32> to vector<16xi32>
      %swap3A_432 = vector.shape_cast %add3A_427 : vector<16xi32> to vector<1x16xi32>
      tpu.vector_store %arg8[%swap3A_428, %swap3A_429], %swap3A_432 {strides = array<i32>} : memref<49x512xi32, #tpu.memory_space<vmem>>, vector<1x16xi32>,
      %get3A_433 = arith.index_cast %scan3A_153 : i32 to index
      %get3A_434 = arith.constant 448 : index
      %get3A_435 = tpu.vector_load %arg8[%get3A_433, %get3A_434] {strides = array<i32>} : memref<49x512xi32, #tpu.memory_space<vmem>>, vector<1x16xi32>,
      %get3A_436 = vector.shape_cast %get3A_435 : vector<1x16xi32> to vector<16xi32>
      %add3A_437 = arith.addi %get3A_436, %get3A_22 : vector<16xi32>
      %swap3A_438 = arith.index_cast %scan3A_153 : i32 to index
      %swap3A_439 = arith.constant 448 : index
      %swap3A_440 = tpu.vector_load %arg8[%swap3A_438, %swap3A_439] {strides = array<i32>} : memref<49x512xi32, #tpu.memory_space<vmem>>, vector<1x16xi32>,
      %swap3A_441 = vector.shape_cast %swap3A_440 : vector<1x16xi32> to vector<16xi32>
      %swap3A_442 = vector.shape_cast %add3A_437 : vector<16xi32> to vector<1x16xi32>
      tpu.vector_store %arg8[%swap3A_438, %swap3A_439], %swap3A_442 {strides = array<i32>} : memref<49x512xi32, #tpu.memory_space<vmem>>, vector<1x16xi32>,
      %get3A_443 = arith.index_cast %scan3A_153 : i32 to index
      %get3A_444 = arith.constant 464 : index
      %get3A_445 = tpu.vector_load %arg8[%get3A_443, %get3A_444] {strides = array<i32>} : memref<49x512xi32, #tpu.memory_space<vmem>>, vector<1x16xi32>,
      %get3A_446 = vector.shape_cast %get3A_445 : vector<1x16xi32> to vector<16xi32>
      %add3A_447 = arith.addi %get3A_446, %get3A_22 : vector<16xi32>
      %swap3A_448 = arith.index_cast %scan3A_153 : i32 to index
      %swap3A_449 = arith.constant 464 : index
      %swap3A_450 = tpu.vector_load %arg8[%swap3A_448, %swap3A_449] {strides = array<i32>} : memref<49x512xi32, #tpu.memory_space<vmem>>, vector<1x16xi32>,
      %swap3A_451 = vector.shape_cast %swap3A_450 : vector<1x16xi32> to vector<16xi32>
      %swap3A_452 = vector.shape_cast %add3A_447 : vector<16xi32> to vector<1x16xi32>
      tpu.vector_store %arg8[%swap3A_448, %swap3A_449], %swap3A_452 {strides = array<i32>} : memref<49x512xi32, #tpu.memory_space<vmem>>, vector<1x16xi32>,
      %get3A_453 = arith.index_cast %scan3A_153 : i32 to index
      %get3A_454 = arith.constant 480 : index
      %get3A_455 = tpu.vector_load %arg8[%get3A_453, %get3A_454] {strides = array<i32>} : memref<49x512xi32, #tpu.memory_space<vmem>>, vector<1x16xi32>,
      %get3A_456 = vector.shape_cast %get3A_455 : vector<1x16xi32> to vector<16xi32>
      %add3A_457 = arith.addi %get3A_456, %get3A_22 : vector<16xi32>
      %swap3A_458 = arith.index_cast %scan3A_153 : i32 to index
      %swap3A_459 = arith.constant 480 : index
      %swap3A_460 = tpu.vector_load %arg8[%swap3A_458, %swap3A_459] {strides = array<i32>} : memref<49x512xi32, #tpu.memory_space<vmem>>, vector<1x16xi32>,
      %swap3A_461 = vector.shape_cast %swap3A_460 : vector<1x16xi32> to vector<16xi32>
      %swap3A_462 = vector.shape_cast %add3A_457 : vector<16xi32> to vector<1x16xi32>
      tpu.vector_store %arg8[%swap3A_458, %swap3A_459], %swap3A_462 {strides = array<i32>} : memref<49x512xi32, #tpu.memory_space<vmem>>, vector<1x16xi32>,
      %get3A_463 = arith.index_cast %scan3A_153 : i32 to index
      %get3A_464 = arith.constant 496 : index
      %get3A_465 = tpu.vector_load %arg8[%get3A_463, %get3A_464] {strides = array<i32>} : memref<49x512xi32, #tpu.memory_space<vmem>>, vector<1x16xi32>,
      %get3A_466 = vector.shape_cast %get3A_465 : vector<1x16xi32> to vector<16xi32>
      %add3A_467 = arith.addi %get3A_466, %get3A_22 : vector<16xi32>
      %swap3A_468 = arith.index_cast %scan3A_153 : i32 to index
      %swap3A_469 = arith.constant 496 : index
      %swap3A_470 = tpu.vector_load %arg8[%swap3A_468, %swap3A_469] {strides = array<i32>} : memref<49x512xi32, #tpu.memory_space<vmem>>, vector<1x16xi32>,
      %swap3A_471 = vector.shape_cast %swap3A_470 : vector<1x16xi32> to vector<16xi32>
      %swap3A_472 = vector.shape_cast %add3A_467 : vector<16xi32> to vector<1x16xi32>
      tpu.vector_store %arg8[%swap3A_468, %swap3A_469], %swap3A_472 {strides = array<i32>} : memref<49x512xi32, #tpu.memory_space<vmem>>, vector<1x16xi32>,
    }
    %scan3A_88 = arith.constant 49 : i32
    %barrier3A_89 = arith.constant 0 : index
    tpu.barrier barrier_id(%barrier3A_89)
    %dma_start3A_90 = arith.constant 0 : i32
    %dma_start3A_91 = arith.constant 0 : i32
    %dma_start3A_92 = tpu.memref_slice %arg8[%dma_start3A_90, %dma_start3A_91] : memref<49x512xi32, #tpu.memory_space<vmem>> -> memref<1x512xi32, #tpu.memory_space<vmem>>
    %dma_start3A_93 = tpu.memref_squeeze %dma_start3A_92 : memref<1x512xi32, #tpu.memory_space<vmem>> -> memref<512xi32, #tpu.memory_space<vmem>>
    %dma_start3A_94 = arith.constant 0 : i32
    %dma_start3A_95 = arith.constant 0 : i32
    %dma_start3A_96 = tpu.memref_slice %arg4[%dma_start3A_94, %dma_start3A_95] : memref<200000x16xf32, #tpu.memory_space<hbm>> -> memref<200000x16xf32, #tpu.memory_space<hbm>>
    tpu.enqueue_indirect_dma source(%dma_start3A_96 : memref<200000x16xf32, #tpu.memory_space<hbm>>) target(%arg10 : memref<512x16xf32, #tpu.memory_space<vmem>>) offsets(%dma_start3A_93 : memref<512xi32, #tpu.memory_space<vmem>>) semaphore(%arg16 : memref<!tpu.dma_semaphore, #tpu.memory_space<semaphore_mem>>)
    %scan3A_97 = arith.constant 0 : i32
    %scan3A_98 = arith.constant 0 : i32
    %scan3A_99 = arith.constant 24 : i32
    %scan3A_100 = arith.addi %scan3A_98, %scan3A_99 : i32
    %scan3A_101 = arith.constant 1 : i32
    scf.for %scan3A_153 = %scan3A_98 to %scan3A_100 step %scan3A_101  : i32 {
      %mul3A_154 = arith.constant 2 : i32
      %mul3A_155 = arith.muli %mul3A_154, %scan3A_153 : i32
      %add3A_156 = arith.constant 0 : i32
      %add3A_157 = arith.addi %mul3A_155, %add3A_156 : i32
      %add3A_158 = arith.constant 1 : i32
      %add3A_159 = arith.addi %add3A_157, %add3A_158 : i32
      %min3A = arith.constant 48 : i32
      %min3A_160 = arith.minsi %add3A_159, %min3A : i32
      %dma_start3A_161 = arith.constant 0 : i32
      %dma_start3A_162 = tpu.memref_slice %arg8[%min3A_160, %dma_start3A_161] : memref<49x512xi32, #tpu.memory_space<vmem>> -> memref<1x512xi32, #tpu.memory_space<vmem>>
      %dma_start3A_163 = tpu.memref_squeeze %dma_start3A_162 : memref<1x512xi32, #tpu.memory_space<vmem>> -> memref<512xi32, #tpu.memory_space<vmem>>
      %dma_start3A_164 = arith.constant 0 : i32
      %dma_start3A_165 = arith.constant 0 : i32
      %dma_start3A_166 = tpu.memref_slice %arg4[%dma_start3A_164, %dma_start3A_165] : memref<200000x16xf32, #tpu.memory_space<hbm>> -> memref<200000x16xf32, #tpu.memory_space<hbm>>
      tpu.enqueue_indirect_dma source(%dma_start3A_166 : memref<200000x16xf32, #tpu.memory_space<hbm>>) target(%arg11 : memref<512x16xf32, #tpu.memory_space<vmem>>) offsets(%dma_start3A_163 : memref<512xi32, #tpu.memory_space<vmem>>) semaphore(%arg17 : memref<!tpu.dma_semaphore, #tpu.memory_space<semaphore_mem>>)
      %dma_wait3A_167 = arith.constant 0 : i32
      %dma_wait3A_168 = tpu.memref_slice %arg8[%add3A_157, %dma_wait3A_167] : memref<49x512xi32, #tpu.memory_space<vmem>> -> memref<1x512xi32, #tpu.memory_space<vmem>>
      %dma_wait3A_169 = tpu.memref_squeeze %dma_wait3A_168 : memref<1x512xi32, #tpu.memory_space<vmem>> -> memref<512xi32, #tpu.memory_space<vmem>>
      %dma_wait3A_170 = arith.constant 0 : i32
      %dma_wait3A_171 = arith.constant 0 : i32
      %dma_wait3A_172 = tpu.memref_slice %arg4[%dma_wait3A_170, %dma_wait3A_171] : memref<200000x16xf32, #tpu.memory_space<hbm>> -> memref<200000x16xf32, #tpu.memory_space<hbm>>
      tpu.wait_indirect_dma semaphore(%arg16 : memref<!tpu.dma_semaphore, #tpu.memory_space<semaphore_mem>>) src(%dma_wait3A_172 : memref<200000x16xf32, #tpu.memory_space<hbm>>) dst(%arg10 : memref<512x16xf32, #tpu.memory_space<vmem>>)
      "tpu.region"() ({
        %run_scoped3A_193 = tpu.sem_alloc : memref<!tpu.dma_semaphore, #tpu.memory_space<semaphore_mem>>
        %dma_start3A_194 = arith.constant 0 : i32
        %dma_start3A_195 = tpu.memref_slice %arg9[%add3A_157, %dma_start3A_194] : memref<49x512xi32, #tpu.memory_space<vmem>> -> memref<1x512xi32, #tpu.memory_space<vmem>>
        %dma_start3A_196 = tpu.memref_squeeze %dma_start3A_195 : memref<1x512xi32, #tpu.memory_space<vmem>> -> memref<512xi32, #tpu.memory_space<vmem>>
        %dma_start3A_197 = arith.constant 0 : i32
        %dma_start3A_198 = arith.constant 0 : i32
        %dma_start3A_199 = tpu.memref_slice %arg15[%dma_start3A_197, %dma_start3A_198] : memref<50176x16xf32, #tpu.memory_space<vmem_shared>> -> memref<50176x16xf32, #tpu.memory_space<vmem_shared>>
        tpu.enqueue_indirect_dma source(%arg10 : memref<512x16xf32, #tpu.memory_space<vmem>>) target(%dma_start3A_199 : memref<50176x16xf32, #tpu.memory_space<vmem_shared>>) offsets(%dma_start3A_196 : memref<512xi32, #tpu.memory_space<vmem>>) semaphore(%run_scoped3A_193 : memref<!tpu.dma_semaphore, #tpu.memory_space<semaphore_mem>>) {add = true}
        %dma_wait3A_200 = arith.constant 0 : i32
        %dma_wait3A_201 = tpu.memref_slice %arg9[%add3A_157, %dma_wait3A_200] : memref<49x512xi32, #tpu.memory_space<vmem>> -> memref<1x512xi32, #tpu.memory_space<vmem>>
        %dma_wait3A_202 = tpu.memref_squeeze %dma_wait3A_201 : memref<1x512xi32, #tpu.memory_space<vmem>> -> memref<512xi32, #tpu.memory_space<vmem>>
        %dma_wait3A_203 = arith.constant 0 : i32
        %dma_wait3A_204 = arith.constant 0 : i32
        %dma_wait3A_205 = tpu.memref_slice %arg15[%dma_wait3A_203, %dma_wait3A_204] : memref<50176x16xf32, #tpu.memory_space<vmem_shared>> -> memref<50176x16xf32, #tpu.memory_space<vmem_shared>>
        tpu.wait_indirect_dma semaphore(%run_scoped3A_193 : memref<!tpu.dma_semaphore, #tpu.memory_space<semaphore_mem>>) src(%arg10 : memref<512x16xf32, #tpu.memory_space<vmem>>) dst(%dma_wait3A_205 : memref<50176x16xf32, #tpu.memory_space<vmem_shared>>)
        tpu.yield
      }) : () -> ()
      %mul3A_173 = arith.constant 2 : i32
      %mul3A_174 = arith.muli %mul3A_173, %scan3A_153 : i32
      %add3A_175 = arith.constant 1 : i32
      %add3A_176 = arith.addi %mul3A_174, %add3A_175 : i32
      %add3A_177 = arith.constant 1 : i32
      %add3A_178 = arith.addi %add3A_176, %add3A_177 : i32
      %min3A_179 = arith.constant 48 : i32
      %min3A_180 = arith.minsi %add3A_178, %min3A_179 : i32
      %dma_start3A_181 = arith.constant 0 : i32
      %dma_start3A_182 = tpu.memref_slice %arg8[%min3A_180, %dma_start3A_181] : memref<49x512xi32, #tpu.memory_space<vmem>> -> memref<1x512xi32, #tpu.memory_space<vmem>>
      %dma_start3A_183 = tpu.memref_squeeze %dma_start3A_182 : memref<1x512xi32, #tpu.memory_space<vmem>> -> memref<512xi32, #tpu.memory_space<vmem>>
      %dma_start3A_184 = arith.constant 0 : i32
      %dma_start3A_185 = arith.constant 0 : i32
      %dma_start3A_186 = tpu.memref_slice %arg4[%dma_start3A_184, %dma_start3A_185] : memref<200000x16xf32, #tpu.memory_space<hbm>> -> memref<200000x16xf32, #tpu.memory_space<hbm>>
      tpu.enqueue_indirect_dma source(%dma_start3A_186 : memref<200000x16xf32, #tpu.memory_space<hbm>>) target(%arg10 : memref<512x16xf32, #tpu.memory_space<vmem>>) offsets(%dma_start3A_183 : memref<512xi32, #tpu.memory_space<vmem>>) semaphore(%arg16 : memref<!tpu.dma_semaphore, #tpu.memory_space<semaphore_mem>>)
      %dma_wait3A_187 = arith.constant 0 : i32
      %dma_wait3A_188 = tpu.memref_slice %arg8[%add3A_176, %dma_wait3A_187] : memref<49x512xi32, #tpu.memory_space<vmem>> -> memref<1x512xi32, #tpu.memory_space<vmem>>
      %dma_wait3A_189 = tpu.memref_squeeze %dma_wait3A_188 : memref<1x512xi32, #tpu.memory_space<vmem>> -> memref<512xi32, #tpu.memory_space<vmem>>
      %dma_wait3A_190 = arith.constant 0 : i32
      %dma_wait3A_191 = arith.constant 0 : i32
      %dma_wait3A_192 = tpu.memref_slice %arg4[%dma_wait3A_190, %dma_wait3A_191] : memref<200000x16xf32, #tpu.memory_space<hbm>> -> memref<200000x16xf32, #tpu.memory_space<hbm>>
      tpu.wait_indirect_dma semaphore(%arg17 : memref<!tpu.dma_semaphore, #tpu.memory_space<semaphore_mem>>) src(%dma_wait3A_192 : memref<200000x16xf32, #tpu.memory_space<hbm>>) dst(%arg11 : memref<512x16xf32, #tpu.memory_space<vmem>>)
      "tpu.region"() ({
        %run_scoped3A_193 = tpu.sem_alloc : memref<!tpu.dma_semaphore, #tpu.memory_space<semaphore_mem>>
        %dma_start3A_194 = arith.constant 0 : i32
        %dma_start3A_195 = tpu.memref_slice %arg9[%add3A_176, %dma_start3A_194] : memref<49x512xi32, #tpu.memory_space<vmem>> -> memref<1x512xi32, #tpu.memory_space<vmem>>
        %dma_start3A_196 = tpu.memref_squeeze %dma_start3A_195 : memref<1x512xi32, #tpu.memory_space<vmem>> -> memref<512xi32, #tpu.memory_space<vmem>>
        %dma_start3A_197 = arith.constant 0 : i32
        %dma_start3A_198 = arith.constant 0 : i32
        %dma_start3A_199 = tpu.memref_slice %arg15[%dma_start3A_197, %dma_start3A_198] : memref<50176x16xf32, #tpu.memory_space<vmem_shared>> -> memref<50176x16xf32, #tpu.memory_space<vmem_shared>>
        tpu.enqueue_indirect_dma source(%arg11 : memref<512x16xf32, #tpu.memory_space<vmem>>) target(%dma_start3A_199 : memref<50176x16xf32, #tpu.memory_space<vmem_shared>>) offsets(%dma_start3A_196 : memref<512xi32, #tpu.memory_space<vmem>>) semaphore(%run_scoped3A_193 : memref<!tpu.dma_semaphore, #tpu.memory_space<semaphore_mem>>) {add = true}
        %dma_wait3A_200 = arith.constant 0 : i32
        %dma_wait3A_201 = tpu.memref_slice %arg9[%add3A_176, %dma_wait3A_200] : memref<49x512xi32, #tpu.memory_space<vmem>> -> memref<1x512xi32, #tpu.memory_space<vmem>>
        %dma_wait3A_202 = tpu.memref_squeeze %dma_wait3A_201 : memref<1x512xi32, #tpu.memory_space<vmem>> -> memref<512xi32, #tpu.memory_space<vmem>>
        %dma_wait3A_203 = arith.constant 0 : i32
        %dma_wait3A_204 = arith.constant 0 : i32
        %dma_wait3A_205 = tpu.memref_slice %arg15[%dma_wait3A_203, %dma_wait3A_204] : memref<50176x16xf32, #tpu.memory_space<vmem_shared>> -> memref<50176x16xf32, #tpu.memory_space<vmem_shared>>
        tpu.wait_indirect_dma semaphore(%run_scoped3A_193 : memref<!tpu.dma_semaphore, #tpu.memory_space<semaphore_mem>>) src(%arg11 : memref<512x16xf32, #tpu.memory_space<vmem>>) dst(%dma_wait3A_205 : memref<50176x16xf32, #tpu.memory_space<vmem_shared>>)
        tpu.yield
      }) : () -> ()
    }
    %scan3A_102 = arith.constant 24 : i32
    %dma_wait3A_103 = arith.constant 48 : i32
    %dma_wait3A_104 = arith.constant 0 : i32
    %dma_wait3A_105 = tpu.memref_slice %arg8[%dma_wait3A_103, %dma_wait3A_104] : memref<49x512xi32, #tpu.memory_space<vmem>> -> memref<1x512xi32, #tpu.memory_space<vmem>>
    %dma_wait3A_106 = tpu.memref_squeeze %dma_wait3A_105 : memref<1x512xi32, #tpu.memory_space<vmem>> -> memref<512xi32, #tpu.memory_space<vmem>>
    %dma_wait3A_107 = arith.constant 0 : i32
    %dma_wait3A_108 = arith.constant 0 : i32
    %dma_wait3A_109 = tpu.memref_slice %arg4[%dma_wait3A_107, %dma_wait3A_108] : memref<200000x16xf32, #tpu.memory_space<hbm>> -> memref<200000x16xf32, #tpu.memory_space<hbm>>
    tpu.wait_indirect_dma semaphore(%arg16 : memref<!tpu.dma_semaphore, #tpu.memory_space<semaphore_mem>>) src(%dma_wait3A_109 : memref<200000x16xf32, #tpu.memory_space<hbm>>) dst(%arg10 : memref<512x16xf32, #tpu.memory_space<vmem>>)
    %run_scoped3A_110 = arith.constant 48 : i32
    "tpu.region"() ({
      %run_scoped3A_153 = tpu.sem_alloc : memref<!tpu.dma_semaphore, #tpu.memory_space<semaphore_mem>>
      %dma_start3A_154 = arith.constant 0 : i32
      %dma_start3A_155 = tpu.memref_slice %arg9[%run_scoped3A_110, %dma_start3A_154] : memref<49x512xi32, #tpu.memory_space<vmem>> -> memref<1x512xi32, #tpu.memory_space<vmem>>
      %dma_start3A_156 = tpu.memref_squeeze %dma_start3A_155 : memref<1x512xi32, #tpu.memory_space<vmem>> -> memref<512xi32, #tpu.memory_space<vmem>>
      %dma_start3A_157 = arith.constant 0 : i32
      %dma_start3A_158 = arith.constant 0 : i32
      %dma_start3A_159 = tpu.memref_slice %arg15[%dma_start3A_157, %dma_start3A_158] : memref<50176x16xf32, #tpu.memory_space<vmem_shared>> -> memref<50176x16xf32, #tpu.memory_space<vmem_shared>>
      tpu.enqueue_indirect_dma source(%arg10 : memref<512x16xf32, #tpu.memory_space<vmem>>) target(%dma_start3A_159 : memref<50176x16xf32, #tpu.memory_space<vmem_shared>>) offsets(%dma_start3A_156 : memref<512xi32, #tpu.memory_space<vmem>>) semaphore(%run_scoped3A_153 : memref<!tpu.dma_semaphore, #tpu.memory_space<semaphore_mem>>) {add = true}
      %dma_wait3A_160 = arith.constant 0 : i32
      %dma_wait3A_161 = tpu.memref_slice %arg9[%run_scoped3A_110, %dma_wait3A_160] : memref<49x512xi32, #tpu.memory_space<vmem>> -> memref<1x512xi32, #tpu.memory_space<vmem>>
      %dma_wait3A_162 = tpu.memref_squeeze %dma_wait3A_161 : memref<1x512xi32, #tpu.memory_space<vmem>> -> memref<512xi32, #tpu.memory_space<vmem>>
      %dma_wait3A_163 = arith.constant 0 : i32
      %dma_wait3A_164 = arith.constant 0 : i32
      %dma_wait3A_165 = tpu.memref_slice %arg15[%dma_wait3A_163, %dma_wait3A_164] : memref<50176x16xf32, #tpu.memory_space<vmem_shared>> -> memref<50176x16xf32, #tpu.memory_space<vmem_shared>>
      tpu.wait_indirect_dma semaphore(%run_scoped3A_153 : memref<!tpu.dma_semaphore, #tpu.memory_space<semaphore_mem>>) src(%arg10 : memref<512x16xf32, #tpu.memory_space<vmem>>) dst(%dma_wait3A_165 : memref<50176x16xf32, #tpu.memory_space<vmem_shared>>)
      tpu.yield
    }) : () -> ()
    %barrier3A_111 = arith.constant 0 : index
    tpu.barrier barrier_id(%barrier3A_111)
    %scan3A_112 = arith.constant 0 : i32
    %scan3A_113 = arith.constant 0 : i32
    %scan3A_114 = arith.constant 49 : i32
    %scan3A_115 = arith.addi %scan3A_113, %scan3A_114 : i32
    %scan3A_116 = arith.constant 1 : i32
    scf.for %scan3A_153 = %scan3A_113 to %scan3A_115 step %scan3A_116  : i32 {
      %mul3A_154 = arith.constant 64 : i32
      %mul3A_155 = arith.muli %scan3A_153, %mul3A_154 : i32
      %add3A_156 = arith.addi %mul3A_0, %mul3A_155 : i32
      "tpu.region"() ({
        %run_scoped3A_158 = tpu.sem_alloc : memref<!tpu.dma_semaphore, #tpu.memory_space<semaphore_mem>>
        %dma_start3A_159 = arith.constant 0 : i32
        %dma_start3A_160 = tpu.memref_slice %arg15[%add3A_156, %dma_start3A_159] : memref<50176x16xf32, #tpu.memory_space<vmem_shared>> -> memref<64x16xf32, #tpu.memory_space<vmem_shared>>
        %dma_start3A_161 = arith.constant 0 : i32
        %dma_start3A_162 = tpu.memref_slice %arg15[%add3A_156, %dma_start3A_161] : memref<50176x16xf32, #tpu.memory_space<vmem_shared>> -> memref<64x16xf32, #tpu.memory_space<vmem_shared>>
        tpu.enqueue_dma source(%dma_start3A_162 : memref<64x16xf32, #tpu.memory_space<vmem_shared>>) target(%arg12 : memref<64x16xf32, #tpu.memory_space<vmem>>) target_semaphore(%run_scoped3A_158 : memref<!tpu.dma_semaphore, #tpu.memory_space<semaphore_mem>>)
        %dma_wait3A_163 = arith.constant 0 : i32
        %dma_wait3A_164 = tpu.memref_slice %arg15[%add3A_156, %dma_wait3A_163] : memref<50176x16xf32, #tpu.memory_space<vmem_shared>> -> memref<64x16xf32, #tpu.memory_space<vmem_shared>>
        %dma_wait3A_165 = arith.constant 0 : i32
        %dma_wait3A_166 = tpu.memref_slice %arg15[%add3A_156, %dma_wait3A_165] : memref<50176x16xf32, #tpu.memory_space<vmem_shared>> -> memref<64x16xf32, #tpu.memory_space<vmem_shared>>
        tpu.wait_dma2 semaphore(%run_scoped3A_158 : memref<!tpu.dma_semaphore, #tpu.memory_space<semaphore_mem>>) src(%dma_wait3A_166 : memref<64x16xf32, #tpu.memory_space<vmem_shared>>) dst(%arg12 : memref<64x16xf32, #tpu.memory_space<vmem>>)
        tpu.yield
      }) : () -> ()
      %run_scoped3A_157 = arith.constant 2 : i32
      "tpu.region"() ({
        %run_scoped3A_158 = tpu.sem_alloc : memref<!tpu.dma_semaphore, #tpu.memory_space<semaphore_mem>>
        %dma_start3A_159 = arith.constant 0 : i32
        %dma_start3A_160 = tpu.memref_slice %arg7[%run_scoped3A_157, %arg0, %add3A_156, %dma_start3A_159] : memref<4x2x50176x16xf32, #tpu.memory_space<hbm>> -> memref<1x1x64x16xf32, #tpu.memory_space<hbm>>
        %dma_start3A_161 = tpu.memref_squeeze %dma_start3A_160 : memref<1x1x64x16xf32, #tpu.memory_space<hbm>> -> memref<64x16xf32, #tpu.memory_space<hbm>>
        %dma_start3A_162 = arith.constant 0 : i32
        %dma_start3A_163 = tpu.memref_slice %arg7[%run_scoped3A_157, %arg0, %add3A_156, %dma_start3A_162] : memref<4x2x50176x16xf32, #tpu.memory_space<hbm>> -> memref<1x1x64x16xf32, #tpu.memory_space<hbm>>
        %dma_start3A_164 = tpu.memref_squeeze %dma_start3A_163 : memref<1x1x64x16xf32, #tpu.memory_space<hbm>> -> memref<64x16xf32, #tpu.memory_space<hbm>>
        tpu.enqueue_dma source(%arg12 : memref<64x16xf32, #tpu.memory_space<vmem>>) target(%dma_start3A_164 : memref<64x16xf32, #tpu.memory_space<hbm>>) target_semaphore(%run_scoped3A_158 : memref<!tpu.dma_semaphore, #tpu.memory_space<semaphore_mem>>)
        %dma_wait3A_165 = arith.constant 0 : i32
        %dma_wait3A_166 = tpu.memref_slice %arg7[%run_scoped3A_157, %arg0, %add3A_156, %dma_wait3A_165] : memref<4x2x50176x16xf32, #tpu.memory_space<hbm>> -> memref<1x1x64x16xf32, #tpu.memory_space<hbm>>
        %dma_wait3A_167 = tpu.memref_squeeze %dma_wait3A_166 : memref<1x1x64x16xf32, #tpu.memory_space<hbm>> -> memref<64x16xf32, #tpu.memory_space<hbm>>
        %dma_wait3A_168 = arith.constant 0 : i32
        %dma_wait3A_169 = tpu.memref_slice %arg7[%run_scoped3A_157, %arg0, %add3A_156, %dma_wait3A_168] : memref<4x2x50176x16xf32, #tpu.memory_space<hbm>> -> memref<1x1x64x16xf32, #tpu.memory_space<hbm>>
        %dma_wait3A_170 = tpu.memref_squeeze %dma_wait3A_169 : memref<1x1x64x16xf32, #tpu.memory_space<hbm>> -> memref<64x16xf32, #tpu.memory_space<hbm>>
        tpu.wait_dma2 semaphore(%run_scoped3A_158 : memref<!tpu.dma_semaphore, #tpu.memory_space<semaphore_mem>>) src(%arg12 : memref<64x16xf32, #tpu.memory_space<vmem>>) dst(%dma_wait3A_170 : memref<64x16xf32, #tpu.memory_space<hbm>>)
        tpu.yield
      }) : () -> ()
      "tpu.region"() ({
        %run_scoped3A_158 = tpu.sem_alloc : memref<!tpu.dma_semaphore, #tpu.memory_space<semaphore_mem>>
        %dma_start3A_159 = arith.constant 0 : i32
        %dma_start3A_160 = tpu.memref_slice %arg15[%add3A_156, %dma_start3A_159] : memref<50176x16xf32, #tpu.memory_space<vmem_shared>> -> memref<64x16xf32, #tpu.memory_space<vmem_shared>>
        %dma_start3A_161 = arith.constant 0 : i32
        %dma_start3A_162 = tpu.memref_slice %arg15[%add3A_156, %dma_start3A_161] : memref<50176x16xf32, #tpu.memory_space<vmem_shared>> -> memref<64x16xf32, #tpu.memory_space<vmem_shared>>
        tpu.enqueue_dma source(%arg13 : memref<64x16xf32, #tpu.memory_space<vmem>>) target(%dma_start3A_162 : memref<64x16xf32, #tpu.memory_space<vmem_shared>>) target_semaphore(%run_scoped3A_158 : memref<!tpu.dma_semaphore, #tpu.memory_space<semaphore_mem>>)
        %dma_wait3A_163 = arith.constant 0 : i32
        %dma_wait3A_164 = tpu.memref_slice %arg15[%add3A_156, %dma_wait3A_163] : memref<50176x16xf32, #tpu.memory_space<vmem_shared>> -> memref<64x16xf32, #tpu.memory_space<vmem_shared>>
        %dma_wait3A_165 = arith.constant 0 : i32
        %dma_wait3A_166 = tpu.memref_slice %arg15[%add3A_156, %dma_wait3A_165] : memref<50176x16xf32, #tpu.memory_space<vmem_shared>> -> memref<64x16xf32, #tpu.memory_space<vmem_shared>>
        tpu.wait_dma2 semaphore(%run_scoped3A_158 : memref<!tpu.dma_semaphore, #tpu.memory_space<semaphore_mem>>) src(%arg13 : memref<64x16xf32, #tpu.memory_space<vmem>>) dst(%dma_wait3A_166 : memref<64x16xf32, #tpu.memory_space<vmem_shared>>)
        tpu.yield
      }) : () -> ()
    }
    %scan3A_117 = arith.constant 49 : i32
    %scan3A_118 = arith.constant 0 : i32
    %scan3A_119 = arith.constant 0 : i32
    %scan3A_120 = arith.constant 49 : i32
    %scan3A_121 = arith.addi %scan3A_119, %scan3A_120 : i32
    %scan3A_122 = arith.constant 1 : i32
    scf.for %scan3A_153 = %scan3A_119 to %scan3A_121 step %scan3A_122  : i32 {
      %get3A_154 = arith.index_cast %scan3A_153 : i32 to index
      %get3A_155 = arith.constant 0 : index
      %get3A_156 = tpu.vector_load %arg8[%get3A_154, %get3A_155] {strides = array<i32>} : memref<49x512xi32, #tpu.memory_space<vmem>>, vector<1x16xi32>,
      %get3A_157 = vector.shape_cast %get3A_156 : vector<1x16xi32> to vector<16xi32>
      %add3A_158 = arith.addi %get3A_157, %get3A_22 : vector<16xi32>
      %swap3A = arith.index_cast %scan3A_153 : i32 to index
      %swap3A_159 = arith.constant 0 : index
      %swap3A_160 = tpu.vector_load %arg8[%swap3A, %swap3A_159] {strides = array<i32>} : memref<49x512xi32, #tpu.memory_space<vmem>>, vector<1x16xi32>,
      %swap3A_161 = vector.shape_cast %swap3A_160 : vector<1x16xi32> to vector<16xi32>
      %swap3A_162 = vector.shape_cast %add3A_158 : vector<16xi32> to vector<1x16xi32>
      tpu.vector_store %arg8[%swap3A, %swap3A_159], %swap3A_162 {strides = array<i32>} : memref<49x512xi32, #tpu.memory_space<vmem>>, vector<1x16xi32>,
      %get3A_163 = arith.index_cast %scan3A_153 : i32 to index
      %get3A_164 = arith.constant 16 : index
      %get3A_165 = tpu.vector_load %arg8[%get3A_163, %get3A_164] {strides = array<i32>} : memref<49x512xi32, #tpu.memory_space<vmem>>, vector<1x16xi32>,
      %get3A_166 = vector.shape_cast %get3A_165 : vector<1x16xi32> to vector<16xi32>
      %add3A_167 = arith.addi %get3A_166, %get3A_22 : vector<16xi32>
      %swap3A_168 = arith.index_cast %scan3A_153 : i32 to index
      %swap3A_169 = arith.constant 16 : index
      %swap3A_170 = tpu.vector_load %arg8[%swap3A_168, %swap3A_169] {strides = array<i32>} : memref<49x512xi32, #tpu.memory_space<vmem>>, vector<1x16xi32>,
      %swap3A_171 = vector.shape_cast %swap3A_170 : vector<1x16xi32> to vector<16xi32>
      %swap3A_172 = vector.shape_cast %add3A_167 : vector<16xi32> to vector<1x16xi32>
      tpu.vector_store %arg8[%swap3A_168, %swap3A_169], %swap3A_172 {strides = array<i32>} : memref<49x512xi32, #tpu.memory_space<vmem>>, vector<1x16xi32>,
      %get3A_173 = arith.index_cast %scan3A_153 : i32 to index
      %get3A_174 = arith.constant 32 : index
      %get3A_175 = tpu.vector_load %arg8[%get3A_173, %get3A_174] {strides = array<i32>} : memref<49x512xi32, #tpu.memory_space<vmem>>, vector<1x16xi32>,
      %get3A_176 = vector.shape_cast %get3A_175 : vector<1x16xi32> to vector<16xi32>
      %add3A_177 = arith.addi %get3A_176, %get3A_22 : vector<16xi32>
      %swap3A_178 = arith.index_cast %scan3A_153 : i32 to index
      %swap3A_179 = arith.constant 32 : index
      %swap3A_180 = tpu.vector_load %arg8[%swap3A_178, %swap3A_179] {strides = array<i32>} : memref<49x512xi32, #tpu.memory_space<vmem>>, vector<1x16xi32>,
      %swap3A_181 = vector.shape_cast %swap3A_180 : vector<1x16xi32> to vector<16xi32>
      %swap3A_182 = vector.shape_cast %add3A_177 : vector<16xi32> to vector<1x16xi32>
      tpu.vector_store %arg8[%swap3A_178, %swap3A_179], %swap3A_182 {strides = array<i32>} : memref<49x512xi32, #tpu.memory_space<vmem>>, vector<1x16xi32>,
      %get3A_183 = arith.index_cast %scan3A_153 : i32 to index
      %get3A_184 = arith.constant 48 : index
      %get3A_185 = tpu.vector_load %arg8[%get3A_183, %get3A_184] {strides = array<i32>} : memref<49x512xi32, #tpu.memory_space<vmem>>, vector<1x16xi32>,
      %get3A_186 = vector.shape_cast %get3A_185 : vector<1x16xi32> to vector<16xi32>
      %add3A_187 = arith.addi %get3A_186, %get3A_22 : vector<16xi32>
      %swap3A_188 = arith.index_cast %scan3A_153 : i32 to index
      %swap3A_189 = arith.constant 48 : index
      %swap3A_190 = tpu.vector_load %arg8[%swap3A_188, %swap3A_189] {strides = array<i32>} : memref<49x512xi32, #tpu.memory_space<vmem>>, vector<1x16xi32>,
      %swap3A_191 = vector.shape_cast %swap3A_190 : vector<1x16xi32> to vector<16xi32>
      %swap3A_192 = vector.shape_cast %add3A_187 : vector<16xi32> to vector<1x16xi32>
      tpu.vector_store %arg8[%swap3A_188, %swap3A_189], %swap3A_192 {strides = array<i32>} : memref<49x512xi32, #tpu.memory_space<vmem>>, vector<1x16xi32>,
      %get3A_193 = arith.index_cast %scan3A_153 : i32 to index
      %get3A_194 = arith.constant 64 : index
      %get3A_195 = tpu.vector_load %arg8[%get3A_193, %get3A_194] {strides = array<i32>} : memref<49x512xi32, #tpu.memory_space<vmem>>, vector<1x16xi32>,
      %get3A_196 = vector.shape_cast %get3A_195 : vector<1x16xi32> to vector<16xi32>
      %add3A_197 = arith.addi %get3A_196, %get3A_22 : vector<16xi32>
      %swap3A_198 = arith.index_cast %scan3A_153 : i32 to index
      %swap3A_199 = arith.constant 64 : index
      %swap3A_200 = tpu.vector_load %arg8[%swap3A_198, %swap3A_199] {strides = array<i32>} : memref<49x512xi32, #tpu.memory_space<vmem>>, vector<1x16xi32>,
      %swap3A_201 = vector.shape_cast %swap3A_200 : vector<1x16xi32> to vector<16xi32>
      %swap3A_202 = vector.shape_cast %add3A_197 : vector<16xi32> to vector<1x16xi32>
      tpu.vector_store %arg8[%swap3A_198, %swap3A_199], %swap3A_202 {strides = array<i32>} : memref<49x512xi32, #tpu.memory_space<vmem>>, vector<1x16xi32>,
      %get3A_203 = arith.index_cast %scan3A_153 : i32 to index
      %get3A_204 = arith.constant 80 : index
      %get3A_205 = tpu.vector_load %arg8[%get3A_203, %get3A_204] {strides = array<i32>} : memref<49x512xi32, #tpu.memory_space<vmem>>, vector<1x16xi32>,
      %get3A_206 = vector.shape_cast %get3A_205 : vector<1x16xi32> to vector<16xi32>
      %add3A_207 = arith.addi %get3A_206, %get3A_22 : vector<16xi32>
      %swap3A_208 = arith.index_cast %scan3A_153 : i32 to index
      %swap3A_209 = arith.constant 80 : index
      %swap3A_210 = tpu.vector_load %arg8[%swap3A_208, %swap3A_209] {strides = array<i32>} : memref<49x512xi32, #tpu.memory_space<vmem>>, vector<1x16xi32>,
      %swap3A_211 = vector.shape_cast %swap3A_210 : vector<1x16xi32> to vector<16xi32>
      %swap3A_212 = vector.shape_cast %add3A_207 : vector<16xi32> to vector<1x16xi32>
      tpu.vector_store %arg8[%swap3A_208, %swap3A_209], %swap3A_212 {strides = array<i32>} : memref<49x512xi32, #tpu.memory_space<vmem>>, vector<1x16xi32>,
      %get3A_213 = arith.index_cast %scan3A_153 : i32 to index
      %get3A_214 = arith.constant 96 : index
      %get3A_215 = tpu.vector_load %arg8[%get3A_213, %get3A_214] {strides = array<i32>} : memref<49x512xi32, #tpu.memory_space<vmem>>, vector<1x16xi32>,
      %get3A_216 = vector.shape_cast %get3A_215 : vector<1x16xi32> to vector<16xi32>
      %add3A_217 = arith.addi %get3A_216, %get3A_22 : vector<16xi32>
      %swap3A_218 = arith.index_cast %scan3A_153 : i32 to index
      %swap3A_219 = arith.constant 96 : index
      %swap3A_220 = tpu.vector_load %arg8[%swap3A_218, %swap3A_219] {strides = array<i32>} : memref<49x512xi32, #tpu.memory_space<vmem>>, vector<1x16xi32>,
      %swap3A_221 = vector.shape_cast %swap3A_220 : vector<1x16xi32> to vector<16xi32>
      %swap3A_222 = vector.shape_cast %add3A_217 : vector<16xi32> to vector<1x16xi32>
      tpu.vector_store %arg8[%swap3A_218, %swap3A_219], %swap3A_222 {strides = array<i32>} : memref<49x512xi32, #tpu.memory_space<vmem>>, vector<1x16xi32>,
      %get3A_223 = arith.index_cast %scan3A_153 : i32 to index
      %get3A_224 = arith.constant 112 : index
      %get3A_225 = tpu.vector_load %arg8[%get3A_223, %get3A_224] {strides = array<i32>} : memref<49x512xi32, #tpu.memory_space<vmem>>, vector<1x16xi32>,
      %get3A_226 = vector.shape_cast %get3A_225 : vector<1x16xi32> to vector<16xi32>
      %add3A_227 = arith.addi %get3A_226, %get3A_22 : vector<16xi32>
      %swap3A_228 = arith.index_cast %scan3A_153 : i32 to index
      %swap3A_229 = arith.constant 112 : index
      %swap3A_230 = tpu.vector_load %arg8[%swap3A_228, %swap3A_229] {strides = array<i32>} : memref<49x512xi32, #tpu.memory_space<vmem>>, vector<1x16xi32>,
      %swap3A_231 = vector.shape_cast %swap3A_230 : vector<1x16xi32> to vector<16xi32>
      %swap3A_232 = vector.shape_cast %add3A_227 : vector<16xi32> to vector<1x16xi32>
      tpu.vector_store %arg8[%swap3A_228, %swap3A_229], %swap3A_232 {strides = array<i32>} : memref<49x512xi32, #tpu.memory_space<vmem>>, vector<1x16xi32>,
      %get3A_233 = arith.index_cast %scan3A_153 : i32 to index
      %get3A_234 = arith.constant 128 : index
      %get3A_235 = tpu.vector_load %arg8[%get3A_233, %get3A_234] {strides = array<i32>} : memref<49x512xi32, #tpu.memory_space<vmem>>, vector<1x16xi32>,
      %get3A_236 = vector.shape_cast %get3A_235 : vector<1x16xi32> to vector<16xi32>
      %add3A_237 = arith.addi %get3A_236, %get3A_22 : vector<16xi32>
      %swap3A_238 = arith.index_cast %scan3A_153 : i32 to index
      %swap3A_239 = arith.constant 128 : index
      %swap3A_240 = tpu.vector_load %arg8[%swap3A_238, %swap3A_239] {strides = array<i32>} : memref<49x512xi32, #tpu.memory_space<vmem>>, vector<1x16xi32>,
      %swap3A_241 = vector.shape_cast %swap3A_240 : vector<1x16xi32> to vector<16xi32>
      %swap3A_242 = vector.shape_cast %add3A_237 : vector<16xi32> to vector<1x16xi32>
      tpu.vector_store %arg8[%swap3A_238, %swap3A_239], %swap3A_242 {strides = array<i32>} : memref<49x512xi32, #tpu.memory_space<vmem>>, vector<1x16xi32>,
      %get3A_243 = arith.index_cast %scan3A_153 : i32 to index
      %get3A_244 = arith.constant 144 : index
      %get3A_245 = tpu.vector_load %arg8[%get3A_243, %get3A_244] {strides = array<i32>} : memref<49x512xi32, #tpu.memory_space<vmem>>, vector<1x16xi32>,
      %get3A_246 = vector.shape_cast %get3A_245 : vector<1x16xi32> to vector<16xi32>
      %add3A_247 = arith.addi %get3A_246, %get3A_22 : vector<16xi32>
      %swap3A_248 = arith.index_cast %scan3A_153 : i32 to index
      %swap3A_249 = arith.constant 144 : index
      %swap3A_250 = tpu.vector_load %arg8[%swap3A_248, %swap3A_249] {strides = array<i32>} : memref<49x512xi32, #tpu.memory_space<vmem>>, vector<1x16xi32>,
      %swap3A_251 = vector.shape_cast %swap3A_250 : vector<1x16xi32> to vector<16xi32>
      %swap3A_252 = vector.shape_cast %add3A_247 : vector<16xi32> to vector<1x16xi32>
      tpu.vector_store %arg8[%swap3A_248, %swap3A_249], %swap3A_252 {strides = array<i32>} : memref<49x512xi32, #tpu.memory_space<vmem>>, vector<1x16xi32>,
      %get3A_253 = arith.index_cast %scan3A_153 : i32 to index
      %get3A_254 = arith.constant 160 : index
      %get3A_255 = tpu.vector_load %arg8[%get3A_253, %get3A_254] {strides = array<i32>} : memref<49x512xi32, #tpu.memory_space<vmem>>, vector<1x16xi32>,
      %get3A_256 = vector.shape_cast %get3A_255 : vector<1x16xi32> to vector<16xi32>
      %add3A_257 = arith.addi %get3A_256, %get3A_22 : vector<16xi32>
      %swap3A_258 = arith.index_cast %scan3A_153 : i32 to index
      %swap3A_259 = arith.constant 160 : index
      %swap3A_260 = tpu.vector_load %arg8[%swap3A_258, %swap3A_259] {strides = array<i32>} : memref<49x512xi32, #tpu.memory_space<vmem>>, vector<1x16xi32>,
      %swap3A_261 = vector.shape_cast %swap3A_260 : vector<1x16xi32> to vector<16xi32>
      %swap3A_262 = vector.shape_cast %add3A_257 : vector<16xi32> to vector<1x16xi32>
      tpu.vector_store %arg8[%swap3A_258, %swap3A_259], %swap3A_262 {strides = array<i32>} : memref<49x512xi32, #tpu.memory_space<vmem>>, vector<1x16xi32>,
      %get3A_263 = arith.index_cast %scan3A_153 : i32 to index
      %get3A_264 = arith.constant 176 : index
      %get3A_265 = tpu.vector_load %arg8[%get3A_263, %get3A_264] {strides = array<i32>} : memref<49x512xi32, #tpu.memory_space<vmem>>, vector<1x16xi32>,
      %get3A_266 = vector.shape_cast %get3A_265 : vector<1x16xi32> to vector<16xi32>
      %add3A_267 = arith.addi %get3A_266, %get3A_22 : vector<16xi32>
      %swap3A_268 = arith.index_cast %scan3A_153 : i32 to index
      %swap3A_269 = arith.constant 176 : index
      %swap3A_270 = tpu.vector_load %arg8[%swap3A_268, %swap3A_269] {strides = array<i32>} : memref<49x512xi32, #tpu.memory_space<vmem>>, vector<1x16xi32>,
      %swap3A_271 = vector.shape_cast %swap3A_270 : vector<1x16xi32> to vector<16xi32>
      %swap3A_272 = vector.shape_cast %add3A_267 : vector<16xi32> to vector<1x16xi32>
      tpu.vector_store %arg8[%swap3A_268, %swap3A_269], %swap3A_272 {strides = array<i32>} : memref<49x512xi32, #tpu.memory_space<vmem>>, vector<1x16xi32>,
      %get3A_273 = arith.index_cast %scan3A_153 : i32 to index
      %get3A_274 = arith.constant 192 : index
      %get3A_275 = tpu.vector_load %arg8[%get3A_273, %get3A_274] {strides = array<i32>} : memref<49x512xi32, #tpu.memory_space<vmem>>, vector<1x16xi32>,
      %get3A_276 = vector.shape_cast %get3A_275 : vector<1x16xi32> to vector<16xi32>
      %add3A_277 = arith.addi %get3A_276, %get3A_22 : vector<16xi32>
      %swap3A_278 = arith.index_cast %scan3A_153 : i32 to index
      %swap3A_279 = arith.constant 192 : index
      %swap3A_280 = tpu.vector_load %arg8[%swap3A_278, %swap3A_279] {strides = array<i32>} : memref<49x512xi32, #tpu.memory_space<vmem>>, vector<1x16xi32>,
      %swap3A_281 = vector.shape_cast %swap3A_280 : vector<1x16xi32> to vector<16xi32>
      %swap3A_282 = vector.shape_cast %add3A_277 : vector<16xi32> to vector<1x16xi32>
      tpu.vector_store %arg8[%swap3A_278, %swap3A_279], %swap3A_282 {strides = array<i32>} : memref<49x512xi32, #tpu.memory_space<vmem>>, vector<1x16xi32>,
      %get3A_283 = arith.index_cast %scan3A_153 : i32 to index
      %get3A_284 = arith.constant 208 : index
      %get3A_285 = tpu.vector_load %arg8[%get3A_283, %get3A_284] {strides = array<i32>} : memref<49x512xi32, #tpu.memory_space<vmem>>, vector<1x16xi32>,
      %get3A_286 = vector.shape_cast %get3A_285 : vector<1x16xi32> to vector<16xi32>
      %add3A_287 = arith.addi %get3A_286, %get3A_22 : vector<16xi32>
      %swap3A_288 = arith.index_cast %scan3A_153 : i32 to index
      %swap3A_289 = arith.constant 208 : index
      %swap3A_290 = tpu.vector_load %arg8[%swap3A_288, %swap3A_289] {strides = array<i32>} : memref<49x512xi32, #tpu.memory_space<vmem>>, vector<1x16xi32>,
      %swap3A_291 = vector.shape_cast %swap3A_290 : vector<1x16xi32> to vector<16xi32>
      %swap3A_292 = vector.shape_cast %add3A_287 : vector<16xi32> to vector<1x16xi32>
      tpu.vector_store %arg8[%swap3A_288, %swap3A_289], %swap3A_292 {strides = array<i32>} : memref<49x512xi32, #tpu.memory_space<vmem>>, vector<1x16xi32>,
      %get3A_293 = arith.index_cast %scan3A_153 : i32 to index
      %get3A_294 = arith.constant 224 : index
      %get3A_295 = tpu.vector_load %arg8[%get3A_293, %get3A_294] {strides = array<i32>} : memref<49x512xi32, #tpu.memory_space<vmem>>, vector<1x16xi32>,
      %get3A_296 = vector.shape_cast %get3A_295 : vector<1x16xi32> to vector<16xi32>
      %add3A_297 = arith.addi %get3A_296, %get3A_22 : vector<16xi32>
      %swap3A_298 = arith.index_cast %scan3A_153 : i32 to index
      %swap3A_299 = arith.constant 224 : index
      %swap3A_300 = tpu.vector_load %arg8[%swap3A_298, %swap3A_299] {strides = array<i32>} : memref<49x512xi32, #tpu.memory_space<vmem>>, vector<1x16xi32>,
      %swap3A_301 = vector.shape_cast %swap3A_300 : vector<1x16xi32> to vector<16xi32>
      %swap3A_302 = vector.shape_cast %add3A_297 : vector<16xi32> to vector<1x16xi32>
      tpu.vector_store %arg8[%swap3A_298, %swap3A_299], %swap3A_302 {strides = array<i32>} : memref<49x512xi32, #tpu.memory_space<vmem>>, vector<1x16xi32>,
      %get3A_303 = arith.index_cast %scan3A_153 : i32 to index
      %get3A_304 = arith.constant 240 : index
      %get3A_305 = tpu.vector_load %arg8[%get3A_303, %get3A_304] {strides = array<i32>} : memref<49x512xi32, #tpu.memory_space<vmem>>, vector<1x16xi32>,
      %get3A_306 = vector.shape_cast %get3A_305 : vector<1x16xi32> to vector<16xi32>
      %add3A_307 = arith.addi %get3A_306, %get3A_22 : vector<16xi32>
      %swap3A_308 = arith.index_cast %scan3A_153 : i32 to index
      %swap3A_309 = arith.constant 240 : index
      %swap3A_310 = tpu.vector_load %arg8[%swap3A_308, %swap3A_309] {strides = array<i32>} : memref<49x512xi32, #tpu.memory_space<vmem>>, vector<1x16xi32>,
      %swap3A_311 = vector.shape_cast %swap3A_310 : vector<1x16xi32> to vector<16xi32>
      %swap3A_312 = vector.shape_cast %add3A_307 : vector<16xi32> to vector<1x16xi32>
      tpu.vector_store %arg8[%swap3A_308, %swap3A_309], %swap3A_312 {strides = array<i32>} : memref<49x512xi32, #tpu.memory_space<vmem>>, vector<1x16xi32>,
      %get3A_313 = arith.index_cast %scan3A_153 : i32 to index
      %get3A_314 = arith.constant 256 : index
      %get3A_315 = tpu.vector_load %arg8[%get3A_313, %get3A_314] {strides = array<i32>} : memref<49x512xi32, #tpu.memory_space<vmem>>, vector<1x16xi32>,
      %get3A_316 = vector.shape_cast %get3A_315 : vector<1x16xi32> to vector<16xi32>
      %add3A_317 = arith.addi %get3A_316, %get3A_22 : vector<16xi32>
      %swap3A_318 = arith.index_cast %scan3A_153 : i32 to index
      %swap3A_319 = arith.constant 256 : index
      %swap3A_320 = tpu.vector_load %arg8[%swap3A_318, %swap3A_319] {strides = array<i32>} : memref<49x512xi32, #tpu.memory_space<vmem>>, vector<1x16xi32>,
      %swap3A_321 = vector.shape_cast %swap3A_320 : vector<1x16xi32> to vector<16xi32>
      %swap3A_322 = vector.shape_cast %add3A_317 : vector<16xi32> to vector<1x16xi32>
      tpu.vector_store %arg8[%swap3A_318, %swap3A_319], %swap3A_322 {strides = array<i32>} : memref<49x512xi32, #tpu.memory_space<vmem>>, vector<1x16xi32>,
      %get3A_323 = arith.index_cast %scan3A_153 : i32 to index
      %get3A_324 = arith.constant 272 : index
      %get3A_325 = tpu.vector_load %arg8[%get3A_323, %get3A_324] {strides = array<i32>} : memref<49x512xi32, #tpu.memory_space<vmem>>, vector<1x16xi32>,
      %get3A_326 = vector.shape_cast %get3A_325 : vector<1x16xi32> to vector<16xi32>
      %add3A_327 = arith.addi %get3A_326, %get3A_22 : vector<16xi32>
      %swap3A_328 = arith.index_cast %scan3A_153 : i32 to index
      %swap3A_329 = arith.constant 272 : index
      %swap3A_330 = tpu.vector_load %arg8[%swap3A_328, %swap3A_329] {strides = array<i32>} : memref<49x512xi32, #tpu.memory_space<vmem>>, vector<1x16xi32>,
      %swap3A_331 = vector.shape_cast %swap3A_330 : vector<1x16xi32> to vector<16xi32>
      %swap3A_332 = vector.shape_cast %add3A_327 : vector<16xi32> to vector<1x16xi32>
      tpu.vector_store %arg8[%swap3A_328, %swap3A_329], %swap3A_332 {strides = array<i32>} : memref<49x512xi32, #tpu.memory_space<vmem>>, vector<1x16xi32>,
      %get3A_333 = arith.index_cast %scan3A_153 : i32 to index
      %get3A_334 = arith.constant 288 : index
      %get3A_335 = tpu.vector_load %arg8[%get3A_333, %get3A_334] {strides = array<i32>} : memref<49x512xi32, #tpu.memory_space<vmem>>, vector<1x16xi32>,
      %get3A_336 = vector.shape_cast %get3A_335 : vector<1x16xi32> to vector<16xi32>
      %add3A_337 = arith.addi %get3A_336, %get3A_22 : vector<16xi32>
      %swap3A_338 = arith.index_cast %scan3A_153 : i32 to index
      %swap3A_339 = arith.constant 288 : index
      %swap3A_340 = tpu.vector_load %arg8[%swap3A_338, %swap3A_339] {strides = array<i32>} : memref<49x512xi32, #tpu.memory_space<vmem>>, vector<1x16xi32>,
      %swap3A_341 = vector.shape_cast %swap3A_340 : vector<1x16xi32> to vector<16xi32>
      %swap3A_342 = vector.shape_cast %add3A_337 : vector<16xi32> to vector<1x16xi32>
      tpu.vector_store %arg8[%swap3A_338, %swap3A_339], %swap3A_342 {strides = array<i32>} : memref<49x512xi32, #tpu.memory_space<vmem>>, vector<1x16xi32>,
      %get3A_343 = arith.index_cast %scan3A_153 : i32 to index
      %get3A_344 = arith.constant 304 : index
      %get3A_345 = tpu.vector_load %arg8[%get3A_343, %get3A_344] {strides = array<i32>} : memref<49x512xi32, #tpu.memory_space<vmem>>, vector<1x16xi32>,
      %get3A_346 = vector.shape_cast %get3A_345 : vector<1x16xi32> to vector<16xi32>
      %add3A_347 = arith.addi %get3A_346, %get3A_22 : vector<16xi32>
      %swap3A_348 = arith.index_cast %scan3A_153 : i32 to index
      %swap3A_349 = arith.constant 304 : index
      %swap3A_350 = tpu.vector_load %arg8[%swap3A_348, %swap3A_349] {strides = array<i32>} : memref<49x512xi32, #tpu.memory_space<vmem>>, vector<1x16xi32>,
      %swap3A_351 = vector.shape_cast %swap3A_350 : vector<1x16xi32> to vector<16xi32>
      %swap3A_352 = vector.shape_cast %add3A_347 : vector<16xi32> to vector<1x16xi32>
      tpu.vector_store %arg8[%swap3A_348, %swap3A_349], %swap3A_352 {strides = array<i32>} : memref<49x512xi32, #tpu.memory_space<vmem>>, vector<1x16xi32>,
      %get3A_353 = arith.index_cast %scan3A_153 : i32 to index
      %get3A_354 = arith.constant 320 : index
      %get3A_355 = tpu.vector_load %arg8[%get3A_353, %get3A_354] {strides = array<i32>} : memref<49x512xi32, #tpu.memory_space<vmem>>, vector<1x16xi32>,
      %get3A_356 = vector.shape_cast %get3A_355 : vector<1x16xi32> to vector<16xi32>
      %add3A_357 = arith.addi %get3A_356, %get3A_22 : vector<16xi32>
      %swap3A_358 = arith.index_cast %scan3A_153 : i32 to index
      %swap3A_359 = arith.constant 320 : index
      %swap3A_360 = tpu.vector_load %arg8[%swap3A_358, %swap3A_359] {strides = array<i32>} : memref<49x512xi32, #tpu.memory_space<vmem>>, vector<1x16xi32>,
      %swap3A_361 = vector.shape_cast %swap3A_360 : vector<1x16xi32> to vector<16xi32>
      %swap3A_362 = vector.shape_cast %add3A_357 : vector<16xi32> to vector<1x16xi32>
      tpu.vector_store %arg8[%swap3A_358, %swap3A_359], %swap3A_362 {strides = array<i32>} : memref<49x512xi32, #tpu.memory_space<vmem>>, vector<1x16xi32>,
      %get3A_363 = arith.index_cast %scan3A_153 : i32 to index
      %get3A_364 = arith.constant 336 : index
      %get3A_365 = tpu.vector_load %arg8[%get3A_363, %get3A_364] {strides = array<i32>} : memref<49x512xi32, #tpu.memory_space<vmem>>, vector<1x16xi32>,
      %get3A_366 = vector.shape_cast %get3A_365 : vector<1x16xi32> to vector<16xi32>
      %add3A_367 = arith.addi %get3A_366, %get3A_22 : vector<16xi32>
      %swap3A_368 = arith.index_cast %scan3A_153 : i32 to index
      %swap3A_369 = arith.constant 336 : index
      %swap3A_370 = tpu.vector_load %arg8[%swap3A_368, %swap3A_369] {strides = array<i32>} : memref<49x512xi32, #tpu.memory_space<vmem>>, vector<1x16xi32>,
      %swap3A_371 = vector.shape_cast %swap3A_370 : vector<1x16xi32> to vector<16xi32>
      %swap3A_372 = vector.shape_cast %add3A_367 : vector<16xi32> to vector<1x16xi32>
      tpu.vector_store %arg8[%swap3A_368, %swap3A_369], %swap3A_372 {strides = array<i32>} : memref<49x512xi32, #tpu.memory_space<vmem>>, vector<1x16xi32>,
      %get3A_373 = arith.index_cast %scan3A_153 : i32 to index
      %get3A_374 = arith.constant 352 : index
      %get3A_375 = tpu.vector_load %arg8[%get3A_373, %get3A_374] {strides = array<i32>} : memref<49x512xi32, #tpu.memory_space<vmem>>, vector<1x16xi32>,
      %get3A_376 = vector.shape_cast %get3A_375 : vector<1x16xi32> to vector<16xi32>
      %add3A_377 = arith.addi %get3A_376, %get3A_22 : vector<16xi32>
      %swap3A_378 = arith.index_cast %scan3A_153 : i32 to index
      %swap3A_379 = arith.constant 352 : index
      %swap3A_380 = tpu.vector_load %arg8[%swap3A_378, %swap3A_379] {strides = array<i32>} : memref<49x512xi32, #tpu.memory_space<vmem>>, vector<1x16xi32>,
      %swap3A_381 = vector.shape_cast %swap3A_380 : vector<1x16xi32> to vector<16xi32>
      %swap3A_382 = vector.shape_cast %add3A_377 : vector<16xi32> to vector<1x16xi32>
      tpu.vector_store %arg8[%swap3A_378, %swap3A_379], %swap3A_382 {strides = array<i32>} : memref<49x512xi32, #tpu.memory_space<vmem>>, vector<1x16xi32>,
      %get3A_383 = arith.index_cast %scan3A_153 : i32 to index
      %get3A_384 = arith.constant 368 : index
      %get3A_385 = tpu.vector_load %arg8[%get3A_383, %get3A_384] {strides = array<i32>} : memref<49x512xi32, #tpu.memory_space<vmem>>, vector<1x16xi32>,
      %get3A_386 = vector.shape_cast %get3A_385 : vector<1x16xi32> to vector<16xi32>
      %add3A_387 = arith.addi %get3A_386, %get3A_22 : vector<16xi32>
      %swap3A_388 = arith.index_cast %scan3A_153 : i32 to index
      %swap3A_389 = arith.constant 368 : index
      %swap3A_390 = tpu.vector_load %arg8[%swap3A_388, %swap3A_389] {strides = array<i32>} : memref<49x512xi32, #tpu.memory_space<vmem>>, vector<1x16xi32>,
      %swap3A_391 = vector.shape_cast %swap3A_390 : vector<1x16xi32> to vector<16xi32>
      %swap3A_392 = vector.shape_cast %add3A_387 : vector<16xi32> to vector<1x16xi32>
      tpu.vector_store %arg8[%swap3A_388, %swap3A_389], %swap3A_392 {strides = array<i32>} : memref<49x512xi32, #tpu.memory_space<vmem>>, vector<1x16xi32>,
      %get3A_393 = arith.index_cast %scan3A_153 : i32 to index
      %get3A_394 = arith.constant 384 : index
      %get3A_395 = tpu.vector_load %arg8[%get3A_393, %get3A_394] {strides = array<i32>} : memref<49x512xi32, #tpu.memory_space<vmem>>, vector<1x16xi32>,
      %get3A_396 = vector.shape_cast %get3A_395 : vector<1x16xi32> to vector<16xi32>
      %add3A_397 = arith.addi %get3A_396, %get3A_22 : vector<16xi32>
      %swap3A_398 = arith.index_cast %scan3A_153 : i32 to index
      %swap3A_399 = arith.constant 384 : index
      %swap3A_400 = tpu.vector_load %arg8[%swap3A_398, %swap3A_399] {strides = array<i32>} : memref<49x512xi32, #tpu.memory_space<vmem>>, vector<1x16xi32>,
      %swap3A_401 = vector.shape_cast %swap3A_400 : vector<1x16xi32> to vector<16xi32>
      %swap3A_402 = vector.shape_cast %add3A_397 : vector<16xi32> to vector<1x16xi32>
      tpu.vector_store %arg8[%swap3A_398, %swap3A_399], %swap3A_402 {strides = array<i32>} : memref<49x512xi32, #tpu.memory_space<vmem>>, vector<1x16xi32>,
      %get3A_403 = arith.index_cast %scan3A_153 : i32 to index
      %get3A_404 = arith.constant 400 : index
      %get3A_405 = tpu.vector_load %arg8[%get3A_403, %get3A_404] {strides = array<i32>} : memref<49x512xi32, #tpu.memory_space<vmem>>, vector<1x16xi32>,
      %get3A_406 = vector.shape_cast %get3A_405 : vector<1x16xi32> to vector<16xi32>
      %add3A_407 = arith.addi %get3A_406, %get3A_22 : vector<16xi32>
      %swap3A_408 = arith.index_cast %scan3A_153 : i32 to index
      %swap3A_409 = arith.constant 400 : index
      %swap3A_410 = tpu.vector_load %arg8[%swap3A_408, %swap3A_409] {strides = array<i32>} : memref<49x512xi32, #tpu.memory_space<vmem>>, vector<1x16xi32>,
      %swap3A_411 = vector.shape_cast %swap3A_410 : vector<1x16xi32> to vector<16xi32>
      %swap3A_412 = vector.shape_cast %add3A_407 : vector<16xi32> to vector<1x16xi32>
      tpu.vector_store %arg8[%swap3A_408, %swap3A_409], %swap3A_412 {strides = array<i32>} : memref<49x512xi32, #tpu.memory_space<vmem>>, vector<1x16xi32>,
      %get3A_413 = arith.index_cast %scan3A_153 : i32 to index
      %get3A_414 = arith.constant 416 : index
      %get3A_415 = tpu.vector_load %arg8[%get3A_413, %get3A_414] {strides = array<i32>} : memref<49x512xi32, #tpu.memory_space<vmem>>, vector<1x16xi32>,
      %get3A_416 = vector.shape_cast %get3A_415 : vector<1x16xi32> to vector<16xi32>
      %add3A_417 = arith.addi %get3A_416, %get3A_22 : vector<16xi32>
      %swap3A_418 = arith.index_cast %scan3A_153 : i32 to index
      %swap3A_419 = arith.constant 416 : index
      %swap3A_420 = tpu.vector_load %arg8[%swap3A_418, %swap3A_419] {strides = array<i32>} : memref<49x512xi32, #tpu.memory_space<vmem>>, vector<1x16xi32>,
      %swap3A_421 = vector.shape_cast %swap3A_420 : vector<1x16xi32> to vector<16xi32>
      %swap3A_422 = vector.shape_cast %add3A_417 : vector<16xi32> to vector<1x16xi32>
      tpu.vector_store %arg8[%swap3A_418, %swap3A_419], %swap3A_422 {strides = array<i32>} : memref<49x512xi32, #tpu.memory_space<vmem>>, vector<1x16xi32>,
      %get3A_423 = arith.index_cast %scan3A_153 : i32 to index
      %get3A_424 = arith.constant 432 : index
      %get3A_425 = tpu.vector_load %arg8[%get3A_423, %get3A_424] {strides = array<i32>} : memref<49x512xi32, #tpu.memory_space<vmem>>, vector<1x16xi32>,
      %get3A_426 = vector.shape_cast %get3A_425 : vector<1x16xi32> to vector<16xi32>
      %add3A_427 = arith.addi %get3A_426, %get3A_22 : vector<16xi32>
      %swap3A_428 = arith.index_cast %scan3A_153 : i32 to index
      %swap3A_429 = arith.constant 432 : index
      %swap3A_430 = tpu.vector_load %arg8[%swap3A_428, %swap3A_429] {strides = array<i32>} : memref<49x512xi32, #tpu.memory_space<vmem>>, vector<1x16xi32>,
      %swap3A_431 = vector.shape_cast %swap3A_430 : vector<1x16xi32> to vector<16xi32>
      %swap3A_432 = vector.shape_cast %add3A_427 : vector<16xi32> to vector<1x16xi32>
      tpu.vector_store %arg8[%swap3A_428, %swap3A_429], %swap3A_432 {strides = array<i32>} : memref<49x512xi32, #tpu.memory_space<vmem>>, vector<1x16xi32>,
      %get3A_433 = arith.index_cast %scan3A_153 : i32 to index
      %get3A_434 = arith.constant 448 : index
      %get3A_435 = tpu.vector_load %arg8[%get3A_433, %get3A_434] {strides = array<i32>} : memref<49x512xi32, #tpu.memory_space<vmem>>, vector<1x16xi32>,
      %get3A_436 = vector.shape_cast %get3A_435 : vector<1x16xi32> to vector<16xi32>
      %add3A_437 = arith.addi %get3A_436, %get3A_22 : vector<16xi32>
      %swap3A_438 = arith.index_cast %scan3A_153 : i32 to index
      %swap3A_439 = arith.constant 448 : index
      %swap3A_440 = tpu.vector_load %arg8[%swap3A_438, %swap3A_439] {strides = array<i32>} : memref<49x512xi32, #tpu.memory_space<vmem>>, vector<1x16xi32>,
      %swap3A_441 = vector.shape_cast %swap3A_440 : vector<1x16xi32> to vector<16xi32>
      %swap3A_442 = vector.shape_cast %add3A_437 : vector<16xi32> to vector<1x16xi32>
      tpu.vector_store %arg8[%swap3A_438, %swap3A_439], %swap3A_442 {strides = array<i32>} : memref<49x512xi32, #tpu.memory_space<vmem>>, vector<1x16xi32>,
      %get3A_443 = arith.index_cast %scan3A_153 : i32 to index
      %get3A_444 = arith.constant 464 : index
      %get3A_445 = tpu.vector_load %arg8[%get3A_443, %get3A_444] {strides = array<i32>} : memref<49x512xi32, #tpu.memory_space<vmem>>, vector<1x16xi32>,
      %get3A_446 = vector.shape_cast %get3A_445 : vector<1x16xi32> to vector<16xi32>
      %add3A_447 = arith.addi %get3A_446, %get3A_22 : vector<16xi32>
      %swap3A_448 = arith.index_cast %scan3A_153 : i32 to index
      %swap3A_449 = arith.constant 464 : index
      %swap3A_450 = tpu.vector_load %arg8[%swap3A_448, %swap3A_449] {strides = array<i32>} : memref<49x512xi32, #tpu.memory_space<vmem>>, vector<1x16xi32>,
      %swap3A_451 = vector.shape_cast %swap3A_450 : vector<1x16xi32> to vector<16xi32>
      %swap3A_452 = vector.shape_cast %add3A_447 : vector<16xi32> to vector<1x16xi32>
      tpu.vector_store %arg8[%swap3A_448, %swap3A_449], %swap3A_452 {strides = array<i32>} : memref<49x512xi32, #tpu.memory_space<vmem>>, vector<1x16xi32>,
      %get3A_453 = arith.index_cast %scan3A_153 : i32 to index
      %get3A_454 = arith.constant 480 : index
      %get3A_455 = tpu.vector_load %arg8[%get3A_453, %get3A_454] {strides = array<i32>} : memref<49x512xi32, #tpu.memory_space<vmem>>, vector<1x16xi32>,
      %get3A_456 = vector.shape_cast %get3A_455 : vector<1x16xi32> to vector<16xi32>
      %add3A_457 = arith.addi %get3A_456, %get3A_22 : vector<16xi32>
      %swap3A_458 = arith.index_cast %scan3A_153 : i32 to index
      %swap3A_459 = arith.constant 480 : index
      %swap3A_460 = tpu.vector_load %arg8[%swap3A_458, %swap3A_459] {strides = array<i32>} : memref<49x512xi32, #tpu.memory_space<vmem>>, vector<1x16xi32>,
      %swap3A_461 = vector.shape_cast %swap3A_460 : vector<1x16xi32> to vector<16xi32>
      %swap3A_462 = vector.shape_cast %add3A_457 : vector<16xi32> to vector<1x16xi32>
      tpu.vector_store %arg8[%swap3A_458, %swap3A_459], %swap3A_462 {strides = array<i32>} : memref<49x512xi32, #tpu.memory_space<vmem>>, vector<1x16xi32>,
      %get3A_463 = arith.index_cast %scan3A_153 : i32 to index
      %get3A_464 = arith.constant 496 : index
      %get3A_465 = tpu.vector_load %arg8[%get3A_463, %get3A_464] {strides = array<i32>} : memref<49x512xi32, #tpu.memory_space<vmem>>, vector<1x16xi32>,
      %get3A_466 = vector.shape_cast %get3A_465 : vector<1x16xi32> to vector<16xi32>
      %add3A_467 = arith.addi %get3A_466, %get3A_22 : vector<16xi32>
      %swap3A_468 = arith.index_cast %scan3A_153 : i32 to index
      %swap3A_469 = arith.constant 496 : index
      %swap3A_470 = tpu.vector_load %arg8[%swap3A_468, %swap3A_469] {strides = array<i32>} : memref<49x512xi32, #tpu.memory_space<vmem>>, vector<1x16xi32>,
      %swap3A_471 = vector.shape_cast %swap3A_470 : vector<1x16xi32> to vector<16xi32>
      %swap3A_472 = vector.shape_cast %add3A_467 : vector<16xi32> to vector<1x16xi32>
      tpu.vector_store %arg8[%swap3A_468, %swap3A_469], %swap3A_472 {strides = array<i32>} : memref<49x512xi32, #tpu.memory_space<vmem>>, vector<1x16xi32>,
    }
    %scan3A_123 = arith.constant 49 : i32
    %barrier3A_124 = arith.constant 0 : index
    tpu.barrier barrier_id(%barrier3A_124)
    %dma_start3A_125 = arith.constant 0 : i32
    %dma_start3A_126 = arith.constant 0 : i32
    %dma_start3A_127 = tpu.memref_slice %arg8[%dma_start3A_125, %dma_start3A_126] : memref<49x512xi32, #tpu.memory_space<vmem>> -> memref<1x512xi32, #tpu.memory_space<vmem>>
    %dma_start3A_128 = tpu.memref_squeeze %dma_start3A_127 : memref<1x512xi32, #tpu.memory_space<vmem>> -> memref<512xi32, #tpu.memory_space<vmem>>
    %dma_start3A_129 = arith.constant 0 : i32
    %dma_start3A_130 = arith.constant 0 : i32
    %dma_start3A_131 = tpu.memref_slice %arg4[%dma_start3A_129, %dma_start3A_130] : memref<200000x16xf32, #tpu.memory_space<hbm>> -> memref<200000x16xf32, #tpu.memory_space<hbm>>
    tpu.enqueue_indirect_dma source(%dma_start3A_131 : memref<200000x16xf32, #tpu.memory_space<hbm>>) target(%arg10 : memref<512x16xf32, #tpu.memory_space<vmem>>) offsets(%dma_start3A_128 : memref<512xi32, #tpu.memory_space<vmem>>) semaphore(%arg16 : memref<!tpu.dma_semaphore, #tpu.memory_space<semaphore_mem>>)
    %scan3A_132 = arith.constant 0 : i32
    %scan3A_133 = arith.constant 0 : i32
    %scan3A_134 = arith.constant 24 : i32
    %scan3A_135 = arith.addi %scan3A_133, %scan3A_134 : i32
    %scan3A_136 = arith.constant 1 : i32
    scf.for %scan3A_153 = %scan3A_133 to %scan3A_135 step %scan3A_136  : i32 {
      %mul3A_154 = arith.constant 2 : i32
      %mul3A_155 = arith.muli %mul3A_154, %scan3A_153 : i32
      %add3A_156 = arith.constant 0 : i32
      %add3A_157 = arith.addi %mul3A_155, %add3A_156 : i32
      %add3A_158 = arith.constant 1 : i32
      %add3A_159 = arith.addi %add3A_157, %add3A_158 : i32
      %min3A = arith.constant 48 : i32
      %min3A_160 = arith.minsi %add3A_159, %min3A : i32
      %dma_start3A_161 = arith.constant 0 : i32
      %dma_start3A_162 = tpu.memref_slice %arg8[%min3A_160, %dma_start3A_161] : memref<49x512xi32, #tpu.memory_space<vmem>> -> memref<1x512xi32, #tpu.memory_space<vmem>>
      %dma_start3A_163 = tpu.memref_squeeze %dma_start3A_162 : memref<1x512xi32, #tpu.memory_space<vmem>> -> memref<512xi32, #tpu.memory_space<vmem>>
      %dma_start3A_164 = arith.constant 0 : i32
      %dma_start3A_165 = arith.constant 0 : i32
      %dma_start3A_166 = tpu.memref_slice %arg4[%dma_start3A_164, %dma_start3A_165] : memref<200000x16xf32, #tpu.memory_space<hbm>> -> memref<200000x16xf32, #tpu.memory_space<hbm>>
      tpu.enqueue_indirect_dma source(%dma_start3A_166 : memref<200000x16xf32, #tpu.memory_space<hbm>>) target(%arg11 : memref<512x16xf32, #tpu.memory_space<vmem>>) offsets(%dma_start3A_163 : memref<512xi32, #tpu.memory_space<vmem>>) semaphore(%arg17 : memref<!tpu.dma_semaphore, #tpu.memory_space<semaphore_mem>>)
      %dma_wait3A_167 = arith.constant 0 : i32
      %dma_wait3A_168 = tpu.memref_slice %arg8[%add3A_157, %dma_wait3A_167] : memref<49x512xi32, #tpu.memory_space<vmem>> -> memref<1x512xi32, #tpu.memory_space<vmem>>
      %dma_wait3A_169 = tpu.memref_squeeze %dma_wait3A_168 : memref<1x512xi32, #tpu.memory_space<vmem>> -> memref<512xi32, #tpu.memory_space<vmem>>
      %dma_wait3A_170 = arith.constant 0 : i32
      %dma_wait3A_171 = arith.constant 0 : i32
      %dma_wait3A_172 = tpu.memref_slice %arg4[%dma_wait3A_170, %dma_wait3A_171] : memref<200000x16xf32, #tpu.memory_space<hbm>> -> memref<200000x16xf32, #tpu.memory_space<hbm>>
      tpu.wait_indirect_dma semaphore(%arg16 : memref<!tpu.dma_semaphore, #tpu.memory_space<semaphore_mem>>) src(%dma_wait3A_172 : memref<200000x16xf32, #tpu.memory_space<hbm>>) dst(%arg10 : memref<512x16xf32, #tpu.memory_space<vmem>>)
      "tpu.region"() ({
        %run_scoped3A_193 = tpu.sem_alloc : memref<!tpu.dma_semaphore, #tpu.memory_space<semaphore_mem>>
        %dma_start3A_194 = arith.constant 0 : i32
        %dma_start3A_195 = tpu.memref_slice %arg9[%add3A_157, %dma_start3A_194] : memref<49x512xi32, #tpu.memory_space<vmem>> -> memref<1x512xi32, #tpu.memory_space<vmem>>
        %dma_start3A_196 = tpu.memref_squeeze %dma_start3A_195 : memref<1x512xi32, #tpu.memory_space<vmem>> -> memref<512xi32, #tpu.memory_space<vmem>>
        %dma_start3A_197 = arith.constant 0 : i32
        %dma_start3A_198 = arith.constant 0 : i32
        %dma_start3A_199 = tpu.memref_slice %arg15[%dma_start3A_197, %dma_start3A_198] : memref<50176x16xf32, #tpu.memory_space<vmem_shared>> -> memref<50176x16xf32, #tpu.memory_space<vmem_shared>>
        tpu.enqueue_indirect_dma source(%arg10 : memref<512x16xf32, #tpu.memory_space<vmem>>) target(%dma_start3A_199 : memref<50176x16xf32, #tpu.memory_space<vmem_shared>>) offsets(%dma_start3A_196 : memref<512xi32, #tpu.memory_space<vmem>>) semaphore(%run_scoped3A_193 : memref<!tpu.dma_semaphore, #tpu.memory_space<semaphore_mem>>) {add = true}
        %dma_wait3A_200 = arith.constant 0 : i32
        %dma_wait3A_201 = tpu.memref_slice %arg9[%add3A_157, %dma_wait3A_200] : memref<49x512xi32, #tpu.memory_space<vmem>> -> memref<1x512xi32, #tpu.memory_space<vmem>>
        %dma_wait3A_202 = tpu.memref_squeeze %dma_wait3A_201 : memref<1x512xi32, #tpu.memory_space<vmem>> -> memref<512xi32, #tpu.memory_space<vmem>>
        %dma_wait3A_203 = arith.constant 0 : i32
        %dma_wait3A_204 = arith.constant 0 : i32
        %dma_wait3A_205 = tpu.memref_slice %arg15[%dma_wait3A_203, %dma_wait3A_204] : memref<50176x16xf32, #tpu.memory_space<vmem_shared>> -> memref<50176x16xf32, #tpu.memory_space<vmem_shared>>
        tpu.wait_indirect_dma semaphore(%run_scoped3A_193 : memref<!tpu.dma_semaphore, #tpu.memory_space<semaphore_mem>>) src(%arg10 : memref<512x16xf32, #tpu.memory_space<vmem>>) dst(%dma_wait3A_205 : memref<50176x16xf32, #tpu.memory_space<vmem_shared>>)
        tpu.yield
      }) : () -> ()
      %mul3A_173 = arith.constant 2 : i32
      %mul3A_174 = arith.muli %mul3A_173, %scan3A_153 : i32
      %add3A_175 = arith.constant 1 : i32
      %add3A_176 = arith.addi %mul3A_174, %add3A_175 : i32
      %add3A_177 = arith.constant 1 : i32
      %add3A_178 = arith.addi %add3A_176, %add3A_177 : i32
      %min3A_179 = arith.constant 48 : i32
      %min3A_180 = arith.minsi %add3A_178, %min3A_179 : i32
      %dma_start3A_181 = arith.constant 0 : i32
      %dma_start3A_182 = tpu.memref_slice %arg8[%min3A_180, %dma_start3A_181] : memref<49x512xi32, #tpu.memory_space<vmem>> -> memref<1x512xi32, #tpu.memory_space<vmem>>
      %dma_start3A_183 = tpu.memref_squeeze %dma_start3A_182 : memref<1x512xi32, #tpu.memory_space<vmem>> -> memref<512xi32, #tpu.memory_space<vmem>>
      %dma_start3A_184 = arith.constant 0 : i32
      %dma_start3A_185 = arith.constant 0 : i32
      %dma_start3A_186 = tpu.memref_slice %arg4[%dma_start3A_184, %dma_start3A_185] : memref<200000x16xf32, #tpu.memory_space<hbm>> -> memref<200000x16xf32, #tpu.memory_space<hbm>>
      tpu.enqueue_indirect_dma source(%dma_start3A_186 : memref<200000x16xf32, #tpu.memory_space<hbm>>) target(%arg10 : memref<512x16xf32, #tpu.memory_space<vmem>>) offsets(%dma_start3A_183 : memref<512xi32, #tpu.memory_space<vmem>>) semaphore(%arg16 : memref<!tpu.dma_semaphore, #tpu.memory_space<semaphore_mem>>)
      %dma_wait3A_187 = arith.constant 0 : i32
      %dma_wait3A_188 = tpu.memref_slice %arg8[%add3A_176, %dma_wait3A_187] : memref<49x512xi32, #tpu.memory_space<vmem>> -> memref<1x512xi32, #tpu.memory_space<vmem>>
      %dma_wait3A_189 = tpu.memref_squeeze %dma_wait3A_188 : memref<1x512xi32, #tpu.memory_space<vmem>> -> memref<512xi32, #tpu.memory_space<vmem>>
      %dma_wait3A_190 = arith.constant 0 : i32
      %dma_wait3A_191 = arith.constant 0 : i32
      %dma_wait3A_192 = tpu.memref_slice %arg4[%dma_wait3A_190, %dma_wait3A_191] : memref<200000x16xf32, #tpu.memory_space<hbm>> -> memref<200000x16xf32, #tpu.memory_space<hbm>>
      tpu.wait_indirect_dma semaphore(%arg17 : memref<!tpu.dma_semaphore, #tpu.memory_space<semaphore_mem>>) src(%dma_wait3A_192 : memref<200000x16xf32, #tpu.memory_space<hbm>>) dst(%arg11 : memref<512x16xf32, #tpu.memory_space<vmem>>)
      "tpu.region"() ({
        %run_scoped3A_193 = tpu.sem_alloc : memref<!tpu.dma_semaphore, #tpu.memory_space<semaphore_mem>>
        %dma_start3A_194 = arith.constant 0 : i32
        %dma_start3A_195 = tpu.memref_slice %arg9[%add3A_176, %dma_start3A_194] : memref<49x512xi32, #tpu.memory_space<vmem>> -> memref<1x512xi32, #tpu.memory_space<vmem>>
        %dma_start3A_196 = tpu.memref_squeeze %dma_start3A_195 : memref<1x512xi32, #tpu.memory_space<vmem>> -> memref<512xi32, #tpu.memory_space<vmem>>
        %dma_start3A_197 = arith.constant 0 : i32
        %dma_start3A_198 = arith.constant 0 : i32
        %dma_start3A_199 = tpu.memref_slice %arg15[%dma_start3A_197, %dma_start3A_198] : memref<50176x16xf32, #tpu.memory_space<vmem_shared>> -> memref<50176x16xf32, #tpu.memory_space<vmem_shared>>
        tpu.enqueue_indirect_dma source(%arg11 : memref<512x16xf32, #tpu.memory_space<vmem>>) target(%dma_start3A_199 : memref<50176x16xf32, #tpu.memory_space<vmem_shared>>) offsets(%dma_start3A_196 : memref<512xi32, #tpu.memory_space<vmem>>) semaphore(%run_scoped3A_193 : memref<!tpu.dma_semaphore, #tpu.memory_space<semaphore_mem>>) {add = true}
        %dma_wait3A_200 = arith.constant 0 : i32
        %dma_wait3A_201 = tpu.memref_slice %arg9[%add3A_176, %dma_wait3A_200] : memref<49x512xi32, #tpu.memory_space<vmem>> -> memref<1x512xi32, #tpu.memory_space<vmem>>
        %dma_wait3A_202 = tpu.memref_squeeze %dma_wait3A_201 : memref<1x512xi32, #tpu.memory_space<vmem>> -> memref<512xi32, #tpu.memory_space<vmem>>
        %dma_wait3A_203 = arith.constant 0 : i32
        %dma_wait3A_204 = arith.constant 0 : i32
        %dma_wait3A_205 = tpu.memref_slice %arg15[%dma_wait3A_203, %dma_wait3A_204] : memref<50176x16xf32, #tpu.memory_space<vmem_shared>> -> memref<50176x16xf32, #tpu.memory_space<vmem_shared>>
        tpu.wait_indirect_dma semaphore(%run_scoped3A_193 : memref<!tpu.dma_semaphore, #tpu.memory_space<semaphore_mem>>) src(%arg11 : memref<512x16xf32, #tpu.memory_space<vmem>>) dst(%dma_wait3A_205 : memref<50176x16xf32, #tpu.memory_space<vmem_shared>>)
        tpu.yield
      }) : () -> ()
    }
    %scan3A_137 = arith.constant 24 : i32
    %dma_wait3A_138 = arith.constant 48 : i32
    %dma_wait3A_139 = arith.constant 0 : i32
    %dma_wait3A_140 = tpu.memref_slice %arg8[%dma_wait3A_138, %dma_wait3A_139] : memref<49x512xi32, #tpu.memory_space<vmem>> -> memref<1x512xi32, #tpu.memory_space<vmem>>
    %dma_wait3A_141 = tpu.memref_squeeze %dma_wait3A_140 : memref<1x512xi32, #tpu.memory_space<vmem>> -> memref<512xi32, #tpu.memory_space<vmem>>
    %dma_wait3A_142 = arith.constant 0 : i32
    %dma_wait3A_143 = arith.constant 0 : i32
    %dma_wait3A_144 = tpu.memref_slice %arg4[%dma_wait3A_142, %dma_wait3A_143] : memref<200000x16xf32, #tpu.memory_space<hbm>> -> memref<200000x16xf32, #tpu.memory_space<hbm>>
    tpu.wait_indirect_dma semaphore(%arg16 : memref<!tpu.dma_semaphore, #tpu.memory_space<semaphore_mem>>) src(%dma_wait3A_144 : memref<200000x16xf32, #tpu.memory_space<hbm>>) dst(%arg10 : memref<512x16xf32, #tpu.memory_space<vmem>>)
    %run_scoped3A_145 = arith.constant 48 : i32
    "tpu.region"() ({
      %run_scoped3A_153 = tpu.sem_alloc : memref<!tpu.dma_semaphore, #tpu.memory_space<semaphore_mem>>
      %dma_start3A_154 = arith.constant 0 : i32
      %dma_start3A_155 = tpu.memref_slice %arg9[%run_scoped3A_145, %dma_start3A_154] : memref<49x512xi32, #tpu.memory_space<vmem>> -> memref<1x512xi32, #tpu.memory_space<vmem>>
      %dma_start3A_156 = tpu.memref_squeeze %dma_start3A_155 : memref<1x512xi32, #tpu.memory_space<vmem>> -> memref<512xi32, #tpu.memory_space<vmem>>
      %dma_start3A_157 = arith.constant 0 : i32
      %dma_start3A_158 = arith.constant 0 : i32
      %dma_start3A_159 = tpu.memref_slice %arg15[%dma_start3A_157, %dma_start3A_158] : memref<50176x16xf32, #tpu.memory_space<vmem_shared>> -> memref<50176x16xf32, #tpu.memory_space<vmem_shared>>
      tpu.enqueue_indirect_dma source(%arg10 : memref<512x16xf32, #tpu.memory_space<vmem>>) target(%dma_start3A_159 : memref<50176x16xf32, #tpu.memory_space<vmem_shared>>) offsets(%dma_start3A_156 : memref<512xi32, #tpu.memory_space<vmem>>) semaphore(%run_scoped3A_153 : memref<!tpu.dma_semaphore, #tpu.memory_space<semaphore_mem>>) {add = true}
      %dma_wait3A_160 = arith.constant 0 : i32
      %dma_wait3A_161 = tpu.memref_slice %arg9[%run_scoped3A_145, %dma_wait3A_160] : memref<49x512xi32, #tpu.memory_space<vmem>> -> memref<1x512xi32, #tpu.memory_space<vmem>>
      %dma_wait3A_162 = tpu.memref_squeeze %dma_wait3A_161 : memref<1x512xi32, #tpu.memory_space<vmem>> -> memref<512xi32, #tpu.memory_space<vmem>>
      %dma_wait3A_163 = arith.constant 0 : i32
      %dma_wait3A_164 = arith.constant 0 : i32
      %dma_wait3A_165 = tpu.memref_slice %arg15[%dma_wait3A_163, %dma_wait3A_164] : memref<50176x16xf32, #tpu.memory_space<vmem_shared>> -> memref<50176x16xf32, #tpu.memory_space<vmem_shared>>
      tpu.wait_indirect_dma semaphore(%run_scoped3A_153 : memref<!tpu.dma_semaphore, #tpu.memory_space<semaphore_mem>>) src(%arg10 : memref<512x16xf32, #tpu.memory_space<vmem>>) dst(%dma_wait3A_165 : memref<50176x16xf32, #tpu.memory_space<vmem_shared>>)
      tpu.yield
    }) : () -> ()
    %barrier3A_146 = arith.constant 0 : index
    tpu.barrier barrier_id(%barrier3A_146)
    %scan3A_147 = arith.constant 0 : i32
    %scan3A_148 = arith.constant 0 : i32
    %scan3A_149 = arith.constant 49 : i32
    %scan3A_150 = arith.addi %scan3A_148, %scan3A_149 : i32
    %scan3A_151 = arith.constant 1 : i32
    scf.for %scan3A_153 = %scan3A_148 to %scan3A_150 step %scan3A_151  : i32 {
      %mul3A_154 = arith.constant 64 : i32
      %mul3A_155 = arith.muli %scan3A_153, %mul3A_154 : i32
      %add3A_156 = arith.addi %mul3A_0, %mul3A_155 : i32
      "tpu.region"() ({
        %run_scoped3A_158 = tpu.sem_alloc : memref<!tpu.dma_semaphore, #tpu.memory_space<semaphore_mem>>
        %dma_start3A_159 = arith.constant 0 : i32
        %dma_start3A_160 = tpu.memref_slice %arg15[%add3A_156, %dma_start3A_159] : memref<50176x16xf32, #tpu.memory_space<vmem_shared>> -> memref<64x16xf32, #tpu.memory_space<vmem_shared>>
        %dma_start3A_161 = arith.constant 0 : i32
        %dma_start3A_162 = tpu.memref_slice %arg15[%add3A_156, %dma_start3A_161] : memref<50176x16xf32, #tpu.memory_space<vmem_shared>> -> memref<64x16xf32, #tpu.memory_space<vmem_shared>>
        tpu.enqueue_dma source(%dma_start3A_162 : memref<64x16xf32, #tpu.memory_space<vmem_shared>>) target(%arg12 : memref<64x16xf32, #tpu.memory_space<vmem>>) target_semaphore(%run_scoped3A_158 : memref<!tpu.dma_semaphore, #tpu.memory_space<semaphore_mem>>)
        %dma_wait3A_163 = arith.constant 0 : i32
        %dma_wait3A_164 = tpu.memref_slice %arg15[%add3A_156, %dma_wait3A_163] : memref<50176x16xf32, #tpu.memory_space<vmem_shared>> -> memref<64x16xf32, #tpu.memory_space<vmem_shared>>
        %dma_wait3A_165 = arith.constant 0 : i32
        %dma_wait3A_166 = tpu.memref_slice %arg15[%add3A_156, %dma_wait3A_165] : memref<50176x16xf32, #tpu.memory_space<vmem_shared>> -> memref<64x16xf32, #tpu.memory_space<vmem_shared>>
        tpu.wait_dma2 semaphore(%run_scoped3A_158 : memref<!tpu.dma_semaphore, #tpu.memory_space<semaphore_mem>>) src(%dma_wait3A_166 : memref<64x16xf32, #tpu.memory_space<vmem_shared>>) dst(%arg12 : memref<64x16xf32, #tpu.memory_space<vmem>>)
        tpu.yield
      }) : () -> ()
      %run_scoped3A_157 = arith.constant 3 : i32
      "tpu.region"() ({
        %run_scoped3A_158 = tpu.sem_alloc : memref<!tpu.dma_semaphore, #tpu.memory_space<semaphore_mem>>
        %dma_start3A_159 = arith.constant 0 : i32
        %dma_start3A_160 = tpu.memref_slice %arg7[%run_scoped3A_157, %arg0, %add3A_156, %dma_start3A_159] : memref<4x2x50176x16xf32, #tpu.memory_space<hbm>> -> memref<1x1x64x16xf32, #tpu.memory_space<hbm>>
        %dma_start3A_161 = tpu.memref_squeeze %dma_start3A_160 : memref<1x1x64x16xf32, #tpu.memory_space<hbm>> -> memref<64x16xf32, #tpu.memory_space<hbm>>
        %dma_start3A_162 = arith.constant 0 : i32
        %dma_start3A_163 = tpu.memref_slice %arg7[%run_scoped3A_157, %arg0, %add3A_156, %dma_start3A_162] : memref<4x2x50176x16xf32, #tpu.memory_space<hbm>> -> memref<1x1x64x16xf32, #tpu.memory_space<hbm>>
        %dma_start3A_164 = tpu.memref_squeeze %dma_start3A_163 : memref<1x1x64x16xf32, #tpu.memory_space<hbm>> -> memref<64x16xf32, #tpu.memory_space<hbm>>
        tpu.enqueue_dma source(%arg12 : memref<64x16xf32, #tpu.memory_space<vmem>>) target(%dma_start3A_164 : memref<64x16xf32, #tpu.memory_space<hbm>>) target_semaphore(%run_scoped3A_158 : memref<!tpu.dma_semaphore, #tpu.memory_space<semaphore_mem>>)
        %dma_wait3A_165 = arith.constant 0 : i32
        %dma_wait3A_166 = tpu.memref_slice %arg7[%run_scoped3A_157, %arg0, %add3A_156, %dma_wait3A_165] : memref<4x2x50176x16xf32, #tpu.memory_space<hbm>> -> memref<1x1x64x16xf32, #tpu.memory_space<hbm>>
        %dma_wait3A_167 = tpu.memref_squeeze %dma_wait3A_166 : memref<1x1x64x16xf32, #tpu.memory_space<hbm>> -> memref<64x16xf32, #tpu.memory_space<hbm>>
        %dma_wait3A_168 = arith.constant 0 : i32
        %dma_wait3A_169 = tpu.memref_slice %arg7[%run_scoped3A_157, %arg0, %add3A_156, %dma_wait3A_168] : memref<4x2x50176x16xf32, #tpu.memory_space<hbm>> -> memref<1x1x64x16xf32, #tpu.memory_space<hbm>>
        %dma_wait3A_170 = tpu.memref_squeeze %dma_wait3A_169 : memref<1x1x64x16xf32, #tpu.memory_space<hbm>> -> memref<64x16xf32, #tpu.memory_space<hbm>>
        tpu.wait_dma2 semaphore(%run_scoped3A_158 : memref<!tpu.dma_semaphore, #tpu.memory_space<semaphore_mem>>) src(%arg12 : memref<64x16xf32, #tpu.memory_space<vmem>>) dst(%dma_wait3A_170 : memref<64x16xf32, #tpu.memory_space<hbm>>)
        tpu.yield
      }) : () -> ()
    }
    %scan3A_152 = arith.constant 49 : i32
    return
  }
}

module attributes {stable_mosaic.version = 14 : i64} {
  func.func @body(%arg0: i32, %arg1: memref<1x2x2000x8xf32, #tpu.memory_space<vmem>>, %arg2: memref<2000x8xf32, #tpu.memory_space<vmem>>, %arg3: memref<8x64xf32, #tpu.memory_space<vmem>>, %arg4: memref<8x64xf32, #tpu.memory_space<vmem>>, %arg5: memref<1x64xf32, #tpu.memory_space<vmem>>, %arg6: memref<2000x64xf32, #tpu.memory_space<vmem>>, %arg7: memref<2000x1xf32, #tpu.memory_space<vmem>>) attributes {dimension_semantics = [#tpu.dimension_semantics<arbitrary>], iteration_bounds = array<i64: 25>, scalar_prefetch = 0 : i64, scratch_operands = 0 : i64, tpu.core_type = #tpu.core_type<tc>, window_params = [{transform_indices = @transform_0, window_bounds = array<i64: 1, 2, 2000, 8>}, {transform_indices = @transform_1, window_bounds = array<i64: 2000, 8>}, {pipeline_mode = #tpu.pipeline_mode<synchronous>, transform_indices = @transform_2, window_bounds = array<i64: 8, 64>}, {pipeline_mode = #tpu.pipeline_mode<synchronous>, transform_indices = @transform_3, window_bounds = array<i64: 8, 64>}, {pipeline_mode = #tpu.pipeline_mode<synchronous>, transform_indices = @transform_4, window_bounds = array<i64: 1, 64>}, {transform_indices = @transform_5, window_bounds = array<i64: 2000, 64>}, {transform_indices = @transform_6, window_bounds = array<i64: 2000, 1>}]} {
    %get3A = arith.constant 0 : index
    %get3A_0 = arith.constant 0 : index
    %get3A_1 = arith.constant 0 : index
    %get3A_2 = arith.constant 0 : index
    %get3A_3 = vector.load %arg1[%get3A, %get3A_0, %get3A_1, %get3A_2] : memref<1x2x2000x8xf32, #tpu.memory_space<vmem>>, vector<1x1x2000x8xf32>
    %get3A_4 = vector.shape_cast %get3A_3 : vector<1x1x2000x8xf32> to vector<2000x8xf32>
    %get3A_5 = arith.constant 0 : index
    %get3A_6 = arith.constant 1 : index
    %get3A_7 = arith.constant 0 : index
    %get3A_8 = arith.constant 0 : index
    %get3A_9 = vector.load %arg1[%get3A_5, %get3A_6, %get3A_7, %get3A_8] : memref<1x2x2000x8xf32, #tpu.memory_space<vmem>>, vector<1x1x2000x8xf32>
    %get3A_10 = vector.shape_cast %get3A_9 : vector<1x1x2000x8xf32> to vector<2000x8xf32>
    %add3A = arith.addf %get3A_4, %get3A_10 : vector<2000x8xf32>
    %slice3A = vector.extract_strided_slice %add3A {offsets = [0, 5], sizes = [2000, 1], strides = [1, 1]} : vector<2000x8xf32> to vector<2000x1xf32>
    %max3A = arith.constant 1.000000e+00 : f32
    %max3A_11 = vector.broadcast %max3A : f32 to vector<2000x1xf32>
    %max3A_12 = arith.maximumf %slice3A, %max3A_11 : vector<2000x1xf32>
    %div3A = arith.constant 1.000000e+00 : f32
    %div3A_13 = vector.broadcast %div3A : f32 to vector<2000x1xf32>
    %div3A_14 = arith.divf %div3A_13, %max3A_12 : vector<2000x1xf32>
    %mul3A = vector.broadcast %div3A_14 : vector<2000x1xf32> to vector<2000x8xf32>
    %mul3A_15 = arith.mulf %add3A, %mul3A : vector<2000x8xf32>
    %get3A_16 = arith.constant 0 : index
    %get3A_17 = arith.constant 0 : index
    %get3A_18 = vector.load %arg3[%get3A_16, %get3A_17] : memref<8x64xf32, #tpu.memory_space<vmem>>, vector<8x64xf32>
    %dot_general3A = arith.constant dense<0.000000e+00> : vector<2000x64xf32>
    %dot_general3A_19 = tpu.matmul %mul3A_15, %get3A_18, %dot_general3A {dimension_numbers = #tpu.dot_dimension_numbers<[1], [0], [0], [1], [0, 0, 1, 1], [], []>, transpose_lhs_hint = false} : vector<2000x8xf32>, vector<8x64xf32>, vector<2000x64xf32> -> vector<2000x64xf32>
    %get3A_20 = arith.constant 0 : index
    %get3A_21 = arith.constant 0 : index
    %get3A_22 = vector.load %arg2[%get3A_20, %get3A_21] : memref<2000x8xf32, #tpu.memory_space<vmem>>, vector<2000x8xf32>
    %get3A_23 = arith.constant 0 : index
    %get3A_24 = arith.constant 0 : index
    %get3A_25 = vector.load %arg4[%get3A_23, %get3A_24] : memref<8x64xf32, #tpu.memory_space<vmem>>, vector<8x64xf32>
    %dot_general3A_26 = arith.constant dense<0.000000e+00> : vector<2000x64xf32>
    %dot_general3A_27 = tpu.matmul %get3A_22, %get3A_25, %dot_general3A_26 {dimension_numbers = #tpu.dot_dimension_numbers<[1], [0], [0], [1], [0, 0, 1, 1], [], []>, transpose_lhs_hint = false} : vector<2000x8xf32>, vector<8x64xf32>, vector<2000x64xf32> -> vector<2000x64xf32>
    %add3A_28 = arith.addf %dot_general3A_19, %dot_general3A_27 : vector<2000x64xf32>
    %get3A_29 = arith.constant 0 : index
    %get3A_30 = arith.constant 0 : index
    %get3A_31 = vector.load %arg5[%get3A_29, %get3A_30] : memref<1x64xf32, #tpu.memory_space<vmem>>, vector<1x64xf32>
    %add3A_32 = vector.broadcast %get3A_31 : vector<1x64xf32> to vector<2000x64xf32>
    %add3A_33 = arith.addf %add3A_28, %add3A_32 : vector<2000x64xf32>
    %max3A_34 = arith.constant 0.000000e+00 : f32
    %max3A_35 = vector.broadcast %max3A_34 : f32 to vector<2000x64xf32>
    %max3A_36 = arith.maximumf %add3A_33, %max3A_35 : vector<2000x64xf32>
    %swap3A = arith.constant 0 : index
    %swap3A_37 = arith.constant 0 : index
    %swap3A_38 = vector.load %arg6[%swap3A, %swap3A_37] : memref<2000x64xf32, #tpu.memory_space<vmem>>, vector<2000x64xf32>
    tpu.vector_store %arg6[%swap3A, %swap3A_37], %max3A_36 {strides = array<i32>} : memref<2000x64xf32, #tpu.memory_space<vmem>>, vector<2000x64xf32>,
    %swap3A_39 = arith.constant 0 : index
    %swap3A_40 = arith.constant 0 : index
    %swap3A_41 = vector.load %arg7[%swap3A_39, %swap3A_40] : memref<2000x1xf32, #tpu.memory_space<vmem>>, vector<2000x1xf32>
    tpu.vector_store %arg7[%swap3A_39, %swap3A_40], %div3A_14 {strides = array<i32>} : memref<2000x1xf32, #tpu.memory_space<vmem>>, vector<2000x1xf32>,
    return
  }
  func.func @transform_0(%arg0: i32) -> (i32, i32, i32, i32) {
    %c0_i32 = arith.constant 0 : i32
    %c0_i32_0 = arith.constant 0 : i32
    %c0_i32_1 = arith.constant 0 : i32
    %c0_i32_2 = arith.constant 0 : i32
    return %c0_i32, %c0_i32_0, %arg0, %c0_i32_1 : i32, i32, i32, i32
  }
  func.func @transform_1(%arg0: i32) -> (i32, i32) {
    %c0_i32 = arith.constant 0 : i32
    %c0_i32_0 = arith.constant 0 : i32
    return %arg0, %c0_i32 : i32, i32
  }
  func.func @transform_2(%arg0: i32) -> (i32, i32) {
    %c0_i32 = arith.constant 0 : i32
    %c0_i32_0 = arith.constant 0 : i32
    %c0_i32_1 = arith.constant 0 : i32
    return %c0_i32, %c0_i32_0 : i32, i32
  }
  func.func @transform_3(%arg0: i32) -> (i32, i32) {
    %c0_i32 = arith.constant 0 : i32
    %c0_i32_0 = arith.constant 0 : i32
    %c0_i32_1 = arith.constant 0 : i32
    return %c0_i32, %c0_i32_0 : i32, i32
  }
  func.func @transform_4(%arg0: i32) -> (i32, i32) {
    %c0_i32 = arith.constant 0 : i32
    %c0_i32_0 = arith.constant 0 : i32
    %c0_i32_1 = arith.constant 0 : i32
    return %c0_i32, %c0_i32_0 : i32, i32
  }
  func.func @transform_5(%arg0: i32) -> (i32, i32) {
    %c0_i32 = arith.constant 0 : i32
    %c0_i32_0 = arith.constant 0 : i32
    return %arg0, %c0_i32 : i32, i32
  }
  func.func @transform_6(%arg0: i32) -> (i32, i32) {
    %c0_i32 = arith.constant 0 : i32
    %c0_i32_0 = arith.constant 0 : i32
    return %arg0, %c0_i32 : i32, i32
  }
}

module attributes {stable_mosaic.version = 14 : i64} {
  func.func @body(%arg0: i32, %arg1: memref<4x2x2000x16xf32, #tpu.memory_space<vmem>>, %arg2: memref<2000x64xf32, #tpu.memory_space<vmem>>, %arg3: memref<2000x1xf32, #tpu.memory_space<vmem>>, %arg4: memref<64x64xf32, #tpu.memory_space<vmem>>, %arg5: memref<64x64xf32, #tpu.memory_space<vmem>>, %arg6: memref<1x64xf32, #tpu.memory_space<vmem>>, %arg7: memref<64x32xf32, #tpu.memory_space<vmem>>, %arg8: memref<64x32xf32, #tpu.memory_space<vmem>>, %arg9: memref<1x32xf32, #tpu.memory_space<vmem>>, %arg10: memref<2000x32xf32, #tpu.memory_space<vmem>>, %arg11: memref<2000x32xf32, #tpu.memory_space<vmem>>) attributes {dimension_semantics = [#tpu.dimension_semantics<arbitrary>], iteration_bounds = array<i64: 25>, scalar_prefetch = 0 : i64, scratch_operands = 0 : i64, tpu.core_type = #tpu.core_type<tc>, window_params = [{transform_indices = @transform_0, window_bounds = array<i64: 4, 2, 2000, 16>}, {transform_indices = @transform_1, window_bounds = array<i64: 2000, 64>}, {transform_indices = @transform_2, window_bounds = array<i64: 2000, 1>}, {pipeline_mode = #tpu.pipeline_mode<synchronous>, transform_indices = @transform_3, window_bounds = array<i64: 64, 64>}, {pipeline_mode = #tpu.pipeline_mode<synchronous>, transform_indices = @transform_4, window_bounds = array<i64: 64, 64>}, {pipeline_mode = #tpu.pipeline_mode<synchronous>, transform_indices = @transform_5, window_bounds = array<i64: 1, 64>}, {pipeline_mode = #tpu.pipeline_mode<synchronous>, transform_indices = @transform_6, window_bounds = array<i64: 64, 32>}, {pipeline_mode = #tpu.pipeline_mode<synchronous>, transform_indices = @transform_7, window_bounds = array<i64: 64, 32>}, {pipeline_mode = #tpu.pipeline_mode<synchronous>, transform_indices = @transform_8, window_bounds = array<i64: 1, 32>}, {transform_indices = @transform_9, window_bounds = array<i64: 2000, 32>}, {transform_indices = @transform_10, window_bounds = array<i64: 2000, 32>}]} {
    %get3A = arith.constant 0 : index
    %get3A_0 = arith.constant 0 : index
    %get3A_1 = arith.constant 0 : index
    %get3A_2 = arith.constant 0 : index
    %get3A_3 = vector.load %arg1[%get3A, %get3A_0, %get3A_1, %get3A_2] : memref<4x2x2000x16xf32, #tpu.memory_space<vmem>>, vector<1x1x2000x16xf32>
    %get3A_4 = vector.shape_cast %get3A_3 : vector<1x1x2000x16xf32> to vector<2000x16xf32>
    %get3A_5 = arith.constant 0 : index
    %get3A_6 = arith.constant 1 : index
    %get3A_7 = arith.constant 0 : index
    %get3A_8 = arith.constant 0 : index
    %get3A_9 = vector.load %arg1[%get3A_5, %get3A_6, %get3A_7, %get3A_8] : memref<4x2x2000x16xf32, #tpu.memory_space<vmem>>, vector<1x1x2000x16xf32>
    %get3A_10 = vector.shape_cast %get3A_9 : vector<1x1x2000x16xf32> to vector<2000x16xf32>
    %add3A = arith.addf %get3A_4, %get3A_10 : vector<2000x16xf32>
    %get3A_11 = arith.constant 1 : index
    %get3A_12 = arith.constant 0 : index
    %get3A_13 = arith.constant 0 : index
    %get3A_14 = arith.constant 0 : index
    %get3A_15 = vector.load %arg1[%get3A_11, %get3A_12, %get3A_13, %get3A_14] : memref<4x2x2000x16xf32, #tpu.memory_space<vmem>>, vector<1x1x2000x16xf32>
    %get3A_16 = vector.shape_cast %get3A_15 : vector<1x1x2000x16xf32> to vector<2000x16xf32>
    %get3A_17 = arith.constant 1 : index
    %get3A_18 = arith.constant 1 : index
    %get3A_19 = arith.constant 0 : index
    %get3A_20 = arith.constant 0 : index
    %get3A_21 = vector.load %arg1[%get3A_17, %get3A_18, %get3A_19, %get3A_20] : memref<4x2x2000x16xf32, #tpu.memory_space<vmem>>, vector<1x1x2000x16xf32>
    %get3A_22 = vector.shape_cast %get3A_21 : vector<1x1x2000x16xf32> to vector<2000x16xf32>
    %add3A_23 = arith.addf %get3A_16, %get3A_22 : vector<2000x16xf32>
    %get3A_24 = arith.constant 2 : index
    %get3A_25 = arith.constant 0 : index
    %get3A_26 = arith.constant 0 : index
    %get3A_27 = arith.constant 0 : index
    %get3A_28 = vector.load %arg1[%get3A_24, %get3A_25, %get3A_26, %get3A_27] : memref<4x2x2000x16xf32, #tpu.memory_space<vmem>>, vector<1x1x2000x16xf32>
    %get3A_29 = vector.shape_cast %get3A_28 : vector<1x1x2000x16xf32> to vector<2000x16xf32>
    %get3A_30 = arith.constant 2 : index
    %get3A_31 = arith.constant 1 : index
    %get3A_32 = arith.constant 0 : index
    %get3A_33 = arith.constant 0 : index
    %get3A_34 = vector.load %arg1[%get3A_30, %get3A_31, %get3A_32, %get3A_33] : memref<4x2x2000x16xf32, #tpu.memory_space<vmem>>, vector<1x1x2000x16xf32>
    %get3A_35 = vector.shape_cast %get3A_34 : vector<1x1x2000x16xf32> to vector<2000x16xf32>
    %add3A_36 = arith.addf %get3A_29, %get3A_35 : vector<2000x16xf32>
    %get3A_37 = arith.constant 3 : index
    %get3A_38 = arith.constant 0 : index
    %get3A_39 = arith.constant 0 : index
    %get3A_40 = arith.constant 0 : index
    %get3A_41 = vector.load %arg1[%get3A_37, %get3A_38, %get3A_39, %get3A_40] : memref<4x2x2000x16xf32, #tpu.memory_space<vmem>>, vector<1x1x2000x16xf32>
    %get3A_42 = vector.shape_cast %get3A_41 : vector<1x1x2000x16xf32> to vector<2000x16xf32>
    %get3A_43 = arith.constant 3 : index
    %get3A_44 = arith.constant 1 : index
    %get3A_45 = arith.constant 0 : index
    %get3A_46 = arith.constant 0 : index
    %get3A_47 = vector.load %arg1[%get3A_43, %get3A_44, %get3A_45, %get3A_46] : memref<4x2x2000x16xf32, #tpu.memory_space<vmem>>, vector<1x1x2000x16xf32>
    %get3A_48 = vector.shape_cast %get3A_47 : vector<1x1x2000x16xf32> to vector<2000x16xf32>
    %add3A_49 = arith.addf %get3A_42, %get3A_48 : vector<2000x16xf32>
    %concatenate3A = tpu.concatenate %add3A, %add3A_23, %add3A_36, %add3A_49 in 1 : vector<2000x16xf32>, vector<2000x16xf32>, vector<2000x16xf32>, vector<2000x16xf32> -> vector<2000x64xf32>
    %get3A_50 = arith.constant 0 : index
    %get3A_51 = arith.constant 0 : index
    %get3A_52 = vector.load %arg3[%get3A_50, %get3A_51] : memref<2000x1xf32, #tpu.memory_space<vmem>>, vector<2000x1xf32>
    %mul3A = vector.broadcast %get3A_52 : vector<2000x1xf32> to vector<2000x64xf32>
    %mul3A_53 = arith.mulf %concatenate3A, %mul3A : vector<2000x64xf32>
    %get3A_54 = arith.constant 0 : index
    %get3A_55 = arith.constant 0 : index
    %get3A_56 = vector.load %arg4[%get3A_54, %get3A_55] : memref<64x64xf32, #tpu.memory_space<vmem>>, vector<64x64xf32>
    %dot_general3A = arith.constant dense<0.000000e+00> : vector<2000x64xf32>
    %dot_general3A_57 = tpu.matmul %mul3A_53, %get3A_56, %dot_general3A {dimension_numbers = #tpu.dot_dimension_numbers<[1], [0], [0], [1], [0, 0, 1, 1], [], []>, transpose_lhs_hint = false} : vector<2000x64xf32>, vector<64x64xf32>, vector<2000x64xf32> -> vector<2000x64xf32>
    %get3A_58 = arith.constant 0 : index
    %get3A_59 = arith.constant 0 : index
    %get3A_60 = vector.load %arg2[%get3A_58, %get3A_59] : memref<2000x64xf32, #tpu.memory_space<vmem>>, vector<2000x64xf32>
    %get3A_61 = arith.constant 0 : index
    %get3A_62 = arith.constant 0 : index
    %get3A_63 = vector.load %arg5[%get3A_61, %get3A_62] : memref<64x64xf32, #tpu.memory_space<vmem>>, vector<64x64xf32>
    %dot_general3A_64 = arith.constant dense<0.000000e+00> : vector<2000x64xf32>
    %dot_general3A_65 = tpu.matmul %get3A_60, %get3A_63, %dot_general3A_64 {dimension_numbers = #tpu.dot_dimension_numbers<[1], [0], [0], [1], [0, 0, 1, 1], [], []>, transpose_lhs_hint = false} : vector<2000x64xf32>, vector<64x64xf32>, vector<2000x64xf32> -> vector<2000x64xf32>
    %add3A_66 = arith.addf %dot_general3A_57, %dot_general3A_65 : vector<2000x64xf32>
    %get3A_67 = arith.constant 0 : index
    %get3A_68 = arith.constant 0 : index
    %get3A_69 = vector.load %arg6[%get3A_67, %get3A_68] : memref<1x64xf32, #tpu.memory_space<vmem>>, vector<1x64xf32>
    %add3A_70 = vector.broadcast %get3A_69 : vector<1x64xf32> to vector<2000x64xf32>
    %add3A_71 = arith.addf %add3A_66, %add3A_70 : vector<2000x64xf32>
    %max3A = arith.constant 0.000000e+00 : f32
    %max3A_72 = vector.broadcast %max3A : f32 to vector<2000x64xf32>
    %max3A_73 = arith.maximumf %add3A_71, %max3A_72 : vector<2000x64xf32>
    %get3A_74 = arith.constant 0 : index
    %get3A_75 = arith.constant 0 : index
    %get3A_76 = vector.load %arg7[%get3A_74, %get3A_75] : memref<64x32xf32, #tpu.memory_space<vmem>>, vector<64x32xf32>
    %dot_general3A_77 = arith.constant dense<0.000000e+00> : vector<2000x32xf32>
    %dot_general3A_78 = tpu.matmul %max3A_73, %get3A_76, %dot_general3A_77 {dimension_numbers = #tpu.dot_dimension_numbers<[1], [0], [0], [1], [0, 0, 1, 1], [], []>, transpose_lhs_hint = false} : vector<2000x64xf32>, vector<64x32xf32>, vector<2000x32xf32> -> vector<2000x32xf32>
    %swap3A = arith.constant 0 : index
    %swap3A_79 = arith.constant 0 : index
    %swap3A_80 = vector.load %arg10[%swap3A, %swap3A_79] : memref<2000x32xf32, #tpu.memory_space<vmem>>, vector<2000x32xf32>
    tpu.vector_store %arg10[%swap3A, %swap3A_79], %dot_general3A_78 {strides = array<i32>} : memref<2000x32xf32, #tpu.memory_space<vmem>>, vector<2000x32xf32>,
    %get3A_81 = arith.constant 0 : index
    %get3A_82 = arith.constant 0 : index
    %get3A_83 = vector.load %arg8[%get3A_81, %get3A_82] : memref<64x32xf32, #tpu.memory_space<vmem>>, vector<64x32xf32>
    %dot_general3A_84 = arith.constant dense<0.000000e+00> : vector<2000x32xf32>
    %dot_general3A_85 = tpu.matmul %max3A_73, %get3A_83, %dot_general3A_84 {dimension_numbers = #tpu.dot_dimension_numbers<[1], [0], [0], [1], [0, 0, 1, 1], [], []>, transpose_lhs_hint = false} : vector<2000x64xf32>, vector<64x32xf32>, vector<2000x32xf32> -> vector<2000x32xf32>
    %get3A_86 = arith.constant 0 : index
    %get3A_87 = arith.constant 0 : index
    %get3A_88 = vector.load %arg9[%get3A_86, %get3A_87] : memref<1x32xf32, #tpu.memory_space<vmem>>, vector<1x32xf32>
    %add3A_89 = vector.broadcast %get3A_88 : vector<1x32xf32> to vector<2000x32xf32>
    %add3A_90 = arith.addf %dot_general3A_85, %add3A_89 : vector<2000x32xf32>
    %swap3A_91 = arith.constant 0 : index
    %swap3A_92 = arith.constant 0 : index
    %swap3A_93 = vector.load %arg11[%swap3A_91, %swap3A_92] : memref<2000x32xf32, #tpu.memory_space<vmem>>, vector<2000x32xf32>
    tpu.vector_store %arg11[%swap3A_91, %swap3A_92], %add3A_90 {strides = array<i32>} : memref<2000x32xf32, #tpu.memory_space<vmem>>, vector<2000x32xf32>,
    return
  }
  func.func @transform_0(%arg0: i32) -> (i32, i32, i32, i32) {
    %c0_i32 = arith.constant 0 : i32
    %c0_i32_0 = arith.constant 0 : i32
    %c0_i32_1 = arith.constant 0 : i32
    %c0_i32_2 = arith.constant 0 : i32
    return %c0_i32, %c0_i32_0, %arg0, %c0_i32_1 : i32, i32, i32, i32
  }
  func.func @transform_1(%arg0: i32) -> (i32, i32) {
    %c0_i32 = arith.constant 0 : i32
    %c0_i32_0 = arith.constant 0 : i32
    return %arg0, %c0_i32 : i32, i32
  }
  func.func @transform_2(%arg0: i32) -> (i32, i32) {
    %c0_i32 = arith.constant 0 : i32
    %c0_i32_0 = arith.constant 0 : i32
    return %arg0, %c0_i32 : i32, i32
  }
  func.func @transform_3(%arg0: i32) -> (i32, i32) {
    %c0_i32 = arith.constant 0 : i32
    %c0_i32_0 = arith.constant 0 : i32
    %c0_i32_1 = arith.constant 0 : i32
    return %c0_i32, %c0_i32_0 : i32, i32
  }
  func.func @transform_4(%arg0: i32) -> (i32, i32) {
    %c0_i32 = arith.constant 0 : i32
    %c0_i32_0 = arith.constant 0 : i32
    %c0_i32_1 = arith.constant 0 : i32
    return %c0_i32, %c0_i32_0 : i32, i32
  }
  func.func @transform_5(%arg0: i32) -> (i32, i32) {
    %c0_i32 = arith.constant 0 : i32
    %c0_i32_0 = arith.constant 0 : i32
    %c0_i32_1 = arith.constant 0 : i32
    return %c0_i32, %c0_i32_0 : i32, i32
  }
  func.func @transform_6(%arg0: i32) -> (i32, i32) {
    %c0_i32 = arith.constant 0 : i32
    %c0_i32_0 = arith.constant 0 : i32
    %c0_i32_1 = arith.constant 0 : i32
    return %c0_i32, %c0_i32_0 : i32, i32
  }
  func.func @transform_7(%arg0: i32) -> (i32, i32) {
    %c0_i32 = arith.constant 0 : i32
    %c0_i32_0 = arith.constant 0 : i32
    %c0_i32_1 = arith.constant 0 : i32
    return %c0_i32, %c0_i32_0 : i32, i32
  }
  func.func @transform_8(%arg0: i32) -> (i32, i32) {
    %c0_i32 = arith.constant 0 : i32
    %c0_i32_0 = arith.constant 0 : i32
    %c0_i32_1 = arith.constant 0 : i32
    return %c0_i32, %c0_i32_0 : i32, i32
  }
  func.func @transform_9(%arg0: i32) -> (i32, i32) {
    %c0_i32 = arith.constant 0 : i32
    %c0_i32_0 = arith.constant 0 : i32
    return %arg0, %c0_i32 : i32, i32
  }
  func.func @transform_10(%arg0: i32) -> (i32, i32) {
    %c0_i32 = arith.constant 0 : i32
    %c0_i32_0 = arith.constant 0 : i32
    return %arg0, %c0_i32 : i32, i32
  }
}

module attributes {stable_mosaic.version = 14 : i64} {
  func.func @body(%arg0: i32, %arg1: memref<2x2x2000x16xf32, #tpu.memory_space<vmem>>, %arg2: memref<2000x1xf32, #tpu.memory_space<vmem>>, %arg3: memref<2000x32xf32, #tpu.memory_space<vmem>>, %arg4: memref<2000x32xf32, #tpu.memory_space<vmem>>) attributes {dimension_semantics = [#tpu.dimension_semantics<arbitrary>], iteration_bounds = array<i64: 25>, scalar_prefetch = 0 : i64, scratch_operands = 0 : i64, tpu.core_type = #tpu.core_type<tc>, window_params = [{transform_indices = @transform_0, window_bounds = array<i64: 2, 2, 2000, 16>}, {transform_indices = @transform_1, window_bounds = array<i64: 2000, 1>}, {transform_indices = @transform_2, window_bounds = array<i64: 2000, 32>}, {transform_indices = @transform_3, window_bounds = array<i64: 2000, 32>}]} {
    %get3A = arith.constant 0 : index
    %get3A_0 = arith.constant 0 : index
    %get3A_1 = arith.constant 0 : index
    %get3A_2 = arith.constant 0 : index
    %get3A_3 = vector.load %arg1[%get3A, %get3A_0, %get3A_1, %get3A_2] : memref<2x2x2000x16xf32, #tpu.memory_space<vmem>>, vector<1x1x2000x16xf32>
    %get3A_4 = vector.shape_cast %get3A_3 : vector<1x1x2000x16xf32> to vector<2000x16xf32>
    %get3A_5 = arith.constant 0 : index
    %get3A_6 = arith.constant 1 : index
    %get3A_7 = arith.constant 0 : index
    %get3A_8 = arith.constant 0 : index
    %get3A_9 = vector.load %arg1[%get3A_5, %get3A_6, %get3A_7, %get3A_8] : memref<2x2x2000x16xf32, #tpu.memory_space<vmem>>, vector<1x1x2000x16xf32>
    %get3A_10 = vector.shape_cast %get3A_9 : vector<1x1x2000x16xf32> to vector<2000x16xf32>
    %add3A = arith.addf %get3A_4, %get3A_10 : vector<2000x16xf32>
    %get3A_11 = arith.constant 1 : index
    %get3A_12 = arith.constant 0 : index
    %get3A_13 = arith.constant 0 : index
    %get3A_14 = arith.constant 0 : index
    %get3A_15 = vector.load %arg1[%get3A_11, %get3A_12, %get3A_13, %get3A_14] : memref<2x2x2000x16xf32, #tpu.memory_space<vmem>>, vector<1x1x2000x16xf32>
    %get3A_16 = vector.shape_cast %get3A_15 : vector<1x1x2000x16xf32> to vector<2000x16xf32>
    %get3A_17 = arith.constant 1 : index
    %get3A_18 = arith.constant 1 : index
    %get3A_19 = arith.constant 0 : index
    %get3A_20 = arith.constant 0 : index
    %get3A_21 = vector.load %arg1[%get3A_17, %get3A_18, %get3A_19, %get3A_20] : memref<2x2x2000x16xf32, #tpu.memory_space<vmem>>, vector<1x1x2000x16xf32>
    %get3A_22 = vector.shape_cast %get3A_21 : vector<1x1x2000x16xf32> to vector<2000x16xf32>
    %add3A_23 = arith.addf %get3A_16, %get3A_22 : vector<2000x16xf32>
    %concatenate3A = tpu.concatenate %add3A, %add3A_23 in 1 : vector<2000x16xf32>, vector<2000x16xf32> -> vector<2000x32xf32>
    %get3A_24 = arith.constant 0 : index
    %get3A_25 = arith.constant 0 : index
    %get3A_26 = vector.load %arg2[%get3A_24, %get3A_25] : memref<2000x1xf32, #tpu.memory_space<vmem>>, vector<2000x1xf32>
    %mul3A = vector.broadcast %get3A_26 : vector<2000x1xf32> to vector<2000x32xf32>
    %mul3A_27 = arith.mulf %concatenate3A, %mul3A : vector<2000x32xf32>
    %get3A_28 = arith.constant 0 : index
    %get3A_29 = arith.constant 0 : index
    %get3A_30 = vector.load %arg3[%get3A_28, %get3A_29] : memref<2000x32xf32, #tpu.memory_space<vmem>>, vector<2000x32xf32>
    %add3A_31 = arith.addf %mul3A_27, %get3A_30 : vector<2000x32xf32>
    %swap3A = arith.constant 0 : index
    %swap3A_32 = arith.constant 0 : index
    %swap3A_33 = vector.load %arg4[%swap3A, %swap3A_32] : memref<2000x32xf32, #tpu.memory_space<vmem>>, vector<2000x32xf32>
    tpu.vector_store %arg4[%swap3A, %swap3A_32], %add3A_31 {strides = array<i32>} : memref<2000x32xf32, #tpu.memory_space<vmem>>, vector<2000x32xf32>,
    return
  }
  func.func @transform_0(%arg0: i32) -> (i32, i32, i32, i32) {
    %c0_i32 = arith.constant 0 : i32
    %c0_i32_0 = arith.constant 0 : i32
    %c0_i32_1 = arith.constant 0 : i32
    %c0_i32_2 = arith.constant 0 : i32
    return %c0_i32, %c0_i32_0, %arg0, %c0_i32_1 : i32, i32, i32, i32
  }
  func.func @transform_1(%arg0: i32) -> (i32, i32) {
    %c0_i32 = arith.constant 0 : i32
    %c0_i32_0 = arith.constant 0 : i32
    return %arg0, %c0_i32 : i32, i32
  }
  func.func @transform_2(%arg0: i32) -> (i32, i32) {
    %c0_i32 = arith.constant 0 : i32
    %c0_i32_0 = arith.constant 0 : i32
    return %arg0, %c0_i32 : i32, i32
  }
  func.func @transform_3(%arg0: i32) -> (i32, i32) {
    %c0_i32 = arith.constant 0 : i32
    %c0_i32_0 = arith.constant 0 : i32
    return %arg0, %c0_i32 : i32, i32
  }
}

</mosaic_0001>

<sc_bundles>
// kernel: kernel.11.cloned.1.call-start
scs
__scs_entry_jumppad:
0x0: {  	(pc) =	sbr.rel $0x88, $3  }
0x1: {  	(tag) =	ssettag $0x0;
	lr =	simm.s32 $0x1  }
0x2: {  	[smem:$0x3F96] =	sst lr;
	_ =	strace $0xD0000000  }
0x3: {  	_ = 	snop  }
0x4: {  	_ = 	snop  }
0x5: {  	_ = 	snop  }
0x6: {  	_ = 	snop  }
0x7: {  	_ = 	snop  }
__scs_overlays_trampoline_lowered:
0x8: {  	[smem:$0x3FA5] =	sst s0  }
0x9: {  	[smem:$0x3FA6] =	sst s1  }
0xa: {  	[smem:$0x3FA7] =	sst s2  }
0xb: {  	[smem:$0x3FA8] =	sst s3  }
0xc: {  	[smem:$0x3FA9] =	sst s4  }
0xd: {  	[smem:$0x3FAA] =	sst s5  }
0xe: {  	[smem:$0x3FAB] =	sst s6  }
0xf: {  	[smem:$0x3FAC] =	sst s7  }
0x10: {  	[smem:$0x3FAD] =	sst s8  }
0x11: {  	[smem:$0x3FAE] =	sst s9;
	s0 =	simm.s32 @!p0 $0x0  }
0x12: {  	s1 =	sld [smem:$0x3F94];
	s0 =	simm.s32 @p0 $0x1  }
0x13: {  	[smem:$0x3FAF] =	sst s0;
	s0 =	simm.s32 @!p1 $0x0  }
0x14: {  	s2 =	sld [smem:$0x3F93];
	s0 =	simm.s32 @p1 $0x1  }
0x15: {  	[smem:$0x3FB0] =	sst s0;
	s0 =	simm.s32 @!p2 $0x0  }
0x16: {  	s3 =	sld [smem:$0x3FDB];
	s0 =	simm.s32 @p2 $0x1  }
0x17: {  	s4 =	simm.s32 $0x1BF5;
	[smem:$0x3FB2] =	sst s0  }
0x18: {  	s0 =	sld [smem:$0x3F95];
	_ =	swait.ge [sflag:s4], $0x0  }
0x19: {  	s7 =	sld [smem:$0x3F96]  }
0x1a: {  	s8 =	sadd.s32 $0xFFFFE003, lr  }
0x1b: {  	s9 =	sadd.s32 $0xFFFFFEF7, lr;
	s5 =	simm.s32 $0xFFFFFFFF;
	p2 =	slt.u32 s8, $0xFFFFF086  }
0x1c: {  	p1 =	slt.u32 s9, $0xF7A;
	s5 =	simm.s32 @!p2 $0x0  }
0x1d: {  	s5 =	simm.s32 @p1 $0x1;
	p0 =	seq.s32 s7, s2  }
0x1e: {  	s7 =	smul.u32 @!p0 $0xF7A, s2;
	p2 =	seq.s32 @!p0 s5, $0x0  }
0x1f: {  	s9 =	smul.u32 $0xF7A, s1;
	s8 =	simm.s32 @!p0 $0x1BF5;
	p2 =	por !p2, p0  }
0x20: {  	[sflag:s8] =	ssyncset.s32 @!p0 $0xFFFFF086;
	s6 =	sadd.s32 @!p0 s3, s7;
	s7 =	simm.s32 @!p0 $0x108  }
0x21: {  	s3 =	sadd.s32 s3, s9;
	s6 =	sadd.s32 @!p0 $0x88, s6;
	s7 =	simm.s32 @p2 $0x1082  }
0x22: {  	[simem:s7], [sflag:s8] =	dma.local @!p0 [hbm:s6], $0xF7A  }
0x23: {  	s9 =	sor.u32 $0xD0000000, s2;
	s6 =	simm.s32 $0x108;
	_ =	swait.ge @!p0 [sflag:s8], $0x0  }
0x24: {  	s3 =	sadd.s32 $0x88, s3;
	s6 =	simm.s32 @!p1 $0x1082;
	[sflag:s4] =	ssyncset.s32 $0xFFFFF086  }
0x25: {  	[simem:s6], [sflag:s4] =	dma.local [hbm:s3], $0xF7A  }
0x26: {  	[smem:$0x3F96] =	sst s1;
	(tag) =	ssettag s2;
	_ =	strace s9  }
0x27: {  	s1 =	sld [smem:$0x3FA6]  }
0x28: {  	s2 =	sld [smem:$0x3FA7]  }
0x29: {  	s4 =	sld [smem:$0x3FA9]  }
0x2a: {  	p0 =	seq.s32 s5, $0x0;
	s5 =	sld [smem:$0x3FAA]  }
0x2b: {  	s6 =	sld [smem:$0x3FAB]  }
0x2c: {  	s7 =	sld [smem:$0x3FAC]  }
0x2d: {  	s3 =	simm.s32 $0x108;
	s8 =	sld [smem:$0x3FAD]  }
0x2e: {  	s3 =	simm.s32 @!p0 $0x1082;
	s9 =	sld [smem:$0x3FAE]  }
0x2f: {  	lr =	sadd.s32 s0, s3;
	s0 =	sld [smem:$0x3FA5]  }
0x30: {  	s3 =	sld [smem:$0x3FA8]  }
0x31: {  	[smem:$0x3FB1] =	sst s10  }
0x32: {  	s10 =	sld [smem:$0x3FAF];
	_ =	sdelay $0x3  }
0x33: {  	p0 =	seq.s32 s10, $0x1;
	s10 =	sld [smem:$0x3FB1];
	_ =	sdelay $0x3  }
0x34: {  	[smem:$0x3FB1] =	sst s10  }
0x35: {  	s10 =	sld [smem:$0x3FB0];
	_ =	sdelay $0x3  }
0x36: {  	p1 =	seq.s32 s10, $0x1;
	s10 =	sld [smem:$0x3FB1];
	_ =	sdelay $0x3  }
0x37: {  	[smem:$0x3FB1] =	sst s10  }
0x38: {  	s10 =	sld [smem:$0x3FB2]  }
0x39: {  	_ = 	snop;
	(pc) =	sbr.ind lr, $3  }
0x3a: {  	_ = 	snop  }
0x3b: {  	_ = 	snop  }
0x3c: {  	p2 =	seq.s32 s10, $0x1;
	s10 =	sld [smem:$0x3FB1]  }
0x3d: {  	_ =	shalt  }
0x3e: {  	_ =	shalt  }
0x3f: {  	_ =	shalt  }
0x40: {  	_ =	shalt  }
0x41: {  	_ =	shalt  }
0x42: {  	_ =	shalt  }
0x43: {  	_ =	shalt  }
0x44: {  	_ =	shalt  }
0x45: {  	_ =	shalt  }
0x46: {  	_ =	shalt  }
0x47: {  	_ =	shalt  }
0x48: {  	_ =	shalt  }
0x49: {  	_ =	shalt  }
0x4a: {  	_ =	shalt  }
0x4b: {  	_ =	shalt  }
0x4c: {  	_ =	shalt  }
0x4d: {  	_ =	shalt  }
0x4e: {  	_ =	shalt  }
0x4f: {  	_ =	shalt  }
0x50: {  	_ =	shalt  }
0x51: {  	_ =	shalt  }
0x52: {  	_ =	shalt  }
0x53: {  	_ =	shalt  }
0x54: {  	_ =	shalt  }
0x55: {  	_ =	shalt  }
0x56: {  	_ =	shalt  }
0x57: {  	_ =	shalt  }
0x58: {  	_ =	shalt  }
0x59: {  	_ =	shalt  }
0x5a: {  	_ =	shalt  }
0x5b: {  	_ =	shalt  }
0x5c: {  	_ =	shalt  }
0x5d: {  	_ =	shalt  }
0x5e: {  	_ =	shalt  }
0x5f: {  	_ =	shalt  }
0x60: {  	_ =	shalt  }
0x61: {  	_ =	shalt  }
0x62: {  	_ =	shalt  }
0x63: {  	_ =	shalt  }
0x64: {  	_ =	shalt  }
0x65: {  	_ =	shalt  }
0x66: {  	_ =	shalt  }
0x67: {  	_ =	shalt  }
0x68: {  	_ =	shalt  }
0x69: {  	_ =	shalt  }
0x6a: {  	_ =	shalt  }
0x6b: {  	_ =	shalt  }
0x6c: {  	_ =	shalt  }
0x6d: {  	_ =	shalt  }
0x6e: {  	_ =	shalt  }
0x6f: {  	_ =	shalt  }
0x70: {  	_ =	shalt  }
0x71: {  	_ =	shalt  }
0x72: {  	_ =	shalt  }
0x73: {  	_ =	shalt  }
0x74: {  	_ =	shalt  }
0x75: {  	_ =	shalt  }
0x76: {  	_ =	shalt  }
0x77: {  	_ =	shalt  }
0x78: {  	_ =	shalt  }
0x79: {  	_ =	shalt  }
0x7a: {  	_ =	shalt  }
0x7b: {  	_ =	shalt  }
0x7c: {  	_ =	shalt  }
0x7d: {  	_ =	shalt  }
0x7e: {  	_ =	shalt  }
0x7f: {  	_ =	shalt  }
0x80: {  	_ =	shalt  }
0x81: {  	_ =	shalt  }
0x82: {  	_ =	shalt  }
0x83: {  	_ =	shalt  }
0x84: {  	_ =	shalt  }
0x85: {  	_ =	shalt  }
0x86: {  	_ =	shalt  }
0x87: {  	_ =	shalt  }
.Lfunc_end0:
.L_simem_size_0:
called_computation.1_lowered:
.L_overlay_start_0:
0x88: {  	s2 =	sld [smem:$0x3FD9]  }
0x89: {  	s3 =	sld [smem:$0x3FFE];
	_ =	sdelay $0x1  }
0x8a: {  	s1 =	srdreg.scid  }
0x8b: {  	s0 =	sand.u32 $0x1, s1  }
0x8c: {  	s16 =	sshll.u32 s0, $0xA;
	s2 =	sadd.s32 s3, s2  }
0x8d: {  	s2 =	sadd.s32 s2, s16  }
0x8e: {  	[smem:$0x3FBD] =	sst s2  }
0x8f: {  	_ = 	snop  }
0x90: {  	(tm) =	ssettm $0x1  }
0x91: {  	s17 =	sld [smem:$0x3FFB];
	_ =	sdelay $0x3  }
0x92: {  	_ =	strace s17  }
0x93: {  	s2 =	sld [smem:$0x3FFC];
	_ =	sdelay $0x3  }
0x94: {  	_ =	strace s2  }
0x95: {  	s2 =	sld [smem:$0x3FFD];
	_ =	sdelay $0x3  }
0x96: {  	_ =	strace s2  }
0x97: {  	_ =	strace $0x8FFFFFFF  }
0x98: {  	s18 =	sld [smem:$0x3FDB];
	_ =	sdelay $0x1  }
0x99: {  	s19 =	simm.s32 $_scs_section_size  }
0x9a: {  	s4 =	simm.s32 $_size__tile_overlayer_lowered;
	s5 =	simm.s32 $_tile_overlayer_lowered  }
0x9b: {  	s22 =	simm.s32 $0x1BFF;
	s21 =	sshll.u32 s5, $0x1;
	s2 =	sadd.s32 s19, s18  }
0x9c: {  	s6 =	simm.s32 $0x0;
	s20 =	sshll.u32 s4, $0x1;
	s4 =	sadd.s32 s21, s2  }
0x9d: {  	[timem:s6], [sflag:s22] =	dma.local [hbm:s4], s20  }
0x9e: {  	_ =	swait.ge [sflag:s22], s20  }
0x9f: {  	s3 =	ssub.s32 $0x0, s20;
	[sflag:s22] =	ssyncset.done $0x0  }
0xa0: {  	[sflag:s22] =	ssyncadd.s32 s3;
	_ =	sdelay $0x1  }
0xa1: {  	s23 =	simm.s32 $0x1B8B  }
0xa2: {  	_ =	swait.ge [sflag:s23], $0x1  }
0xa3: {  	[sflag:s23] =	ssyncset.done $0x0  }
0xa4: {  	s25 =	simm.s32 $0x1B8E;
	s24 =	sld [smem:$0x3FFE];
	[sflag:s23] =	ssyncadd.s32 $0xFFFFFFFF  }
0xa5: {  	s26 =	simm.s32 $execute0_lowered;
	[smem:$0x3FD2] =	sst s25  }
0xa6: {  	s4 =	sshll.u32 s26, $0x1;
	_ =	strace $0x80000049;
	[dreg:$0x1] =	wrdreg $0xFFFFFFFF  }
0xa7: {  	s28 =	simm.s32 $_size_execute0_lowered;
	s2 =	sadd.s32 s2, s4;
	[dreg:$0x0] =	wrdreg $0x0  }
0xa8: {  	s4 =	sshll.u32 s28, $0x1;
	[dreg:$0x2] =	wrdreg s2  }
0xa9: {  	[dreg:$0x3] =	wrdreg s4  }
0xaa: {  	[dreg:$0x4] =	wrdreg $0xC0  }
0xab: {  	_ =	task [dreg:s6], $0x5FFFF  }
0xac: {  	[dreg:$0x1] =	wrdreg $0xFFFFFFFF  }
0xad: {  	[dreg:$0x0] =	wrdreg $0x60  }
0xae: {  	[dreg:$0x2] =	wrdreg s24  }
0xaf: {  	[dreg:$0x3] =	wrdreg $0x10C200  }
0xb0: {  	[dreg:$0x4] =	wrdreg $0x9  }
0xb1: {  	_ =	task.clear_ibuf [dreg:s6], $0x5FFFF;
	_ =	strace $0x90000049  }
0xb2: {  	s29 =	simm.s32 $0x9;
	_ =	strace $0x8000004B  }
0xb3: {  	_ =	swait.ge [sflag:s29], $0x1  }
0xb4: {  	[sflag:s29] =	ssyncadd.s32 $0xFFFFFFFF  }
0xb5: {  	_ =	strace $0x9000004B  }
0xb6: {  	_ =	sfence  }
0xb7: {  	s30 =	sld [smem:$0x0];
	_ =	sdelay $0x2  }
0xb8: {  	s31 =	sshll.u32 s1, $0xD;
	s1 =	sshrl.u32 s1, $0x2  }
0xb9: {  	s3 =	sand.u32 $0x4000, s31;
	s1 =	sadd.s32 s1, s30  }
0xba: {  	s0 =	sor.u32 s3, s0;
	s1 =	sshll.u32 s1, $0x11  }
0xbb: {  	s0 =	sor.u32 s1, s0  }
0xbc: {  	s0 =	sadd.s32 $0x8F2B, s0  }
0xbd: {  	[sflag:s0] =	ssyncadd.remote.s32 $0x1  }
0xbe: {  	_ =	sfence.sel $0xFFFF  }
0xbf: {  	[dreg:$0x0] =	wrdreg $0xFFFFFFFF;
	(pc) =	sbr.abs _section_cstart, $3  }
0xc0: {  	[dreg:$0x1] =	wrdreg $0xFFFFFFFF  }
0xc1: {  	_ =	task.clear_ibuf [dreg:s6], $0x2FFFF;
	_ =	strace $0x9FFFFFFF  }
0xc2: {  	(tm) =	ssettm $0x7FFFFFFF  }
0xc3: {  	_ =	shalt  }
tec
execute0_lowered:
.L_overlay_start_1:
0x0: {  	(tag) =	ssettag $0x1  }
0x1: {  	s7 =	rddreg [dreg:$0x0]  }
0x2: {  	s0 =	srdreg.scid;
	s2 =	rddreg [dreg:$0x1]  }
0x3: {  	s1 =	stileid.u32;
	s3 =	simm.s32 $0x0;
	s17 =	simm.s32 $0x6200  }
0x4: {  	s18 =	simm.s32 $0x10C00;
	s19 =	simm.s32 $0x200;
	s20 =	simm.s32 $0xC400  }
0x5: {  	s21 =	simm.s32 $0xE400;
	s22 =	simm.s32 $0x1;
	s23 =	simm.s32 $0x2  }
0x6: {  	s24 =	simm.s32 $0xC200;
	s25 =	simm.s32 $0x10400;
	s8 =	smul.u32 $0x31000, s1  }
0x7: {  	s26 =	simm.s32 $0x0;
	[smem:$0x7FF] =	sst s3;
	s10 =	smul.u32 $0xC400, s1  }
0x8: {  	s6 =	sand.u32 $0x1, s0;
	s5 =	sadd.s32 $0x102C00, s7;
	s14 =	sadd.s32 $0x103200, s7  }
0x9: {  	s4 =	sshll.u32 s6, $0x4;
	_ =	strace $0x8000004A;
	s12 =	smul.u32 $0xC4000, s6  }
0xa: {  	s11 =	ssub.s32 $0x2, s6;
	s6 =	sadd.s32 $0x103000, s7;
	s4 =	sor.u32 s1, s4  }
0xb: {  	s29 =	sshrl.u32 s11, $0x1;
	s30 =	sshrl.u32 s8, $0x2;
	s12 =	sadd.s32 s10, s12  }
0xc: {  	s4 =	smul.u32 $0xC40, s4;
	s11 =	ssub.s32 s11, s29;
	s13 =	sshrl.u32 s12, $0x3  }
0xd: {  	s10 =	smax.u32 s11, $0x1;
	s31 =	sadd.s32 $0x188000, s12;
	s15 =	sadd.s32 $0x310000, s12  }
0xe: {  	s12 =	sadd.s32 $0x498000, s12;
	s9 =	sadd.s32 s4, s7;
	s4 =	sadd.s32 $0x2200, s7  }
0xf: {  	s7 =	sadd.s32 s30, s2;
	s11 =	sadd.s32 s13, s14;
	s13 =	sshrl.u32 s31, $0x3  }
0x10: {  	s15 =	sshrl.u32 s15, $0x3;
	s16 =	sshrl.u32 s12, $0x3;
	s8 =	sadd.s32 $0xEA400, s9  }
0x11: {  	s9 =	sadd.s32 $0xD1C00, s9;
	s12 =	sadd.s32 s13, s14;
	s13 =	sadd.s32 s15, s14  }
0x12: {  	s14 =	sadd.s32 s16, s14;
	s15 =	simm.s32 $0x10800;
	s16 =	simm.s32 $0x3  }
.LBB2_1:
0x13: {  	[tilespmem:s15], [sflag:$0x3] =	stream.linear.gather [hbm4b:s5+s3], $0x400, $0x38;
	[tilespmem:$0x1D020] =	vst v63  }
0x14: {  	_ =	swait.ge [sflag:s16], $0x400  }
0x15: {  	[sflag:s16] =	ssyncset.done $0x0  }
0x16: {  	s28 =	sadd.s32 $0x0, s7;
	[sflag:s16] =	ssyncadd.s32 $0xFFFFFC00  }
0x17: {  	[spmem:s28] =	stream.linear.scatter [tilespmem:s15], [sflag:$0x3], $0x400, $0x38;
	[tilespmem:$0x1D020] =	vst v63  }
0x18: {  	s28 =	simm.s32 $0x1000;
	_ =	swait.ge [sflag:s16], $0x400  }
.LBB2_2:
0x19: {  	s29 =	sshra.s32 s28, $0x2;
	[sflag:s16] =	ssyncset.done $0x0;
	p0 =	sne.s32 s28, $0x30000  }
.Ltmp0:
0x1a: {  	s29 =	sadd.s32 s29, s7;
	[sflag:s16] =	ssyncadd.s32 $0xFFFFFC00;
	(pc) =	sbr.rel @p0 .LBB2_2-.Ltmp0, $3  }
0x1b: {  	[spmem:s29] =	stream.linear.scatter [tilespmem:s15], [sflag:$0x3], $0x400, $0x38;
	[tilespmem:$0x1D020] =	vst v63  }
0x1c: {  	s28 =	sadd.s32 $0x1000, s28;
	_ =	sdelay $0x1  }
0x1d: {  	_ =	swait.ge [sflag:s16], $0x400  }
0x1e: {  	[sflag:s16] =	ssyncset.done $0x0  }
0x1f: {  	s28 =	simm.s32 $0x0;
	[sflag:s16] =	ssyncadd.s32 $0xFFFFFC00  }
0x20: {  	[tilespmem:s28], [sflag:$0x3] =	stream.linear.gather [hbm4b:s8+s28], $0x6200, $0x38;
	[tilespmem:$0x1D020] =	vst v63  }
0x21: {  	_ =	swait.ge [sflag:s16], $0x6200  }
0x22: {  	[sflag:s16] =	ssyncset.done $0x0  }
0x23: {  	[sflag:s16] =	ssyncadd.s32 $0xFFFF9E00  }
0x24: {  	[tilespmem:s17], [sflag:$0x3] =	stream.linear.gather [hbm4b:s9+s28], $0x6200, $0x38;
	[tilespmem:$0x1D020] =	vst v63  }
0x25: {  	_ =	swait.ge [sflag:s16], $0x6200  }
0x26: {  	[sflag:s16] =	ssyncset.done $0x0  }
0x27: {  	[sflag:s16] =	ssyncadd.s32 $0xFFFF9E00  }
0x28: {  	[tilespmem:s18], [sflag:$0x3] =	stream.linear.gather [hbm4b:s6+s28], $0x20, $0x38;
	[tilespmem:$0x1D020] =	vst v63  }
0x29: {  	_ =	swait.ge [sflag:s16], $0x20  }
0x2a: {  	[sflag:s16] =	ssyncset.done $0x0  }
0x2b: {  	[sflag:s16] =	ssyncadd.s32 $0xFFFFFFE0  }
0x2c: {  	s28 =	simm.s32 $0x0;
	v0 =	vld [tilespmem:$0x10C00]  }
0x2d: {  	v1 =	vld [tilespmem:s28+$0x0]  }
0x2e: {  	v2 =	vld [tilespmem:s28+$0x10]  }
0x2f: {  	v3 =	vld [tilespmem:s28+$0x20]  }
0x30: {  	v4 =	vld [tilespmem:s28+$0x30]  }
0x31: {  	v5 =	vld [tilespmem:s28+$0x40]  }
0x32: {  	v6 =	vld [tilespmem:s28+$0x50];
	v1 =	vmul.u32 v0, v1  }
0x33: {  	v7 =	vld [tilespmem:s28+$0x60];
	v2 =	vmul.u32 v0, v2  }
0x34: {  	v3 =	vmul.u32 v0, v3;
	[tilespmem:s28+$0x0] =	vst v1;
	v1 =	vld [tilespmem:s28+$0x70]  }
0x35: {  	v4 =	vmul.u32 v0, v4;
	[tilespmem:s28+$0x10] =	vst v2;
	v2 =	vld [tilespmem:s28+$0x80]  }
0x36: {  	v5 =	vmul.u32 v0, v5;
	[tilespmem:s28+$0x20] =	vst v3;
	v3 =	vld [tilespmem:s28+$0x90]  }
0x37: {  	v6 =	vmul.u32 v0, v6;
	[tilespmem:s28+$0x30] =	vst v4;
	v4 =	vld [tilespmem:s28+$0xA0]  }
0x38: {  	v7 =	vmul.u32 v0, v7;
	[tilespmem:s28+$0x40] =	vst v5;
	v5 =	vld [tilespmem:s28+$0xB0]  }
0x39: {  	[tilespmem:s28+$0x50] =	vst v6;
	v6 =	vld [tilespmem:s28+$0xC0];
	v1 =	vmul.u32 v0, v1  }
0x3a: {  	[tilespmem:s28+$0x60] =	vst v7;
	v7 =	vld [tilespmem:s28+$0xD0];
	v2 =	vmul.u32 v0, v2  }
0x3b: {  	v3 =	vmul.u32 v0, v3;
	[tilespmem:s28+$0x70] =	vst v1;
	v1 =	vld [tilespmem:s28+$0xE0]  }
0x3c: {  	v4 =	vmul.u32 v0, v4;
	[tilespmem:s28+$0x80] =	vst v2;
	v2 =	vld [tilespmem:s28+$0xF0]  }
0x3d: {  	v5 =	vmul.u32 v0, v5;
	[tilespmem:s28+$0x90] =	vst v3;
	v3 =	vld [tilespmem:s28+$0x100]  }
0x3e: {  	v6 =	vmul.u32 v0, v6;
	[tilespmem:s28+$0xA0] =	vst v4;
	v4 =	vld [tilespmem:s28+$0x110]  }
0x3f: {  	v7 =	vmul.u32 v0, v7;
	[tilespmem:s28+$0xB0] =	vst v5;
	v5 =	vld [tilespmem:s28+$0x120]  }
0x40: {  	[tilespmem:s28+$0xC0] =	vst v6;
	v6 =	vld [tilespmem:s28+$0x130];
	v1 =	vmul.u32 v0, v1  }
0x41: {  	[tilespmem:s28+$0xD0] =	vst v7;
	v7 =	vld [tilespmem:s28+$0x140]  }
0x42: {  	v2 =	vmul.u32 v0, v2;
	[tilespmem:s28+$0xE0] =	vst v1;
	v1 =	vld [tilespmem:s28+$0x150]  }
0x43: {  	v3 =	vmul.u32 v0, v3  }
0x44: {  	[tilespmem:s28+$0xF0] =	vst v2;
	v2 =	vmul.u32 v0, v4;
	v4 =	vld [tilespmem:s28+$0x170]  }
0x45: {  	v8 =	vld [tilespmem:s28+$0x160];
	[tilespmem:s28+$0x100] =	vst v3;
	v3 =	vmul.u32 v0, v5  }
0x46: {  	v5 =	vld [tilespmem:s28+$0x180];
	[tilespmem:s28+$0x110] =	vst v2;
	v2 =	vmul.u32 v0, v6  }
0x47: {  	[tilespmem:s28+$0x120] =	vst v3;
	v6 =	vld [tilespmem:s28+$0x190];
	v3 =	vmul.u32 v0, v7;
	v7 =	vmul.u32 v0, v1  }
0x48: {  	[tilespmem:s28+$0x130] =	vst v2;
	v2 =	vld [tilespmem:s28+$0x1A0]  }
0x49: {  	v1 =	vld [tilespmem:s28+$0x1B0];
	[tilespmem:s28+$0x150] =	vst v7;
	v7 =	vmul.u32 v0, v4  }
0x4a: {  	v8 =	vmul.u32 v0, v8;
	[tilespmem:s28+$0x140] =	vst v3;
	v3 =	vld [tilespmem:s28+$0x1C0]  }
0x4b: {  	v4 =	vld [tilespmem:s28+$0x1D0];
	[tilespmem:s28+$0x170] =	vst v7;
	v7 =	vmul.u32 v0, v5  }
0x4c: {  	s29 =	simm.s32 $0x800;
	[tilespmem:s28+$0x160] =	vst v8;
	v6 =	vmul.u32 v0, v6;
	v5 =	vld [tilespmem:s28+$0x1E0]  }
.LBB2_4:
0x4d: {  	s30 =	sshra.s32 s29, $0x2;
	p0 =	sne.s32 s29, $0x18000;
	[tilespmem:s28+$0x180] =	vst v7;
	v2 =	vmul.u32 v0, v2;
	v7 =	vld [tilespmem:s28+$0x1F0]  }
0x4e: {  	v8 =	vld [tilespmem:s30+$0x0];
	[tilespmem:s28+$0x190] =	vst v6;
	v1 =	vmul.u32 v0, v1  }
0x4f: {  	v6 =	vld [tilespmem:s30+$0x10];
	[tilespmem:s28+$0x1A0] =	vst v2;
	v2 =	vmul.u32 v0, v3  }
0x50: {  	v3 =	vld [tilespmem:s30+$0x20];
	[tilespmem:s28+$0x1B0] =	vst v1;
	v1 =	vmul.u32 v0, v4  }
0x51: {  	v4 =	vld [tilespmem:s30+$0x30];
	[tilespmem:s28+$0x1C0] =	vst v2;
	v2 =	vmul.u32 v0, v5  }
0x52: {  	v5 =	vld [tilespmem:s30+$0x40];
	[tilespmem:s28+$0x1D0] =	vst v1;
	v1 =	vmul.u32 v0, v7  }
0x53: {  	v7 =	vmul.u32 v0, v8;
	v8 =	vld [tilespmem:s30+$0x50];
	[tilespmem:s28+$0x1E0] =	vst v2  }
0x54: {  	v2 =	vmul.u32 v0, v6;
	v6 =	vld [tilespmem:s30+$0x60];
	[tilespmem:s28+$0x1F0] =	vst v1;
	s28 =	smov.u32 s30  }
0x55: {  	[tilespmem:s28+$0x0] =	vst v7;
	v1 =	vmul.u32 v0, v3;
	v3 =	vld [tilespmem:s28+$0x70]  }
0x56: {  	[tilespmem:s28+$0x10] =	vst v2;
	v2 =	vmul.u32 v0, v4;
	v4 =	vld [tilespmem:s28+$0x80]  }
0x57: {  	[tilespmem:s28+$0x20] =	vst v1;
	v1 =	vmul.u32 v0, v5;
	v5 =	vld [tilespmem:s28+$0x90]  }
0x58: {  	[tilespmem:s28+$0x30] =	vst v2;
	v2 =	vmul.u32 v0, v8;
	v7 =	vld [tilespmem:s28+$0xA0]  }
0x59: {  	[tilespmem:s28+$0x40] =	vst v1;
	v1 =	vmul.u32 v0, v6;
	v6 =	vld [tilespmem:s28+$0xB0]  }
0x5a: {  	[tilespmem:s28+$0x50] =	vst v2;
	v2 =	vmul.u32 v0, v3;
	v3 =	vld [tilespmem:s28+$0xC0]  }
0x5b: {  	[tilespmem:s28+$0x60] =	vst v1;
	v1 =	vmul.u32 v0, v4;
	v4 =	vld [tilespmem:s28+$0xD0]  }
0x5c: {  	[tilespmem:s28+$0x70] =	vst v2;
	v2 =	vmul.u32 v0, v5;
	v5 =	vld [tilespmem:s28+$0xE0]  }
0x5d: {  	[tilespmem:s28+$0x80] =	vst v1;
	v1 =	vmul.u32 v0, v7;
	v7 =	vld [tilespmem:s28+$0xF0]  }
0x5e: {  	[tilespmem:s28+$0x90] =	vst v2;
	v2 =	vmul.u32 v0, v6;
	v6 =	vld [tilespmem:s28+$0x100]  }
0x5f: {  	[tilespmem:s28+$0xA0] =	vst v1;
	v1 =	vmul.u32 v0, v3;
	v3 =	vld [tilespmem:s28+$0x110]  }
0x60: {  	[tilespmem:s28+$0xB0] =	vst v2;
	v2 =	vmul.u32 v0, v4;
	v4 =	vld [tilespmem:s28+$0x120]  }
0x61: {  	[tilespmem:s28+$0xC0] =	vst v1;
	v1 =	vmul.u32 v0, v5;
	v5 =	vld [tilespmem:s28+$0x130]  }
0x62: {  	[tilespmem:s28+$0xD0] =	vst v2;
	v2 =	vmul.u32 v0, v7;
	v7 =	vld [tilespmem:s28+$0x140]  }
0x63: {  	[tilespmem:s28+$0xE0] =	vst v1;
	v1 =	vmul.u32 v0, v6;
	v6 =	vld [tilespmem:s28+$0x150]  }
0x64: {  	[tilespmem:s28+$0xF0] =	vst v2;
	v2 =	vmul.u32 v0, v3;
	v3 =	vld [tilespmem:s28+$0x160]  }
0x65: {  	[tilespmem:s28+$0x100] =	vst v1;
	v1 =	vmul.u32 v0, v4;
	v4 =	vld [tilespmem:s28+$0x170]  }
0x66: {  	[tilespmem:s28+$0x110] =	vst v2;
	v2 =	vmul.u32 v0, v5;
	v5 =	vld [tilespmem:s28+$0x180]  }
0x67: {  	[tilespmem:s28+$0x120] =	vst v1;
	v1 =	vmul.u32 v0, v7;
	v8 =	vld [tilespmem:s28+$0x190]  }
.Ltmp1:
0x68: {  	[tilespmem:s28+$0x130] =	vst v2;
	v6 =	vmul.u32 v0, v6;
	v2 =	vld [tilespmem:s28+$0x1A0];
	(pc) =	sbr.rel @p0 .LBB2_4-.Ltmp1, $4  }
0x69: {  	[tilespmem:s28+$0x140] =	vst v1;
	v7 =	vmul.u32 v0, v3;
	v1 =	vld [tilespmem:s28+$0x1B0]  }
0x6a: {  	[tilespmem:s28+$0x150] =	vst v6;
	v6 =	vmul.u32 v0, v4;
	v3 =	vld [tilespmem:s28+$0x1C0]  }
0x6b: {  	[tilespmem:s28+$0x160] =	vst v7;
	v7 =	vmul.u32 v0, v5;
	v4 =	vld [tilespmem:s28+$0x1D0]  }
0x6c: {  	s29 =	sadd.s32 $0x800, s29;
	[tilespmem:s28+$0x170] =	vst v6;
	v6 =	vmul.u32 v0, v8;
	v5 =	vld [tilespmem:s28+$0x1E0]  }
0x6d: {  	[tilespmem:s28+$0x180] =	vst v7;
	v2 =	vmul.u32 v0, v2;
	v63 =	vld [tilespmem:s28+$0x1F0]  }
0x6e: {  	[tilespmem:s28+$0x190] =	vst v6;
	v1 =	vmul.u32 v0, v1  }
0x6f: {  	[tilespmem:s28+$0x1A0] =	vst v2;
	v2 =	vmul.u32 v0, v3  }
0x70: {  	[tilespmem:s28+$0x1B0] =	vst v1;
	v1 =	vmul.u32 v0, v4  }
0x71: {  	[tilespmem:s28+$0x1C0] =	vst v2;
	v2 =	vmul.u32 v0, v5  }
0x72: {  	[tilespmem:s28+$0x1D0] =	vst v1;
	v0 =	vmul.u32 v0, v63  }
0x73: {  	[tilespmem:s28+$0x1E0] =	vst v2  }
0x74: {  	[tilespmem:s28+$0x1F0] =	vst v0  }
0x75: {  	s28 =	simm.s32 $0x0;
	[bflag:$0x0] =	sbarrier.arrive $0xFFFF  }
0x76: {  	v0 =	vld [tilespmem:$0x10C10];
	[tilespmem:s20], [sflag:$0x1] =	stream.indirect.gather [hbm4b:s4+s19], $0x10, s28, s19, $0xb8  }
0x77: {  	s28 =	simm.s32 $0x200  }
0x78: {  	[tilespmem:s21], [sflag:$0x2] =	stream.indirect.gather [hbm4b:s4+s19], $0x10, s28, s19, $0xb8;
	[tilespmem:$0x1D020] =	vst v63  }
0x79: {  	_ =	swait.ge [sflag:s22], $0x2000  }
0x7a: {  	[sflag:s22] =	ssyncset.done $0x0  }
0x7b: {  	s28 =	simm.s32 $0x6200;
	[sflag:s22] =	ssyncadd.s32 $0xFFFFE000  }
0x7c: {  	[spmem:s2] =	stream.indirect.scatter.add.f32 [tilespmem:s20], [sflag:$0x3], $0x10, s28, s19, $0xb8;
	[tilespmem:$0x1D020] =	vst v63  }
0x7d: {  	_ =	swait.ge [sflag:s16], $0x2000  }
0x7e: {  	[sflag:s16] =	ssyncset.done $0x0  }
0x7f: {  	s28 =	simm.s32 $0x400;
	[sflag:s16] =	ssyncadd.s32 $0xFFFFE000  }
0x80: {  	[tilespmem:s20], [sflag:$0x1] =	stream.indirect.gather [hbm4b:s4+s19], $0x10, s28, s19, $0xb8;
	[tilespmem:$0x1D020] =	vst v63  }
0x81: {  	_ =	swait.ge [sflag:s23], $0x2000  }
0x82: {  	[sflag:s23] =	ssyncset.done $0x0  }
0x83: {  	s28 =	simm.s32 $0x6400;
	[sflag:s23] =	ssyncadd.s32 $0xFFFFE000  }
0x84: {  	[spmem:s2] =	stream.indirect.scatter.add.f32 [tilespmem:s21], [sflag:$0x3], $0x10, s28, s19, $0xb8;
	[tilespmem:$0x1D020] =	vst v63  }
0x85: {  	_ =	swait.ge [sflag:s16], $0x2000  }
0x86: {  	s29 =	simm.s32 $0x2000;
	s28 =	simm.s32 $0x400;
	[sflag:s16] =	ssyncset.done $0x0  }
.LBB2_6:
0x87: {  	s30 =	sadd.s32 $0x200, s28  }
0x88: {  	[sflag:s16] =	ssyncadd.s32 $0xFFFFE000;
	s31 =	smov.u32 s29;
	s0 =	sadd.s32 $0x1000, s29  }
0x89: {  	[tilespmem:s21], [sflag:$0x2] =	stream.indirect.gather [hbm4b:s4+s19], $0x10, s30, s19, $0xb8;
	[tilespmem:$0x1D020] =	vst v63  }
0x8a: {  	p0 =	sne.s32 s29, $0x17000;
	_ =	swait.ge [sflag:s22], $0x2000  }
0x8b: {  	[sflag:s22] =	ssyncset.done $0x0  }
0x8c: {  	s29 =	sadd.s32 $0x6200, s28;
	[sflag:s22] =	ssyncadd.s32 $0xFFFFE000  }
0x8d: {  	[spmem:s2] =	stream.indirect.scatter.add.f32 [tilespmem:s20], [sflag:$0x3], $0x10, s29, s19, $0xb8;
	[tilespmem:$0x1D020] =	vst v63  }
0x8e: {  	_ =	swait.ge [sflag:s16], $0x2000  }
0x8f: {  	[sflag:s16] =	ssyncset.done $0x0  }
0x90: {  	s29 =	sadd.s32 $0x400, s28;
	[sflag:s16] =	ssyncadd.s32 $0xFFFFE000  }
0x91: {  	[tilespmem:s20], [sflag:$0x1] =	stream.indirect.gather [hbm4b:s4+s19], $0x10, s29, s19, $0xb8;
	[tilespmem:$0x1D020] =	vst v63  }
0x92: {  	_ =	swait.ge [sflag:s23], $0x2000  }
.Ltmp2:
0x93: {  	[sflag:s23] =	ssyncset.done $0x0;
	(pc) =	sbr.rel @p0 .LBB2_6-.Ltmp2, $4  }
0x94: {  	s28 =	sadd.s32 $0x6400, s28;
	[sflag:s23] =	ssyncadd.s32 $0xFFFFE000  }
0x95: {  	[spmem:s2] =	stream.indirect.scatter.add.f32 [tilespmem:s21], [sflag:$0x3], $0x10, s28, s19, $0xb8;
	[tilespmem:$0x1D020] =	vst v63  }
0x96: {  	_ =	swait.ge [sflag:s16], $0x2000  }
0x97: {  	s29 =	smov.u32 s0;
	s28 =	sshra.s32 s31, $0x2;
	[sflag:s16] =	ssyncset.done $0x0  }
0x98: {  	s0 =	sadd.s32 $0x200, s28;
	[sflag:s16] =	ssyncadd.s32 $0xFFFFE000  }
0x99: {  	[tilespmem:s21], [sflag:$0x2] =	stream.indirect.gather [hbm4b:s4+s19], $0x10, s0, s19, $0xb8;
	[tilespmem:$0x1D020] =	vst v63  }
0x9a: {  	_ =	swait.ge [sflag:s22], $0x2000  }
0x9b: {  	[sflag:s22] =	ssyncset.done $0x0  }
0x9c: {  	s31 =	sadd.s32 $0x6200, s28;
	[sflag:s22] =	ssyncadd.s32 $0xFFFFE000  }
0x9d: {  	[spmem:s2] =	stream.indirect.scatter.add.f32 [tilespmem:s20], [sflag:$0x3], $0x10, s31, s19, $0xb8;
	[tilespmem:$0x1D020] =	vst v63  }
0x9e: {  	_ =	swait.ge [sflag:s16], $0x2000  }
0x9f: {  	[sflag:s16] =	ssyncset.done $0x0  }
0xa0: {  	s31 =	sadd.s32 $0x400, s28;
	[sflag:s16] =	ssyncadd.s32 $0xFFFFE000  }
0xa1: {  	[tilespmem:s20], [sflag:$0x1] =	stream.indirect.gather [hbm4b:s4+s19], $0x10, s31, s19, $0xb8;
	[tilespmem:$0x1D020] =	vst v63  }
0xa2: {  	_ =	swait.ge [sflag:s23], $0x2000  }
0xa3: {  	[sflag:s23] =	ssyncset.done $0x0  }
0xa4: {  	s31 =	sadd.s32 $0x6400, s28;
	[sflag:s23] =	ssyncadd.s32 $0xFFFFE000  }
0xa5: {  	[spmem:s2] =	stream.indirect.scatter.add.f32 [tilespmem:s21], [sflag:$0x3], $0x10, s31, s19, $0xb8;
	[tilespmem:$0x1D020] =	vst v63  }
0xa6: {  	_ =	swait.ge [sflag:s16], $0x2000  }
0xa7: {  	[sflag:s16] =	ssyncset.done $0x0  }
0xa8: {  	[sflag:s16] =	ssyncadd.s32 $0xFFFFE000  }
0xa9: {  	_ =	swait.ge [sflag:s22], $0x2000  }
0xaa: {  	[sflag:s22] =	ssyncset.done $0x0  }
0xab: {  	[sflag:s22] =	ssyncadd.s32 $0xFFFFE000  }
0xac: {  	[spmem:s2] =	stream.indirect.scatter.add.f32 [tilespmem:s20], [sflag:$0x3], $0x10, s24, s19, $0xb8;
	[tilespmem:$0x1D020] =	vst v63  }
0xad: {  	_ =	swait.ge [sflag:s16], $0x2000  }
0xae: {  	[sflag:s16] =	ssyncset.done $0x0  }
0xaf: {  	[sflag:s16] =	ssyncadd.s32 $0xFFFFE000  }
0xb0: {  	[bflag:$0x0] =	sbarrier.arrive $0xFFFF  }
0xb1: {  	[tilespmem:s25], [sflag:$0x3] =	stream.linear.gather [spmem:s7], $0x400, $0x38;
	[tilespmem:$0x1D020] =	vst v63  }
0xb2: {  	_ =	swait.ge [sflag:s16], $0x400  }
0xb3: {  	[sflag:s16] =	ssyncset.done $0x0  }
0xb4: {  	s28 =	simm.s32 $0x0;
	s31 =	sadd.s32 $0x0, s11;
	[sflag:s16] =	ssyncadd.s32 $0xFFFFFC00  }
0xb5: {  	[hbm4b:s31+s28] =	stream.linear.scatter [tilespmem:s25], [sflag:$0x3], $0x400, $0x38;
	[tilespmem:$0x1D020] =	vst v63  }
0xb6: {  	_ =	swait.ge [sflag:s16], $0x400  }
0xb7: {  	[sflag:s16] =	ssyncset.done $0x0  }
0xb8: {  	[sflag:s16] =	ssyncadd.s32 $0xFFFFFC00  }
0xb9: {  	[spmem:s7] =	stream.linear.scatter [tilespmem:s15], [sflag:$0x3], $0x400, $0x38;
	[tilespmem:$0x1D020] =	vst v63  }
0xba: {  	_ =	swait.ge [sflag:s16], $0x400  }
0xbb: {  	s29 =	simm.s32 $0x80;
	s30 =	smov.u32 s7;
	[sflag:s16] =	ssyncset.done $0x0  }
.LBB2_8:
0xbc: {  	p0 =	sne.s32 s29, $0x1800;
	[sflag:s16] =	ssyncadd.s32 $0xFFFFFC00;
	s30 =	sadd.s32 $0x400, s30  }
0xbd: {  	[tilespmem:s25], [sflag:$0x3] =	stream.linear.gather [spmem:s30], $0x400, $0x38;
	[tilespmem:$0x1D020] =	vst v63  }
0xbe: {  	s0 =	smov.u32 s29;
	s29 =	sadd.s32 $0x80, s29;
	_ =	swait.ge [sflag:s16], $0x400  }
0xbf: {  	[sflag:s16] =	ssyncset.done $0x0  }
0xc0: {  	s0 =	sadd.s32 s0, s11;
	[sflag:s16] =	ssyncadd.s32 $0xFFFFFC00  }
0xc1: {  	[hbm4b:s0+s28] =	stream.linear.scatter [tilespmem:s25], [sflag:$0x3], $0x400, $0x38;
	[tilespmem:$0x1D020] =	vst v63  }
0xc2: {  	_ =	swait.ge [sflag:s16], $0x400  }
.Ltmp3:
0xc3: {  	[sflag:s16] =	ssyncset.done $0x0;
	(pc) =	sbr.rel @p0 .LBB2_8-.Ltmp3, $4  }
0xc4: {  	[sflag:s16] =	ssyncadd.s32 $0xFFFFFC00  }
0xc5: {  	[spmem:s30] =	stream.linear.scatter [tilespmem:s15], [sflag:$0x3], $0x400, $0x38;
	[tilespmem:$0x1D020] =	vst v63  }
0xc6: {  	_ =	swait.ge [sflag:s16], $0x400  }
0xc7: {  	[sflag:s16] =	ssyncset.done $0x0  }
0xc8: {  	[sflag:s16] =	ssyncadd.s32 $0xFFFFFC00;
	s28 =	simm.s32 $0x0  }
0xc9: {  	v1 =	vld [tilespmem:s28+$0x0]  }
0xca: {  	v2 =	vld [tilespmem:s28+$0x10]  }
0xcb: {  	v3 =	vld [tilespmem:s28+$0x20]  }
0xcc: {  	v4 =	vld [tilespmem:s28+$0x30]  }
0xcd: {  	v5 =	vld [tilespmem:s28+$0x40]  }
0xce: {  	v6 =	vld [tilespmem:s28+$0x50];
	v1 =	vadd.s32 v0, v1  }
0xcf: {  	[tilespmem:s28+$0x0] =	vst v1;
	v1 =	vadd.s32 v0, v2;
	v2 =	vld [tilespmem:s28+$0x60]  }
0xd0: {  	[tilespmem:s28+$0x10] =	vst v1;
	v1 =	vadd.s32 v0, v3;
	v3 =	vld [tilespmem:s28+$0x70]  }
0xd1: {  	[tilespmem:s28+$0x20] =	vst v1;
	v1 =	vadd.s32 v0, v4;
	v4 =	vld [tilespmem:s28+$0x80]  }
0xd2: {  	[tilespmem:s28+$0x30] =	vst v1;
	v1 =	vadd.s32 v0, v5;
	v5 =	vld [tilespmem:s28+$0x90]  }
0xd3: {  	[tilespmem:s28+$0x40] =	vst v1;
	v1 =	vadd.s32 v0, v6;
	v6 =	vld [tilespmem:s28+$0xA0]  }
0xd4: {  	[tilespmem:s28+$0x50] =	vst v1;
	v1 =	vadd.s32 v0, v2;
	v2 =	vld [tilespmem:s28+$0xB0]  }
0xd5: {  	[tilespmem:s28+$0x60] =	vst v1;
	v1 =	vadd.s32 v0, v3;
	v3 =	vld [tilespmem:s28+$0xC0]  }
0xd6: {  	[tilespmem:s28+$0x70] =	vst v1;
	v1 =	vadd.s32 v0, v4;
	v4 =	vld [tilespmem:s28+$0xD0]  }
0xd7: {  	[tilespmem:s28+$0x80] =	vst v1;
	v1 =	vadd.s32 v0, v5;
	v5 =	vld [tilespmem:s28+$0xE0]  }
0xd8: {  	[tilespmem:s28+$0x90] =	vst v1;
	v1 =	vadd.s32 v0, v6;
	v6 =	vld [tilespmem:s28+$0xF0]  }
0xd9: {  	[tilespmem:s28+$0xA0] =	vst v1;
	v1 =	vadd.s32 v0, v2;
	v2 =	vld [tilespmem:s28+$0x100]  }
0xda: {  	[tilespmem:s28+$0xB0] =	vst v1;
	v1 =	vadd.s32 v0, v3;
	v3 =	vld [tilespmem:s28+$0x110]  }
0xdb: {  	[tilespmem:s28+$0xC0] =	vst v1;
	v1 =	vadd.s32 v0, v4;
	v4 =	vld [tilespmem:s28+$0x120]  }
0xdc: {  	[tilespmem:s28+$0xD0] =	vst v1;
	v1 =	vadd.s32 v0, v5;
	v5 =	vld [tilespmem:s28+$0x130]  }
0xdd: {  	[tilespmem:s28+$0xE0] =	vst v1;
	v1 =	vadd.s32 v0, v6;
	v6 =	vld [tilespmem:s28+$0x140]  }
0xde: {  	[tilespmem:s28+$0xF0] =	vst v1;
	v1 =	vadd.s32 v0, v2;
	v2 =	vld [tilespmem:s28+$0x150]  }
0xdf: {  	[tilespmem:s28+$0x100] =	vst v1;
	v1 =	vadd.s32 v0, v3;
	v3 =	vld [tilespmem:s28+$0x160]  }
0xe0: {  	[tilespmem:s28+$0x110] =	vst v1;
	v1 =	vadd.s32 v0, v4;
	v4 =	vld [tilespmem:s28+$0x170]  }
0xe1: {  	[tilespmem:s28+$0x120] =	vst v1;
	v1 =	vadd.s32 v0, v5;
	v5 =	vld [tilespmem:s28+$0x180]  }
0xe2: {  	[tilespmem:s28+$0x130] =	vst v1;
	v1 =	vadd.s32 v0, v6;
	v6 =	vld [tilespmem:s28+$0x190]  }
0xe3: {  	[tilespmem:s28+$0x140] =	vst v1;
	v1 =	vadd.s32 v0, v2;
	v2 =	vld [tilespmem:s28+$0x1A0]  }
0xe4: {  	[tilespmem:s28+$0x150] =	vst v1;
	v3 =	vadd.s32 v0, v3;
	v1 =	vld [tilespmem:s28+$0x1B0]  }
0xe5: {  	[tilespmem:s28+$0x160] =	vst v3;
	v4 =	vadd.s32 v0, v4;
	v3 =	vld [tilespmem:s28+$0x1C0]  }
0xe6: {  	[tilespmem:s28+$0x170] =	vst v4;
	v5 =	vadd.s32 v0, v5;
	v4 =	vld [tilespmem:s28+$0x1D0]  }
0xe7: {  	s29 =	simm.s32 $0x800;
	[tilespmem:s28+$0x180] =	vst v5;
	v6 =	vadd.s32 v0, v6;
	v5 =	vld [tilespmem:s28+$0x1E0]  }
.LBB2_10:
0xe8: {  	s0 =	sshra.s32 s29, $0x2;
	p0 =	sne.s32 s29, $0x18000;
	[tilespmem:s28+$0x190] =	vst v6;
	v2 =	vadd.s32 v0, v2;
	v6 =	vld [tilespmem:s28+$0x1F0]  }
0xe9: {  	v7 =	vld [tilespmem:s0+$0x0];
	[tilespmem:s28+$0x1A0] =	vst v2;
	v1 =	vadd.s32 v0, v1  }
0xea: {  	v2 =	vld [tilespmem:s0+$0x10];
	[tilespmem:s28+$0x1B0] =	vst v1;
	v1 =	vadd.s32 v0, v3  }
0xeb: {  	v3 =	vld [tilespmem:s0+$0x20];
	[tilespmem:s28+$0x1C0] =	vst v1;
	v1 =	vadd.s32 v0, v4  }
0xec: {  	v4 =	vld [tilespmem:s0+$0x30];
	[tilespmem:s28+$0x1D0] =	vst v1;
	v1 =	vadd.s32 v0, v5  }
0xed: {  	v5 =	vld [tilespmem:s0+$0x40];
	[tilespmem:s28+$0x1E0] =	vst v1;
	v1 =	vadd.s32 v0, v6  }
0xee: {  	v6 =	vadd.s32 v0, v7;
	v7 =	vld [tilespmem:s0+$0x50];
	[tilespmem:s28+$0x1F0] =	vst v1;
	s28 =	smov.u32 s0  }
0xef: {  	[tilespmem:s28+$0x0] =	vst v6;
	v1 =	vadd.s32 v0, v2;
	v2 =	vld [tilespmem:s28+$0x60]  }
0xf0: {  	[tilespmem:s28+$0x10] =	vst v1;
	v1 =	vadd.s32 v0, v3;
	v3 =	vld [tilespmem:s28+$0x70]  }
0xf1: {  	[tilespmem:s28+$0x20] =	vst v1;
	v1 =	vadd.s32 v0, v4;
	v4 =	vld [tilespmem:s28+$0x80]  }
0xf2: {  	[tilespmem:s28+$0x30] =	vst v1;
	v1 =	vadd.s32 v0, v5;
	v5 =	vld [tilespmem:s28+$0x90]  }
0xf3: {  	[tilespmem:s28+$0x40] =	vst v1;
	v1 =	vadd.s32 v0, v7;
	v6 =	vld [tilespmem:s28+$0xA0]  }
0xf4: {  	[tilespmem:s28+$0x50] =	vst v1;
	v1 =	vadd.s32 v0, v2;
	v2 =	vld [tilespmem:s28+$0xB0]  }
0xf5: {  	[tilespmem:s28+$0x60] =	vst v1;
	v1 =	vadd.s32 v0, v3;
	v3 =	vld [tilespmem:s28+$0xC0]  }
0xf6: {  	[tilespmem:s28+$0x70] =	vst v1;
	v1 =	vadd.s32 v0, v4;
	v4 =	vld [tilespmem:s28+$0xD0]  }
0xf7: {  	[tilespmem:s28+$0x80] =	vst v1;
	v1 =	vadd.s32 v0, v5;
	v5 =	vld [tilespmem:s28+$0xE0]  }
0xf8: {  	[tilespmem:s28+$0x90] =	vst v1;
	v1 =	vadd.s32 v0, v6;
	v6 =	vld [tilespmem:s28+$0xF0]  }
0xf9: {  	[tilespmem:s28+$0xA0] =	vst v1;
	v1 =	vadd.s32 v0, v2;
	v2 =	vld [tilespmem:s28+$0x100]  }
0xfa: {  	[tilespmem:s28+$0xB0] =	vst v1;
	v1 =	vadd.s32 v0, v3;
	v3 =	vld [tilespmem:s28+$0x110]  }
0xfb: {  	[tilespmem:s28+$0xC0] =	vst v1;
	v1 =	vadd.s32 v0, v4;
	v4 =	vld [tilespmem:s28+$0x120]  }
0xfc: {  	[tilespmem:s28+$0xD0] =	vst v1;
	v1 =	vadd.s32 v0, v5;
	v5 =	vld [tilespmem:s28+$0x130]  }
0xfd: {  	[tilespmem:s28+$0xE0] =	vst v1;
	v1 =	vadd.s32 v0, v6;
	v6 =	vld [tilespmem:s28+$0x140]  }
0xfe: {  	[tilespmem:s28+$0xF0] =	vst v1;
	v1 =	vadd.s32 v0, v2;
	v2 =	vld [tilespmem:s28+$0x150]  }
0xff: {  	[tilespmem:s28+$0x100] =	vst v1;
	v1 =	vadd.s32 v0, v3;
	v3 =	vld [tilespmem:s28+$0x160]  }
0x100: {  	[tilespmem:s28+$0x110] =	vst v1;
	v1 =	vadd.s32 v0, v4;
	v4 =	vld [tilespmem:s28+$0x170]  }
0x101: {  	[tilespmem:s28+$0x120] =	vst v1;
	v1 =	vadd.s32 v0, v5;
	v5 =	vld [tilespmem:s28+$0x180]  }
0x102: {  	[tilespmem:s28+$0x130] =	vst v1;
	v1 =	vadd.s32 v0, v6;
	v6 =	vld [tilespmem:s28+$0x190]  }
.Ltmp4:
0x103: {  	[tilespmem:s28+$0x140] =	vst v1;
	v1 =	vadd.s32 v0, v2;
	v2 =	vld [tilespmem:s28+$0x1A0];
	(pc) =	sbr.rel @p0 .LBB2_10-.Ltmp4, $4  }
0x104: {  	[tilespmem:s28+$0x150] =	vst v1;
	v3 =	vadd.s32 v0, v3;
	v1 =	vld [tilespmem:s28+$0x1B0]  }
0x105: {  	[tilespmem:s28+$0x160] =	vst v3;
	v4 =	vadd.s32 v0, v4;
	v3 =	vld [tilespmem:s28+$0x1C0]  }
0x106: {  	[tilespmem:s28+$0x170] =	vst v4;
	v5 =	vadd.s32 v0, v5;
	v4 =	vld [tilespmem:s28+$0x1D0]  }
0x107: {  	s29 =	sadd.s32 $0x800, s29;
	[tilespmem:s28+$0x180] =	vst v5;
	v6 =	vadd.s32 v0, v6;
	v5 =	vld [tilespmem:s28+$0x1E0]  }
0x108: {  	[tilespmem:s28+$0x190] =	vst v6;
	v2 =	vadd.s32 v0, v2;
	v63 =	vld [tilespmem:s28+$0x1F0]  }
0x109: {  	[tilespmem:s28+$0x1A0] =	vst v2;
	v1 =	vadd.s32 v0, v1  }
0x10a: {  	[tilespmem:s28+$0x1B0] =	vst v1;
	v1 =	vadd.s32 v0, v3  }
0x10b: {  	[tilespmem:s28+$0x1C0] =	vst v1;
	v1 =	vadd.s32 v0, v4  }
0x10c: {  	[tilespmem:s28+$0x1D0] =	vst v1;
	v1 =	vadd.s32 v0, v5  }
0x10d: {  	[tilespmem:s28+$0x1E0] =	vst v1;
	v1 =	vadd.s32 v0, v63  }
0x10e: {  	[tilespmem:s28+$0x1F0] =	vst v1  }
0x10f: {  	s0 =	simm.s32 $0x0;
	[bflag:$0x0] =	sbarrier.arrive $0xFFFF  }
0x110: {  	[tilespmem:s20], [sflag:$0x1] =	stream.indirect.gather [hbm4b:s4+s19], $0x10, s0, s19, $0xb8;
	[tilespmem:$0x1D020] =	vst v63  }
0x111: {  	s30 =	simm.s32 $0x200  }
0x112: {  	[tilespmem:s21], [sflag:$0x2] =	stream.indirect.gather [hbm4b:s4+s19], $0x10, s30, s19, $0xb8;
	[tilespmem:$0x1D020] =	vst v63  }
0x113: {  	_ =	swait.ge [sflag:s22], $0x2000  }
0x114: {  	[sflag:s22] =	ssyncset.done $0x0  }
0x115: {  	s31 =	simm.s32 $0x6200;
	[sflag:s22] =	ssyncadd.s32 $0xFFFFE000  }
0x116: {  	[spmem:s2] =	stream.indirect.scatter.add.f32 [tilespmem:s20], [sflag:$0x3], $0x10, s31, s19, $0xb8;
	[tilespmem:$0x1D020] =	vst v63  }
0x117: {  	_ =	swait.ge [sflag:s16], $0x2000  }
0x118: {  	[sflag:s16] =	ssyncset.done $0x0  }
0x119: {  	s30 =	simm.s32 $0x400;
	[sflag:s16] =	ssyncadd.s32 $0xFFFFE000  }
0x11a: {  	[tilespmem:s20], [sflag:$0x1] =	stream.indirect.gather [hbm4b:s4+s19], $0x10, s30, s19, $0xb8;
	[tilespmem:$0x1D020] =	vst v63  }
0x11b: {  	_ =	swait.ge [sflag:s23], $0x2000  }
0x11c: {  	[sflag:s23] =	ssyncset.done $0x0  }
0x11d: {  	s31 =	simm.s32 $0x6400;
	[sflag:s23] =	ssyncadd.s32 $0xFFFFE000  }
0x11e: {  	[spmem:s2] =	stream.indirect.scatter.add.f32 [tilespmem:s21], [sflag:$0x3], $0x10, s31, s19, $0xb8;
	[tilespmem:$0x1D020] =	vst v63  }
0x11f: {  	_ =	swait.ge [sflag:s16], $0x2000  }
0x120: {  	s29 =	simm.s32 $0x2000;
	s28 =	simm.s32 $0x400;
	[sflag:s16] =	ssyncset.done $0x0  }
.LBB2_12:
0x121: {  	s0 =	sadd.s32 $0x200, s28  }
0x122: {  	[sflag:s16] =	ssyncadd.s32 $0xFFFFE000;
	s30 =	smov.u32 s29;
	s31 =	sadd.s32 $0x1000, s29  }
0x123: {  	[tilespmem:s21], [sflag:$0x2] =	stream.indirect.gather [hbm4b:s4+s19], $0x10, s0, s19, $0xb8;
	[tilespmem:$0x1D020] =	vst v63  }
0x124: {  	p0 =	sne.s32 s29, $0x17000;
	_ =	swait.ge [sflag:s22], $0x2000  }
0x125: {  	[sflag:s22] =	ssyncset.done $0x0  }
0x126: {  	s0 =	sadd.s32 $0x6200, s28;
	[sflag:s22] =	ssyncadd.s32 $0xFFFFE000  }
0x127: {  	[spmem:s2] =	stream.indirect.scatter.add.f32 [tilespmem:s20], [sflag:$0x3], $0x10, s0, s19, $0xb8;
	[tilespmem:$0x1D020] =	vst v63  }
0x128: {  	_ =	swait.ge [sflag:s16], $0x2000  }
0x129: {  	[sflag:s16] =	ssyncset.done $0x0  }
0x12a: {  	s0 =	sadd.s32 $0x400, s28;
	[sflag:s16] =	ssyncadd.s32 $0xFFFFE000  }
0x12b: {  	[tilespmem:s20], [sflag:$0x1] =	stream.indirect.gather [hbm4b:s4+s19], $0x10, s0, s19, $0xb8;
	[tilespmem:$0x1D020] =	vst v63  }
0x12c: {  	_ =	swait.ge [sflag:s23], $0x2000  }
.Ltmp5:
0x12d: {  	[sflag:s23] =	ssyncset.done $0x0;
	(pc) =	sbr.rel @p0 .LBB2_12-.Ltmp5, $4  }
0x12e: {  	s0 =	sadd.s32 $0x6400, s28;
	[sflag:s23] =	ssyncadd.s32 $0xFFFFE000  }
0x12f: {  	[spmem:s2] =	stream.indirect.scatter.add.f32 [tilespmem:s21], [sflag:$0x3], $0x10, s0, s19, $0xb8;
	[tilespmem:$0x1D020] =	vst v63  }
0x130: {  	_ =	swait.ge [sflag:s16], $0x2000  }
0x131: {  	s29 =	smov.u32 s31;
	s28 =	sshra.s32 s30, $0x2;
	[sflag:s16] =	ssyncset.done $0x0  }
0x132: {  	s0 =	sadd.s32 $0x200, s28;
	[sflag:s16] =	ssyncadd.s32 $0xFFFFE000  }
0x133: {  	[tilespmem:s21], [sflag:$0x2] =	stream.indirect.gather [hbm4b:s4+s19], $0x10, s0, s19, $0xb8;
	[tilespmem:$0x1D020] =	vst v63  }
0x134: {  	_ =	swait.ge [sflag:s22], $0x2000  }
0x135: {  	[sflag:s22] =	ssyncset.done $0x0  }
0x136: {  	s31 =	sadd.s32 $0x6200, s28;
	[sflag:s22] =	ssyncadd.s32 $0xFFFFE000  }
0x137: {  	[spmem:s2] =	stream.indirect.scatter.add.f32 [tilespmem:s20], [sflag:$0x3], $0x10, s31, s19, $0xb8;
	[tilespmem:$0x1D020] =	vst v63  }
0x138: {  	_ =	swait.ge [sflag:s16], $0x2000  }
0x139: {  	[sflag:s16] =	ssyncset.done $0x0  }
0x13a: {  	s31 =	sadd.s32 $0x400, s28;
	[sflag:s16] =	ssyncadd.s32 $0xFFFFE000  }
0x13b: {  	[tilespmem:s20], [sflag:$0x1] =	stream.indirect.gather [hbm4b:s4+s19], $0x10, s31, s19, $0xb8;
	[tilespmem:$0x1D020] =	vst v63  }
0x13c: {  	_ =	swait.ge [sflag:s23], $0x2000  }
0x13d: {  	[sflag:s23] =	ssyncset.done $0x0  }
0x13e: {  	s31 =	sadd.s32 $0x6400, s28;
	[sflag:s23] =	ssyncadd.s32 $0xFFFFE000  }
0x13f: {  	[spmem:s2] =	stream.indirect.scatter.add.f32 [tilespmem:s21], [sflag:$0x3], $0x10, s31, s19, $0xb8;
	[tilespmem:$0x1D020] =	vst v63  }
0x140: {  	_ =	swait.ge [sflag:s16], $0x2000  }
0x141: {  	[sflag:s16] =	ssyncset.done $0x0  }
0x142: {  	[sflag:s16] =	ssyncadd.s32 $0xFFFFE000  }
0x143: {  	_ =	swait.ge [sflag:s22], $0x2000  }
0x144: {  	[sflag:s22] =	ssyncset.done $0x0  }
0x145: {  	[sflag:s22] =	ssyncadd.s32 $0xFFFFE000  }
0x146: {  	[spmem:s2] =	stream.indirect.scatter.add.f32 [tilespmem:s20], [sflag:$0x3], $0x10, s24, s19, $0xb8;
	[tilespmem:$0x1D020] =	vst v63  }
0x147: {  	_ =	swait.ge [sflag:s16], $0x2000  }
0x148: {  	[sflag:s16] =	ssyncset.done $0x0  }
0x149: {  	[sflag:s16] =	ssyncadd.s32 $0xFFFFE000  }
0x14a: {  	[bflag:$0x0] =	sbarrier.arrive $0xFFFF  }
0x14b: {  	[tilespmem:s25], [sflag:$0x3] =	stream.linear.gather [spmem:s7], $0x400, $0x38;
	[tilespmem:$0x1D020] =	vst v63  }
0x14c: {  	_ =	swait.ge [sflag:s16], $0x400  }
0x14d: {  	[sflag:s16] =	ssyncset.done $0x0  }
0x14e: {  	s28 =	simm.s32 $0x0;
	s31 =	sadd.s32 $0x0, s12;
	[sflag:s16] =	ssyncadd.s32 $0xFFFFFC00  }
0x14f: {  	[hbm4b:s31+s28] =	stream.linear.scatter [tilespmem:s25], [sflag:$0x3], $0x400, $0x38;
	[tilespmem:$0x1D020] =	vst v63  }
0x150: {  	_ =	swait.ge [sflag:s16], $0x400  }
0x151: {  	[sflag:s16] =	ssyncset.done $0x0  }
0x152: {  	[sflag:s16] =	ssyncadd.s32 $0xFFFFFC00  }
0x153: {  	[spmem:s7] =	stream.linear.scatter [tilespmem:s15], [sflag:$0x3], $0x400, $0x38;
	[tilespmem:$0x1D020] =	vst v63  }
0x154: {  	_ =	swait.ge [sflag:s16], $0x400  }
0x155: {  	s29 =	simm.s32 $0x80;
	s30 =	smov.u32 s7;
	[sflag:s16] =	ssyncset.done $0x0  }
.LBB2_14:
0x156: {  	p0 =	sne.s32 s29, $0x1800;
	[sflag:s16] =	ssyncadd.s32 $0xFFFFFC00;
	s30 =	sadd.s32 $0x400, s30  }
0x157: {  	[tilespmem:s25], [sflag:$0x3] =	stream.linear.gather [spmem:s30], $0x400, $0x38;
	[tilespmem:$0x1D020] =	vst v63  }
0x158: {  	s0 =	smov.u32 s29;
	s29 =	sadd.s32 $0x80, s29;
	_ =	swait.ge [sflag:s16], $0x400  }
0x159: {  	[sflag:s16] =	ssyncset.done $0x0  }
0x15a: {  	s0 =	sadd.s32 s0, s12;
	[sflag:s16] =	ssyncadd.s32 $0xFFFFFC00  }
0x15b: {  	[hbm4b:s0+s28] =	stream.linear.scatter [tilespmem:s25], [sflag:$0x3], $0x400, $0x38;
	[tilespmem:$0x1D020] =	vst v63  }
0x15c: {  	_ =	swait.ge [sflag:s16], $0x400  }
.Ltmp6:
0x15d: {  	[sflag:s16] =	ssyncset.done $0x0;
	(pc) =	sbr.rel @p0 .LBB2_14-.Ltmp6, $4  }
0x15e: {  	[sflag:s16] =	ssyncadd.s32 $0xFFFFFC00  }
0x15f: {  	[spmem:s30] =	stream.linear.scatter [tilespmem:s15], [sflag:$0x3], $0x400, $0x38;
	[tilespmem:$0x1D020] =	vst v63  }
0x160: {  	_ =	swait.ge [sflag:s16], $0x400  }
0x161: {  	[sflag:s16] =	ssyncset.done $0x0  }
0x162: {  	[sflag:s16] =	ssyncadd.s32 $0xFFFFFC00;
	s28 =	simm.s32 $0x0  }
0x163: {  	v1 =	vld [tilespmem:s28+$0x0]  }
0x164: {  	v2 =	vld [tilespmem:s28+$0x10]  }
0x165: {  	v3 =	vld [tilespmem:s28+$0x20]  }
0x166: {  	v4 =	vld [tilespmem:s28+$0x30]  }
0x167: {  	v5 =	vld [tilespmem:s28+$0x40]  }
0x168: {  	v6 =	vld [tilespmem:s28+$0x50];
	v1 =	vadd.s32 v0, v1  }
0x169: {  	[tilespmem:s28+$0x0] =	vst v1;
	v1 =	vadd.s32 v0, v2;
	v2 =	vld [tilespmem:s28+$0x60]  }
0x16a: {  	[tilespmem:s28+$0x10] =	vst v1;
	v1 =	vadd.s32 v0, v3;
	v3 =	vld [tilespmem:s28+$0x70]  }
0x16b: {  	[tilespmem:s28+$0x20] =	vst v1;
	v1 =	vadd.s32 v0, v4;
	v4 =	vld [tilespmem:s28+$0x80]  }
0x16c: {  	[tilespmem:s28+$0x30] =	vst v1;
	v1 =	vadd.s32 v0, v5;
	v5 =	vld [tilespmem:s28+$0x90]  }
0x16d: {  	[tilespmem:s28+$0x40] =	vst v1;
	v1 =	vadd.s32 v0, v6;
	v6 =	vld [tilespmem:s28+$0xA0]  }
0x16e: {  	[tilespmem:s28+$0x50] =	vst v1;
	v1 =	vadd.s32 v0, v2;
	v2 =	vld [tilespmem:s28+$0xB0]  }
0x16f: {  	[tilespmem:s28+$0x60] =	vst v1;
	v1 =	vadd.s32 v0, v3;
	v3 =	vld [tilespmem:s28+$0xC0]  }
0x170: {  	[tilespmem:s28+$0x70] =	vst v1;
	v1 =	vadd.s32 v0, v4;
	v4 =	vld [tilespmem:s28+$0xD0]  }
0x171: {  	[tilespmem:s28+$0x80] =	vst v1;
	v1 =	vadd.s32 v0, v5;
	v5 =	vld [tilespmem:s28+$0xE0]  }
0x172: {  	[tilespmem:s28+$0x90] =	vst v1;
	v1 =	vadd.s32 v0, v6;
	v6 =	vld [tilespmem:s28+$0xF0]  }
0x173: {  	[tilespmem:s28+$0xA0] =	vst v1;
	v1 =	vadd.s32 v0, v2;
	v2 =	vld [tilespmem:s28+$0x100]  }
0x174: {  	[tilespmem:s28+$0xB0] =	vst v1;
	v1 =	vadd.s32 v0, v3;
	v3 =	vld [tilespmem:s28+$0x110]  }
0x175: {  	[tilespmem:s28+$0xC0] =	vst v1;
	v1 =	vadd.s32 v0, v4;
	v4 =	vld [tilespmem:s28+$0x120]  }
0x176: {  	[tilespmem:s28+$0xD0] =	vst v1;
	v1 =	vadd.s32 v0, v5;
	v5 =	vld [tilespmem:s28+$0x130]  }
0x177: {  	[tilespmem:s28+$0xE0] =	vst v1;
	v1 =	vadd.s32 v0, v6;
	v6 =	vld [tilespmem:s28+$0x140]  }
0x178: {  	[tilespmem:s28+$0xF0] =	vst v1;
	v1 =	vadd.s32 v0, v2;
	v2 =	vld [tilespmem:s28+$0x150]  }
0x179: {  	[tilespmem:s28+$0x100] =	vst v1;
	v1 =	vadd.s32 v0, v3;
	v3 =	vld [tilespmem:s28+$0x160]  }
0x17a: {  	[tilespmem:s28+$0x110] =	vst v1;
	v1 =	vadd.s32 v0, v4;
	v4 =	vld [tilespmem:s28+$0x170]  }
0x17b: {  	[tilespmem:s28+$0x120] =	vst v1;
	v1 =	vadd.s32 v0, v5;
	v5 =	vld [tilespmem:s28+$0x180]  }
0x17c: {  	[tilespmem:s28+$0x130] =	vst v1;
	v1 =	vadd.s32 v0, v6;
	v6 =	vld [tilespmem:s28+$0x190]  }
0x17d: {  	[tilespmem:s28+$0x140] =	vst v1;
	v1 =	vadd.s32 v0, v2;
	v2 =	vld [tilespmem:s28+$0x1A0]  }
0x17e: {  	[tilespmem:s28+$0x150] =	vst v1;
	v3 =	vadd.s32 v0, v3;
	v1 =	vld [tilespmem:s28+$0x1B0]  }
0x17f: {  	[tilespmem:s28+$0x160] =	vst v3;
	v4 =	vadd.s32 v0, v4;
	v3 =	vld [tilespmem:s28+$0x1C0]  }
0x180: {  	[tilespmem:s28+$0x170] =	vst v4;
	v5 =	vadd.s32 v0, v5;
	v4 =	vld [tilespmem:s28+$0x1D0]  }
0x181: {  	s29 =	simm.s32 $0x800;
	[tilespmem:s28+$0x180] =	vst v5;
	v6 =	vadd.s32 v0, v6;
	v5 =	vld [tilespmem:s28+$0x1E0]  }
.LBB2_16:
0x182: {  	s0 =	sshra.s32 s29, $0x2;
	p0 =	sne.s32 s29, $0x18000;
	[tilespmem:s28+$0x190] =	vst v6;
	v2 =	vadd.s32 v0, v2;
	v6 =	vld [tilespmem:s28+$0x1F0]  }
0x183: {  	v7 =	vld [tilespmem:s0+$0x0];
	[tilespmem:s28+$0x1A0] =	vst v2;
	v1 =	vadd.s32 v0, v1  }
0x184: {  	v2 =	vld [tilespmem:s0+$0x10];
	[tilespmem:s28+$0x1B0] =	vst v1;
	v1 =	vadd.s32 v0, v3  }
0x185: {  	v3 =	vld [tilespmem:s0+$0x20];
	[tilespmem:s28+$0x1C0] =	vst v1;
	v1 =	vadd.s32 v0, v4  }
0x186: {  	v4 =	vld [tilespmem:s0+$0x30];
	[tilespmem:s28+$0x1D0] =	vst v1;
	v1 =	vadd.s32 v0, v5  }
0x187: {  	v5 =	vld [tilespmem:s0+$0x40];
	[tilespmem:s28+$0x1E0] =	vst v1;
	v1 =	vadd.s32 v0, v6  }
0x188: {  	v6 =	vadd.s32 v0, v7;
	v7 =	vld [tilespmem:s0+$0x50];
	[tilespmem:s28+$0x1F0] =	vst v1;
	s28 =	smov.u32 s0  }
0x189: {  	[tilespmem:s28+$0x0] =	vst v6;
	v1 =	vadd.s32 v0, v2;
	v2 =	vld [tilespmem:s28+$0x60]  }
0x18a: {  	[tilespmem:s28+$0x10] =	vst v1;
	v1 =	vadd.s32 v0, v3;
	v3 =	vld [tilespmem:s28+$0x70]  }
0x18b: {  	[tilespmem:s28+$0x20] =	vst v1;
	v1 =	vadd.s32 v0, v4;
	v4 =	vld [tilespmem:s28+$0x80]  }
0x18c: {  	[tilespmem:s28+$0x30] =	vst v1;
	v1 =	vadd.s32 v0, v5;
	v5 =	vld [tilespmem:s28+$0x90]  }
0x18d: {  	[tilespmem:s28+$0x40] =	vst v1;
	v1 =	vadd.s32 v0, v7;
	v6 =	vld [tilespmem:s28+$0xA0]  }
0x18e: {  	[tilespmem:s28+$0x50] =	vst v1;
	v1 =	vadd.s32 v0, v2;
	v2 =	vld [tilespmem:s28+$0xB0]  }
0x18f: {  	[tilespmem:s28+$0x60] =	vst v1;
	v1 =	vadd.s32 v0, v3;
	v3 =	vld [tilespmem:s28+$0xC0]  }
0x190: {  	[tilespmem:s28+$0x70] =	vst v1;
	v1 =	vadd.s32 v0, v4;
	v4 =	vld [tilespmem:s28+$0xD0]  }
0x191: {  	[tilespmem:s28+$0x80] =	vst v1;
	v1 =	vadd.s32 v0, v5;
	v5 =	vld [tilespmem:s28+$0xE0]  }
0x192: {  	[tilespmem:s28+$0x90] =	vst v1;
	v1 =	vadd.s32 v0, v6;
	v6 =	vld [tilespmem:s28+$0xF0]  }
0x193: {  	[tilespmem:s28+$0xA0] =	vst v1;
	v1 =	vadd.s32 v0, v2;
	v2 =	vld [tilespmem:s28+$0x100]  }
0x194: {  	[tilespmem:s28+$0xB0] =	vst v1;
	v1 =	vadd.s32 v0, v3;
	v3 =	vld [tilespmem:s28+$0x110]  }
0x195: {  	[tilespmem:s28+$0xC0] =	vst v1;
	v1 =	vadd.s32 v0, v4;
	v4 =	vld [tilespmem:s28+$0x120]  }
0x196: {  	[tilespmem:s28+$0xD0] =	vst v1;
	v1 =	vadd.s32 v0, v5;
	v5 =	vld [tilespmem:s28+$0x130]  }
0x197: {  	[tilespmem:s28+$0xE0] =	vst v1;
	v1 =	vadd.s32 v0, v6;
	v6 =	vld [tilespmem:s28+$0x140]  }
0x198: {  	[tilespmem:s28+$0xF0] =	vst v1;
	v1 =	vadd.s32 v0, v2;
	v2 =	vld [tilespmem:s28+$0x150]  }
0x199: {  	[tilespmem:s28+$0x100] =	vst v1;
	v1 =	vadd.s32 v0, v3;
	v3 =	vld [tilespmem:s28+$0x160]  }
0x19a: {  	[tilespmem:s28+$0x110] =	vst v1;
	v1 =	vadd.s32 v0, v4;
	v4 =	vld [tilespmem:s28+$0x170]  }
0x19b: {  	[tilespmem:s28+$0x120] =	vst v1;
	v1 =	vadd.s32 v0, v5;
	v5 =	vld [tilespmem:s28+$0x180]  }
0x19c: {  	[tilespmem:s28+$0x130] =	vst v1;
	v1 =	vadd.s32 v0, v6;
	v6 =	vld [tilespmem:s28+$0x190]  }
.Ltmp7:
0x19d: {  	[tilespmem:s28+$0x140] =	vst v1;
	v1 =	vadd.s32 v0, v2;
	v2 =	vld [tilespmem:s28+$0x1A0];
	(pc) =	sbr.rel @p0 .LBB2_16-.Ltmp7, $4  }
0x19e: {  	[tilespmem:s28+$0x150] =	vst v1;
	v3 =	vadd.s32 v0, v3;
	v1 =	vld [tilespmem:s28+$0x1B0]  }
0x19f: {  	[tilespmem:s28+$0x160] =	vst v3;
	v4 =	vadd.s32 v0, v4;
	v3 =	vld [tilespmem:s28+$0x1C0]  }
0x1a0: {  	[tilespmem:s28+$0x170] =	vst v4;
	v5 =	vadd.s32 v0, v5;
	v4 =	vld [tilespmem:s28+$0x1D0]  }
0x1a1: {  	s29 =	sadd.s32 $0x800, s29;
	[tilespmem:s28+$0x180] =	vst v5;
	v6 =	vadd.s32 v0, v6;
	v5 =	vld [tilespmem:s28+$0x1E0]  }
0x1a2: {  	[tilespmem:s28+$0x190] =	vst v6;
	v2 =	vadd.s32 v0, v2;
	v63 =	vld [tilespmem:s28+$0x1F0]  }
0x1a3: {  	[tilespmem:s28+$0x1A0] =	vst v2;
	v1 =	vadd.s32 v0, v1  }
0x1a4: {  	[tilespmem:s28+$0x1B0] =	vst v1;
	v1 =	vadd.s32 v0, v3  }
0x1a5: {  	[tilespmem:s28+$0x1C0] =	vst v1;
	v1 =	vadd.s32 v0, v4  }
0x1a6: {  	[tilespmem:s28+$0x1D0] =	vst v1;
	v1 =	vadd.s32 v0, v5  }
0x1a7: {  	[tilespmem:s28+$0x1E0] =	vst v1;
	v1 =	vadd.s32 v0, v63  }
0x1a8: {  	[tilespmem:s28+$0x1F0] =	vst v1  }
0x1a9: {  	s0 =	simm.s32 $0x0;
	[bflag:$0x0] =	sbarrier.arrive $0xFFFF  }
0x1aa: {  	[tilespmem:s20], [sflag:$0x1] =	stream.indirect.gather [hbm4b:s4+s19], $0x10, s0, s19, $0xb8;
	[tilespmem:$0x1D020] =	vst v63  }
0x1ab: {  	s30 =	simm.s32 $0x200  }
0x1ac: {  	[tilespmem:s21], [sflag:$0x2] =	stream.indirect.gather [hbm4b:s4+s19], $0x10, s30, s19, $0xb8;
	[tilespmem:$0x1D020] =	vst v63  }
0x1ad: {  	_ =	swait.ge [sflag:s22], $0x2000  }
0x1ae: {  	[sflag:s22] =	ssyncset.done $0x0  }
0x1af: {  	s31 =	simm.s32 $0x6200;
	[sflag:s22] =	ssyncadd.s32 $0xFFFFE000  }
0x1b0: {  	[spmem:s2] =	stream.indirect.scatter.add.f32 [tilespmem:s20], [sflag:$0x3], $0x10, s31, s19, $0xb8;
	[tilespmem:$0x1D020] =	vst v63  }
0x1b1: {  	_ =	swait.ge [sflag:s16], $0x2000  }
0x1b2: {  	[sflag:s16] =	ssyncset.done $0x0  }
0x1b3: {  	s30 =	simm.s32 $0x400;
	[sflag:s16] =	ssyncadd.s32 $0xFFFFE000  }
0x1b4: {  	[tilespmem:s20], [sflag:$0x1] =	stream.indirect.gather [hbm4b:s4+s19], $0x10, s30, s19, $0xb8;
	[tilespmem:$0x1D020] =	vst v63  }
0x1b5: {  	_ =	swait.ge [sflag:s23], $0x2000  }
0x1b6: {  	[sflag:s23] =	ssyncset.done $0x0  }
0x1b7: {  	s31 =	simm.s32 $0x6400;
	[sflag:s23] =	ssyncadd.s32 $0xFFFFE000  }
0x1b8: {  	[spmem:s2] =	stream.indirect.scatter.add.f32 [tilespmem:s21], [sflag:$0x3], $0x10, s31, s19, $0xb8;
	[tilespmem:$0x1D020] =	vst v63  }
0x1b9: {  	_ =	swait.ge [sflag:s16], $0x2000  }
0x1ba: {  	s29 =	simm.s32 $0x2000;
	s28 =	simm.s32 $0x400;
	[sflag:s16] =	ssyncset.done $0x0  }
.LBB2_18:
0x1bb: {  	s0 =	sadd.s32 $0x200, s28  }
0x1bc: {  	[sflag:s16] =	ssyncadd.s32 $0xFFFFE000;
	s30 =	smov.u32 s29;
	s31 =	sadd.s32 $0x1000, s29  }
0x1bd: {  	[tilespmem:s21], [sflag:$0x2] =	stream.indirect.gather [hbm4b:s4+s19], $0x10, s0, s19, $0xb8;
	[tilespmem:$0x1D020] =	vst v63  }
0x1be: {  	p0 =	sne.s32 s29, $0x17000;
	_ =	swait.ge [sflag:s22], $0x2000  }
0x1bf: {  	[sflag:s22] =	ssyncset.done $0x0  }
0x1c0: {  	s0 =	sadd.s32 $0x6200, s28;
	[sflag:s22] =	ssyncadd.s32 $0xFFFFE000  }
0x1c1: {  	[spmem:s2] =	stream.indirect.scatter.add.f32 [tilespmem:s20], [sflag:$0x3], $0x10, s0, s19, $0xb8;
	[tilespmem:$0x1D020] =	vst v63  }
0x1c2: {  	_ =	swait.ge [sflag:s16], $0x2000  }
0x1c3: {  	[sflag:s16] =	ssyncset.done $0x0  }
0x1c4: {  	s0 =	sadd.s32 $0x400, s28;
	[sflag:s16] =	ssyncadd.s32 $0xFFFFE000  }
0x1c5: {  	[tilespmem:s20], [sflag:$0x1] =	stream.indirect.gather [hbm4b:s4+s19], $0x10, s0, s19, $0xb8;
	[tilespmem:$0x1D020] =	vst v63  }
0x1c6: {  	_ =	swait.ge [sflag:s23], $0x2000  }
.Ltmp8:
0x1c7: {  	[sflag:s23] =	ssyncset.done $0x0;
	(pc) =	sbr.rel @p0 .LBB2_18-.Ltmp8, $4  }
0x1c8: {  	s0 =	sadd.s32 $0x6400, s28;
	[sflag:s23] =	ssyncadd.s32 $0xFFFFE000  }
0x1c9: {  	[spmem:s2] =	stream.indirect.scatter.add.f32 [tilespmem:s21], [sflag:$0x3], $0x10, s0, s19, $0xb8;
	[tilespmem:$0x1D020] =	vst v63  }
0x1ca: {  	_ =	swait.ge [sflag:s16], $0x2000  }
0x1cb: {  	s29 =	smov.u32 s31;
	s28 =	sshra.s32 s30, $0x2;
	[sflag:s16] =	ssyncset.done $0x0  }
0x1cc: {  	s0 =	sadd.s32 $0x200, s28;
	[sflag:s16] =	ssyncadd.s32 $0xFFFFE000  }
0x1cd: {  	[tilespmem:s21], [sflag:$0x2] =	stream.indirect.gather [hbm4b:s4+s19], $0x10, s0, s19, $0xb8;
	[tilespmem:$0x1D020] =	vst v63  }
0x1ce: {  	_ =	swait.ge [sflag:s22], $0x2000  }
0x1cf: {  	[sflag:s22] =	ssyncset.done $0x0  }
0x1d0: {  	s31 =	sadd.s32 $0x6200, s28;
	[sflag:s22] =	ssyncadd.s32 $0xFFFFE000  }
0x1d1: {  	[spmem:s2] =	stream.indirect.scatter.add.f32 [tilespmem:s20], [sflag:$0x3], $0x10, s31, s19, $0xb8;
	[tilespmem:$0x1D020] =	vst v63  }
0x1d2: {  	_ =	swait.ge [sflag:s16], $0x2000  }
0x1d3: {  	[sflag:s16] =	ssyncset.done $0x0  }
0x1d4: {  	s31 =	sadd.s32 $0x400, s28;
	[sflag:s16] =	ssyncadd.s32 $0xFFFFE000  }
0x1d5: {  	[tilespmem:s20], [sflag:$0x1] =	stream.indirect.gather [hbm4b:s4+s19], $0x10, s31, s19, $0xb8;
	[tilespmem:$0x1D020] =	vst v63  }
0x1d6: {  	_ =	swait.ge [sflag:s23], $0x2000  }
0x1d7: {  	[sflag:s23] =	ssyncset.done $0x0  }
0x1d8: {  	s31 =	sadd.s32 $0x6400, s28;
	[sflag:s23] =	ssyncadd.s32 $0xFFFFE000  }
0x1d9: {  	[spmem:s2] =	stream.indirect.scatter.add.f32 [tilespmem:s21], [sflag:$0x3], $0x10, s31, s19, $0xb8;
	[tilespmem:$0x1D020] =	vst v63  }
0x1da: {  	_ =	swait.ge [sflag:s16], $0x2000  }
0x1db: {  	[sflag:s16] =	ssyncset.done $0x0  }
0x1dc: {  	[sflag:s16] =	ssyncadd.s32 $0xFFFFE000  }
0x1dd: {  	_ =	swait.ge [sflag:s22], $0x2000  }
0x1de: {  	[sflag:s22] =	ssyncset.done $0x0  }
0x1df: {  	[sflag:s22] =	ssyncadd.s32 $0xFFFFE000  }
0x1e0: {  	[spmem:s2] =	stream.indirect.scatter.add.f32 [tilespmem:s20], [sflag:$0x3], $0x10, s24, s19, $0xb8;
	[tilespmem:$0x1D020] =	vst v63  }
0x1e1: {  	_ =	swait.ge [sflag:s16], $0x2000  }
0x1e2: {  	[sflag:s16] =	ssyncset.done $0x0  }
0x1e3: {  	[sflag:s16] =	ssyncadd.s32 $0xFFFFE000  }
0x1e4: {  	[bflag:$0x0] =	sbarrier.arrive $0xFFFF  }
0x1e5: {  	[tilespmem:s25], [sflag:$0x3] =	stream.linear.gather [spmem:s7], $0x400, $0x38;
	[tilespmem:$0x1D020] =	vst v63  }
0x1e6: {  	_ =	swait.ge [sflag:s16], $0x400  }
0x1e7: {  	[sflag:s16] =	ssyncset.done $0x0  }
0x1e8: {  	s28 =	simm.s32 $0x0;
	s31 =	sadd.s32 $0x0, s13;
	[sflag:s16] =	ssyncadd.s32 $0xFFFFFC00  }
0x1e9: {  	[hbm4b:s31+s28] =	stream.linear.scatter [tilespmem:s25], [sflag:$0x3], $0x400, $0x38;
	[tilespmem:$0x1D020] =	vst v63  }
0x1ea: {  	_ =	swait.ge [sflag:s16], $0x400  }
0x1eb: {  	[sflag:s16] =	ssyncset.done $0x0  }
0x1ec: {  	[sflag:s16] =	ssyncadd.s32 $0xFFFFFC00  }
0x1ed: {  	[spmem:s7] =	stream.linear.scatter [tilespmem:s15], [sflag:$0x3], $0x400, $0x38;
	[tilespmem:$0x1D020] =	vst v63  }
0x1ee: {  	_ =	swait.ge [sflag:s16], $0x400  }
0x1ef: {  	s29 =	simm.s32 $0x80;
	s30 =	smov.u32 s7;
	[sflag:s16] =	ssyncset.done $0x0  }
.LBB2_20:
0x1f0: {  	p0 =	sne.s32 s29, $0x1800;
	[sflag:s16] =	ssyncadd.s32 $0xFFFFFC00;
	s30 =	sadd.s32 $0x400, s30  }
0x1f1: {  	[tilespmem:s25], [sflag:$0x3] =	stream.linear.gather [spmem:s30], $0x400, $0x38;
	[tilespmem:$0x1D020] =	vst v63  }
0x1f2: {  	s0 =	smov.u32 s29;
	s29 =	sadd.s32 $0x80, s29;
	_ =	swait.ge [sflag:s16], $0x400  }
0x1f3: {  	[sflag:s16] =	ssyncset.done $0x0  }
0x1f4: {  	s0 =	sadd.s32 s0, s13;
	[sflag:s16] =	ssyncadd.s32 $0xFFFFFC00  }
0x1f5: {  	[hbm4b:s0+s28] =	stream.linear.scatter [tilespmem:s25], [sflag:$0x3], $0x400, $0x38;
	[tilespmem:$0x1D020] =	vst v63  }
0x1f6: {  	_ =	swait.ge [sflag:s16], $0x400  }
.Ltmp9:
0x1f7: {  	[sflag:s16] =	ssyncset.done $0x0;
	(pc) =	sbr.rel @p0 .LBB2_20-.Ltmp9, $4  }
0x1f8: {  	[sflag:s16] =	ssyncadd.s32 $0xFFFFFC00  }
0x1f9: {  	[spmem:s30] =	stream.linear.scatter [tilespmem:s15], [sflag:$0x3], $0x400, $0x38;
	[tilespmem:$0x1D020] =	vst v63  }
0x1fa: {  	_ =	swait.ge [sflag:s16], $0x400  }
0x1fb: {  	[sflag:s16] =	ssyncset.done $0x0  }
0x1fc: {  	[sflag:s16] =	ssyncadd.s32 $0xFFFFFC00;
	s28 =	simm.s32 $0x0  }
0x1fd: {  	v1 =	vld [tilespmem:s28+$0x0]  }
0x1fe: {  	v2 =	vld [tilespmem:s28+$0x10]  }
0x1ff: {  	v3 =	vld [tilespmem:s28+$0x20]  }
0x200: {  	v4 =	vld [tilespmem:s28+$0x30]  }
0x201: {  	v5 =	vld [tilespmem:s28+$0x40]  }
0x202: {  	v6 =	vld [tilespmem:s28+$0x50];
	v1 =	vadd.s32 v0, v1  }
0x203: {  	[tilespmem:s28+$0x0] =	vst v1;
	v1 =	vadd.s32 v0, v2;
	v2 =	vld [tilespmem:s28+$0x60]  }
0x204: {  	[tilespmem:s28+$0x10] =	vst v1;
	v1 =	vadd.s32 v0, v3;
	v3 =	vld [tilespmem:s28+$0x70]  }
0x205: {  	[tilespmem:s28+$0x20] =	vst v1;
	v1 =	vadd.s32 v0, v4;
	v4 =	vld [tilespmem:s28+$0x80]  }
0x206: {  	[tilespmem:s28+$0x30] =	vst v1;
	v1 =	vadd.s32 v0, v5;
	v5 =	vld [tilespmem:s28+$0x90]  }
0x207: {  	[tilespmem:s28+$0x40] =	vst v1;
	v1 =	vadd.s32 v0, v6;
	v6 =	vld [tilespmem:s28+$0xA0]  }
0x208: {  	[tilespmem:s28+$0x50] =	vst v1;
	v1 =	vadd.s32 v0, v2;
	v2 =	vld [tilespmem:s28+$0xB0]  }
0x209: {  	[tilespmem:s28+$0x60] =	vst v1;
	v1 =	vadd.s32 v0, v3;
	v3 =	vld [tilespmem:s28+$0xC0]  }
0x20a: {  	[tilespmem:s28+$0x70] =	vst v1;
	v1 =	vadd.s32 v0, v4;
	v4 =	vld [tilespmem:s28+$0xD0]  }
0x20b: {  	[tilespmem:s28+$0x80] =	vst v1;
	v1 =	vadd.s32 v0, v5;
	v5 =	vld [tilespmem:s28+$0xE0]  }
0x20c: {  	[tilespmem:s28+$0x90] =	vst v1;
	v1 =	vadd.s32 v0, v6;
	v6 =	vld [tilespmem:s28+$0xF0]  }
0x20d: {  	[tilespmem:s28+$0xA0] =	vst v1;
	v1 =	vadd.s32 v0, v2;
	v2 =	vld [tilespmem:s28+$0x100]  }
0x20e: {  	[tilespmem:s28+$0xB0] =	vst v1;
	v1 =	vadd.s32 v0, v3;
	v3 =	vld [tilespmem:s28+$0x110]  }
0x20f: {  	[tilespmem:s28+$0xC0] =	vst v1;
	v1 =	vadd.s32 v0, v4;
	v4 =	vld [tilespmem:s28+$0x120]  }
0x210: {  	[tilespmem:s28+$0xD0] =	vst v1;
	v1 =	vadd.s32 v0, v5;
	v5 =	vld [tilespmem:s28+$0x130]  }
0x211: {  	[tilespmem:s28+$0xE0] =	vst v1;
	v1 =	vadd.s32 v0, v6;
	v6 =	vld [tilespmem:s28+$0x140]  }
0x212: {  	[tilespmem:s28+$0xF0] =	vst v1;
	v1 =	vadd.s32 v0, v2;
	v2 =	vld [tilespmem:s28+$0x150]  }
0x213: {  	[tilespmem:s28+$0x100] =	vst v1;
	v1 =	vadd.s32 v0, v3;
	v3 =	vld [tilespmem:s28+$0x160]  }
0x214: {  	[tilespmem:s28+$0x110] =	vst v1;
	v1 =	vadd.s32 v0, v4;
	v4 =	vld [tilespmem:s28+$0x170]  }
0x215: {  	[tilespmem:s28+$0x120] =	vst v1;
	v1 =	vadd.s32 v0, v5;
	v5 =	vld [tilespmem:s28+$0x180]  }
0x216: {  	[tilespmem:s28+$0x130] =	vst v1;
	v1 =	vadd.s32 v0, v6;
	v6 =	vld [tilespmem:s28+$0x190]  }
0x217: {  	[tilespmem:s28+$0x140] =	vst v1;
	v1 =	vadd.s32 v0, v2;
	v2 =	vld [tilespmem:s28+$0x1A0]  }
0x218: {  	[tilespmem:s28+$0x150] =	vst v1;
	v3 =	vadd.s32 v0, v3;
	v1 =	vld [tilespmem:s28+$0x1B0]  }
0x219: {  	[tilespmem:s28+$0x160] =	vst v3;
	v4 =	vadd.s32 v0, v4;
	v3 =	vld [tilespmem:s28+$0x1C0]  }
0x21a: {  	[tilespmem:s28+$0x170] =	vst v4;
	v5 =	vadd.s32 v0, v5;
	v4 =	vld [tilespmem:s28+$0x1D0]  }
0x21b: {  	s29 =	simm.s32 $0x800;
	[tilespmem:s28+$0x180] =	vst v5;
	v6 =	vadd.s32 v0, v6;
	v5 =	vld [tilespmem:s28+$0x1E0]  }
.LBB2_22:
0x21c: {  	s0 =	sshra.s32 s29, $0x2;
	p0 =	sne.s32 s29, $0x18000;
	[tilespmem:s28+$0x190] =	vst v6;
	v2 =	vadd.s32 v0, v2;
	v6 =	vld [tilespmem:s28+$0x1F0]  }
0x21d: {  	v7 =	vld [tilespmem:s0+$0x0];
	[tilespmem:s28+$0x1A0] =	vst v2;
	v1 =	vadd.s32 v0, v1  }
0x21e: {  	v2 =	vld [tilespmem:s0+$0x10];
	[tilespmem:s28+$0x1B0] =	vst v1;
	v1 =	vadd.s32 v0, v3  }
0x21f: {  	v3 =	vld [tilespmem:s0+$0x20];
	[tilespmem:s28+$0x1C0] =	vst v1;
	v1 =	vadd.s32 v0, v4  }
0x220: {  	v4 =	vld [tilespmem:s0+$0x30];
	[tilespmem:s28+$0x1D0] =	vst v1;
	v1 =	vadd.s32 v0, v5  }
0x221: {  	v5 =	vld [tilespmem:s0+$0x40];
	[tilespmem:s28+$0x1E0] =	vst v1;
	v1 =	vadd.s32 v0, v6  }
0x222: {  	v6 =	vadd.s32 v0, v7;
	v7 =	vld [tilespmem:s0+$0x50];
	[tilespmem:s28+$0x1F0] =	vst v1;
	s28 =	smov.u32 s0  }
0x223: {  	[tilespmem:s28+$0x0] =	vst v6;
	v1 =	vadd.s32 v0, v2;
	v2 =	vld [tilespmem:s28+$0x60]  }
0x224: {  	[tilespmem:s28+$0x10] =	vst v1;
	v1 =	vadd.s32 v0, v3;
	v3 =	vld [tilespmem:s28+$0x70]  }
0x225: {  	[tilespmem:s28+$0x20] =	vst v1;
	v1 =	vadd.s32 v0, v4;
	v4 =	vld [tilespmem:s28+$0x80]  }
0x226: {  	[tilespmem:s28+$0x30] =	vst v1;
	v1 =	vadd.s32 v0, v5;
	v5 =	vld [tilespmem:s28+$0x90]  }
0x227: {  	[tilespmem:s28+$0x40] =	vst v1;
	v1 =	vadd.s32 v0, v7;
	v6 =	vld [tilespmem:s28+$0xA0]  }
0x228: {  	[tilespmem:s28+$0x50] =	vst v1;
	v1 =	vadd.s32 v0, v2;
	v2 =	vld [tilespmem:s28+$0xB0]  }
0x229: {  	[tilespmem:s28+$0x60] =	vst v1;
	v1 =	vadd.s32 v0, v3;
	v3 =	vld [tilespmem:s28+$0xC0]  }
0x22a: {  	[tilespmem:s28+$0x70] =	vst v1;
	v1 =	vadd.s32 v0, v4;
	v4 =	vld [tilespmem:s28+$0xD0]  }
0x22b: {  	[tilespmem:s28+$0x80] =	vst v1;
	v1 =	vadd.s32 v0, v5;
	v5 =	vld [tilespmem:s28+$0xE0]  }
0x22c: {  	[tilespmem:s28+$0x90] =	vst v1;
	v1 =	vadd.s32 v0, v6;
	v6 =	vld [tilespmem:s28+$0xF0]  }
0x22d: {  	[tilespmem:s28+$0xA0] =	vst v1;
	v1 =	vadd.s32 v0, v2;
	v2 =	vld [tilespmem:s28+$0x100]  }
0x22e: {  	[tilespmem:s28+$0xB0] =	vst v1;
	v1 =	vadd.s32 v0, v3;
	v3 =	vld [tilespmem:s28+$0x110]  }
0x22f: {  	[tilespmem:s28+$0xC0] =	vst v1;
	v1 =	vadd.s32 v0, v4;
	v4 =	vld [tilespmem:s28+$0x120]  }
0x230: {  	[tilespmem:s28+$0xD0] =	vst v1;
	v1 =	vadd.s32 v0, v5;
	v5 =	vld [tilespmem:s28+$0x130]  }
0x231: {  	[tilespmem:s28+$0xE0] =	vst v1;
	v1 =	vadd.s32 v0, v6;
	v6 =	vld [tilespmem:s28+$0x140]  }
0x232: {  	[tilespmem:s28+$0xF0] =	vst v1;
	v1 =	vadd.s32 v0, v2;
	v2 =	vld [tilespmem:s28+$0x150]  }
0x233: {  	[tilespmem:s28+$0x100] =	vst v1;
	v1 =	vadd.s32 v0, v3;
	v3 =	vld [tilespmem:s28+$0x160]  }
0x234: {  	[tilespmem:s28+$0x110] =	vst v1;
	v1 =	vadd.s32 v0, v4;
	v4 =	vld [tilespmem:s28+$0x170]  }
0x235: {  	[tilespmem:s28+$0x120] =	vst v1;
	v1 =	vadd.s32 v0, v5;
	v5 =	vld [tilespmem:s28+$0x180]  }
0x236: {  	[tilespmem:s28+$0x130] =	vst v1;
	v1 =	vadd.s32 v0, v6;
	v6 =	vld [tilespmem:s28+$0x190]  }
.Ltmp10:
0x237: {  	[tilespmem:s28+$0x140] =	vst v1;
	v1 =	vadd.s32 v0, v2;
	v2 =	vld [tilespmem:s28+$0x1A0];
	(pc) =	sbr.rel @p0 .LBB2_22-.Ltmp10, $4  }
0x238: {  	[tilespmem:s28+$0x150] =	vst v1;
	v3 =	vadd.s32 v0, v3;
	v1 =	vld [tilespmem:s28+$0x1B0]  }
0x239: {  	[tilespmem:s28+$0x160] =	vst v3;
	v4 =	vadd.s32 v0, v4;
	v3 =	vld [tilespmem:s28+$0x1C0]  }
0x23a: {  	[tilespmem:s28+$0x170] =	vst v4;
	v5 =	vadd.s32 v0, v5;
	v4 =	vld [tilespmem:s28+$0x1D0]  }
0x23b: {  	s29 =	sadd.s32 $0x800, s29;
	[tilespmem:s28+$0x180] =	vst v5;
	v6 =	vadd.s32 v0, v6;
	v5 =	vld [tilespmem:s28+$0x1E0]  }
0x23c: {  	[tilespmem:s28+$0x190] =	vst v6;
	v2 =	vadd.s32 v0, v2;
	v59 =	vld [tilespmem:s28+$0x1F0]  }
0x23d: {  	[tilespmem:s28+$0x1A0] =	vst v2;
	v1 =	vadd.s32 v0, v1  }
0x23e: {  	[tilespmem:s28+$0x1B0] =	vst v1;
	v60 =	vadd.s32 v0, v3  }
0x23f: {  	[tilespmem:s28+$0x1C0] =	vst v60;
	v61 =	vadd.s32 v0, v4  }
0x240: {  	[tilespmem:s28+$0x1D0] =	vst v61;
	v62 =	vadd.s32 v0, v5  }
0x241: {  	[tilespmem:s28+$0x1E0] =	vst v62;
	v63 =	vadd.s32 v0, v59  }
0x242: {  	[tilespmem:s28+$0x1F0] =	vst v63  }
0x243: {  	s0 =	simm.s32 $0x0;
	[bflag:$0x0] =	sbarrier.arrive $0xFFFF  }
0x244: {  	[tilespmem:s20], [sflag:$0x1] =	stream.indirect.gather [hbm4b:s4+s19], $0x10, s0, s19, $0xb8;
	[tilespmem:$0x1D020] =	vst v63  }
0x245: {  	s30 =	simm.s32 $0x200  }
0x246: {  	[tilespmem:s21], [sflag:$0x2] =	stream.indirect.gather [hbm4b:s4+s19], $0x10, s30, s19, $0xb8;
	[tilespmem:$0x1D020] =	vst v63  }
0x247: {  	_ =	swait.ge [sflag:s22], $0x2000  }
0x248: {  	[sflag:s22] =	ssyncset.done $0x0  }
0x249: {  	s31 =	simm.s32 $0x6200;
	[sflag:s22] =	ssyncadd.s32 $0xFFFFE000  }
0x24a: {  	[spmem:s2] =	stream.indirect.scatter.add.f32 [tilespmem:s20], [sflag:$0x3], $0x10, s31, s19, $0xb8;
	[tilespmem:$0x1D020] =	vst v63  }
0x24b: {  	_ =	swait.ge [sflag:s16], $0x2000  }
0x24c: {  	[sflag:s16] =	ssyncset.done $0x0  }
0x24d: {  	s30 =	simm.s32 $0x400;
	[sflag:s16] =	ssyncadd.s32 $0xFFFFE000  }
0x24e: {  	[tilespmem:s20], [sflag:$0x1] =	stream.indirect.gather [hbm4b:s4+s19], $0x10, s30, s19, $0xb8;
	[tilespmem:$0x1D020] =	vst v63  }
0x24f: {  	_ =	swait.ge [sflag:s23], $0x2000  }
0x250: {  	[sflag:s23] =	ssyncset.done $0x0  }
0x251: {  	s31 =	simm.s32 $0x6400;
	[sflag:s23] =	ssyncadd.s32 $0xFFFFE000  }
0x252: {  	[spmem:s2] =	stream.indirect.scatter.add.f32 [tilespmem:s21], [sflag:$0x3], $0x10, s31, s19, $0xb8;
	[tilespmem:$0x1D020] =	vst v63  }
0x253: {  	_ =	swait.ge [sflag:s16], $0x2000  }
0x254: {  	s29 =	simm.s32 $0x2000;
	s28 =	simm.s32 $0x400;
	[sflag:s16] =	ssyncset.done $0x0  }
.LBB2_24:
0x255: {  	s0 =	sadd.s32 $0x200, s28  }
0x256: {  	[sflag:s16] =	ssyncadd.s32 $0xFFFFE000;
	s30 =	smov.u32 s29;
	s31 =	sadd.s32 $0x1000, s29  }
0x257: {  	[tilespmem:s21], [sflag:$0x2] =	stream.indirect.gather [hbm4b:s4+s19], $0x10, s0, s19, $0xb8;
	[tilespmem:$0x1D020] =	vst v63  }
0x258: {  	p0 =	sne.s32 s29, $0x17000;
	_ =	swait.ge [sflag:s22], $0x2000  }
0x259: {  	[sflag:s22] =	ssyncset.done $0x0  }
0x25a: {  	s0 =	sadd.s32 $0x6200, s28;
	[sflag:s22] =	ssyncadd.s32 $0xFFFFE000  }
0x25b: {  	[spmem:s2] =	stream.indirect.scatter.add.f32 [tilespmem:s20], [sflag:$0x3], $0x10, s0, s19, $0xb8;
	[tilespmem:$0x1D020] =	vst v63  }
0x25c: {  	_ =	swait.ge [sflag:s16], $0x2000  }
0x25d: {  	[sflag:s16] =	ssyncset.done $0x0  }
0x25e: {  	s0 =	sadd.s32 $0x400, s28;
	[sflag:s16] =	ssyncadd.s32 $0xFFFFE000  }
0x25f: {  	[tilespmem:s20], [sflag:$0x1] =	stream.indirect.gather [hbm4b:s4+s19], $0x10, s0, s19, $0xb8;
	[tilespmem:$0x1D020] =	vst v63  }
0x260: {  	_ =	swait.ge [sflag:s23], $0x2000  }
.Ltmp11:
0x261: {  	[sflag:s23] =	ssyncset.done $0x0;
	(pc) =	sbr.rel @p0 .LBB2_24-.Ltmp11, $4  }
0x262: {  	s0 =	sadd.s32 $0x6400, s28;
	[sflag:s23] =	ssyncadd.s32 $0xFFFFE000  }
0x263: {  	[spmem:s2] =	stream.indirect.scatter.add.f32 [tilespmem:s21], [sflag:$0x3], $0x10, s0, s19, $0xb8;
	[tilespmem:$0x1D020] =	vst v63  }
0x264: {  	_ =	swait.ge [sflag:s16], $0x2000  }
0x265: {  	s29 =	smov.u32 s31;
	s28 =	sshra.s32 s30, $0x2;
	[sflag:s16] =	ssyncset.done $0x0  }
0x266: {  	s0 =	sadd.s32 $0x200, s28;
	[sflag:s16] =	ssyncadd.s32 $0xFFFFE000  }
0x267: {  	[tilespmem:s21], [sflag:$0x2] =	stream.indirect.gather [hbm4b:s4+s19], $0x10, s0, s19, $0xb8;
	[tilespmem:$0x1D020] =	vst v63  }
0x268: {  	_ =	swait.ge [sflag:s22], $0x2000  }
0x269: {  	[sflag:s22] =	ssyncset.done $0x0  }
0x26a: {  	s30 =	sadd.s32 $0x6200, s28;
	[sflag:s22] =	ssyncadd.s32 $0xFFFFE000  }
0x26b: {  	[spmem:s2] =	stream.indirect.scatter.add.f32 [tilespmem:s20], [sflag:$0x3], $0x10, s30, s19, $0xb8;
	[tilespmem:$0x1D020] =	vst v63  }
0x26c: {  	_ =	swait.ge [sflag:s16], $0x2000  }
0x26d: {  	[sflag:s16] =	ssyncset.done $0x0  }
0x26e: {  	s31 =	sadd.s32 $0x400, s28;
	[sflag:s16] =	ssyncadd.s32 $0xFFFFE000  }
0x26f: {  	[tilespmem:s20], [sflag:$0x1] =	stream.indirect.gather [hbm4b:s4+s19], $0x10, s31, s19, $0xb8;
	[tilespmem:$0x1D020] =	vst v63  }
0x270: {  	_ =	swait.ge [sflag:s23], $0x2000  }
0x271: {  	[sflag:s23] =	ssyncset.done $0x0  }
0x272: {  	s30 =	sadd.s32 $0x6400, s28;
	[sflag:s23] =	ssyncadd.s32 $0xFFFFE000  }
0x273: {  	[spmem:s2] =	stream.indirect.scatter.add.f32 [tilespmem:s21], [sflag:$0x3], $0x10, s30, s19, $0xb8;
	[tilespmem:$0x1D020] =	vst v63  }
0x274: {  	_ =	swait.ge [sflag:s16], $0x2000  }
0x275: {  	[sflag:s16] =	ssyncset.done $0x0  }
0x276: {  	[sflag:s16] =	ssyncadd.s32 $0xFFFFE000  }
0x277: {  	_ =	swait.ge [sflag:s22], $0x2000  }
0x278: {  	[sflag:s22] =	ssyncset.done $0x0  }
0x279: {  	[sflag:s22] =	ssyncadd.s32 $0xFFFFE000  }
0x27a: {  	[spmem:s2] =	stream.indirect.scatter.add.f32 [tilespmem:s20], [sflag:$0x3], $0x10, s24, s19, $0xb8;
	[tilespmem:$0x1D020] =	vst v63  }
0x27b: {  	_ =	swait.ge [sflag:s16], $0x2000  }
0x27c: {  	[sflag:s16] =	ssyncset.done $0x0  }
0x27d: {  	[sflag:s16] =	ssyncadd.s32 $0xFFFFE000  }
0x27e: {  	[bflag:$0x0] =	sbarrier.arrive $0xFFFF  }
0x27f: {  	[tilespmem:s25], [sflag:$0x3] =	stream.linear.gather [spmem:s7], $0x400, $0x38;
	[tilespmem:$0x1D020] =	vst v63  }
0x280: {  	_ =	swait.ge [sflag:s16], $0x400  }
0x281: {  	[sflag:s16] =	ssyncset.done $0x0  }
0x282: {  	s31 =	sadd.s32 $0x0, s14;
	[sflag:s16] =	ssyncadd.s32 $0xFFFFFC00  }
0x283: {  	[hbm4b:s31+s3] =	stream.linear.scatter [tilespmem:s25], [sflag:$0x3], $0x400, $0x38;
	[tilespmem:$0x1D020] =	vst v63  }
0x284: {  	_ =	swait.ge [sflag:s16], $0x400  }
0x285: {  	s29 =	smov.u32 s7;
	s28 =	simm.s32 $0x80;
	[sflag:s16] =	ssyncset.done $0x0  }
.LBB2_26:
0x286: {  	p0 =	sne.s32 s28, $0x1800;
	[sflag:s16] =	ssyncadd.s32 $0xFFFFFC00;
	s29 =	sadd.s32 $0x400, s29  }
0x287: {  	[tilespmem:s25], [sflag:$0x3] =	stream.linear.gather [spmem:s29], $0x400, $0x38;
	[tilespmem:$0x1D020] =	vst v63  }
0x288: {  	s0 =	smov.u32 s28;
	s28 =	sadd.s32 $0x80, s28;
	_ =	swait.ge [sflag:s16], $0x400  }
.Ltmp12:
0x289: {  	[sflag:s16] =	ssyncset.done $0x0;
	(pc) =	sbr.rel @p0 .LBB2_26-.Ltmp12, $4  }
0x28a: {  	s0 =	sadd.s32 s0, s14;
	[sflag:s16] =	ssyncadd.s32 $0xFFFFFC00  }
0x28b: {  	[hbm4b:s0+s3] =	stream.linear.scatter [tilespmem:s25], [sflag:$0x3], $0x400, $0x38;
	[tilespmem:$0x1D020] =	vst v63  }
0x28c: {  	_ =	swait.ge [sflag:s16], $0x400  }
0x28d: {  	[sflag:s16] =	ssyncset.done $0x0  }
0x28e: {  	s26 =	sadd.s32 $0x1, s26  }
0x28f: {  	p0 =	sne.s32 s26, s10  }
.Ltmp13:
0x290: {  	_ = 	snop;
	(pc) =	sbr.rel @p0 .LBB2_1-.Ltmp13, $2  }
0x291: {  	_ =	sdelay $0x2  }
0x292: {  	[sflag:s16] =	ssyncadd.s32 $0xFFFFFC00  }
0x293: {  	_ =	sfence.sel $0x180000  }
0x294: {  	[bflag:$0x0] =	sbarrier.arrive $0xFFFF  }
0x295: {  	_ =	strace $0x9000004A  }
0x296: {  	[bflag:$0x2] =	sbarrier.arrive $0xFFFF  }
0x297: {  	p0 =	sne.s32 s1, $0x0;
	s0 =	rddreg [dreg:$0x2]  }
0x298: {  	s0 =	sadd.s32 @!p0 $0x100000, s0  }
0x299: {  	[sflag:s0] =	ssyncadd.tile.s32 @!p0 $0x1;
	_ =	shalt  }
.Lfunc_end2:
_tile_overlayer_lowered:
.L_overlay_start_2:
0x29a: {  	(tag) =	ssettag $0x2  }
0x29b: {  	s0 =	rddreg [dreg:$0x0];
	s2 =	stileid.u32  }
0x29c: {  	s1 =	rddreg [dreg:$0x1];
	p0 =	sne.s32 s2, $0x0  }
0x29d: {  	s3 =	rddreg [dreg:$0x2];
	[bflag:$0x3] =	sbarrier.arrive $0xFFFF;
	s2 =	simm.s32 @!p0 $0x1C03  }
0x29e: {  	[timem:s3], [sflag:s2] =	dma.local @!p0 [hbm:s0], s1  }
0x29f: {  	s0 =	simm.s32 @!p0 $0x3  }
0x2a0: {  	_ =	swait.ge @!p0 [sflag:s0], s1  }
0x2a1: {  	s1 =	ssub.s32 @!p0 $0x0, s1;
	[sflag:s0] =	ssyncset.done @!p0 $0x0  }
0x2a2: {  	[sflag:s0] =	ssyncadd.s32 @!p0 s1  }
0x2a3: {  	[bflag:$0x3] =	sbarrier.arrive $0xFFFF  }
0x2a4: {  	_ =	shalt  }

// kernel: kernel.14.cloned.1.call-start
scs
__scs_entry_jumppad:
0x0: {  	(pc) =	sbr.rel $0x88, $3  }
0x1: {  	(tag) =	ssettag $0x0;
	lr =	simm.s32 $0x1  }
0x2: {  	[smem:$0x3F96] =	sst lr;
	_ =	strace $0xD0000000  }
0x3: {  	_ = 	snop  }
0x4: {  	_ = 	snop  }
0x5: {  	_ = 	snop  }
0x6: {  	_ = 	snop  }
0x7: {  	_ = 	snop  }
__scs_overlays_trampoline_lowered:
0x8: {  	[smem:$0x3FA5] =	sst s0  }
0x9: {  	[smem:$0x3FA6] =	sst s1  }
0xa: {  	[smem:$0x3FA7] =	sst s2  }
0xb: {  	[smem:$0x3FA8] =	sst s3  }
0xc: {  	[smem:$0x3FA9] =	sst s4  }
0xd: {  	[smem:$0x3FAA] =	sst s5  }
0xe: {  	[smem:$0x3FAB] =	sst s6  }
0xf: {  	[smem:$0x3FAC] =	sst s7  }
0x10: {  	[smem:$0x3FAD] =	sst s8  }
0x11: {  	[smem:$0x3FAE] =	sst s9;
	s0 =	simm.s32 @!p0 $0x0  }
0x12: {  	s1 =	sld [smem:$0x3F94];
	s0 =	simm.s32 @p0 $0x1  }
0x13: {  	[smem:$0x3FAF] =	sst s0;
	s0 =	simm.s32 @!p1 $0x0  }
0x14: {  	s2 =	sld [smem:$0x3F93];
	s0 =	simm.s32 @p1 $0x1  }
0x15: {  	[smem:$0x3FB0] =	sst s0;
	s0 =	simm.s32 @!p2 $0x0  }
0x16: {  	s3 =	sld [smem:$0x3FDB];
	s0 =	simm.s32 @p2 $0x1  }
0x17: {  	s4 =	simm.s32 $0x1BF5;
	[smem:$0x3FB2] =	sst s0  }
0x18: {  	s0 =	sld [smem:$0x3F95];
	_ =	swait.ge [sflag:s4], $0x0  }
0x19: {  	s7 =	sld [smem:$0x3F96]  }
0x1a: {  	s8 =	sadd.s32 $0xFFFFE003, lr  }
0x1b: {  	s9 =	sadd.s32 $0xFFFFFEF7, lr;
	s5 =	simm.s32 $0xFFFFFFFF;
	p2 =	slt.u32 s8, $0xFFFFF086  }
0x1c: {  	p1 =	slt.u32 s9, $0xF7A;
	s5 =	simm.s32 @!p2 $0x0  }
0x1d: {  	s5 =	simm.s32 @p1 $0x1;
	p0 =	seq.s32 s7, s2  }
0x1e: {  	s7 =	smul.u32 @!p0 $0xF7A, s2;
	p2 =	seq.s32 @!p0 s5, $0x0  }
0x1f: {  	s9 =	smul.u32 $0xF7A, s1;
	s8 =	simm.s32 @!p0 $0x1BF5;
	p2 =	por !p2, p0  }
0x20: {  	[sflag:s8] =	ssyncset.s32 @!p0 $0xFFFFF086;
	s6 =	sadd.s32 @!p0 s3, s7;
	s7 =	simm.s32 @!p0 $0x108  }
0x21: {  	s3 =	sadd.s32 s3, s9;
	s6 =	sadd.s32 @!p0 $0x88, s6;
	s7 =	simm.s32 @p2 $0x1082  }
0x22: {  	[simem:s7], [sflag:s8] =	dma.local @!p0 [hbm:s6], $0xF7A  }
0x23: {  	s9 =	sor.u32 $0xD0000000, s2;
	s6 =	simm.s32 $0x108;
	_ =	swait.ge @!p0 [sflag:s8], $0x0  }
0x24: {  	s3 =	sadd.s32 $0x88, s3;
	s6 =	simm.s32 @!p1 $0x1082;
	[sflag:s4] =	ssyncset.s32 $0xFFFFF086  }
0x25: {  	[simem:s6], [sflag:s4] =	dma.local [hbm:s3], $0xF7A  }
0x26: {  	[smem:$0x3F96] =	sst s1;
	(tag) =	ssettag s2;
	_ =	strace s9  }
0x27: {  	s1 =	sld [smem:$0x3FA6]  }
0x28: {  	s2 =	sld [smem:$0x3FA7]  }
0x29: {  	s4 =	sld [smem:$0x3FA9]  }
0x2a: {  	p0 =	seq.s32 s5, $0x0;
	s5 =	sld [smem:$0x3FAA]  }
0x2b: {  	s6 =	sld [smem:$0x3FAB]  }
0x2c: {  	s7 =	sld [smem:$0x3FAC]  }
0x2d: {  	s3 =	simm.s32 $0x108;
	s8 =	sld [smem:$0x3FAD]  }
0x2e: {  	s3 =	simm.s32 @!p0 $0x1082;
	s9 =	sld [smem:$0x3FAE]  }
0x2f: {  	lr =	sadd.s32 s0, s3;
	s0 =	sld [smem:$0x3FA5]  }
0x30: {  	s3 =	sld [smem:$0x3FA8]  }
0x31: {  	[smem:$0x3FB1] =	sst s10  }
0x32: {  	s10 =	sld [smem:$0x3FAF];
	_ =	sdelay $0x3  }
0x33: {  	p0 =	seq.s32 s10, $0x1;
	s10 =	sld [smem:$0x3FB1];
	_ =	sdelay $0x3  }
0x34: {  	[smem:$0x3FB1] =	sst s10  }
0x35: {  	s10 =	sld [smem:$0x3FB0];
	_ =	sdelay $0x3  }
0x36: {  	p1 =	seq.s32 s10, $0x1;
	s10 =	sld [smem:$0x3FB1];
	_ =	sdelay $0x3  }
0x37: {  	[smem:$0x3FB1] =	sst s10  }
0x38: {  	s10 =	sld [smem:$0x3FB2]  }
0x39: {  	_ = 	snop;
	(pc) =	sbr.ind lr, $3  }
0x3a: {  	_ = 	snop  }
0x3b: {  	_ = 	snop  }
0x3c: {  	p2 =	seq.s32 s10, $0x1;
	s10 =	sld [smem:$0x3FB1]  }
0x3d: {  	_ =	shalt  }
0x3e: {  	_ =	shalt  }
0x3f: {  	_ =	shalt  }
0x40: {  	_ =	shalt  }
0x41: {  	_ =	shalt  }
0x42: {  	_ =	shalt  }
0x43: {  	_ =	shalt  }
0x44: {  	_ =	shalt  }
0x45: {  	_ =	shalt  }
0x46: {  	_ =	shalt  }
0x47: {  	_ =	shalt  }
0x48: {  	_ =	shalt  }
0x49: {  	_ =	shalt  }
0x4a: {  	_ =	shalt  }
0x4b: {  	_ =	shalt  }
0x4c: {  	_ =	shalt  }
0x4d: {  	_ =	shalt  }
0x4e: {  	_ =	shalt  }
0x4f: {  	_ =	shalt  }
0x50: {  	_ =	shalt  }
0x51: {  	_ =	shalt  }
0x52: {  	_ =	shalt  }
0x53: {  	_ =	shalt  }
0x54: {  	_ =	shalt  }
0x55: {  	_ =	shalt  }
0x56: {  	_ =	shalt  }
0x57: {  	_ =	shalt  }
0x58: {  	_ =	shalt  }
0x59: {  	_ =	shalt  }
0x5a: {  	_ =	shalt  }
0x5b: {  	_ =	shalt  }
0x5c: {  	_ =	shalt  }
0x5d: {  	_ =	shalt  }
0x5e: {  	_ =	shalt  }
0x5f: {  	_ =	shalt  }
0x60: {  	_ =	shalt  }
0x61: {  	_ =	shalt  }
0x62: {  	_ =	shalt  }
0x63: {  	_ =	shalt  }
0x64: {  	_ =	shalt  }
0x65: {  	_ =	shalt  }
0x66: {  	_ =	shalt  }
0x67: {  	_ =	shalt  }
0x68: {  	_ =	shalt  }
0x69: {  	_ =	shalt  }
0x6a: {  	_ =	shalt  }
0x6b: {  	_ =	shalt  }
0x6c: {  	_ =	shalt  }
0x6d: {  	_ =	shalt  }
0x6e: {  	_ =	shalt  }
0x6f: {  	_ =	shalt  }
0x70: {  	_ =	shalt  }
0x71: {  	_ =	shalt  }
0x72: {  	_ =	shalt  }
0x73: {  	_ =	shalt  }
0x74: {  	_ =	shalt  }
0x75: {  	_ =	shalt  }
0x76: {  	_ =	shalt  }
0x77: {  	_ =	shalt  }
0x78: {  	_ =	shalt  }
0x79: {  	_ =	shalt  }
0x7a: {  	_ =	shalt  }
0x7b: {  	_ =	shalt  }
0x7c: {  	_ =	shalt  }
0x7d: {  	_ =	shalt  }
0x7e: {  	_ =	shalt  }
0x7f: {  	_ =	shalt  }
0x80: {  	_ =	shalt  }
0x81: {  	_ =	shalt  }
0x82: {  	_ =	shalt  }
0x83: {  	_ =	shalt  }
0x84: {  	_ =	shalt  }
0x85: {  	_ =	shalt  }
0x86: {  	_ =	shalt  }
0x87: {  	_ =	shalt  }
.Lfunc_end0:
.L_simem_size_0:
called_computation.2_lowered:
.L_overlay_start_0:
0x88: {  	s2 =	sld [smem:$0x3FD9]  }
0x89: {  	s3 =	sld [smem:$0x3FFE];
	_ =	sdelay $0x1  }
0x8a: {  	s1 =	srdreg.scid  }
0x8b: {  	s0 =	sand.u32 $0x1, s1  }
0x8c: {  	s17 =	sshll.u32 s0, $0xA;
	s2 =	sadd.s32 s3, s2  }
0x8d: {  	s2 =	sadd.s32 s2, s17  }
0x8e: {  	[smem:$0x3FBD] =	sst s2  }
0x8f: {  	_ = 	snop  }
0x90: {  	s2 =	sld [smem:$0x3FD0];
	(tm) =	ssettm $0x1  }
0x91: {  	s18 =	sld [smem:$0x3FFB];
	_ =	sdelay $0x3  }
0x92: {  	_ =	strace s18  }
0x93: {  	s3 =	sld [smem:$0x3FFC];
	_ =	sdelay $0x3  }
0x94: {  	_ =	strace s3  }
0x95: {  	s3 =	sld [smem:$0x3FFD];
	_ =	sdelay $0x3  }
0x96: {  	_ =	strace s3  }
0x97: {  	_ =	strace $0x8FFFFFFF  }
0x98: {  	s19 =	sld [smem:$0x3FDB];
	_ =	sdelay $0x1  }
0x99: {  	s4 =	simm.s32 $_scs_section_size  }
0x9a: {  	s5 =	simm.s32 $_size__tile_overlayer_lowered;
	s6 =	simm.s32 $_tile_overlayer_lowered  }
0x9b: {  	s22 =	simm.s32 $0x1BFF;
	s21 =	sshll.u32 s6, $0x1;
	s3 =	sadd.s32 s4, s19  }
0x9c: {  	s7 =	simm.s32 $0x0;
	s20 =	sshll.u32 s5, $0x1;
	s5 =	sadd.s32 s21, s3  }
0x9d: {  	[timem:s7], [sflag:s22] =	dma.local [hbm:s5], s20  }
0x9e: {  	_ =	swait.ge [sflag:s22], s20  }
0x9f: {  	s4 =	ssub.s32 $0x0, s20;
	[sflag:s22] =	ssyncset.done $0x0  }
0xa0: {  	[sflag:s22] =	ssyncadd.s32 s4;
	_ =	sdelay $0x1  }
0xa1: {  	s23 =	simm.s32 $0x1B8B  }
0xa2: {  	_ =	swait.ge [sflag:s23], $0x1  }
0xa3: {  	[sflag:s23] =	ssyncset.done $0x0  }
0xa4: {  	s25 =	simm.s32 $0x1B8E;
	s24 =	sld [smem:$0x3FFE];
	[sflag:s23] =	ssyncadd.s32 $0xFFFFFFFF  }
0xa5: {  	s26 =	simm.s32 $execute0_lowered;
	[smem:$0x3FD2] =	sst s25  }
0xa6: {  	s5 =	sshll.u32 s26, $0x1;
	_ =	strace $0x8000004C;
	[dreg:$0x1] =	wrdreg $0xFFFFFFFF  }
0xa7: {  	s28 =	simm.s32 $_size_execute0_lowered;
	s3 =	sadd.s32 s3, s5;
	[dreg:$0x0] =	wrdreg $0x0  }
0xa8: {  	s5 =	sshll.u32 s28, $0x1;
	[dreg:$0x2] =	wrdreg s3  }
0xa9: {  	[dreg:$0x3] =	wrdreg s5  }
0xaa: {  	[dreg:$0x4] =	wrdreg $0xC0  }
0xab: {  	_ =	task [dreg:s7], $0x5FFFF  }
0xac: {  	[dreg:$0x1] =	wrdreg $0xFFFFFFFF  }
0xad: {  	[dreg:$0x0] =	wrdreg $0x60  }
0xae: {  	[dreg:$0x2] =	wrdreg s24  }
0xaf: {  	[dreg:$0x3] =	wrdreg s2  }
0xb0: {  	[dreg:$0x4] =	wrdreg $0x10C200  }
0xb1: {  	[dreg:$0x5] =	wrdreg $0x9  }
0xb2: {  	_ =	task.clear_ibuf [dreg:s7], $0x6FFFF;
	_ =	strace $0x9000004C  }
0xb3: {  	s29 =	simm.s32 $0x9;
	_ =	strace $0x8000004E  }
0xb4: {  	_ =	swait.ge [sflag:s29], $0x1  }
0xb5: {  	[sflag:s29] =	ssyncadd.s32 $0xFFFFFFFF  }
0xb6: {  	_ =	strace $0x9000004E  }
0xb7: {  	_ =	sfence  }
0xb8: {  	s30 =	sld [smem:$0x0];
	_ =	sdelay $0x2  }
0xb9: {  	s31 =	sshll.u32 s1, $0xD;
	s1 =	sshrl.u32 s1, $0x2  }
0xba: {  	s3 =	sand.u32 $0x4000, s31;
	s1 =	sadd.s32 s1, s30  }
0xbb: {  	s0 =	sor.u32 s3, s0;
	s1 =	sshll.u32 s1, $0x11  }
0xbc: {  	s0 =	sor.u32 s1, s0  }
0xbd: {  	s0 =	sadd.s32 $0x8F2B, s0  }
0xbe: {  	[sflag:s0] =	ssyncadd.remote.s32 $0x1  }
0xbf: {  	_ =	sfence.sel $0xFFFF  }
0xc0: {  	[dreg:$0x0] =	wrdreg $0xFFFFFFFF;
	(pc) =	sbr.abs _section_cstart, $3  }
0xc1: {  	[dreg:$0x1] =	wrdreg $0xFFFFFFFF  }
0xc2: {  	_ =	task.clear_ibuf [dreg:s7], $0x2FFFF;
	_ =	strace $0x9FFFFFFF  }
0xc3: {  	(tm) =	ssettm $0x7FFFFFFF  }
tec
execute0_lowered:
.L_overlay_start_1:
0x0: {  	(tag) =	ssettag $0x1  }
0x1: {  	s7 =	rddreg [dreg:$0x0]  }
0x2: {  	s2 =	rddreg [dreg:$0x1]  }
0x3: {  	s0 =	srdreg.scid;
	s3 =	rddreg [dreg:$0x2]  }
0x4: {  	s4 =	simm.s32 $0x0;
	s15 =	simm.s32 $0x6200;
	s16 =	simm.s32 $0x10C00  }
0x5: {  	s17 =	simm.s32 $0x200;
	s18 =	simm.s32 $0xC400;
	s19 =	simm.s32 $0xE400  }
0x6: {  	s20 =	simm.s32 $0x1;
	s21 =	simm.s32 $0x2;
	s22 =	simm.s32 $0xC200  }
0x7: {  	s23 =	simm.s32 $0x10400;
	s6 =	sand.u32 $0x1, s0;
	s0 =	stileid.u32  }
0x8: {  	s24 =	simm.s32 $0x0;
	[smem:$0x7FF] =	sst s4;
	s8 =	smul.u32 $0x31000, s0  }
0x9: {  	s13 =	sadd.s32 $0x2200, s7;
	s1 =	sshll.u32 s6, $0x4;
	s10 =	smul.u32 $0xC400, s0  }
0xa: {  	s11 =	ssub.s32 $0x2, s6;
	s12 =	smul.u32 $0xC4000, s6;
	s6 =	sadd.s32 $0x102E00, s7  }
0xb: {  	s5 =	sor.u32 s0, s1;
	s1 =	rddreg [dreg:$0x3];
	_ =	strace $0x8000004D  }
0xc: {  	s30 =	sshrl.u32 s11, $0x1;
	s5 =	smul.u32 $0xC40, s5;
	s10 =	sadd.s32 s10, s12  }
0xd: {  	s11 =	ssub.s32 s11, s30;
	s31 =	sshrl.u32 s8, $0x2;
	s12 =	sadd.s32 $0x188000, s10  }
0xe: {  	s14 =	sshrl.u32 s10, $0x3;
	s10 =	smax.u32 s11, $0x1;
	s9 =	sadd.s32 s5, s7  }
0xf: {  	s5 =	sadd.s32 $0x102C00, s7;
	s7 =	sadd.s32 s31, s3;
	s12 =	sshrl.u32 s12, $0x3  }
0x10: {  	s11 =	sadd.s32 s14, s13;
	s14 =	simm.s32 $0x3;
	s8 =	sadd.s32 $0xEA400, s9  }
0x11: {  	s9 =	sadd.s32 $0xD1C00, s9;
	s12 =	sadd.s32 s12, s13;
	s13 =	simm.s32 $0x10800  }
.LBB2_1:
0x12: {  	[tilespmem:s13], [sflag:$0x3] =	stream.linear.gather [hbm4b:s5+s4], $0x400, $0x38;
	[tilespmem:$0x1D020] =	vst v63  }
0x13: {  	_ =	swait.ge [sflag:s14], $0x400  }
0x14: {  	[sflag:s14] =	ssyncset.done $0x0  }
0x15: {  	s25 =	sadd.s32 $0x0, s7;
	[sflag:s14] =	ssyncadd.s32 $0xFFFFFC00  }
0x16: {  	[spmem:s25] =	stream.linear.scatter [tilespmem:s13], [sflag:$0x3], $0x400, $0x38;
	[tilespmem:$0x1D020] =	vst v63  }
0x17: {  	s25 =	simm.s32 $0x1000;
	_ =	swait.ge [sflag:s14], $0x400  }
.LBB2_2:
0x18: {  	s26 =	sshra.s32 s25, $0x2;
	[sflag:s14] =	ssyncset.done $0x0;
	p0 =	sne.s32 s25, $0x30000  }
.Ltmp0:
0x19: {  	s26 =	sadd.s32 s26, s7;
	[sflag:s14] =	ssyncadd.s32 $0xFFFFFC00;
	(pc) =	sbr.rel @p0 .LBB2_2-.Ltmp0, $3  }
0x1a: {  	[spmem:s26] =	stream.linear.scatter [tilespmem:s13], [sflag:$0x3], $0x400, $0x38;
	[tilespmem:$0x1D020] =	vst v63  }
0x1b: {  	s25 =	sadd.s32 $0x1000, s25;
	_ =	sdelay $0x1  }
0x1c: {  	_ =	swait.ge [sflag:s14], $0x400  }
0x1d: {  	[sflag:s14] =	ssyncset.done $0x0  }
0x1e: {  	s25 =	simm.s32 $0x0;
	[sflag:s14] =	ssyncadd.s32 $0xFFFFFC00  }
0x1f: {  	[tilespmem:s25], [sflag:$0x3] =	stream.linear.gather [hbm4b:s8+s25], $0x6200, $0x38;
	[tilespmem:$0x1D020] =	vst v63  }
0x20: {  	_ =	swait.ge [sflag:s14], $0x6200  }
0x21: {  	[sflag:s14] =	ssyncset.done $0x0  }
0x22: {  	[sflag:s14] =	ssyncadd.s32 $0xFFFF9E00  }
0x23: {  	[tilespmem:s15], [sflag:$0x3] =	stream.linear.gather [hbm4b:s9+s25], $0x6200, $0x38;
	[tilespmem:$0x1D020] =	vst v63  }
0x24: {  	_ =	swait.ge [sflag:s14], $0x6200  }
0x25: {  	[sflag:s14] =	ssyncset.done $0x0  }
0x26: {  	[sflag:s14] =	ssyncadd.s32 $0xFFFF9E00  }
0x27: {  	[tilespmem:s16], [sflag:$0x3] =	stream.linear.gather [hbm4b:s6+s25], $0x20, $0x38;
	[tilespmem:$0x1D020] =	vst v63  }
0x28: {  	_ =	swait.ge [sflag:s14], $0x20  }
0x29: {  	[sflag:s14] =	ssyncset.done $0x0  }
0x2a: {  	[sflag:s14] =	ssyncadd.s32 $0xFFFFFFE0  }
0x2b: {  	s25 =	simm.s32 $0x0;
	v0 =	vld [tilespmem:$0x10C00]  }
0x2c: {  	v1 =	vld [tilespmem:s25+$0x0]  }
0x2d: {  	v2 =	vld [tilespmem:s25+$0x10]  }
0x2e: {  	v3 =	vld [tilespmem:s25+$0x20]  }
0x2f: {  	v4 =	vld [tilespmem:s25+$0x30]  }
0x30: {  	v5 =	vld [tilespmem:s25+$0x40]  }
0x31: {  	v6 =	vld [tilespmem:s25+$0x50];
	v1 =	vmul.u32 v0, v1  }
0x32: {  	v7 =	vld [tilespmem:s25+$0x60];
	v2 =	vmul.u32 v0, v2  }
0x33: {  	v3 =	vmul.u32 v0, v3;
	[tilespmem:s25+$0x0] =	vst v1;
	v1 =	vld [tilespmem:s25+$0x70]  }
0x34: {  	v4 =	vmul.u32 v0, v4;
	[tilespmem:s25+$0x10] =	vst v2;
	v2 =	vld [tilespmem:s25+$0x80]  }
0x35: {  	v5 =	vmul.u32 v0, v5;
	[tilespmem:s25+$0x20] =	vst v3;
	v3 =	vld [tilespmem:s25+$0x90]  }
0x36: {  	v6 =	vmul.u32 v0, v6;
	[tilespmem:s25+$0x30] =	vst v4;
	v4 =	vld [tilespmem:s25+$0xA0]  }
0x37: {  	v7 =	vmul.u32 v0, v7;
	[tilespmem:s25+$0x40] =	vst v5;
	v5 =	vld [tilespmem:s25+$0xB0]  }
0x38: {  	[tilespmem:s25+$0x50] =	vst v6;
	v6 =	vld [tilespmem:s25+$0xC0];
	v1 =	vmul.u32 v0, v1  }
0x39: {  	[tilespmem:s25+$0x60] =	vst v7;
	v7 =	vld [tilespmem:s25+$0xD0];
	v2 =	vmul.u32 v0, v2  }
0x3a: {  	v3 =	vmul.u32 v0, v3;
	[tilespmem:s25+$0x70] =	vst v1;
	v1 =	vld [tilespmem:s25+$0xE0]  }
0x3b: {  	v4 =	vmul.u32 v0, v4;
	[tilespmem:s25+$0x80] =	vst v2;
	v2 =	vld [tilespmem:s25+$0xF0]  }
0x3c: {  	v5 =	vmul.u32 v0, v5;
	[tilespmem:s25+$0x90] =	vst v3;
	v3 =	vld [tilespmem:s25+$0x100]  }
0x3d: {  	v6 =	vmul.u32 v0, v6;
	[tilespmem:s25+$0xA0] =	vst v4;
	v4 =	vld [tilespmem:s25+$0x110]  }
0x3e: {  	v7 =	vmul.u32 v0, v7;
	[tilespmem:s25+$0xB0] =	vst v5;
	v5 =	vld [tilespmem:s25+$0x120]  }
0x3f: {  	[tilespmem:s25+$0xC0] =	vst v6;
	v6 =	vld [tilespmem:s25+$0x130];
	v1 =	vmul.u32 v0, v1  }
0x40: {  	[tilespmem:s25+$0xD0] =	vst v7;
	v7 =	vld [tilespmem:s25+$0x140]  }
0x41: {  	v2 =	vmul.u32 v0, v2;
	[tilespmem:s25+$0xE0] =	vst v1;
	v1 =	vld [tilespmem:s25+$0x150]  }
0x42: {  	v3 =	vmul.u32 v0, v3  }
0x43: {  	[tilespmem:s25+$0xF0] =	vst v2;
	v2 =	vmul.u32 v0, v4;
	v4 =	vld [tilespmem:s25+$0x170]  }
0x44: {  	v8 =	vld [tilespmem:s25+$0x160];
	[tilespmem:s25+$0x100] =	vst v3;
	v3 =	vmul.u32 v0, v5  }
0x45: {  	v5 =	vld [tilespmem:s25+$0x180];
	[tilespmem:s25+$0x110] =	vst v2;
	v2 =	vmul.u32 v0, v6  }
0x46: {  	[tilespmem:s25+$0x120] =	vst v3;
	v6 =	vld [tilespmem:s25+$0x190];
	v3 =	vmul.u32 v0, v7;
	v7 =	vmul.u32 v0, v1  }
0x47: {  	[tilespmem:s25+$0x130] =	vst v2;
	v2 =	vld [tilespmem:s25+$0x1A0]  }
0x48: {  	v1 =	vld [tilespmem:s25+$0x1B0];
	[tilespmem:s25+$0x150] =	vst v7;
	v7 =	vmul.u32 v0, v4  }
0x49: {  	v8 =	vmul.u32 v0, v8;
	[tilespmem:s25+$0x140] =	vst v3;
	v3 =	vld [tilespmem:s25+$0x1C0]  }
0x4a: {  	v4 =	vld [tilespmem:s25+$0x1D0];
	[tilespmem:s25+$0x170] =	vst v7;
	v7 =	vmul.u32 v0, v5  }
0x4b: {  	s26 =	simm.s32 $0x800;
	[tilespmem:s25+$0x160] =	vst v8;
	v6 =	vmul.u32 v0, v6;
	v5 =	vld [tilespmem:s25+$0x1E0]  }
.LBB2_4:
0x4c: {  	s28 =	sshra.s32 s26, $0x2;
	p0 =	sne.s32 s26, $0x18000;
	[tilespmem:s25+$0x180] =	vst v7;
	v2 =	vmul.u32 v0, v2;
	v7 =	vld [tilespmem:s25+$0x1F0]  }
0x4d: {  	v8 =	vld [tilespmem:s28+$0x0];
	[tilespmem:s25+$0x190] =	vst v6;
	v1 =	vmul.u32 v0, v1  }
0x4e: {  	v6 =	vld [tilespmem:s28+$0x10];
	[tilespmem:s25+$0x1A0] =	vst v2;
	v2 =	vmul.u32 v0, v3  }
0x4f: {  	v3 =	vld [tilespmem:s28+$0x20];
	[tilespmem:s25+$0x1B0] =	vst v1;
	v1 =	vmul.u32 v0, v4  }
0x50: {  	v4 =	vld [tilespmem:s28+$0x30];
	[tilespmem:s25+$0x1C0] =	vst v2;
	v2 =	vmul.u32 v0, v5  }
0x51: {  	v5 =	vld [tilespmem:s28+$0x40];
	[tilespmem:s25+$0x1D0] =	vst v1;
	v1 =	vmul.u32 v0, v7  }
0x52: {  	v7 =	vmul.u32 v0, v8;
	v8 =	vld [tilespmem:s28+$0x50];
	[tilespmem:s25+$0x1E0] =	vst v2  }
0x53: {  	v2 =	vmul.u32 v0, v6;
	v6 =	vld [tilespmem:s28+$0x60];
	[tilespmem:s25+$0x1F0] =	vst v1;
	s25 =	smov.u32 s28  }
0x54: {  	[tilespmem:s25+$0x0] =	vst v7;
	v1 =	vmul.u32 v0, v3;
	v3 =	vld [tilespmem:s25+$0x70]  }
0x55: {  	[tilespmem:s25+$0x10] =	vst v2;
	v2 =	vmul.u32 v0, v4;
	v4 =	vld [tilespmem:s25+$0x80]  }
0x56: {  	[tilespmem:s25+$0x20] =	vst v1;
	v1 =	vmul.u32 v0, v5;
	v5 =	vld [tilespmem:s25+$0x90]  }
0x57: {  	[tilespmem:s25+$0x30] =	vst v2;
	v2 =	vmul.u32 v0, v8;
	v7 =	vld [tilespmem:s25+$0xA0]  }
0x58: {  	[tilespmem:s25+$0x40] =	vst v1;
	v1 =	vmul.u32 v0, v6;
	v6 =	vld [tilespmem:s25+$0xB0]  }
0x59: {  	[tilespmem:s25+$0x50] =	vst v2;
	v2 =	vmul.u32 v0, v3;
	v3 =	vld [tilespmem:s25+$0xC0]  }
0x5a: {  	[tilespmem:s25+$0x60] =	vst v1;
	v1 =	vmul.u32 v0, v4;
	v4 =	vld [tilespmem:s25+$0xD0]  }
0x5b: {  	[tilespmem:s25+$0x70] =	vst v2;
	v2 =	vmul.u32 v0, v5;
	v5 =	vld [tilespmem:s25+$0xE0]  }
0x5c: {  	[tilespmem:s25+$0x80] =	vst v1;
	v1 =	vmul.u32 v0, v7;
	v7 =	vld [tilespmem:s25+$0xF0]  }
0x5d: {  	[tilespmem:s25+$0x90] =	vst v2;
	v2 =	vmul.u32 v0, v6;
	v6 =	vld [tilespmem:s25+$0x100]  }
0x5e: {  	[tilespmem:s25+$0xA0] =	vst v1;
	v1 =	vmul.u32 v0, v3;
	v3 =	vld [tilespmem:s25+$0x110]  }
0x5f: {  	[tilespmem:s25+$0xB0] =	vst v2;
	v2 =	vmul.u32 v0, v4;
	v4 =	vld [tilespmem:s25+$0x120]  }
0x60: {  	[tilespmem:s25+$0xC0] =	vst v1;
	v1 =	vmul.u32 v0, v5;
	v5 =	vld [tilespmem:s25+$0x130]  }
0x61: {  	[tilespmem:s25+$0xD0] =	vst v2;
	v2 =	vmul.u32 v0, v7;
	v7 =	vld [tilespmem:s25+$0x140]  }
0x62: {  	[tilespmem:s25+$0xE0] =	vst v1;
	v1 =	vmul.u32 v0, v6;
	v6 =	vld [tilespmem:s25+$0x150]  }
0x63: {  	[tilespmem:s25+$0xF0] =	vst v2;
	v2 =	vmul.u32 v0, v3;
	v3 =	vld [tilespmem:s25+$0x160]  }
0x64: {  	[tilespmem:s25+$0x100] =	vst v1;
	v1 =	vmul.u32 v0, v4;
	v4 =	vld [tilespmem:s25+$0x170]  }
0x65: {  	[tilespmem:s25+$0x110] =	vst v2;
	v2 =	vmul.u32 v0, v5;
	v5 =	vld [tilespmem:s25+$0x180]  }
0x66: {  	[tilespmem:s25+$0x120] =	vst v1;
	v1 =	vmul.u32 v0, v7;
	v8 =	vld [tilespmem:s25+$0x190]  }
.Ltmp1:
0x67: {  	[tilespmem:s25+$0x130] =	vst v2;
	v6 =	vmul.u32 v0, v6;
	v2 =	vld [tilespmem:s25+$0x1A0];
	(pc) =	sbr.rel @p0 .LBB2_4-.Ltmp1, $4  }
0x68: {  	[tilespmem:s25+$0x140] =	vst v1;
	v7 =	vmul.u32 v0, v3;
	v1 =	vld [tilespmem:s25+$0x1B0]  }
0x69: {  	[tilespmem:s25+$0x150] =	vst v6;
	v6 =	vmul.u32 v0, v4;
	v3 =	vld [tilespmem:s25+$0x1C0]  }
0x6a: {  	[tilespmem:s25+$0x160] =	vst v7;
	v7 =	vmul.u32 v0, v5;
	v4 =	vld [tilespmem:s25+$0x1D0]  }
0x6b: {  	s26 =	sadd.s32 $0x800, s26;
	[tilespmem:s25+$0x170] =	vst v6;
	v6 =	vmul.u32 v0, v8;
	v5 =	vld [tilespmem:s25+$0x1E0]  }
0x6c: {  	[tilespmem:s25+$0x180] =	vst v7;
	v2 =	vmul.u32 v0, v2;
	v63 =	vld [tilespmem:s25+$0x1F0]  }
0x6d: {  	[tilespmem:s25+$0x190] =	vst v6;
	v1 =	vmul.u32 v0, v1  }
0x6e: {  	[tilespmem:s25+$0x1A0] =	vst v2;
	v2 =	vmul.u32 v0, v3  }
0x6f: {  	[tilespmem:s25+$0x1B0] =	vst v1;
	v1 =	vmul.u32 v0, v4  }
0x70: {  	[tilespmem:s25+$0x1C0] =	vst v2;
	v2 =	vmul.u32 v0, v5  }
0x71: {  	[tilespmem:s25+$0x1D0] =	vst v1;
	v0 =	vmul.u32 v0, v63  }
0x72: {  	[tilespmem:s25+$0x1E0] =	vst v2  }
0x73: {  	[tilespmem:s25+$0x1F0] =	vst v0  }
0x74: {  	s26 =	simm.s32 $0x0;
	[bflag:$0x0] =	sbarrier.arrive $0xFFFF  }
0x75: {  	v0 =	vld [tilespmem:$0x10C10];
	[tilespmem:s18], [sflag:$0x1] =	stream.indirect.gather [hbm4b:s2+s17], $0x10, s26, s17, $0xb8  }
0x76: {  	s28 =	simm.s32 $0x200  }
0x77: {  	[tilespmem:s19], [sflag:$0x2] =	stream.indirect.gather [hbm4b:s2+s17], $0x10, s28, s17, $0xb8;
	[tilespmem:$0x1D020] =	vst v63  }
0x78: {  	_ =	swait.ge [sflag:s20], $0x2000  }
0x79: {  	[sflag:s20] =	ssyncset.done $0x0  }
0x7a: {  	s29 =	simm.s32 $0x6200;
	[sflag:s20] =	ssyncadd.s32 $0xFFFFE000  }
0x7b: {  	[spmem:s3] =	stream.indirect.scatter.add.f32 [tilespmem:s18], [sflag:$0x3], $0x10, s29, s17, $0xb8;
	[tilespmem:$0x1D020] =	vst v63  }
0x7c: {  	_ =	swait.ge [sflag:s14], $0x2000  }
0x7d: {  	[sflag:s14] =	ssyncset.done $0x0  }
0x7e: {  	s30 =	simm.s32 $0x400;
	[sflag:s14] =	ssyncadd.s32 $0xFFFFE000  }
0x7f: {  	[tilespmem:s18], [sflag:$0x1] =	stream.indirect.gather [hbm4b:s2+s17], $0x10, s30, s17, $0xb8;
	[tilespmem:$0x1D020] =	vst v63  }
0x80: {  	_ =	swait.ge [sflag:s21], $0x2000  }
0x81: {  	[sflag:s21] =	ssyncset.done $0x0  }
0x82: {  	s31 =	simm.s32 $0x6400;
	[sflag:s21] =	ssyncadd.s32 $0xFFFFE000  }
0x83: {  	[spmem:s3] =	stream.indirect.scatter.add.f32 [tilespmem:s19], [sflag:$0x3], $0x10, s31, s17, $0xb8;
	[tilespmem:$0x1D020] =	vst v63  }
0x84: {  	_ =	swait.ge [sflag:s14], $0x2000  }
0x85: {  	s25 =	simm.s32 $0x400;
	s26 =	simm.s32 $0x2000;
	[sflag:s14] =	ssyncset.done $0x0  }
.LBB2_6:
0x86: {  	s28 =	sadd.s32 $0x200, s25  }
0x87: {  	[sflag:s14] =	ssyncadd.s32 $0xFFFFE000;
	s29 =	smov.u32 s26;
	s30 =	sadd.s32 $0x1000, s26  }
0x88: {  	[tilespmem:s19], [sflag:$0x2] =	stream.indirect.gather [hbm4b:s2+s17], $0x10, s28, s17, $0xb8;
	[tilespmem:$0x1D020] =	vst v63  }
0x89: {  	p0 =	sne.s32 s26, $0x17000;
	_ =	swait.ge [sflag:s20], $0x2000  }
0x8a: {  	[sflag:s20] =	ssyncset.done $0x0  }
0x8b: {  	s26 =	sadd.s32 $0x6200, s25;
	[sflag:s20] =	ssyncadd.s32 $0xFFFFE000  }
0x8c: {  	[spmem:s3] =	stream.indirect.scatter.add.f32 [tilespmem:s18], [sflag:$0x3], $0x10, s26, s17, $0xb8;
	[tilespmem:$0x1D020] =	vst v63  }
0x8d: {  	_ =	swait.ge [sflag:s14], $0x2000  }
0x8e: {  	[sflag:s14] =	ssyncset.done $0x0  }
0x8f: {  	s26 =	sadd.s32 $0x400, s25;
	[sflag:s14] =	ssyncadd.s32 $0xFFFFE000  }
0x90: {  	[tilespmem:s18], [sflag:$0x1] =	stream.indirect.gather [hbm4b:s2+s17], $0x10, s26, s17, $0xb8;
	[tilespmem:$0x1D020] =	vst v63  }
0x91: {  	_ =	swait.ge [sflag:s21], $0x2000  }
.Ltmp2:
0x92: {  	[sflag:s21] =	ssyncset.done $0x0;
	(pc) =	sbr.rel @p0 .LBB2_6-.Ltmp2, $4  }
0x93: {  	s25 =	sadd.s32 $0x6400, s25;
	[sflag:s21] =	ssyncadd.s32 $0xFFFFE000  }
0x94: {  	[spmem:s3] =	stream.indirect.scatter.add.f32 [tilespmem:s19], [sflag:$0x3], $0x10, s25, s17, $0xb8;
	[tilespmem:$0x1D020] =	vst v63  }
0x95: {  	_ =	swait.ge [sflag:s14], $0x2000  }
0x96: {  	s26 =	smov.u32 s30;
	s25 =	sshra.s32 s29, $0x2;
	[sflag:s14] =	ssyncset.done $0x0  }
0x97: {  	s26 =	sadd.s32 $0x200, s25;
	[sflag:s14] =	ssyncadd.s32 $0xFFFFE000  }
0x98: {  	[tilespmem:s19], [sflag:$0x2] =	stream.indirect.gather [hbm4b:s2+s17], $0x10, s26, s17, $0xb8;
	[tilespmem:$0x1D020] =	vst v63  }
0x99: {  	_ =	swait.ge [sflag:s20], $0x2000  }
0x9a: {  	[sflag:s20] =	ssyncset.done $0x0  }
0x9b: {  	s31 =	sadd.s32 $0x6200, s25;
	[sflag:s20] =	ssyncadd.s32 $0xFFFFE000  }
0x9c: {  	[spmem:s3] =	stream.indirect.scatter.add.f32 [tilespmem:s18], [sflag:$0x3], $0x10, s31, s17, $0xb8;
	[tilespmem:$0x1D020] =	vst v63  }
0x9d: {  	_ =	swait.ge [sflag:s14], $0x2000  }
0x9e: {  	[sflag:s14] =	ssyncset.done $0x0  }
0x9f: {  	s29 =	sadd.s32 $0x400, s25;
	[sflag:s14] =	ssyncadd.s32 $0xFFFFE000  }
0xa0: {  	[tilespmem:s18], [sflag:$0x1] =	stream.indirect.gather [hbm4b:s2+s17], $0x10, s29, s17, $0xb8;
	[tilespmem:$0x1D020] =	vst v63  }
0xa1: {  	_ =	swait.ge [sflag:s21], $0x2000  }
0xa2: {  	[sflag:s21] =	ssyncset.done $0x0  }
0xa3: {  	s30 =	sadd.s32 $0x6400, s25;
	[sflag:s21] =	ssyncadd.s32 $0xFFFFE000  }
0xa4: {  	[spmem:s3] =	stream.indirect.scatter.add.f32 [tilespmem:s19], [sflag:$0x3], $0x10, s30, s17, $0xb8;
	[tilespmem:$0x1D020] =	vst v63  }
0xa5: {  	_ =	swait.ge [sflag:s14], $0x2000  }
0xa6: {  	[sflag:s14] =	ssyncset.done $0x0  }
0xa7: {  	[sflag:s14] =	ssyncadd.s32 $0xFFFFE000  }
0xa8: {  	_ =	swait.ge [sflag:s20], $0x2000  }
0xa9: {  	[sflag:s20] =	ssyncset.done $0x0  }
0xaa: {  	[sflag:s20] =	ssyncadd.s32 $0xFFFFE000  }
0xab: {  	[spmem:s3] =	stream.indirect.scatter.add.f32 [tilespmem:s18], [sflag:$0x3], $0x10, s22, s17, $0xb8;
	[tilespmem:$0x1D020] =	vst v63  }
0xac: {  	_ =	swait.ge [sflag:s14], $0x2000  }
0xad: {  	[sflag:s14] =	ssyncset.done $0x0  }
0xae: {  	[sflag:s14] =	ssyncadd.s32 $0xFFFFE000  }
0xaf: {  	[bflag:$0x0] =	sbarrier.arrive $0xFFFF  }
0xb0: {  	[tilespmem:s23], [sflag:$0x3] =	stream.linear.gather [spmem:s7], $0x400, $0x38;
	[tilespmem:$0x1D020] =	vst v63  }
0xb1: {  	_ =	swait.ge [sflag:s14], $0x400  }
0xb2: {  	[sflag:s14] =	ssyncset.done $0x0  }
0xb3: {  	s25 =	simm.s32 $0x0;
	s31 =	sadd.s32 $0x0, s11;
	[sflag:s14] =	ssyncadd.s32 $0xFFFFFC00  }
0xb4: {  	[hbm4b:s31+s25] =	stream.linear.scatter [tilespmem:s23], [sflag:$0x3], $0x400, $0x38;
	[tilespmem:$0x1D020] =	vst v63  }
0xb5: {  	_ =	swait.ge [sflag:s14], $0x400  }
0xb6: {  	[sflag:s14] =	ssyncset.done $0x0  }
0xb7: {  	[sflag:s14] =	ssyncadd.s32 $0xFFFFFC00  }
0xb8: {  	[spmem:s7] =	stream.linear.scatter [tilespmem:s13], [sflag:$0x3], $0x400, $0x38;
	[tilespmem:$0x1D020] =	vst v63  }
0xb9: {  	_ =	swait.ge [sflag:s14], $0x400  }
0xba: {  	s28 =	smov.u32 s7;
	s26 =	simm.s32 $0x80;
	[sflag:s14] =	ssyncset.done $0x0  }
.LBB2_8:
0xbb: {  	p0 =	sne.s32 s26, $0x1800;
	[sflag:s14] =	ssyncadd.s32 $0xFFFFFC00;
	s28 =	sadd.s32 $0x400, s28  }
0xbc: {  	[tilespmem:s23], [sflag:$0x3] =	stream.linear.gather [spmem:s28], $0x400, $0x38;
	[tilespmem:$0x1D020] =	vst v63  }
0xbd: {  	s29 =	smov.u32 s26;
	s26 =	sadd.s32 $0x80, s26;
	_ =	swait.ge [sflag:s14], $0x400  }
0xbe: {  	[sflag:s14] =	ssyncset.done $0x0  }
0xbf: {  	s29 =	sadd.s32 s29, s11;
	[sflag:s14] =	ssyncadd.s32 $0xFFFFFC00  }
0xc0: {  	[hbm4b:s29+s25] =	stream.linear.scatter [tilespmem:s23], [sflag:$0x3], $0x400, $0x38;
	[tilespmem:$0x1D020] =	vst v63  }
0xc1: {  	_ =	swait.ge [sflag:s14], $0x400  }
.Ltmp3:
0xc2: {  	[sflag:s14] =	ssyncset.done $0x0;
	(pc) =	sbr.rel @p0 .LBB2_8-.Ltmp3, $4  }
0xc3: {  	[sflag:s14] =	ssyncadd.s32 $0xFFFFFC00  }
0xc4: {  	[spmem:s28] =	stream.linear.scatter [tilespmem:s13], [sflag:$0x3], $0x400, $0x38;
	[tilespmem:$0x1D020] =	vst v63  }
0xc5: {  	_ =	swait.ge [sflag:s14], $0x400  }
0xc6: {  	[sflag:s14] =	ssyncset.done $0x0  }
0xc7: {  	[sflag:s14] =	ssyncadd.s32 $0xFFFFFC00;
	s25 =	simm.s32 $0x0  }
0xc8: {  	v1 =	vld [tilespmem:s25+$0x0]  }
0xc9: {  	v2 =	vld [tilespmem:s25+$0x10]  }
0xca: {  	v3 =	vld [tilespmem:s25+$0x20]  }
0xcb: {  	v4 =	vld [tilespmem:s25+$0x30]  }
0xcc: {  	v5 =	vld [tilespmem:s25+$0x40]  }
0xcd: {  	v6 =	vld [tilespmem:s25+$0x50];
	v1 =	vadd.s32 v0, v1  }
0xce: {  	[tilespmem:s25+$0x0] =	vst v1;
	v1 =	vadd.s32 v0, v2;
	v2 =	vld [tilespmem:s25+$0x60]  }
0xcf: {  	[tilespmem:s25+$0x10] =	vst v1;
	v1 =	vadd.s32 v0, v3;
	v3 =	vld [tilespmem:s25+$0x70]  }
0xd0: {  	[tilespmem:s25+$0x20] =	vst v1;
	v1 =	vadd.s32 v0, v4;
	v4 =	vld [tilespmem:s25+$0x80]  }
0xd1: {  	[tilespmem:s25+$0x30] =	vst v1;
	v1 =	vadd.s32 v0, v5;
	v5 =	vld [tilespmem:s25+$0x90]  }
0xd2: {  	[tilespmem:s25+$0x40] =	vst v1;
	v1 =	vadd.s32 v0, v6;
	v6 =	vld [tilespmem:s25+$0xA0]  }
0xd3: {  	[tilespmem:s25+$0x50] =	vst v1;
	v1 =	vadd.s32 v0, v2;
	v2 =	vld [tilespmem:s25+$0xB0]  }
0xd4: {  	[tilespmem:s25+$0x60] =	vst v1;
	v1 =	vadd.s32 v0, v3;
	v3 =	vld [tilespmem:s25+$0xC0]  }
0xd5: {  	[tilespmem:s25+$0x70] =	vst v1;
	v1 =	vadd.s32 v0, v4;
	v4 =	vld [tilespmem:s25+$0xD0]  }
0xd6: {  	[tilespmem:s25+$0x80] =	vst v1;
	v1 =	vadd.s32 v0, v5;
	v5 =	vld [tilespmem:s25+$0xE0]  }
0xd7: {  	[tilespmem:s25+$0x90] =	vst v1;
	v1 =	vadd.s32 v0, v6;
	v6 =	vld [tilespmem:s25+$0xF0]  }
0xd8: {  	[tilespmem:s25+$0xA0] =	vst v1;
	v1 =	vadd.s32 v0, v2;
	v2 =	vld [tilespmem:s25+$0x100]  }
0xd9: {  	[tilespmem:s25+$0xB0] =	vst v1;
	v1 =	vadd.s32 v0, v3;
	v3 =	vld [tilespmem:s25+$0x110]  }
0xda: {  	[tilespmem:s25+$0xC0] =	vst v1;
	v1 =	vadd.s32 v0, v4;
	v4 =	vld [tilespmem:s25+$0x120]  }
0xdb: {  	[tilespmem:s25+$0xD0] =	vst v1;
	v1 =	vadd.s32 v0, v5;
	v5 =	vld [tilespmem:s25+$0x130]  }
0xdc: {  	[tilespmem:s25+$0xE0] =	vst v1;
	v1 =	vadd.s32 v0, v6;
	v6 =	vld [tilespmem:s25+$0x140]  }
0xdd: {  	[tilespmem:s25+$0xF0] =	vst v1;
	v1 =	vadd.s32 v0, v2;
	v2 =	vld [tilespmem:s25+$0x150]  }
0xde: {  	[tilespmem:s25+$0x100] =	vst v1;
	v1 =	vadd.s32 v0, v3;
	v3 =	vld [tilespmem:s25+$0x160]  }
0xdf: {  	[tilespmem:s25+$0x110] =	vst v1;
	v1 =	vadd.s32 v0, v4;
	v4 =	vld [tilespmem:s25+$0x170]  }
0xe0: {  	[tilespmem:s25+$0x120] =	vst v1;
	v1 =	vadd.s32 v0, v5;
	v5 =	vld [tilespmem:s25+$0x180]  }
0xe1: {  	[tilespmem:s25+$0x130] =	vst v1;
	v1 =	vadd.s32 v0, v6;
	v6 =	vld [tilespmem:s25+$0x190]  }
0xe2: {  	[tilespmem:s25+$0x140] =	vst v1;
	v1 =	vadd.s32 v0, v2;
	v2 =	vld [tilespmem:s25+$0x1A0]  }
0xe3: {  	[tilespmem:s25+$0x150] =	vst v1;
	v3 =	vadd.s32 v0, v3;
	v1 =	vld [tilespmem:s25+$0x1B0]  }
0xe4: {  	[tilespmem:s25+$0x160] =	vst v3;
	v4 =	vadd.s32 v0, v4;
	v3 =	vld [tilespmem:s25+$0x1C0]  }
0xe5: {  	[tilespmem:s25+$0x170] =	vst v4;
	v5 =	vadd.s32 v0, v5;
	v4 =	vld [tilespmem:s25+$0x1D0]  }
0xe6: {  	s26 =	simm.s32 $0x800;
	[tilespmem:s25+$0x180] =	vst v5;
	v6 =	vadd.s32 v0, v6;
	v5 =	vld [tilespmem:s25+$0x1E0]  }
.LBB2_10:
0xe7: {  	s28 =	sshra.s32 s26, $0x2;
	p0 =	sne.s32 s26, $0x18000;
	[tilespmem:s25+$0x190] =	vst v6;
	v2 =	vadd.s32 v0, v2;
	v6 =	vld [tilespmem:s25+$0x1F0]  }
0xe8: {  	v7 =	vld [tilespmem:s28+$0x0];
	[tilespmem:s25+$0x1A0] =	vst v2;
	v1 =	vadd.s32 v0, v1  }
0xe9: {  	v2 =	vld [tilespmem:s28+$0x10];
	[tilespmem:s25+$0x1B0] =	vst v1;
	v1 =	vadd.s32 v0, v3  }
0xea: {  	v3 =	vld [tilespmem:s28+$0x20];
	[tilespmem:s25+$0x1C0] =	vst v1;
	v1 =	vadd.s32 v0, v4  }
0xeb: {  	v4 =	vld [tilespmem:s28+$0x30];
	[tilespmem:s25+$0x1D0] =	vst v1;
	v1 =	vadd.s32 v0, v5  }
0xec: {  	v5 =	vld [tilespmem:s28+$0x40];
	[tilespmem:s25+$0x1E0] =	vst v1;
	v1 =	vadd.s32 v0, v6  }
0xed: {  	v6 =	vadd.s32 v0, v7;
	v7 =	vld [tilespmem:s28+$0x50];
	[tilespmem:s25+$0x1F0] =	vst v1;
	s25 =	smov.u32 s28  }
0xee: {  	[tilespmem:s25+$0x0] =	vst v6;
	v1 =	vadd.s32 v0, v2;
	v2 =	vld [tilespmem:s25+$0x60]  }
0xef: {  	[tilespmem:s25+$0x10] =	vst v1;
	v1 =	vadd.s32 v0, v3;
	v3 =	vld [tilespmem:s25+$0x70]  }
0xf0: {  	[tilespmem:s25+$0x20] =	vst v1;
	v1 =	vadd.s32 v0, v4;
	v4 =	vld [tilespmem:s25+$0x80]  }
0xf1: {  	[tilespmem:s25+$0x30] =	vst v1;
	v1 =	vadd.s32 v0, v5;
	v5 =	vld [tilespmem:s25+$0x90]  }
0xf2: {  	[tilespmem:s25+$0x40] =	vst v1;
	v1 =	vadd.s32 v0, v7;
	v6 =	vld [tilespmem:s25+$0xA0]  }
0xf3: {  	[tilespmem:s25+$0x50] =	vst v1;
	v1 =	vadd.s32 v0, v2;
	v2 =	vld [tilespmem:s25+$0xB0]  }
0xf4: {  	[tilespmem:s25+$0x60] =	vst v1;
	v1 =	vadd.s32 v0, v3;
	v3 =	vld [tilespmem:s25+$0xC0]  }
0xf5: {  	[tilespmem:s25+$0x70] =	vst v1;
	v1 =	vadd.s32 v0, v4;
	v4 =	vld [tilespmem:s25+$0xD0]  }
0xf6: {  	[tilespmem:s25+$0x80] =	vst v1;
	v1 =	vadd.s32 v0, v5;
	v5 =	vld [tilespmem:s25+$0xE0]  }
0xf7: {  	[tilespmem:s25+$0x90] =	vst v1;
	v1 =	vadd.s32 v0, v6;
	v6 =	vld [tilespmem:s25+$0xF0]  }
0xf8: {  	[tilespmem:s25+$0xA0] =	vst v1;
	v1 =	vadd.s32 v0, v2;
	v2 =	vld [tilespmem:s25+$0x100]  }
0xf9: {  	[tilespmem:s25+$0xB0] =	vst v1;
	v1 =	vadd.s32 v0, v3;
	v3 =	vld [tilespmem:s25+$0x110]  }
0xfa: {  	[tilespmem:s25+$0xC0] =	vst v1;
	v1 =	vadd.s32 v0, v4;
	v4 =	vld [tilespmem:s25+$0x120]  }
0xfb: {  	[tilespmem:s25+$0xD0] =	vst v1;
	v1 =	vadd.s32 v0, v5;
	v5 =	vld [tilespmem:s25+$0x130]  }
0xfc: {  	[tilespmem:s25+$0xE0] =	vst v1;
	v1 =	vadd.s32 v0, v6;
	v6 =	vld [tilespmem:s25+$0x140]  }
0xfd: {  	[tilespmem:s25+$0xF0] =	vst v1;
	v1 =	vadd.s32 v0, v2;
	v2 =	vld [tilespmem:s25+$0x150]  }
0xfe: {  	[tilespmem:s25+$0x100] =	vst v1;
	v1 =	vadd.s32 v0, v3;
	v3 =	vld [tilespmem:s25+$0x160]  }
0xff: {  	[tilespmem:s25+$0x110] =	vst v1;
	v1 =	vadd.s32 v0, v4;
	v4 =	vld [tilespmem:s25+$0x170]  }
0x100: {  	[tilespmem:s25+$0x120] =	vst v1;
	v1 =	vadd.s32 v0, v5;
	v5 =	vld [tilespmem:s25+$0x180]  }
0x101: {  	[tilespmem:s25+$0x130] =	vst v1;
	v1 =	vadd.s32 v0, v6;
	v6 =	vld [tilespmem:s25+$0x190]  }
.Ltmp4:
0x102: {  	[tilespmem:s25+$0x140] =	vst v1;
	v1 =	vadd.s32 v0, v2;
	v2 =	vld [tilespmem:s25+$0x1A0];
	(pc) =	sbr.rel @p0 .LBB2_10-.Ltmp4, $4  }
0x103: {  	[tilespmem:s25+$0x150] =	vst v1;
	v3 =	vadd.s32 v0, v3;
	v1 =	vld [tilespmem:s25+$0x1B0]  }
0x104: {  	[tilespmem:s25+$0x160] =	vst v3;
	v4 =	vadd.s32 v0, v4;
	v3 =	vld [tilespmem:s25+$0x1C0]  }
0x105: {  	[tilespmem:s25+$0x170] =	vst v4;
	v5 =	vadd.s32 v0, v5;
	v4 =	vld [tilespmem:s25+$0x1D0]  }
0x106: {  	s26 =	sadd.s32 $0x800, s26;
	[tilespmem:s25+$0x180] =	vst v5;
	v6 =	vadd.s32 v0, v6;
	v5 =	vld [tilespmem:s25+$0x1E0]  }
0x107: {  	[tilespmem:s25+$0x190] =	vst v6;
	v2 =	vadd.s32 v0, v2;
	v59 =	vld [tilespmem:s25+$0x1F0]  }
0x108: {  	[tilespmem:s25+$0x1A0] =	vst v2;
	v1 =	vadd.s32 v0, v1  }
0x109: {  	[tilespmem:s25+$0x1B0] =	vst v1;
	v60 =	vadd.s32 v0, v3  }
0x10a: {  	[tilespmem:s25+$0x1C0] =	vst v60;
	v61 =	vadd.s32 v0, v4  }
0x10b: {  	[tilespmem:s25+$0x1D0] =	vst v61;
	v62 =	vadd.s32 v0, v5  }
0x10c: {  	[tilespmem:s25+$0x1E0] =	vst v62;
	v63 =	vadd.s32 v0, v59  }
0x10d: {  	[tilespmem:s25+$0x1F0] =	vst v63  }
0x10e: {  	s26 =	simm.s32 $0x0;
	[bflag:$0x0] =	sbarrier.arrive $0xFFFF  }
0x10f: {  	[tilespmem:s18], [sflag:$0x1] =	stream.indirect.gather [hbm4b:s2+s17], $0x10, s26, s17, $0xb8;
	[tilespmem:$0x1D020] =	vst v63  }
0x110: {  	s28 =	simm.s32 $0x200  }
0x111: {  	[tilespmem:s19], [sflag:$0x2] =	stream.indirect.gather [hbm4b:s2+s17], $0x10, s28, s17, $0xb8;
	[tilespmem:$0x1D020] =	vst v63  }
0x112: {  	_ =	swait.ge [sflag:s20], $0x2000  }
0x113: {  	[sflag:s20] =	ssyncset.done $0x0  }
0x114: {  	s29 =	simm.s32 $0x6200;
	[sflag:s20] =	ssyncadd.s32 $0xFFFFE000  }
0x115: {  	[spmem:s3] =	stream.indirect.scatter.add.f32 [tilespmem:s18], [sflag:$0x3], $0x10, s29, s17, $0xb8;
	[tilespmem:$0x1D020] =	vst v63  }
0x116: {  	_ =	swait.ge [sflag:s14], $0x2000  }
0x117: {  	[sflag:s14] =	ssyncset.done $0x0  }
0x118: {  	s30 =	simm.s32 $0x400;
	[sflag:s14] =	ssyncadd.s32 $0xFFFFE000  }
0x119: {  	[tilespmem:s18], [sflag:$0x1] =	stream.indirect.gather [hbm4b:s2+s17], $0x10, s30, s17, $0xb8;
	[tilespmem:$0x1D020] =	vst v63  }
0x11a: {  	_ =	swait.ge [sflag:s21], $0x2000  }
0x11b: {  	[sflag:s21] =	ssyncset.done $0x0  }
0x11c: {  	s31 =	simm.s32 $0x6400;
	[sflag:s21] =	ssyncadd.s32 $0xFFFFE000  }
0x11d: {  	[spmem:s3] =	stream.indirect.scatter.add.f32 [tilespmem:s19], [sflag:$0x3], $0x10, s31, s17, $0xb8;
	[tilespmem:$0x1D020] =	vst v63  }
0x11e: {  	_ =	swait.ge [sflag:s14], $0x2000  }
0x11f: {  	s25 =	simm.s32 $0x400;
	s26 =	simm.s32 $0x2000;
	[sflag:s14] =	ssyncset.done $0x0  }
.LBB2_12:
0x120: {  	s28 =	sadd.s32 $0x200, s25  }
0x121: {  	[sflag:s14] =	ssyncadd.s32 $0xFFFFE000;
	s29 =	smov.u32 s26;
	s30 =	sadd.s32 $0x1000, s26  }
0x122: {  	[tilespmem:s19], [sflag:$0x2] =	stream.indirect.gather [hbm4b:s2+s17], $0x10, s28, s17, $0xb8;
	[tilespmem:$0x1D020] =	vst v63  }
0x123: {  	p0 =	sne.s32 s26, $0x17000;
	_ =	swait.ge [sflag:s20], $0x2000  }
0x124: {  	[sflag:s20] =	ssyncset.done $0x0  }
0x125: {  	s26 =	sadd.s32 $0x6200, s25;
	[sflag:s20] =	ssyncadd.s32 $0xFFFFE000  }
0x126: {  	[spmem:s3] =	stream.indirect.scatter.add.f32 [tilespmem:s18], [sflag:$0x3], $0x10, s26, s17, $0xb8;
	[tilespmem:$0x1D020] =	vst v63  }
0x127: {  	_ =	swait.ge [sflag:s14], $0x2000  }
0x128: {  	[sflag:s14] =	ssyncset.done $0x0  }
0x129: {  	s26 =	sadd.s32 $0x400, s25;
	[sflag:s14] =	ssyncadd.s32 $0xFFFFE000  }
0x12a: {  	[tilespmem:s18], [sflag:$0x1] =	stream.indirect.gather [hbm4b:s2+s17], $0x10, s26, s17, $0xb8;
	[tilespmem:$0x1D020] =	vst v63  }
0x12b: {  	_ =	swait.ge [sflag:s21], $0x2000  }
.Ltmp5:
0x12c: {  	[sflag:s21] =	ssyncset.done $0x0;
	(pc) =	sbr.rel @p0 .LBB2_12-.Ltmp5, $4  }
0x12d: {  	s25 =	sadd.s32 $0x6400, s25;
	[sflag:s21] =	ssyncadd.s32 $0xFFFFE000  }
0x12e: {  	[spmem:s3] =	stream.indirect.scatter.add.f32 [tilespmem:s19], [sflag:$0x3], $0x10, s25, s17, $0xb8;
	[tilespmem:$0x1D020] =	vst v63  }
0x12f: {  	_ =	swait.ge [sflag:s14], $0x2000  }
0x130: {  	s26 =	smov.u32 s30;
	s25 =	sshra.s32 s29, $0x2;
	[sflag:s14] =	ssyncset.done $0x0  }
0x131: {  	s26 =	sadd.s32 $0x200, s25;
	[sflag:s14] =	ssyncadd.s32 $0xFFFFE000  }
0x132: {  	[tilespmem:s19], [sflag:$0x2] =	stream.indirect.gather [hbm4b:s2+s17], $0x10, s26, s17, $0xb8;
	[tilespmem:$0x1D020] =	vst v63  }
0x133: {  	_ =	swait.ge [sflag:s20], $0x2000  }
0x134: {  	[sflag:s20] =	ssyncset.done $0x0  }
0x135: {  	s28 =	sadd.s32 $0x6200, s25;
	[sflag:s20] =	ssyncadd.s32 $0xFFFFE000  }
0x136: {  	[spmem:s3] =	stream.indirect.scatter.add.f32 [tilespmem:s18], [sflag:$0x3], $0x10, s28, s17, $0xb8;
	[tilespmem:$0x1D020] =	vst v63  }
0x137: {  	_ =	swait.ge [sflag:s14], $0x2000  }
0x138: {  	[sflag:s14] =	ssyncset.done $0x0  }
0x139: {  	s29 =	sadd.s32 $0x400, s25;
	[sflag:s14] =	ssyncadd.s32 $0xFFFFE000  }
0x13a: {  	[tilespmem:s18], [sflag:$0x1] =	stream.indirect.gather [hbm4b:s2+s17], $0x10, s29, s17, $0xb8;
	[tilespmem:$0x1D020] =	vst v63  }
0x13b: {  	_ =	swait.ge [sflag:s21], $0x2000  }
0x13c: {  	[sflag:s21] =	ssyncset.done $0x0  }
0x13d: {  	s30 =	sadd.s32 $0x6400, s25;
	[sflag:s21] =	ssyncadd.s32 $0xFFFFE000  }
0x13e: {  	[spmem:s3] =	stream.indirect.scatter.add.f32 [tilespmem:s19], [sflag:$0x3], $0x10, s30, s17, $0xb8;
	[tilespmem:$0x1D020] =	vst v63  }
0x13f: {  	_ =	swait.ge [sflag:s14], $0x2000  }
0x140: {  	[sflag:s14] =	ssyncset.done $0x0  }
0x141: {  	[sflag:s14] =	ssyncadd.s32 $0xFFFFE000  }
0x142: {  	_ =	swait.ge [sflag:s20], $0x2000  }
0x143: {  	[sflag:s20] =	ssyncset.done $0x0  }
0x144: {  	[sflag:s20] =	ssyncadd.s32 $0xFFFFE000  }
0x145: {  	[spmem:s3] =	stream.indirect.scatter.add.f32 [tilespmem:s18], [sflag:$0x3], $0x10, s22, s17, $0xb8;
	[tilespmem:$0x1D020] =	vst v63  }
0x146: {  	_ =	swait.ge [sflag:s14], $0x2000  }
0x147: {  	[sflag:s14] =	ssyncset.done $0x0  }
0x148: {  	[sflag:s14] =	ssyncadd.s32 $0xFFFFE000  }
0x149: {  	[bflag:$0x0] =	sbarrier.arrive $0xFFFF  }
0x14a: {  	[tilespmem:s23], [sflag:$0x3] =	stream.linear.gather [spmem:s7], $0x400, $0x38;
	[tilespmem:$0x1D020] =	vst v63  }
0x14b: {  	_ =	swait.ge [sflag:s14], $0x400  }
0x14c: {  	[sflag:s14] =	ssyncset.done $0x0  }
0x14d: {  	s31 =	sadd.s32 $0x0, s12;
	[sflag:s14] =	ssyncadd.s32 $0xFFFFFC00  }
0x14e: {  	[hbm4b:s31+s4] =	stream.linear.scatter [tilespmem:s23], [sflag:$0x3], $0x400, $0x38;
	[tilespmem:$0x1D020] =	vst v63  }
0x14f: {  	_ =	swait.ge [sflag:s14], $0x400  }
0x150: {  	s25 =	simm.s32 $0x80;
	s26 =	smov.u32 s7;
	[sflag:s14] =	ssyncset.done $0x0  }
.LBB2_14:
0x151: {  	p0 =	sne.s32 s25, $0x1800;
	[sflag:s14] =	ssyncadd.s32 $0xFFFFFC00;
	s26 =	sadd.s32 $0x400, s26  }
0x152: {  	[tilespmem:s23], [sflag:$0x3] =	stream.linear.gather [spmem:s26], $0x400, $0x38;
	[tilespmem:$0x1D020] =	vst v63  }
0x153: {  	s28 =	smov.u32 s25;
	s25 =	sadd.s32 $0x80, s25;
	_ =	swait.ge [sflag:s14], $0x400  }
.Ltmp6:
0x154: {  	[sflag:s14] =	ssyncset.done $0x0;
	(pc) =	sbr.rel @p0 .LBB2_14-.Ltmp6, $4  }
0x155: {  	s28 =	sadd.s32 s28, s12;
	[sflag:s14] =	ssyncadd.s32 $0xFFFFFC00  }
0x156: {  	[hbm4b:s28+s4] =	stream.linear.scatter [tilespmem:s23], [sflag:$0x3], $0x400, $0x38;
	[tilespmem:$0x1D020] =	vst v63  }
0x157: {  	_ =	swait.ge [sflag:s14], $0x400  }
0x158: {  	[sflag:s14] =	ssyncset.done $0x0  }
0x159: {  	s24 =	sadd.s32 $0x1, s24  }
0x15a: {  	p0 =	sne.s32 s24, s10  }
.Ltmp7:
0x15b: {  	_ = 	snop;
	(pc) =	sbr.rel @p0 .LBB2_1-.Ltmp7, $2  }
0x15c: {  	_ =	sdelay $0x2  }
0x15d: {  	[sflag:s14] =	ssyncadd.s32 $0xFFFFFC00  }
0x15e: {  	_ =	sfence.sel $0x180000  }
0x15f: {  	[bflag:$0x0] =	sbarrier.arrive $0xFFFF  }
0x160: {  	p0 =	sne.s32 s0, $0x0;
	_ =	strace $0x9000004D  }
0x161: {  	s0 =	sadd.s32 @!p0 $0x100000, s1;
	[bflag:$0x2] =	sbarrier.arrive $0xFFFF  }
0x162: {  	[sflag:s0] =	ssyncadd.tile.s32 @!p0 $0x1;
	_ =	shalt  }
.Lfunc_end2:
_tile_overlayer_lowered:
.L_overlay_start_2:
0x163: {  	(tag) =	ssettag $0x2  }
0x164: {  	s0 =	rddreg [dreg:$0x0];
	s2 =	stileid.u32  }
0x165: {  	s1 =	rddreg [dreg:$0x1];
	p0 =	sne.s32 s2, $0x0  }
0x166: {  	s3 =	rddreg [dreg:$0x2];
	[bflag:$0x3] =	sbarrier.arrive $0xFFFF;
	s2 =	simm.s32 @!p0 $0x1C03  }
0x167: {  	[timem:s3], [sflag:s2] =	dma.local @!p0 [hbm:s0], s1  }
0x168: {  	s0 =	simm.s32 @!p0 $0x3  }
0x169: {  	_ =	swait.ge @!p0 [sflag:s0], s1  }
0x16a: {  	s1 =	ssub.s32 @!p0 $0x0, s1;
	[sflag:s0] =	ssyncset.done @!p0 $0x0  }
0x16b: {  	[sflag:s0] =	ssyncadd.s32 @!p0 s1  }
0x16c: {  	[bflag:$0x3] =	sbarrier.arrive $0xFFFF  }
0x16d: {  	_ =	shalt  }

// kernel: kernel.8.cloned.1.call-start
scs
__scs_entry_jumppad:
0x0: {  	(pc) =	sbr.rel $0x88, $3  }
0x1: {  	(tag) =	ssettag $0x0;
	lr =	simm.s32 $0x1  }
0x2: {  	[smem:$0x3F96] =	sst lr;
	_ =	strace $0xD0000000  }
0x3: {  	_ = 	snop  }
0x4: {  	_ = 	snop  }
0x5: {  	_ = 	snop  }
0x6: {  	_ = 	snop  }
0x7: {  	_ = 	snop  }
__scs_overlays_trampoline_lowered:
0x8: {  	[smem:$0x3FA5] =	sst s0  }
0x9: {  	[smem:$0x3FA6] =	sst s1  }
0xa: {  	[smem:$0x3FA7] =	sst s2  }
0xb: {  	[smem:$0x3FA8] =	sst s3  }
0xc: {  	[smem:$0x3FA9] =	sst s4  }
0xd: {  	[smem:$0x3FAA] =	sst s5  }
0xe: {  	[smem:$0x3FAB] =	sst s6  }
0xf: {  	[smem:$0x3FAC] =	sst s7  }
0x10: {  	[smem:$0x3FAD] =	sst s8  }
0x11: {  	[smem:$0x3FAE] =	sst s9;
	s0 =	simm.s32 @!p0 $0x0  }
0x12: {  	s1 =	sld [smem:$0x3F94];
	s0 =	simm.s32 @p0 $0x1  }
0x13: {  	[smem:$0x3FAF] =	sst s0;
	s0 =	simm.s32 @!p1 $0x0  }
0x14: {  	s2 =	sld [smem:$0x3F93];
	s0 =	simm.s32 @p1 $0x1  }
0x15: {  	[smem:$0x3FB0] =	sst s0;
	s0 =	simm.s32 @!p2 $0x0  }
0x16: {  	s3 =	sld [smem:$0x3FDB];
	s0 =	simm.s32 @p2 $0x1  }
0x17: {  	s4 =	simm.s32 $0x1BF5;
	[smem:$0x3FB2] =	sst s0  }
0x18: {  	s0 =	sld [smem:$0x3F95];
	_ =	swait.ge [sflag:s4], $0x0  }
0x19: {  	s7 =	sld [smem:$0x3F96]  }
0x1a: {  	s8 =	sadd.s32 $0xFFFFE003, lr  }
0x1b: {  	s9 =	sadd.s32 $0xFFFFFEF7, lr;
	s5 =	simm.s32 $0xFFFFFFFF;
	p2 =	slt.u32 s8, $0xFFFFF086  }
0x1c: {  	p1 =	slt.u32 s9, $0xF7A;
	s5 =	simm.s32 @!p2 $0x0  }
0x1d: {  	s5 =	simm.s32 @p1 $0x1;
	p0 =	seq.s32 s7, s2  }
0x1e: {  	s7 =	smul.u32 @!p0 $0xF7A, s2;
	p2 =	seq.s32 @!p0 s5, $0x0  }
0x1f: {  	s9 =	smul.u32 $0xF7A, s1;
	s8 =	simm.s32 @!p0 $0x1BF5;
	p2 =	por !p2, p0  }
0x20: {  	[sflag:s8] =	ssyncset.s32 @!p0 $0xFFFFF086;
	s6 =	sadd.s32 @!p0 s3, s7;
	s7 =	simm.s32 @!p0 $0x108  }
0x21: {  	s3 =	sadd.s32 s3, s9;
	s6 =	sadd.s32 @!p0 $0x88, s6;
	s7 =	simm.s32 @p2 $0x1082  }
0x22: {  	[simem:s7], [sflag:s8] =	dma.local @!p0 [hbm:s6], $0xF7A  }
0x23: {  	s9 =	sor.u32 $0xD0000000, s2;
	s6 =	simm.s32 $0x108;
	_ =	swait.ge @!p0 [sflag:s8], $0x0  }
0x24: {  	s3 =	sadd.s32 $0x88, s3;
	s6 =	simm.s32 @!p1 $0x1082;
	[sflag:s4] =	ssyncset.s32 $0xFFFFF086  }
0x25: {  	[simem:s6], [sflag:s4] =	dma.local [hbm:s3], $0xF7A  }
0x26: {  	[smem:$0x3F96] =	sst s1;
	(tag) =	ssettag s2;
	_ =	strace s9  }
0x27: {  	s1 =	sld [smem:$0x3FA6]  }
0x28: {  	s2 =	sld [smem:$0x3FA7]  }
0x29: {  	s4 =	sld [smem:$0x3FA9]  }
0x2a: {  	p0 =	seq.s32 s5, $0x0;
	s5 =	sld [smem:$0x3FAA]  }
0x2b: {  	s6 =	sld [smem:$0x3FAB]  }
0x2c: {  	s7 =	sld [smem:$0x3FAC]  }
0x2d: {  	s3 =	simm.s32 $0x108;
	s8 =	sld [smem:$0x3FAD]  }
0x2e: {  	s3 =	simm.s32 @!p0 $0x1082;
	s9 =	sld [smem:$0x3FAE]  }
0x2f: {  	lr =	sadd.s32 s0, s3;
	s0 =	sld [smem:$0x3FA5]  }
0x30: {  	s3 =	sld [smem:$0x3FA8]  }
0x31: {  	[smem:$0x3FB1] =	sst s10  }
0x32: {  	s10 =	sld [smem:$0x3FAF];
	_ =	sdelay $0x3  }
0x33: {  	p0 =	seq.s32 s10, $0x1;
	s10 =	sld [smem:$0x3FB1];
	_ =	sdelay $0x3  }
0x34: {  	[smem:$0x3FB1] =	sst s10  }
0x35: {  	s10 =	sld [smem:$0x3FB0];
	_ =	sdelay $0x3  }
0x36: {  	p1 =	seq.s32 s10, $0x1;
	s10 =	sld [smem:$0x3FB1];
	_ =	sdelay $0x3  }
0x37: {  	[smem:$0x3FB1] =	sst s10  }
0x38: {  	s10 =	sld [smem:$0x3FB2]  }
0x39: {  	_ = 	snop;
	(pc) =	sbr.ind lr, $3  }
0x3a: {  	_ = 	snop  }
0x3b: {  	_ = 	snop  }
0x3c: {  	p2 =	seq.s32 s10, $0x1;
	s10 =	sld [smem:$0x3FB1]  }
0x3d: {  	_ =	shalt  }
0x3e: {  	_ =	shalt  }
0x3f: {  	_ =	shalt  }
0x40: {  	_ =	shalt  }
0x41: {  	_ =	shalt  }
0x42: {  	_ =	shalt  }
0x43: {  	_ =	shalt  }
0x44: {  	_ =	shalt  }
0x45: {  	_ =	shalt  }
0x46: {  	_ =	shalt  }
0x47: {  	_ =	shalt  }
0x48: {  	_ =	shalt  }
0x49: {  	_ =	shalt  }
0x4a: {  	_ =	shalt  }
0x4b: {  	_ =	shalt  }
0x4c: {  	_ =	shalt  }
0x4d: {  	_ =	shalt  }
0x4e: {  	_ =	shalt  }
0x4f: {  	_ =	shalt  }
0x50: {  	_ =	shalt  }
0x51: {  	_ =	shalt  }
0x52: {  	_ =	shalt  }
0x53: {  	_ =	shalt  }
0x54: {  	_ =	shalt  }
0x55: {  	_ =	shalt  }
0x56: {  	_ =	shalt  }
0x57: {  	_ =	shalt  }
0x58: {  	_ =	shalt  }
0x59: {  	_ =	shalt  }
0x5a: {  	_ =	shalt  }
0x5b: {  	_ =	shalt  }
0x5c: {  	_ =	shalt  }
0x5d: {  	_ =	shalt  }
0x5e: {  	_ =	shalt  }
0x5f: {  	_ =	shalt  }
0x60: {  	_ =	shalt  }
0x61: {  	_ =	shalt  }
0x62: {  	_ =	shalt  }
0x63: {  	_ =	shalt  }
0x64: {  	_ =	shalt  }
0x65: {  	_ =	shalt  }
0x66: {  	_ =	shalt  }
0x67: {  	_ =	shalt  }
0x68: {  	_ =	shalt  }
0x69: {  	_ =	shalt  }
0x6a: {  	_ =	shalt  }
0x6b: {  	_ =	shalt  }
0x6c: {  	_ =	shalt  }
0x6d: {  	_ =	shalt  }
0x6e: {  	_ =	shalt  }
0x6f: {  	_ =	shalt  }
0x70: {  	_ =	shalt  }
0x71: {  	_ =	shalt  }
0x72: {  	_ =	shalt  }
0x73: {  	_ =	shalt  }
0x74: {  	_ =	shalt  }
0x75: {  	_ =	shalt  }
0x76: {  	_ =	shalt  }
0x77: {  	_ =	shalt  }
0x78: {  	_ =	shalt  }
0x79: {  	_ =	shalt  }
0x7a: {  	_ =	shalt  }
0x7b: {  	_ =	shalt  }
0x7c: {  	_ =	shalt  }
0x7d: {  	_ =	shalt  }
0x7e: {  	_ =	shalt  }
0x7f: {  	_ =	shalt  }
0x80: {  	_ =	shalt  }
0x81: {  	_ =	shalt  }
0x82: {  	_ =	shalt  }
0x83: {  	_ =	shalt  }
0x84: {  	_ =	shalt  }
0x85: {  	_ =	shalt  }
0x86: {  	_ =	shalt  }
0x87: {  	_ =	shalt  }
.Lfunc_end0:
.L_simem_size_0:
called_computation_lowered:
.L_overlay_start_0:
0x88: {  	s2 =	sld [smem:$0x3FD9]  }
0x89: {  	s3 =	sld [smem:$0x3FFE];
	_ =	sdelay $0x1  }
0x8a: {  	s1 =	srdreg.scid  }
0x8b: {  	s0 =	sand.u32 $0x1, s1  }
0x8c: {  	s17 =	sshll.u32 s0, $0xA;
	s2 =	sadd.s32 s3, s2  }
0x8d: {  	s2 =	sadd.s32 s2, s17  }
0x8e: {  	[smem:$0x3FBD] =	sst s2  }
0x8f: {  	_ = 	snop  }
0x90: {  	s2 =	sld [smem:$0x3FD0];
	(tm) =	ssettm $0x1  }
0x91: {  	s18 =	sld [smem:$0x3FFB];
	_ =	sdelay $0x3  }
0x92: {  	_ =	strace s18  }
0x93: {  	s3 =	sld [smem:$0x3FFC];
	_ =	sdelay $0x3  }
0x94: {  	_ =	strace s3  }
0x95: {  	s3 =	sld [smem:$0x3FFD];
	_ =	sdelay $0x3  }
0x96: {  	_ =	strace s3  }
0x97: {  	_ =	strace $0x8FFFFFFF  }
0x98: {  	s19 =	sld [smem:$0x3FDB];
	_ =	sdelay $0x1  }
0x99: {  	s4 =	simm.s32 $_scs_section_size  }
0x9a: {  	s5 =	simm.s32 $_size__tile_overlayer_lowered;
	s6 =	simm.s32 $_tile_overlayer_lowered  }
0x9b: {  	s22 =	simm.s32 $0x1BFF;
	s21 =	sshll.u32 s6, $0x1;
	s3 =	sadd.s32 s4, s19  }
0x9c: {  	s7 =	simm.s32 $0x0;
	s20 =	sshll.u32 s5, $0x1;
	s5 =	sadd.s32 s21, s3  }
0x9d: {  	[timem:s7], [sflag:s22] =	dma.local [hbm:s5], s20  }
0x9e: {  	_ =	swait.ge [sflag:s22], s20  }
0x9f: {  	s4 =	ssub.s32 $0x0, s20;
	[sflag:s22] =	ssyncset.done $0x0  }
0xa0: {  	[sflag:s22] =	ssyncadd.s32 s4;
	_ =	sdelay $0x1  }
0xa1: {  	s23 =	simm.s32 $0x1B8B  }
0xa2: {  	_ =	swait.ge [sflag:s23], $0x1  }
0xa3: {  	[sflag:s23] =	ssyncset.done $0x0  }
0xa4: {  	s25 =	simm.s32 $0x1B8E;
	s24 =	sld [smem:$0x3FFE];
	[sflag:s23] =	ssyncadd.s32 $0xFFFFFFFF  }
0xa5: {  	s26 =	simm.s32 $execute0_lowered;
	[smem:$0x3FD2] =	sst s25  }
0xa6: {  	s5 =	sshll.u32 s26, $0x1;
	_ =	strace $0x80000046;
	[dreg:$0x1] =	wrdreg $0xFFFFFFFF  }
0xa7: {  	s28 =	simm.s32 $_size_execute0_lowered;
	s3 =	sadd.s32 s3, s5;
	[dreg:$0x0] =	wrdreg $0x0  }
0xa8: {  	s5 =	sshll.u32 s28, $0x1;
	[dreg:$0x2] =	wrdreg s3  }
0xa9: {  	[dreg:$0x3] =	wrdreg s5  }
0xaa: {  	[dreg:$0x4] =	wrdreg $0xC0  }
0xab: {  	_ =	task [dreg:s7], $0x5FFFF  }
0xac: {  	[dreg:$0x1] =	wrdreg $0xFFFFFFFF  }
0xad: {  	[dreg:$0x0] =	wrdreg $0x60  }
0xae: {  	[dreg:$0x2] =	wrdreg s24  }
0xaf: {  	[dreg:$0x3] =	wrdreg s2  }
0xb0: {  	[dreg:$0x4] =	wrdreg $0xE8200  }
0xb1: {  	[dreg:$0x5] =	wrdreg $0x9  }
0xb2: {  	_ =	task.clear_ibuf [dreg:s7], $0x6FFFF;
	_ =	strace $0x90000046  }
0xb3: {  	s29 =	simm.s32 $0x9;
	_ =	strace $0x80000048  }
0xb4: {  	_ =	swait.ge [sflag:s29], $0x1  }
0xb5: {  	[sflag:s29] =	ssyncadd.s32 $0xFFFFFFFF  }
0xb6: {  	_ =	strace $0x90000048  }
0xb7: {  	_ =	sfence  }
0xb8: {  	s30 =	sld [smem:$0x0];
	_ =	sdelay $0x2  }
0xb9: {  	s31 =	sshll.u32 s1, $0xD;
	s1 =	sshrl.u32 s1, $0x2  }
0xba: {  	s3 =	sand.u32 $0x4000, s31;
	s1 =	sadd.s32 s1, s30  }
0xbb: {  	s0 =	sor.u32 s3, s0;
	s1 =	sshll.u32 s1, $0x11  }
0xbc: {  	s0 =	sor.u32 s1, s0  }
0xbd: {  	s0 =	sadd.s32 $0x8F2B, s0  }
0xbe: {  	[sflag:s0] =	ssyncadd.remote.s32 $0x1  }
0xbf: {  	_ =	sfence.sel $0xFFFF  }
0xc0: {  	[dreg:$0x0] =	wrdreg $0xFFFFFFFF;
	(pc) =	sbr.abs _section_cstart, $3  }
0xc1: {  	[dreg:$0x1] =	wrdreg $0xFFFFFFFF  }
0xc2: {  	_ =	task.clear_ibuf [dreg:s7], $0x2FFFF;
	_ =	strace $0x9FFFFFFF  }
0xc3: {  	(tm) =	ssettm $0x7FFFFFFF  }
tec
execute0_lowered:
.L_overlay_start_1:
0x0: {  	(tag) =	ssettag $0x1  }
0x1: {  	s6 =	rddreg [dreg:$0x0]  }
0x2: {  	s11 =	rddreg [dreg:$0x1]  }
0x3: {  	s0 =	srdreg.scid;
	s2 =	rddreg [dreg:$0x2]  }
0x4: {  	s3 =	simm.s32 $0x0;
	s14 =	simm.s32 $0x6200;
	s15 =	simm.s32 $0xE800  }
0x5: {  	s16 =	simm.s32 $0x200;
	s17 =	simm.s32 $0xC400;
	s18 =	simm.s32 $0xD400  }
0x6: {  	s19 =	simm.s32 $0x1;
	s20 =	simm.s32 $0x2;
	s21 =	simm.s32 $0xC200  }
0x7: {  	s22 =	simm.s32 $0xE400;
	s5 =	sand.u32 $0x1, s0;
	s0 =	stileid.u32  }
0x8: {  	s23 =	simm.s32 $0x0;
	[smem:$0x7FF] =	sst s3;
	s7 =	smul.u32 $0x18800, s0  }
0x9: {  	s1 =	sshll.u32 s5, $0x4;
	s8 =	smul.u32 $0x6200, s0;
	s10 =	ssub.s32 $0x2, s5  }
0xa: {  	s12 =	smul.u32 $0x62000, s5;
	s5 =	sadd.s32 $0x102C00, s6;
	s4 =	sor.u32 s0, s1  }
0xb: {  	s1 =	rddreg [dreg:$0x3];
	_ =	strace $0x80000047;
	s13 =	sshrl.u32 s10, $0x1  }
0xc: {  	s4 =	smul.u32 $0xC40, s4;
	s10 =	ssub.s32 s10, s13;
	s7 =	sshrl.u32 s7, $0x2  }
0xd: {  	s12 =	sadd.s32 s8, s12;
	s13 =	simm.s32 $0x3;
	s7 =	sadd.s32 s7, s2  }
0xe: {  	s12 =	sshrl.u32 s12, $0x3;
	s10 =	smax.u32 s10, $0x1;
	s9 =	sadd.s32 s4, s6  }
0xf: {  	s4 =	sadd.s32 $0xC5800, s6;
	s6 =	sadd.s32 $0x102E00, s6;
	s11 =	sadd.s32 s12, s11  }
0x10: {  	s12 =	simm.s32 $0xE600;
	s8 =	sadd.s32 $0xEA400, s9;
	s9 =	sadd.s32 $0xD1C00, s9  }
.LBB2_1:
0x11: {  	[tilespmem:s12], [sflag:$0x3] =	stream.linear.gather [hbm4b:s5+s3], $0x200, $0x38;
	[tilespmem:$0x14A20] =	vst v63  }
0x12: {  	_ =	swait.ge [sflag:s13], $0x200  }
0x13: {  	[sflag:s13] =	ssyncset.done $0x0  }
0x14: {  	s24 =	sadd.s32 $0x0, s7;
	[sflag:s13] =	ssyncadd.s32 $0xFFFFFE00  }
0x15: {  	[spmem:s24] =	stream.linear.scatter [tilespmem:s12], [sflag:$0x3], $0x200, $0x38;
	[tilespmem:$0x14A20] =	vst v63  }
0x16: {  	s24 =	simm.s32 $0x800;
	_ =	swait.ge [sflag:s13], $0x200  }
.LBB2_2:
0x17: {  	s25 =	sshra.s32 s24, $0x2;
	[sflag:s13] =	ssyncset.done $0x0;
	p0 =	sne.s32 s24, $0x18000  }
.Ltmp0:
0x18: {  	s25 =	sadd.s32 s25, s7;
	[sflag:s13] =	ssyncadd.s32 $0xFFFFFE00;
	(pc) =	sbr.rel @p0 .LBB2_2-.Ltmp0, $3  }
0x19: {  	[spmem:s25] =	stream.linear.scatter [tilespmem:s12], [sflag:$0x3], $0x200, $0x38;
	[tilespmem:$0x14A20] =	vst v63  }
0x1a: {  	s24 =	sadd.s32 $0x800, s24;
	_ =	sdelay $0x1  }
0x1b: {  	_ =	swait.ge [sflag:s13], $0x200  }
0x1c: {  	[sflag:s13] =	ssyncset.done $0x0  }
0x1d: {  	s24 =	simm.s32 $0x0;
	[sflag:s13] =	ssyncadd.s32 $0xFFFFFE00  }
0x1e: {  	[tilespmem:s24], [sflag:$0x3] =	stream.linear.gather [hbm4b:s8+s24], $0x6200, $0x38;
	[tilespmem:$0x14A20] =	vst v63  }
0x1f: {  	_ =	swait.ge [sflag:s13], $0x6200  }
0x20: {  	[sflag:s13] =	ssyncset.done $0x0  }
0x21: {  	[sflag:s13] =	ssyncadd.s32 $0xFFFF9E00  }
0x22: {  	[tilespmem:s14], [sflag:$0x3] =	stream.linear.gather [hbm4b:s9+s24], $0x6200, $0x38;
	[tilespmem:$0x14A20] =	vst v63  }
0x23: {  	_ =	swait.ge [sflag:s13], $0x6200  }
0x24: {  	[sflag:s13] =	ssyncset.done $0x0  }
0x25: {  	[sflag:s13] =	ssyncadd.s32 $0xFFFF9E00  }
0x26: {  	[tilespmem:s15], [sflag:$0x3] =	stream.linear.gather [hbm4b:s6+s24], $0x20, $0x38;
	[tilespmem:$0x14A20] =	vst v63  }
0x27: {  	_ =	swait.ge [sflag:s13], $0x20  }
0x28: {  	[sflag:s13] =	ssyncset.done $0x0  }
0x29: {  	[sflag:s13] =	ssyncadd.s32 $0xFFFFFFE0  }
0x2a: {  	[bflag:$0x0] =	sbarrier.arrive $0xFFFF  }
0x2b: {  	[tilespmem:s17], [sflag:$0x1] =	stream.indirect.gather [hbm4b:s4+s16], $0x8, s24, s16, $0xb8;
	[tilespmem:$0x14A20] =	vst v63  }
0x2c: {  	s28 =	simm.s32 $0x200  }
0x2d: {  	[tilespmem:s18], [sflag:$0x2] =	stream.indirect.gather [hbm4b:s4+s16], $0x8, s28, s16, $0xb8;
	[tilespmem:$0x14A20] =	vst v63  }
0x2e: {  	_ =	swait.ge [sflag:s19], $0x1000  }
0x2f: {  	[sflag:s19] =	ssyncset.done $0x0  }
0x30: {  	s29 =	simm.s32 $0x6200;
	[sflag:s19] =	ssyncadd.s32 $0xFFFFF000  }
0x31: {  	[spmem:s2] =	stream.indirect.scatter.add.f32 [tilespmem:s17], [sflag:$0x3], $0x8, s29, s16, $0xb8;
	[tilespmem:$0x14A20] =	vst v63  }
0x32: {  	_ =	swait.ge [sflag:s13], $0x1000  }
0x33: {  	[sflag:s13] =	ssyncset.done $0x0  }
0x34: {  	s30 =	simm.s32 $0x400;
	[sflag:s13] =	ssyncadd.s32 $0xFFFFF000  }
0x35: {  	[tilespmem:s17], [sflag:$0x1] =	stream.indirect.gather [hbm4b:s4+s16], $0x8, s30, s16, $0xb8;
	[tilespmem:$0x14A20] =	vst v63  }
0x36: {  	_ =	swait.ge [sflag:s20], $0x1000  }
0x37: {  	[sflag:s20] =	ssyncset.done $0x0  }
0x38: {  	s31 =	simm.s32 $0x6400;
	[sflag:s20] =	ssyncadd.s32 $0xFFFFF000  }
0x39: {  	[spmem:s2] =	stream.indirect.scatter.add.f32 [tilespmem:s18], [sflag:$0x3], $0x8, s31, s16, $0xb8;
	[tilespmem:$0x14A20] =	vst v63  }
0x3a: {  	_ =	swait.ge [sflag:s13], $0x1000  }
0x3b: {  	s25 =	simm.s32 $0x2000;
	s24 =	simm.s32 $0x400;
	[sflag:s13] =	ssyncset.done $0x0  }
.LBB2_4:
0x3c: {  	s26 =	sadd.s32 $0x200, s24  }
0x3d: {  	[sflag:s13] =	ssyncadd.s32 $0xFFFFF000;
	s28 =	smov.u32 s25;
	s29 =	sadd.s32 $0x1000, s25  }
0x3e: {  	[tilespmem:s18], [sflag:$0x2] =	stream.indirect.gather [hbm4b:s4+s16], $0x8, s26, s16, $0xb8;
	[tilespmem:$0x14A20] =	vst v63  }
0x3f: {  	p0 =	sne.s32 s25, $0x17000;
	_ =	swait.ge [sflag:s19], $0x1000  }
0x40: {  	[sflag:s19] =	ssyncset.done $0x0  }
0x41: {  	s25 =	sadd.s32 $0x6200, s24;
	[sflag:s19] =	ssyncadd.s32 $0xFFFFF000  }
0x42: {  	[spmem:s2] =	stream.indirect.scatter.add.f32 [tilespmem:s17], [sflag:$0x3], $0x8, s25, s16, $0xb8;
	[tilespmem:$0x14A20] =	vst v63  }
0x43: {  	_ =	swait.ge [sflag:s13], $0x1000  }
0x44: {  	[sflag:s13] =	ssyncset.done $0x0  }
0x45: {  	s25 =	sadd.s32 $0x400, s24;
	[sflag:s13] =	ssyncadd.s32 $0xFFFFF000  }
0x46: {  	[tilespmem:s17], [sflag:$0x1] =	stream.indirect.gather [hbm4b:s4+s16], $0x8, s25, s16, $0xb8;
	[tilespmem:$0x14A20] =	vst v63  }
0x47: {  	_ =	swait.ge [sflag:s20], $0x1000  }
.Ltmp1:
0x48: {  	[sflag:s20] =	ssyncset.done $0x0;
	(pc) =	sbr.rel @p0 .LBB2_4-.Ltmp1, $4  }
0x49: {  	s24 =	sadd.s32 $0x6400, s24;
	[sflag:s20] =	ssyncadd.s32 $0xFFFFF000  }
0x4a: {  	[spmem:s2] =	stream.indirect.scatter.add.f32 [tilespmem:s18], [sflag:$0x3], $0x8, s24, s16, $0xb8;
	[tilespmem:$0x14A20] =	vst v63  }
0x4b: {  	_ =	swait.ge [sflag:s13], $0x1000  }
0x4c: {  	s25 =	smov.u32 s29;
	s24 =	sshra.s32 s28, $0x2;
	[sflag:s13] =	ssyncset.done $0x0  }
0x4d: {  	s25 =	sadd.s32 $0x200, s24;
	[sflag:s13] =	ssyncadd.s32 $0xFFFFF000  }
0x4e: {  	[tilespmem:s18], [sflag:$0x2] =	stream.indirect.gather [hbm4b:s4+s16], $0x8, s25, s16, $0xb8;
	[tilespmem:$0x14A20] =	vst v63  }
0x4f: {  	_ =	swait.ge [sflag:s19], $0x1000  }
0x50: {  	[sflag:s19] =	ssyncset.done $0x0  }
0x51: {  	s28 =	sadd.s32 $0x6200, s24;
	[sflag:s19] =	ssyncadd.s32 $0xFFFFF000  }
0x52: {  	[spmem:s2] =	stream.indirect.scatter.add.f32 [tilespmem:s17], [sflag:$0x3], $0x8, s28, s16, $0xb8;
	[tilespmem:$0x14A20] =	vst v63  }
0x53: {  	_ =	swait.ge [sflag:s13], $0x1000  }
0x54: {  	[sflag:s13] =	ssyncset.done $0x0  }
0x55: {  	s29 =	sadd.s32 $0x400, s24;
	[sflag:s13] =	ssyncadd.s32 $0xFFFFF000  }
0x56: {  	[tilespmem:s17], [sflag:$0x1] =	stream.indirect.gather [hbm4b:s4+s16], $0x8, s29, s16, $0xb8;
	[tilespmem:$0x14A20] =	vst v63  }
0x57: {  	_ =	swait.ge [sflag:s20], $0x1000  }
0x58: {  	[sflag:s20] =	ssyncset.done $0x0  }
0x59: {  	s30 =	sadd.s32 $0x6400, s24;
	[sflag:s20] =	ssyncadd.s32 $0xFFFFF000  }
0x5a: {  	[spmem:s2] =	stream.indirect.scatter.add.f32 [tilespmem:s18], [sflag:$0x3], $0x8, s30, s16, $0xb8;
	[tilespmem:$0x14A20] =	vst v63  }
0x5b: {  	_ =	swait.ge [sflag:s13], $0x1000  }
0x5c: {  	[sflag:s13] =	ssyncset.done $0x0  }
0x5d: {  	[sflag:s13] =	ssyncadd.s32 $0xFFFFF000  }
0x5e: {  	_ =	swait.ge [sflag:s19], $0x1000  }
0x5f: {  	[sflag:s19] =	ssyncset.done $0x0  }
0x60: {  	[sflag:s19] =	ssyncadd.s32 $0xFFFFF000  }
0x61: {  	[spmem:s2] =	stream.indirect.scatter.add.f32 [tilespmem:s17], [sflag:$0x3], $0x8, s21, s16, $0xb8;
	[tilespmem:$0x14A20] =	vst v63  }
0x62: {  	_ =	swait.ge [sflag:s13], $0x1000  }
0x63: {  	[sflag:s13] =	ssyncset.done $0x0  }
0x64: {  	[sflag:s13] =	ssyncadd.s32 $0xFFFFF000  }
0x65: {  	[bflag:$0x0] =	sbarrier.arrive $0xFFFF  }
0x66: {  	[tilespmem:s22], [sflag:$0x3] =	stream.linear.gather [spmem:s7], $0x200, $0x38;
	[tilespmem:$0x14A20] =	vst v63  }
0x67: {  	_ =	swait.ge [sflag:s13], $0x200  }
0x68: {  	[sflag:s13] =	ssyncset.done $0x0  }
0x69: {  	s31 =	sadd.s32 $0x0, s11;
	[sflag:s13] =	ssyncadd.s32 $0xFFFFFE00  }
0x6a: {  	[hbm4b:s31+s3] =	stream.linear.scatter [tilespmem:s22], [sflag:$0x3], $0x200, $0x38;
	[tilespmem:$0x14A20] =	vst v63  }
0x6b: {  	_ =	swait.ge [sflag:s13], $0x200  }
0x6c: {  	s24 =	simm.s32 $0x40;
	s25 =	smov.u32 s7;
	[sflag:s13] =	ssyncset.done $0x0  }
.LBB2_6:
0x6d: {  	p0 =	sne.s32 s24, $0xC00;
	[sflag:s13] =	ssyncadd.s32 $0xFFFFFE00;
	s25 =	sadd.s32 $0x200, s25  }
0x6e: {  	[tilespmem:s22], [sflag:$0x3] =	stream.linear.gather [spmem:s25], $0x200, $0x38;
	[tilespmem:$0x14A20] =	vst v63  }
0x6f: {  	s26 =	smov.u32 s24;
	s24 =	sadd.s32 $0x40, s24;
	_ =	swait.ge [sflag:s13], $0x200  }
.Ltmp2:
0x70: {  	[sflag:s13] =	ssyncset.done $0x0;
	(pc) =	sbr.rel @p0 .LBB2_6-.Ltmp2, $4  }
0x71: {  	s26 =	sadd.s32 s26, s11;
	[sflag:s13] =	ssyncadd.s32 $0xFFFFFE00  }
0x72: {  	[hbm4b:s26+s3] =	stream.linear.scatter [tilespmem:s22], [sflag:$0x3], $0x200, $0x38;
	[tilespmem:$0x14A20] =	vst v63  }
0x73: {  	_ =	swait.ge [sflag:s13], $0x200  }
0x74: {  	[sflag:s13] =	ssyncset.done $0x0  }
0x75: {  	s23 =	sadd.s32 $0x1, s23  }
0x76: {  	p0 =	sne.s32 s23, s10  }
.Ltmp3:
0x77: {  	_ = 	snop;
	(pc) =	sbr.rel @p0 .LBB2_1-.Ltmp3, $2  }
0x78: {  	_ =	sdelay $0x2  }
0x79: {  	[sflag:s13] =	ssyncadd.s32 $0xFFFFFE00  }
0x7a: {  	_ =	sfence.sel $0x180000  }
0x7b: {  	[bflag:$0x0] =	sbarrier.arrive $0xFFFF  }
0x7c: {  	p0 =	sne.s32 s0, $0x0;
	_ =	strace $0x90000047  }
0x7d: {  	s0 =	sadd.s32 @!p0 $0x100000, s1;
	[bflag:$0x2] =	sbarrier.arrive $0xFFFF  }
0x7e: {  	[sflag:s0] =	ssyncadd.tile.s32 @!p0 $0x1;
	_ =	shalt  }
.Lfunc_end2:
_tile_overlayer_lowered:
.L_overlay_start_2:
0x7f: {  	(tag) =	ssettag $0x2  }
0x80: {  	s0 =	rddreg [dreg:$0x0];
	s2 =	stileid.u32  }
0x81: {  	s1 =	rddreg [dreg:$0x1];
	p0 =	sne.s32 s2, $0x0  }
0x82: {  	s3 =	rddreg [dreg:$0x2];
	[bflag:$0x3] =	sbarrier.arrive $0xFFFF;
	s2 =	simm.s32 @!p0 $0x1C03  }
0x83: {  	[timem:s3], [sflag:s2] =	dma.local @!p0 [hbm:s0], s1  }
0x84: {  	s0 =	simm.s32 @!p0 $0x3  }
0x85: {  	_ =	swait.ge @!p0 [sflag:s0], s1  }
0x86: {  	s1 =	ssub.s32 @!p0 $0x0, s1;
	[sflag:s0] =	ssyncset.done @!p0 $0x0  }
0x87: {  	[sflag:s0] =	ssyncadd.s32 @!p0 s1  }
0x88: {  	[bflag:$0x3] =	sbarrier.arrive $0xFFFF  }
0x89: {  	_ =	shalt  }

</sc_bundles>
